<compile_context>
chip_gen: v7x
topology: tpu7x:2x2x1
jax: 0.10.2.dev20260603
libtpu: 0.0.44.dev20260713+nightly
codegen_flags: <defaults>
</compile_context>

<pallas_src>
import jax
import jax.numpy as jnp
from jax import lax
from jax.experimental import pallas as pl
from jax.experimental.pallas import tpu as pltpu
from jax.experimental.pallas import tpu_sc as plsc

_N = 1600000
_S = 1024
_EPS = 1e-5
_L = 16
_NC = 2
_NS = 16
_NW = _NC * _NS
_RW = _N // _NW
_SUB = 2000
_NSUB = _RW // _SUB
_PAIRS = _NSUB // 2
_VECS = _SUB // _L
_SEGW = _S // 8

_mesh = plsc.VectorSubcoreMesh(core_axis_name="c", subcore_axis_name="s")


def _rsqrt(x):
    i = plsc.bitcast(x, jnp.int32)
    i = jnp.int32(0x5F3759DF) - lax.shift_right_arithmetic(i, 1)
    y = plsc.bitcast(i, jnp.float32)
    hx = 0.5 * x
    for _ in range(2):
        y = y * (1.5 - hx * y * y)
    return y


def _wid():
    return lax.axis_index("s") * _NC + lax.axis_index("c")


def _start_in(srcs, bufs, sem, r0):
    for src, buf in zip(srcs, bufs):
        pltpu.async_copy(src.at[pl.ds(r0, _SUB)], buf, sem)


def _wait_in(srcs, bufs, sem):
    for src, buf in zip(srcs, bufs):
        pltpu.make_async_copy(src.at[pl.ds(0, _SUB)], buf, sem).wait()


def _in_ring(srcs, bufs_a, bufs_b, sem_a, sem_b, row0, process):
    _start_in(srcs, bufs_a, sem_a, row0)

    def body(t, _):
        j0 = 2 * t
        _wait_in(srcs, bufs_a, sem_a)
        _start_in(srcs, bufs_b, sem_b, row0 + (j0 + 1) * _SUB)
        process(bufs_a, j0)

        @pl.when(j0 + 2 < _NSUB)
        def _():
            _start_in(srcs, bufs_a, sem_a, row0 + (j0 + 2) * _SUB)

        _wait_in(srcs, bufs_b, sem_b)
        process(bufs_b, j0 + 1)
        return 0

    lax.fori_loop(0, _PAIRS, body, 0)
    if _NSUB % 2:
        _wait_in(srcs, bufs_a, sem_a)
        process(bufs_a, _NSUB - 1)


def _partials_body(xs_hbm, ys_hbm, zs_hbm, batch_hbm, out_hbm,
                   xa_v, ya_v, za_v, ia_v, xb_v, yb_v, zb_v, ib_v,
                   sums_v, cnts_v, stage_v, sem_a, sem_b):
    wid = _wid()
    iota = lax.iota(jnp.int32, _L)
    zeros = jnp.zeros((_L,), jnp.float32)
    ones = jnp.ones((_L,), jnp.float32)
    row0 = wid * _RW

    @plsc.parallel_loop(0, _S, unroll=8)
    def _(i):
        sums_v[pl.ds(i * _L, _L)] = zeros
        cnts_v[pl.ds(i * _L, _L)] = zeros

    def process(bufs, j):
        xs_v, ys_v, zs_v, ids_v = bufs

        @plsc.parallel_loop(0, _VECS, unroll=8)
        def _(k):
            sl = pl.ds(k * _L, _L)
            x = xs_v[sl]
            y = ys_v[sl]
            z = zs_v[sl]
            ss = x * x + y * y + z * z
            nrm = ss * _rsqrt(ss)
            fidx = ids_v[sl] * _L + iota
            plsc.addupdate_scatter(sums_v, [fidx], nrm)
            plsc.addupdate_scatter(cnts_v, [fidx], ones)

    srcs = (xs_hbm, ys_hbm, zs_hbm, batch_hbm)
    _in_ring(srcs, (xa_v, ya_v, za_v, ia_v), (xb_v, yb_v, zb_v, ib_v),
             sem_a, sem_b, row0, process)

    @plsc.parallel_loop(0, _S // _L, unroll=2)
    def _(s):
        base = (s * _L + iota) * _L
        a = zeros
        c = zeros
        for j in range(_L):
            a = a + plsc.load_gather(sums_v, [base + j])
            c = c + plsc.load_gather(cnts_v, [base + j])
        stage_v[pl.ds(s * _L, _L)] = a
        stage_v[pl.ds(_S + s * _L, _L)] = c

    pltpu.sync_copy(stage_v, out_hbm.at[wid])


def _apply_body(xs_hbm, ys_hbm, zs_hbm, batch_hbm, part_hbm, w_hbm,
                xo_hbm, yo_hbm, zo_hbm,
                xa_v, ya_v, za_v, ia_v, xb_v, yb_v, zb_v, ib_v,
                oxa_v, oya_v, oza_v, oxb_v, oyb_v, ozb_v,
                folds_v, foldc_v, invq_v, inv_v, w_v, inv_sh,
                sem_a, sem_b, sem_oa, sem_ob):
    wid = _wid()
    q = lax.axis_index("s")
    row0 = wid * _RW

    @pl.when(q < 8)
    def _():
        pltpu.sync_copy(part_hbm.at[:, pl.ds(q * _SEGW, _SEGW)], folds_v)
        pltpu.sync_copy(part_hbm.at[:, pl.ds(_S + q * _SEGW, _SEGW)], foldc_v)
        pltpu.sync_copy(w_hbm, w_v)
        wvec = w_v[...]

        for b in range(_SEGW // _L):
            def fold_one(w, carry, _b=b):
                a, c = carry
                a = a + folds_v[w, pl.ds(_b * _L, _L)]
                c = c + foldc_v[w, pl.ds(_b * _L, _L)]
                return (a, c)

            a, c = lax.fori_loop(
                0, _NW, fold_one,
                (jnp.zeros((_L,), jnp.float32), jnp.zeros((_L,), jnp.float32)))
            mean = a / jnp.maximum(c, 1.0)
            invq_v[pl.ds(b * _L, _L)] = wvec / (mean + _EPS)

        pltpu.sync_copy(invq_v, inv_sh.at[pl.ds(q * _SEGW, _SEGW)])

    plsc.subcore_barrier()
    pltpu.sync_copy(inv_sh, inv_v)

    outs = ((oxa_v, oya_v, oza_v, sem_oa), (oxb_v, oyb_v, ozb_v, sem_ob))
    dsts = (xo_hbm, yo_hbm, zo_hbm)

    for ox_v, oy_v, oz_v, sem_o in outs:
        for dst, o in zip(dsts, (ox_v, oy_v, oz_v)):
            pltpu.async_copy(dst.at[pl.ds(0, _SUB)], o, sem_o)

    def process(bufs, j):
        xs_v, ys_v, zs_v, ids_v = bufs
        slot = 0 if bufs[0] is xa_v else 1
        ox_v, oy_v, oz_v, sem_o = outs[slot]
        for dst, o in zip(dsts, (ox_v, oy_v, oz_v)):
            pltpu.make_async_copy(dst.at[pl.ds(0, _SUB)], o, sem_o).wait()

        @plsc.parallel_loop(0, _VECS, unroll=8)
        def _(k):
            sl = pl.ds(k * _L, _L)
            sc = plsc.load_gather(inv_v, [ids_v[sl]])
            ox_v[sl] = xs_v[sl] * sc
            oy_v[sl] = ys_v[sl] * sc
            oz_v[sl] = zs_v[sl] * sc

        for dst, o in zip(dsts, (ox_v, oy_v, oz_v)):
            pltpu.async_copy(o, dst.at[pl.ds(row0 + j * _SUB, _SUB)], sem_o)

    srcs = (xs_hbm, ys_hbm, zs_hbm, batch_hbm)
    _in_ring(srcs, (xa_v, ya_v, za_v, ia_v), (xb_v, yb_v, zb_v, ib_v),
             sem_a, sem_b, row0, process)

    for ox_v, oy_v, oz_v, sem_o in outs:
        for dst, o in zip(dsts, (ox_v, oy_v, oz_v)):
            pltpu.make_async_copy(dst.at[pl.ds(0, _SUB)], o, sem_o).wait()


_f32vec = jax.ShapeDtypeStruct((_N,), jnp.float32)


def _vmem_f32(n):
    return pltpu.VMEM((n,), jnp.float32)


_k1 = pl.kernel(
    _partials_body,
    out_type=jax.ShapeDtypeStruct((_NW, 2 * _S), jnp.float32),
    mesh=_mesh,
    compiler_params=pltpu.CompilerParams(needs_layout_passes=False),
    scratch_types=[
        _vmem_f32(_SUB), _vmem_f32(_SUB), _vmem_f32(_SUB),
        pltpu.VMEM((_SUB,), jnp.int32),
        _vmem_f32(_SUB), _vmem_f32(_SUB), _vmem_f32(_SUB),
        pltpu.VMEM((_SUB,), jnp.int32),
        _vmem_f32(_S * _L),
        _vmem_f32(_S * _L),
        _vmem_f32(2 * _S),
        pltpu.SemaphoreType.DMA,
        pltpu.SemaphoreType.DMA,
    ],
)

_k2 = pl.kernel(
    _apply_body,
    out_type=(_f32vec, _f32vec, _f32vec),
    mesh=_mesh,
    compiler_params=pltpu.CompilerParams(needs_layout_passes=False),
    scratch_types=[
        _vmem_f32(_SUB), _vmem_f32(_SUB), _vmem_f32(_SUB),
        pltpu.VMEM((_SUB,), jnp.int32),
        _vmem_f32(_SUB), _vmem_f32(_SUB), _vmem_f32(_SUB),
        pltpu.VMEM((_SUB,), jnp.int32),
        _vmem_f32(_SUB), _vmem_f32(_SUB), _vmem_f32(_SUB),
        _vmem_f32(_SUB), _vmem_f32(_SUB), _vmem_f32(_SUB),
        pltpu.VMEM((_NW, _SEGW), jnp.float32),
        pltpu.VMEM((_NW, _SEGW), jnp.float32),
        _vmem_f32(_SEGW),
        _vmem_f32(_S),
        _vmem_f32(_L),
        pltpu.VMEM_SHARED((_S,), jnp.float32),
        pltpu.SemaphoreType.DMA,
        pltpu.SemaphoreType.DMA,
        pltpu.SemaphoreType.DMA,
        pltpu.SemaphoreType.DMA,
    ],
)


def kernel(pos, batch, weight):
    xs = pos[:, 0]
    ys = pos[:, 1]
    zs = pos[:, 2]
    w16 = jnp.broadcast_to(weight.reshape(()), (_L,))
    partials = _k1(xs, ys, zs, batch)
    xo, yo, zo = _k2(xs, ys, zs, batch, partials, w16)
    col = lax.broadcasted_iota(jnp.int32, (1, 3), 1)
    out = jnp.where(col == 0, xo[:, None],
                    jnp.where(col == 1, yo[:, None], zo[:, None]))
    return out

# --- scband reference (transcript-rebuilt; emitter-appended) ---
"""Pipeline reference for scband-se3-norm-2104533975138 (READ-ONLY COPY).

The authoritative reference and input builder live on the scoring server;
editing this copy changes nothing except your own understanding.
"""

import jax, jax.numpy as jnp
import numpy as np

N = 1600000
NUM_SEG = 1024
EPS = 1e-05


def setup_inputs(seed: int = 0) -> dict:
    key = jax.random.key(seed)
    k1, k2 = jax.random.split(key)
    pos = jax.random.normal(k1, (N, 3), dtype=jnp.float32)
    batch = jnp.sort(jax.random.randint(k2, (N,), 0, NUM_SEG, dtype=jnp.int32))
    weight = jnp.ones((1, 1), dtype=jnp.float32)
    return {"pos": pos, "batch": batch, "weight": weight}


def reference(pos, batch, weight):
    # norm over last dim, keepdim
    norm = jnp.linalg.norm(pos, axis=-1, keepdims=True)  # [N, 1]
    batch_size = NUM_SEG
    # scatter_mean(norm, batch, dim=0, dim_size=batch_size)
    sums = jax.ops.segment_sum(norm, batch, num_segments=batch_size)  # [B, 1]
    counts = jax.ops.segment_sum(jnp.ones((norm.shape[0], 1), dtype=norm.dtype), batch, num_segments=batch_size)
    mean_norm = sums / jnp.maximum(counts, 1.0)  # [B, 1]
    # gather per-node mean and normalize
    new_pos = weight * pos / (mean_norm[batch] + EPS)
    return new_pos

if __name__ == "__main__":
    import jax
    _d = setup_inputs()
    print(jax.jit(kernel)(*tuple(_d.values())))

</pallas_src>

<mosaic_0001>
#map = affine_map<(d0, d1) -> (0)>
#map1 = affine_map<(d0, d1) -> (0, 0)>
module attributes {stable_mosaic.version = 14 : i64} {
  func.func @_partials_body(%arg0: i32, %arg1: i32, %arg2: memref<1600000xf32, #tpu.memory_space<hbm>>, %arg3: memref<1600000xf32, #tpu.memory_space<hbm>>, %arg4: memref<1600000xf32, #tpu.memory_space<hbm>>, %arg5: memref<1600000xi32, #tpu.memory_space<hbm>>, %arg6: memref<32x2048xf32, #tpu.memory_space<hbm>>, %arg7: memref<2000xf32, #tpu.memory_space<vmem>>, %arg8: memref<2000xf32, #tpu.memory_space<vmem>>, %arg9: memref<2000xf32, #tpu.memory_space<vmem>>, %arg10: memref<2000xi32, #tpu.memory_space<vmem>>, %arg11: memref<2000xf32, #tpu.memory_space<vmem>>, %arg12: memref<2000xf32, #tpu.memory_space<vmem>>, %arg13: memref<2000xf32, #tpu.memory_space<vmem>>, %arg14: memref<2000xi32, #tpu.memory_space<vmem>>, %arg15: memref<16384xf32, #tpu.memory_space<vmem>>, %arg16: memref<16384xf32, #tpu.memory_space<vmem>>, %arg17: memref<2048xf32, #tpu.memory_space<vmem>>, %arg18: memref<!tpu.dma_semaphore, #tpu.memory_space<semaphore_mem>>, %arg19: memref<!tpu.dma_semaphore, #tpu.memory_space<semaphore_mem>>) attributes {dimension_semantics = [#tpu.dimension_semantics<core_parallel>, #tpu.dimension_semantics<subcore_parallel>], iteration_bounds = array<i64: 2, 16>, scalar_prefetch = 0 : i64, scratch_operands = 13 : i64, tpu.core_type = #tpu.core_type<sc_vector_subcore>, window_params = [{transform_indices = #map}, {transform_indices = #map}, {transform_indices = #map}, {transform_indices = #map}, {transform_indices = #map1}]} {
    %mul3A = arith.constant 2 : i32
    %mul3A_0 = arith.muli %arg1, %mul3A : i32
    %add3A = arith.addi %mul3A_0, %arg0 : i32
    %iota3A = tpu.iota {dimensions = array<i32: 0>} : vector<16xi32>
    %broadcast_in_dim3A = arith.constant 0.000000e+00 : f32
    %broadcast_in_dim3A_1 = vector.broadcast %broadcast_in_dim3A : f32 to vector<16xf32>
    %broadcast_in_dim3A_2 = arith.constant 1.000000e+00 : f32
    %broadcast_in_dim3A_3 = vector.broadcast %broadcast_in_dim3A_2 : f32 to vector<16xf32>
    %mul3A_4 = arith.constant 50000 : i32
    %mul3A_5 = arith.muli %add3A, %mul3A_4 : i32
    %parallel_loop3A = arith.constant 0 : i32
    %parallel_loop3A_6 = arith.constant 1024 : i32
    %parallel_loop3A_7 = arith.constant 1 : i32
    scf.for %parallel_loop3A_42 = %parallel_loop3A to %parallel_loop3A_6 step %parallel_loop3A_7  : i32 {
      %parallel_loop3A_43 = arith.constant 16 : i32
      %parallel_loop3A_44 = arith.muli %parallel_loop3A_42, %parallel_loop3A_43 : i32
      %parallel_loop3A_45 = arith.index_cast %parallel_loop3A_44 : i32 to index
      %parallel_loop3A_46 = tpu.vector_load %arg15[%parallel_loop3A_45] {strides = array<i32>} : memref<16384xf32, #tpu.memory_space<vmem>>, vector<16xf32>,
      tpu.vector_store %arg15[%parallel_loop3A_45], %broadcast_in_dim3A_1 {strides = array<i32>} : memref<16384xf32, #tpu.memory_space<vmem>>, vector<16xf32>,
      %parallel_loop3A_47 = arith.constant 16 : i32
      %parallel_loop3A_48 = arith.muli %parallel_loop3A_42, %parallel_loop3A_47 : i32
      %parallel_loop3A_49 = arith.index_cast %parallel_loop3A_48 : i32 to index
      %parallel_loop3A_50 = tpu.vector_load %arg16[%parallel_loop3A_49] {strides = array<i32>} : memref<16384xf32, #tpu.memory_space<vmem>>, vector<16xf32>,
      tpu.vector_store %arg16[%parallel_loop3A_49], %broadcast_in_dim3A_1 {strides = array<i32>} : memref<16384xf32, #tpu.memory_space<vmem>>, vector<16xf32>,
    } {sc.loop_unroll_factor = 8 : i64, sc.parallel_access}
    %dma_start3A = tpu.memref_slice %arg2[%mul3A_5] : memref<1600000xf32, #tpu.memory_space<hbm>> -> memref<2000xf32, #tpu.memory_space<hbm>>
    %dma_start3A_8 = tpu.memref_slice %arg2[%mul3A_5] : memref<1600000xf32, #tpu.memory_space<hbm>> -> memref<2000xf32, #tpu.memory_space<hbm>>
    tpu.enqueue_dma source(%dma_start3A_8 : memref<2000xf32, #tpu.memory_space<hbm>>) target(%arg7 : memref<2000xf32, #tpu.memory_space<vmem>>) target_semaphore(%arg18 : memref<!tpu.dma_semaphore, #tpu.memory_space<semaphore_mem>>)
    %dma_start3A_9 = tpu.memref_slice %arg3[%mul3A_5] : memref<1600000xf32, #tpu.memory_space<hbm>> -> memref<2000xf32, #tpu.memory_space<hbm>>
    %dma_start3A_10 = tpu.memref_slice %arg3[%mul3A_5] : memref<1600000xf32, #tpu.memory_space<hbm>> -> memref<2000xf32, #tpu.memory_space<hbm>>
    tpu.enqueue_dma source(%dma_start3A_10 : memref<2000xf32, #tpu.memory_space<hbm>>) target(%arg8 : memref<2000xf32, #tpu.memory_space<vmem>>) target_semaphore(%arg18 : memref<!tpu.dma_semaphore, #tpu.memory_space<semaphore_mem>>)
    %dma_start3A_11 = tpu.memref_slice %arg4[%mul3A_5] : memref<1600000xf32, #tpu.memory_space<hbm>> -> memref<2000xf32, #tpu.memory_space<hbm>>
    %dma_start3A_12 = tpu.memref_slice %arg4[%mul3A_5] : memref<1600000xf32, #tpu.memory_space<hbm>> -> memref<2000xf32, #tpu.memory_space<hbm>>
    tpu.enqueue_dma source(%dma_start3A_12 : memref<2000xf32, #tpu.memory_space<hbm>>) target(%arg9 : memref<2000xf32, #tpu.memory_space<vmem>>) target_semaphore(%arg18 : memref<!tpu.dma_semaphore, #tpu.memory_space<semaphore_mem>>)
    %dma_start3A_13 = tpu.memref_slice %arg5[%mul3A_5] : memref<1600000xi32, #tpu.memory_space<hbm>> -> memref<2000xi32, #tpu.memory_space<hbm>>
    %dma_start3A_14 = tpu.memref_slice %arg5[%mul3A_5] : memref<1600000xi32, #tpu.memory_space<hbm>> -> memref<2000xi32, #tpu.memory_space<hbm>>
    tpu.enqueue_dma source(%dma_start3A_14 : memref<2000xi32, #tpu.memory_space<hbm>>) target(%arg10 : memref<2000xi32, #tpu.memory_space<vmem>>) target_semaphore(%arg18 : memref<!tpu.dma_semaphore, #tpu.memory_space<semaphore_mem>>)
    %scan3A = arith.constant 0 : i32
    %scan3A_15 = arith.constant 0 : i32
    %scan3A_16 = arith.constant 12 : i32
    %scan3A_17 = arith.addi %scan3A_15, %scan3A_16 : i32
    %scan3A_18 = arith.constant 1 : i32
    %scan3A_19 = scf.for %scan3A_42 = %scan3A_15 to %scan3A_17 step %scan3A_18 iter_args(%scan3A_43 = %scan3A) -> (i32)  : i32 {
      %mul3A_44 = arith.constant 2 : i32
      %mul3A_45 = arith.muli %mul3A_44, %scan3A_42 : i32
      %dma_wait3A_46 = arith.constant 0 : i32
      %dma_wait3A_47 = tpu.memref_slice %arg2[%dma_wait3A_46] : memref<1600000xf32, #tpu.memory_space<hbm>> -> memref<2000xf32, #tpu.memory_space<hbm>>
      %dma_wait3A_48 = arith.constant 0 : i32
      %dma_wait3A_49 = tpu.memref_slice %arg2[%dma_wait3A_48] : memref<1600000xf32, #tpu.memory_space<hbm>> -> memref<2000xf32, #tpu.memory_space<hbm>>
      tpu.wait_dma2 semaphore(%arg18 : memref<!tpu.dma_semaphore, #tpu.memory_space<semaphore_mem>>) src(%dma_wait3A_49 : memref<2000xf32, #tpu.memory_space<hbm>>) dst(%arg7 : memref<2000xf32, #tpu.memory_space<vmem>>)
      %dma_wait3A_50 = arith.constant 0 : i32
      %dma_wait3A_51 = tpu.memref_slice %arg3[%dma_wait3A_50] : memref<1600000xf32, #tpu.memory_space<hbm>> -> memref<2000xf32, #tpu.memory_space<hbm>>
      %dma_wait3A_52 = arith.constant 0 : i32
      %dma_wait3A_53 = tpu.memref_slice %arg3[%dma_wait3A_52] : memref<1600000xf32, #tpu.memory_space<hbm>> -> memref<2000xf32, #tpu.memory_space<hbm>>
      tpu.wait_dma2 semaphore(%arg18 : memref<!tpu.dma_semaphore, #tpu.memory_space<semaphore_mem>>) src(%dma_wait3A_53 : memref<2000xf32, #tpu.memory_space<hbm>>) dst(%arg8 : memref<2000xf32, #tpu.memory_space<vmem>>)
      %dma_wait3A_54 = arith.constant 0 : i32
      %dma_wait3A_55 = tpu.memref_slice %arg4[%dma_wait3A_54] : memref<1600000xf32, #tpu.memory_space<hbm>> -> memref<2000xf32, #tpu.memory_space<hbm>>
      %dma_wait3A_56 = arith.constant 0 : i32
      %dma_wait3A_57 = tpu.memref_slice %arg4[%dma_wait3A_56] : memref<1600000xf32, #tpu.memory_space<hbm>> -> memref<2000xf32, #tpu.memory_space<hbm>>
      tpu.wait_dma2 semaphore(%arg18 : memref<!tpu.dma_semaphore, #tpu.memory_space<semaphore_mem>>) src(%dma_wait3A_57 : memref<2000xf32, #tpu.memory_space<hbm>>) dst(%arg9 : memref<2000xf32, #tpu.memory_space<vmem>>)
      %dma_wait3A_58 = arith.constant 0 : i32
      %dma_wait3A_59 = tpu.memref_slice %arg5[%dma_wait3A_58] : memref<1600000xi32, #tpu.memory_space<hbm>> -> memref<2000xi32, #tpu.memory_space<hbm>>
      %dma_wait3A_60 = arith.constant 0 : i32
      %dma_wait3A_61 = tpu.memref_slice %arg5[%dma_wait3A_60] : memref<1600000xi32, #tpu.memory_space<hbm>> -> memref<2000xi32, #tpu.memory_space<hbm>>
      tpu.wait_dma2 semaphore(%arg18 : memref<!tpu.dma_semaphore, #tpu.memory_space<semaphore_mem>>) src(%dma_wait3A_61 : memref<2000xi32, #tpu.memory_space<hbm>>) dst(%arg10 : memref<2000xi32, #tpu.memory_space<vmem>>)
      %add3A_62 = arith.constant 1 : i32
      %add3A_63 = arith.addi %mul3A_45, %add3A_62 : i32
      %mul3A_64 = arith.constant 2000 : i32
      %mul3A_65 = arith.muli %add3A_63, %mul3A_64 : i32
      %add3A_66 = arith.addi %mul3A_5, %mul3A_65 : i32
      %dma_start3A_67 = tpu.memref_slice %arg2[%add3A_66] : memref<1600000xf32, #tpu.memory_space<hbm>> -> memref<2000xf32, #tpu.memory_space<hbm>>
      %dma_start3A_68 = tpu.memref_slice %arg2[%add3A_66] : memref<1600000xf32, #tpu.memory_space<hbm>> -> memref<2000xf32, #tpu.memory_space<hbm>>
      tpu.enqueue_dma source(%dma_start3A_68 : memref<2000xf32, #tpu.memory_space<hbm>>) target(%arg11 : memref<2000xf32, #tpu.memory_space<vmem>>) target_semaphore(%arg19 : memref<!tpu.dma_semaphore, #tpu.memory_space<semaphore_mem>>)
      %dma_start3A_69 = tpu.memref_slice %arg3[%add3A_66] : memref<1600000xf32, #tpu.memory_space<hbm>> -> memref<2000xf32, #tpu.memory_space<hbm>>
      %dma_start3A_70 = tpu.memref_slice %arg3[%add3A_66] : memref<1600000xf32, #tpu.memory_space<hbm>> -> memref<2000xf32, #tpu.memory_space<hbm>>
      tpu.enqueue_dma source(%dma_start3A_70 : memref<2000xf32, #tpu.memory_space<hbm>>) target(%arg12 : memref<2000xf32, #tpu.memory_space<vmem>>) target_semaphore(%arg19 : memref<!tpu.dma_semaphore, #tpu.memory_space<semaphore_mem>>)
      %dma_start3A_71 = tpu.memref_slice %arg4[%add3A_66] : memref<1600000xf32, #tpu.memory_space<hbm>> -> memref<2000xf32, #tpu.memory_space<hbm>>
      %dma_start3A_72 = tpu.memref_slice %arg4[%add3A_66] : memref<1600000xf32, #tpu.memory_space<hbm>> -> memref<2000xf32, #tpu.memory_space<hbm>>
      tpu.enqueue_dma source(%dma_start3A_72 : memref<2000xf32, #tpu.memory_space<hbm>>) target(%arg13 : memref<2000xf32, #tpu.memory_space<vmem>>) target_semaphore(%arg19 : memref<!tpu.dma_semaphore, #tpu.memory_space<semaphore_mem>>)
      %dma_start3A_73 = tpu.memref_slice %arg5[%add3A_66] : memref<1600000xi32, #tpu.memory_space<hbm>> -> memref<2000xi32, #tpu.memory_space<hbm>>
      %dma_start3A_74 = tpu.memref_slice %arg5[%add3A_66] : memref<1600000xi32, #tpu.memory_space<hbm>> -> memref<2000xi32, #tpu.memory_space<hbm>>
      tpu.enqueue_dma source(%dma_start3A_74 : memref<2000xi32, #tpu.memory_space<hbm>>) target(%arg14 : memref<2000xi32, #tpu.memory_space<vmem>>) target_semaphore(%arg19 : memref<!tpu.dma_semaphore, #tpu.memory_space<semaphore_mem>>)
      %parallel_loop3A_75 = arith.constant 0 : i32
      %parallel_loop3A_76 = arith.constant 125 : i32
      %parallel_loop3A_77 = arith.constant 1 : i32
      scf.for %parallel_loop3A_104 = %parallel_loop3A_75 to %parallel_loop3A_76 step %parallel_loop3A_77  : i32 {
        %parallel_loop3A_105 = arith.constant 16 : i32
        %parallel_loop3A_106 = arith.muli %parallel_loop3A_104, %parallel_loop3A_105 : i32
        %parallel_loop3A_107 = arith.index_cast %parallel_loop3A_106 : i32 to index
        %parallel_loop3A_108 = tpu.vector_load %arg7[%parallel_loop3A_107] {strides = array<i32>} : memref<2000xf32, #tpu.memory_space<vmem>>, vector<16xf32>,
        %parallel_loop3A_109 = arith.index_cast %parallel_loop3A_106 : i32 to index
        %parallel_loop3A_110 = tpu.vector_load %arg8[%parallel_loop3A_109] {strides = array<i32>} : memref<2000xf32, #tpu.memory_space<vmem>>, vector<16xf32>,
        %parallel_loop3A_111 = arith.index_cast %parallel_loop3A_106 : i32 to index
        %parallel_loop3A_112 = tpu.vector_load %arg9[%parallel_loop3A_111] {strides = array<i32>} : memref<2000xf32, #tpu.memory_space<vmem>>, vector<16xf32>,
        %parallel_loop3A_113 = arith.mulf %parallel_loop3A_108, %parallel_loop3A_108 : vector<16xf32>
        %parallel_loop3A_114 = arith.mulf %parallel_loop3A_110, %parallel_loop3A_110 : vector<16xf32>
        %parallel_loop3A_115 = arith.addf %parallel_loop3A_113, %parallel_loop3A_114 : vector<16xf32>
        %parallel_loop3A_116 = arith.mulf %parallel_loop3A_112, %parallel_loop3A_112 : vector<16xf32>
        %parallel_loop3A_117 = arith.addf %parallel_loop3A_115, %parallel_loop3A_116 : vector<16xf32>
        %parallel_loop3A_118 = vector.bitcast %parallel_loop3A_117 : vector<16xf32> to vector<16xi32>
        %parallel_loop3A_119 = arith.constant 1 : i32
        %parallel_loop3A_120 = vector.broadcast %parallel_loop3A_119 : i32 to vector<16xi32>
        %parallel_loop3A_121 = arith.shrsi %parallel_loop3A_118, %parallel_loop3A_120 : vector<16xi32>
        %parallel_loop3A_122 = arith.constant 1597463007 : i32
        %parallel_loop3A_123 = vector.broadcast %parallel_loop3A_122 : i32 to vector<16xi32>
        %parallel_loop3A_124 = arith.subi %parallel_loop3A_123, %parallel_loop3A_121 : vector<16xi32>
        %parallel_loop3A_125 = vector.bitcast %parallel_loop3A_124 : vector<16xi32> to vector<16xf32>
        %parallel_loop3A_126 = arith.constant 5.000000e-01 : f32
        %parallel_loop3A_127 = vector.broadcast %parallel_loop3A_126 : f32 to vector<16xf32>
        %parallel_loop3A_128 = arith.mulf %parallel_loop3A_127, %parallel_loop3A_117 : vector<16xf32>
        %parallel_loop3A_129 = arith.mulf %parallel_loop3A_128, %parallel_loop3A_125 : vector<16xf32>
        %parallel_loop3A_130 = arith.mulf %parallel_loop3A_129, %parallel_loop3A_125 : vector<16xf32>
        %parallel_loop3A_131 = arith.constant 1.500000e+00 : f32
        %parallel_loop3A_132 = vector.broadcast %parallel_loop3A_131 : f32 to vector<16xf32>
        %parallel_loop3A_133 = arith.subf %parallel_loop3A_132, %parallel_loop3A_130 : vector<16xf32>
        %parallel_loop3A_134 = arith.mulf %parallel_loop3A_125, %parallel_loop3A_133 : vector<16xf32>
        %parallel_loop3A_135 = arith.mulf %parallel_loop3A_128, %parallel_loop3A_134 : vector<16xf32>
        %parallel_loop3A_136 = arith.mulf %parallel_loop3A_135, %parallel_loop3A_134 : vector<16xf32>
        %parallel_loop3A_137 = arith.constant 1.500000e+00 : f32
        %parallel_loop3A_138 = vector.broadcast %parallel_loop3A_137 : f32 to vector<16xf32>
        %parallel_loop3A_139 = arith.subf %parallel_loop3A_138, %parallel_loop3A_136 : vector<16xf32>
        %parallel_loop3A_140 = arith.mulf %parallel_loop3A_134, %parallel_loop3A_139 : vector<16xf32>
        %parallel_loop3A_141 = arith.mulf %parallel_loop3A_117, %parallel_loop3A_140 : vector<16xf32>
        %parallel_loop3A_142 = arith.index_cast %parallel_loop3A_106 : i32 to index
        %parallel_loop3A_143 = tpu.vector_load %arg10[%parallel_loop3A_142] {strides = array<i32>} : memref<2000xi32, #tpu.memory_space<vmem>>, vector<16xi32>,
        %parallel_loop3A_144 = arith.constant 16 : i32
        %parallel_loop3A_145 = vector.broadcast %parallel_loop3A_144 : i32 to vector<16xi32>
        %parallel_loop3A_146 = arith.muli %parallel_loop3A_143, %parallel_loop3A_145 : vector<16xi32>
        %parallel_loop3A_147 = arith.addi %parallel_loop3A_146, %iota3A : vector<16xi32>
        tpu.vector_store_idx %arg15[%parallel_loop3A_147], %parallel_loop3A_141 {add = true} : memref<16384xf32, #tpu.memory_space<vmem>>[vector<16xi32>], vector<16xf32>,
        tpu.vector_store_idx %arg16[%parallel_loop3A_147], %broadcast_in_dim3A_3 {add = true} : memref<16384xf32, #tpu.memory_space<vmem>>[vector<16xi32>], vector<16xf32>,
      } {sc.loop_unroll_factor = 8 : i64, sc.parallel_access}
      %add3A_78 = arith.constant 2 : i32
      %add3A_79 = arith.addi %mul3A_45, %add3A_78 : i32
      %lt3A = arith.constant 25 : i32
      %lt3A_80 = arith.cmpi slt, %add3A_79, %lt3A : i32
      %convert_element_type3A = arith.extui %lt3A_80 : i1 to i32
      %cond3A = arith.constant 0 : i32
      %cond3A_81 = arith.cmpi ne, %convert_element_type3A, %cond3A : i32
      scf.if %cond3A_81 {
        %add3A_104 = arith.constant 2 : i32
        %add3A_105 = arith.addi %mul3A_45, %add3A_104 : i32
        %mul3A_106 = arith.constant 2000 : i32
        %mul3A_107 = arith.muli %add3A_105, %mul3A_106 : i32
        %add3A_108 = arith.addi %mul3A_5, %mul3A_107 : i32
        %dma_start3A_109 = tpu.memref_slice %arg2[%add3A_108] : memref<1600000xf32, #tpu.memory_space<hbm>> -> memref<2000xf32, #tpu.memory_space<hbm>>
        %dma_start3A_110 = tpu.memref_slice %arg2[%add3A_108] : memref<1600000xf32, #tpu.memory_space<hbm>> -> memref<2000xf32, #tpu.memory_space<hbm>>
        tpu.enqueue_dma source(%dma_start3A_110 : memref<2000xf32, #tpu.memory_space<hbm>>) target(%arg7 : memref<2000xf32, #tpu.memory_space<vmem>>) target_semaphore(%arg18 : memref<!tpu.dma_semaphore, #tpu.memory_space<semaphore_mem>>)
        %dma_start3A_111 = tpu.memref_slice %arg3[%add3A_108] : memref<1600000xf32, #tpu.memory_space<hbm>> -> memref<2000xf32, #tpu.memory_space<hbm>>
        %dma_start3A_112 = tpu.memref_slice %arg3[%add3A_108] : memref<1600000xf32, #tpu.memory_space<hbm>> -> memref<2000xf32, #tpu.memory_space<hbm>>
        tpu.enqueue_dma source(%dma_start3A_112 : memref<2000xf32, #tpu.memory_space<hbm>>) target(%arg8 : memref<2000xf32, #tpu.memory_space<vmem>>) target_semaphore(%arg18 : memref<!tpu.dma_semaphore, #tpu.memory_space<semaphore_mem>>)
        %dma_start3A_113 = tpu.memref_slice %arg4[%add3A_108] : memref<1600000xf32, #tpu.memory_space<hbm>> -> memref<2000xf32, #tpu.memory_space<hbm>>
        %dma_start3A_114 = tpu.memref_slice %arg4[%add3A_108] : memref<1600000xf32, #tpu.memory_space<hbm>> -> memref<2000xf32, #tpu.memory_space<hbm>>
        tpu.enqueue_dma source(%dma_start3A_114 : memref<2000xf32, #tpu.memory_space<hbm>>) target(%arg9 : memref<2000xf32, #tpu.memory_space<vmem>>) target_semaphore(%arg18 : memref<!tpu.dma_semaphore, #tpu.memory_space<semaphore_mem>>)
        %dma_start3A_115 = tpu.memref_slice %arg5[%add3A_108] : memref<1600000xi32, #tpu.memory_space<hbm>> -> memref<2000xi32, #tpu.memory_space<hbm>>
        %dma_start3A_116 = tpu.memref_slice %arg5[%add3A_108] : memref<1600000xi32, #tpu.memory_space<hbm>> -> memref<2000xi32, #tpu.memory_space<hbm>>
        tpu.enqueue_dma source(%dma_start3A_116 : memref<2000xi32, #tpu.memory_space<hbm>>) target(%arg10 : memref<2000xi32, #tpu.memory_space<vmem>>) target_semaphore(%arg18 : memref<!tpu.dma_semaphore, #tpu.memory_space<semaphore_mem>>)
      } else {
      }
      %dma_wait3A_82 = arith.constant 0 : i32
      %dma_wait3A_83 = tpu.memref_slice %arg2[%dma_wait3A_82] : memref<1600000xf32, #tpu.memory_space<hbm>> -> memref<2000xf32, #tpu.memory_space<hbm>>
      %dma_wait3A_84 = arith.constant 0 : i32
      %dma_wait3A_85 = tpu.memref_slice %arg2[%dma_wait3A_84] : memref<1600000xf32, #tpu.memory_space<hbm>> -> memref<2000xf32, #tpu.memory_space<hbm>>
      tpu.wait_dma2 semaphore(%arg19 : memref<!tpu.dma_semaphore, #tpu.memory_space<semaphore_mem>>) src(%dma_wait3A_85 : memref<2000xf32, #tpu.memory_space<hbm>>) dst(%arg11 : memref<2000xf32, #tpu.memory_space<vmem>>)
      %dma_wait3A_86 = arith.constant 0 : i32
      %dma_wait3A_87 = tpu.memref_slice %arg3[%dma_wait3A_86] : memref<1600000xf32, #tpu.memory_space<hbm>> -> memref<2000xf32, #tpu.memory_space<hbm>>
      %dma_wait3A_88 = arith.constant 0 : i32
      %dma_wait3A_89 = tpu.memref_slice %arg3[%dma_wait3A_88] : memref<1600000xf32, #tpu.memory_space<hbm>> -> memref<2000xf32, #tpu.memory_space<hbm>>
      tpu.wait_dma2 semaphore(%arg19 : memref<!tpu.dma_semaphore, #tpu.memory_space<semaphore_mem>>) src(%dma_wait3A_89 : memref<2000xf32, #tpu.memory_space<hbm>>) dst(%arg12 : memref<2000xf32, #tpu.memory_space<vmem>>)
      %dma_wait3A_90 = arith.constant 0 : i32
      %dma_wait3A_91 = tpu.memref_slice %arg4[%dma_wait3A_90] : memref<1600000xf32, #tpu.memory_space<hbm>> -> memref<2000xf32, #tpu.memory_space<hbm>>
      %dma_wait3A_92 = arith.constant 0 : i32
      %dma_wait3A_93 = tpu.memref_slice %arg4[%dma_wait3A_92] : memref<1600000xf32, #tpu.memory_space<hbm>> -> memref<2000xf32, #tpu.memory_space<hbm>>
      tpu.wait_dma2 semaphore(%arg19 : memref<!tpu.dma_semaphore, #tpu.memory_space<semaphore_mem>>) src(%dma_wait3A_93 : memref<2000xf32, #tpu.memory_space<hbm>>) dst(%arg13 : memref<2000xf32, #tpu.memory_space<vmem>>)
      %dma_wait3A_94 = arith.constant 0 : i32
      %dma_wait3A_95 = tpu.memref_slice %arg5[%dma_wait3A_94] : memref<1600000xi32, #tpu.memory_space<hbm>> -> memref<2000xi32, #tpu.memory_space<hbm>>
      %dma_wait3A_96 = arith.constant 0 : i32
      %dma_wait3A_97 = tpu.memref_slice %arg5[%dma_wait3A_96] : memref<1600000xi32, #tpu.memory_space<hbm>> -> memref<2000xi32, #tpu.memory_space<hbm>>
      tpu.wait_dma2 semaphore(%arg19 : memref<!tpu.dma_semaphore, #tpu.memory_space<semaphore_mem>>) src(%dma_wait3A_97 : memref<2000xi32, #tpu.memory_space<hbm>>) dst(%arg14 : memref<2000xi32, #tpu.memory_space<vmem>>)
      %add3A_98 = arith.constant 1 : i32
      %add3A_99 = arith.addi %mul3A_45, %add3A_98 : i32
      %parallel_loop3A_100 = arith.constant 0 : i32
      %parallel_loop3A_101 = arith.constant 125 : i32
      %parallel_loop3A_102 = arith.constant 1 : i32
      scf.for %parallel_loop3A_104 = %parallel_loop3A_100 to %parallel_loop3A_101 step %parallel_loop3A_102  : i32 {
        %parallel_loop3A_105 = arith.constant 16 : i32
        %parallel_loop3A_106 = arith.muli %parallel_loop3A_104, %parallel_loop3A_105 : i32
        %parallel_loop3A_107 = arith.index_cast %parallel_loop3A_106 : i32 to index
        %parallel_loop3A_108 = tpu.vector_load %arg11[%parallel_loop3A_107] {strides = array<i32>} : memref<2000xf32, #tpu.memory_space<vmem>>, vector<16xf32>,
        %parallel_loop3A_109 = arith.index_cast %parallel_loop3A_106 : i32 to index
        %parallel_loop3A_110 = tpu.vector_load %arg12[%parallel_loop3A_109] {strides = array<i32>} : memref<2000xf32, #tpu.memory_space<vmem>>, vector<16xf32>,
        %parallel_loop3A_111 = arith.index_cast %parallel_loop3A_106 : i32 to index
        %parallel_loop3A_112 = tpu.vector_load %arg13[%parallel_loop3A_111] {strides = array<i32>} : memref<2000xf32, #tpu.memory_space<vmem>>, vector<16xf32>,
        %parallel_loop3A_113 = arith.mulf %parallel_loop3A_108, %parallel_loop3A_108 : vector<16xf32>
        %parallel_loop3A_114 = arith.mulf %parallel_loop3A_110, %parallel_loop3A_110 : vector<16xf32>
        %parallel_loop3A_115 = arith.addf %parallel_loop3A_113, %parallel_loop3A_114 : vector<16xf32>
        %parallel_loop3A_116 = arith.mulf %parallel_loop3A_112, %parallel_loop3A_112 : vector<16xf32>
        %parallel_loop3A_117 = arith.addf %parallel_loop3A_115, %parallel_loop3A_116 : vector<16xf32>
        %parallel_loop3A_118 = vector.bitcast %parallel_loop3A_117 : vector<16xf32> to vector<16xi32>
        %parallel_loop3A_119 = arith.constant 1 : i32
        %parallel_loop3A_120 = vector.broadcast %parallel_loop3A_119 : i32 to vector<16xi32>
        %parallel_loop3A_121 = arith.shrsi %parallel_loop3A_118, %parallel_loop3A_120 : vector<16xi32>
        %parallel_loop3A_122 = arith.constant 1597463007 : i32
        %parallel_loop3A_123 = vector.broadcast %parallel_loop3A_122 : i32 to vector<16xi32>
        %parallel_loop3A_124 = arith.subi %parallel_loop3A_123, %parallel_loop3A_121 : vector<16xi32>
        %parallel_loop3A_125 = vector.bitcast %parallel_loop3A_124 : vector<16xi32> to vector<16xf32>
        %parallel_loop3A_126 = arith.constant 5.000000e-01 : f32
        %parallel_loop3A_127 = vector.broadcast %parallel_loop3A_126 : f32 to vector<16xf32>
        %parallel_loop3A_128 = arith.mulf %parallel_loop3A_127, %parallel_loop3A_117 : vector<16xf32>
        %parallel_loop3A_129 = arith.mulf %parallel_loop3A_128, %parallel_loop3A_125 : vector<16xf32>
        %parallel_loop3A_130 = arith.mulf %parallel_loop3A_129, %parallel_loop3A_125 : vector<16xf32>
        %parallel_loop3A_131 = arith.constant 1.500000e+00 : f32
        %parallel_loop3A_132 = vector.broadcast %parallel_loop3A_131 : f32 to vector<16xf32>
        %parallel_loop3A_133 = arith.subf %parallel_loop3A_132, %parallel_loop3A_130 : vector<16xf32>
        %parallel_loop3A_134 = arith.mulf %parallel_loop3A_125, %parallel_loop3A_133 : vector<16xf32>
        %parallel_loop3A_135 = arith.mulf %parallel_loop3A_128, %parallel_loop3A_134 : vector<16xf32>
        %parallel_loop3A_136 = arith.mulf %parallel_loop3A_135, %parallel_loop3A_134 : vector<16xf32>
        %parallel_loop3A_137 = arith.constant 1.500000e+00 : f32
        %parallel_loop3A_138 = vector.broadcast %parallel_loop3A_137 : f32 to vector<16xf32>
        %parallel_loop3A_139 = arith.subf %parallel_loop3A_138, %parallel_loop3A_136 : vector<16xf32>
        %parallel_loop3A_140 = arith.mulf %parallel_loop3A_134, %parallel_loop3A_139 : vector<16xf32>
        %parallel_loop3A_141 = arith.mulf %parallel_loop3A_117, %parallel_loop3A_140 : vector<16xf32>
        %parallel_loop3A_142 = arith.index_cast %parallel_loop3A_106 : i32 to index
        %parallel_loop3A_143 = tpu.vector_load %arg14[%parallel_loop3A_142] {strides = array<i32>} : memref<2000xi32, #tpu.memory_space<vmem>>, vector<16xi32>,
        %parallel_loop3A_144 = arith.constant 16 : i32
        %parallel_loop3A_145 = vector.broadcast %parallel_loop3A_144 : i32 to vector<16xi32>
        %parallel_loop3A_146 = arith.muli %parallel_loop3A_143, %parallel_loop3A_145 : vector<16xi32>
        %parallel_loop3A_147 = arith.addi %parallel_loop3A_146, %iota3A : vector<16xi32>
        tpu.vector_store_idx %arg15[%parallel_loop3A_147], %parallel_loop3A_141 {add = true} : memref<16384xf32, #tpu.memory_space<vmem>>[vector<16xi32>], vector<16xf32>,
        tpu.vector_store_idx %arg16[%parallel_loop3A_147], %broadcast_in_dim3A_3 {add = true} : memref<16384xf32, #tpu.memory_space<vmem>>[vector<16xi32>], vector<16xf32>,
      } {sc.loop_unroll_factor = 8 : i64, sc.parallel_access}
      %scan3A_103 = arith.constant 0 : i32
      scf.yield %scan3A_103 : i32
    }
    %scan3A_20 = arith.constant 12 : i32
    %dma_wait3A = arith.constant 0 : i32
    %dma_wait3A_21 = tpu.memref_slice %arg2[%dma_wait3A] : memref<1600000xf32, #tpu.memory_space<hbm>> -> memref<2000xf32, #tpu.memory_space<hbm>>
    %dma_wait3A_22 = arith.constant 0 : i32
    %dma_wait3A_23 = tpu.memref_slice %arg2[%dma_wait3A_22] : memref<1600000xf32, #tpu.memory_space<hbm>> -> memref<2000xf32, #tpu.memory_space<hbm>>
    tpu.wait_dma2 semaphore(%arg18 : memref<!tpu.dma_semaphore, #tpu.memory_space<semaphore_mem>>) src(%dma_wait3A_23 : memref<2000xf32, #tpu.memory_space<hbm>>) dst(%arg7 : memref<2000xf32, #tpu.memory_space<vmem>>)
    %dma_wait3A_24 = arith.constant 0 : i32
    %dma_wait3A_25 = tpu.memref_slice %arg3[%dma_wait3A_24] : memref<1600000xf32, #tpu.memory_space<hbm>> -> memref<2000xf32, #tpu.memory_space<hbm>>
    %dma_wait3A_26 = arith.constant 0 : i32
    %dma_wait3A_27 = tpu.memref_slice %arg3[%dma_wait3A_26] : memref<1600000xf32, #tpu.memory_space<hbm>> -> memref<2000xf32, #tpu.memory_space<hbm>>
    tpu.wait_dma2 semaphore(%arg18 : memref<!tpu.dma_semaphore, #tpu.memory_space<semaphore_mem>>) src(%dma_wait3A_27 : memref<2000xf32, #tpu.memory_space<hbm>>) dst(%arg8 : memref<2000xf32, #tpu.memory_space<vmem>>)
    %dma_wait3A_28 = arith.constant 0 : i32
    %dma_wait3A_29 = tpu.memref_slice %arg4[%dma_wait3A_28] : memref<1600000xf32, #tpu.memory_space<hbm>> -> memref<2000xf32, #tpu.memory_space<hbm>>
    %dma_wait3A_30 = arith.constant 0 : i32
    %dma_wait3A_31 = tpu.memref_slice %arg4[%dma_wait3A_30] : memref<1600000xf32, #tpu.memory_space<hbm>> -> memref<2000xf32, #tpu.memory_space<hbm>>
    tpu.wait_dma2 semaphore(%arg18 : memref<!tpu.dma_semaphore, #tpu.memory_space<semaphore_mem>>) src(%dma_wait3A_31 : memref<2000xf32, #tpu.memory_space<hbm>>) dst(%arg9 : memref<2000xf32, #tpu.memory_space<vmem>>)
    %dma_wait3A_32 = arith.constant 0 : i32
    %dma_wait3A_33 = tpu.memref_slice %arg5[%dma_wait3A_32] : memref<1600000xi32, #tpu.memory_space<hbm>> -> memref<2000xi32, #tpu.memory_space<hbm>>
    %dma_wait3A_34 = arith.constant 0 : i32
    %dma_wait3A_35 = tpu.memref_slice %arg5[%dma_wait3A_34] : memref<1600000xi32, #tpu.memory_space<hbm>> -> memref<2000xi32, #tpu.memory_space<hbm>>
    tpu.wait_dma2 semaphore(%arg18 : memref<!tpu.dma_semaphore, #tpu.memory_space<semaphore_mem>>) src(%dma_wait3A_35 : memref<2000xi32, #tpu.memory_space<hbm>>) dst(%arg10 : memref<2000xi32, #tpu.memory_space<vmem>>)
    %parallel_loop3A_36 = arith.constant 0 : i32
    %parallel_loop3A_37 = arith.constant 125 : i32
    %parallel_loop3A_38 = arith.constant 1 : i32
    scf.for %parallel_loop3A_42 = %parallel_loop3A_36 to %parallel_loop3A_37 step %parallel_loop3A_38  : i32 {
      %parallel_loop3A_43 = arith.constant 16 : i32
      %parallel_loop3A_44 = arith.muli %parallel_loop3A_42, %parallel_loop3A_43 : i32
      %parallel_loop3A_45 = arith.index_cast %parallel_loop3A_44 : i32 to index
      %parallel_loop3A_46 = tpu.vector_load %arg7[%parallel_loop3A_45] {strides = array<i32>} : memref<2000xf32, #tpu.memory_space<vmem>>, vector<16xf32>,
      %parallel_loop3A_47 = arith.index_cast %parallel_loop3A_44 : i32 to index
      %parallel_loop3A_48 = tpu.vector_load %arg8[%parallel_loop3A_47] {strides = array<i32>} : memref<2000xf32, #tpu.memory_space<vmem>>, vector<16xf32>,
      %parallel_loop3A_49 = arith.index_cast %parallel_loop3A_44 : i32 to index
      %parallel_loop3A_50 = tpu.vector_load %arg9[%parallel_loop3A_49] {strides = array<i32>} : memref<2000xf32, #tpu.memory_space<vmem>>, vector<16xf32>,
      %parallel_loop3A_51 = arith.mulf %parallel_loop3A_46, %parallel_loop3A_46 : vector<16xf32>
      %parallel_loop3A_52 = arith.mulf %parallel_loop3A_48, %parallel_loop3A_48 : vector<16xf32>
      %parallel_loop3A_53 = arith.addf %parallel_loop3A_51, %parallel_loop3A_52 : vector<16xf32>
      %parallel_loop3A_54 = arith.mulf %parallel_loop3A_50, %parallel_loop3A_50 : vector<16xf32>
      %parallel_loop3A_55 = arith.addf %parallel_loop3A_53, %parallel_loop3A_54 : vector<16xf32>
      %parallel_loop3A_56 = vector.bitcast %parallel_loop3A_55 : vector<16xf32> to vector<16xi32>
      %parallel_loop3A_57 = arith.constant 1 : i32
      %parallel_loop3A_58 = vector.broadcast %parallel_loop3A_57 : i32 to vector<16xi32>
      %parallel_loop3A_59 = arith.shrsi %parallel_loop3A_56, %parallel_loop3A_58 : vector<16xi32>
      %parallel_loop3A_60 = arith.constant 1597463007 : i32
      %parallel_loop3A_61 = vector.broadcast %parallel_loop3A_60 : i32 to vector<16xi32>
      %parallel_loop3A_62 = arith.subi %parallel_loop3A_61, %parallel_loop3A_59 : vector<16xi32>
      %parallel_loop3A_63 = vector.bitcast %parallel_loop3A_62 : vector<16xi32> to vector<16xf32>
      %parallel_loop3A_64 = arith.constant 5.000000e-01 : f32
      %parallel_loop3A_65 = vector.broadcast %parallel_loop3A_64 : f32 to vector<16xf32>
      %parallel_loop3A_66 = arith.mulf %parallel_loop3A_65, %parallel_loop3A_55 : vector<16xf32>
      %parallel_loop3A_67 = arith.mulf %parallel_loop3A_66, %parallel_loop3A_63 : vector<16xf32>
      %parallel_loop3A_68 = arith.mulf %parallel_loop3A_67, %parallel_loop3A_63 : vector<16xf32>
      %parallel_loop3A_69 = arith.constant 1.500000e+00 : f32
      %parallel_loop3A_70 = vector.broadcast %parallel_loop3A_69 : f32 to vector<16xf32>
      %parallel_loop3A_71 = arith.subf %parallel_loop3A_70, %parallel_loop3A_68 : vector<16xf32>
      %parallel_loop3A_72 = arith.mulf %parallel_loop3A_63, %parallel_loop3A_71 : vector<16xf32>
      %parallel_loop3A_73 = arith.mulf %parallel_loop3A_66, %parallel_loop3A_72 : vector<16xf32>
      %parallel_loop3A_74 = arith.mulf %parallel_loop3A_73, %parallel_loop3A_72 : vector<16xf32>
      %parallel_loop3A_75 = arith.constant 1.500000e+00 : f32
      %parallel_loop3A_76 = vector.broadcast %parallel_loop3A_75 : f32 to vector<16xf32>
      %parallel_loop3A_77 = arith.subf %parallel_loop3A_76, %parallel_loop3A_74 : vector<16xf32>
      %parallel_loop3A_78 = arith.mulf %parallel_loop3A_72, %parallel_loop3A_77 : vector<16xf32>
      %parallel_loop3A_79 = arith.mulf %parallel_loop3A_55, %parallel_loop3A_78 : vector<16xf32>
      %parallel_loop3A_80 = arith.index_cast %parallel_loop3A_44 : i32 to index
      %parallel_loop3A_81 = tpu.vector_load %arg10[%parallel_loop3A_80] {strides = array<i32>} : memref<2000xi32, #tpu.memory_space<vmem>>, vector<16xi32>,
      %parallel_loop3A_82 = arith.constant 16 : i32
      %parallel_loop3A_83 = vector.broadcast %parallel_loop3A_82 : i32 to vector<16xi32>
      %parallel_loop3A_84 = arith.muli %parallel_loop3A_81, %parallel_loop3A_83 : vector<16xi32>
      %parallel_loop3A_85 = arith.addi %parallel_loop3A_84, %iota3A : vector<16xi32>
      tpu.vector_store_idx %arg15[%parallel_loop3A_85], %parallel_loop3A_79 {add = true} : memref<16384xf32, #tpu.memory_space<vmem>>[vector<16xi32>], vector<16xf32>,
      tpu.vector_store_idx %arg16[%parallel_loop3A_85], %broadcast_in_dim3A_3 {add = true} : memref<16384xf32, #tpu.memory_space<vmem>>[vector<16xi32>], vector<16xf32>,
    } {sc.loop_unroll_factor = 8 : i64, sc.parallel_access}
    %parallel_loop3A_39 = arith.constant 0 : i32
    %parallel_loop3A_40 = arith.constant 64 : i32
    %parallel_loop3A_41 = arith.constant 1 : i32
    scf.for %parallel_loop3A_42 = %parallel_loop3A_39 to %parallel_loop3A_40 step %parallel_loop3A_41  : i32 {
      %parallel_loop3A_43 = arith.constant 16 : i32
      %parallel_loop3A_44 = arith.muli %parallel_loop3A_42, %parallel_loop3A_43 : i32
      %parallel_loop3A_45 = vector.broadcast %parallel_loop3A_44 : i32 to vector<16xi32>
      %parallel_loop3A_46 = arith.addi %parallel_loop3A_45, %iota3A : vector<16xi32>
      %parallel_loop3A_47 = arith.constant 16 : i32
      %parallel_loop3A_48 = vector.broadcast %parallel_loop3A_47 : i32 to vector<16xi32>
      %parallel_loop3A_49 = arith.muli %parallel_loop3A_46, %parallel_loop3A_48 : vector<16xi32>
      %parallel_loop3A_50 = arith.constant 0 : i32
      %parallel_loop3A_51 = vector.broadcast %parallel_loop3A_50 : i32 to vector<16xi32>
      %parallel_loop3A_52 = arith.addi %parallel_loop3A_49, %parallel_loop3A_51 : vector<16xi32>
      %parallel_loop3A_53 = tpu.vector_load_idx %arg15[%parallel_loop3A_52] : memref<16384xf32, #tpu.memory_space<vmem>>[vector<16xi32>], vector<16xf32>,
      %parallel_loop3A_54 = arith.addf %broadcast_in_dim3A_1, %parallel_loop3A_53 : vector<16xf32>
      %parallel_loop3A_55 = arith.constant 0 : i32
      %parallel_loop3A_56 = vector.broadcast %parallel_loop3A_55 : i32 to vector<16xi32>
      %parallel_loop3A_57 = arith.addi %parallel_loop3A_49, %parallel_loop3A_56 : vector<16xi32>
      %parallel_loop3A_58 = tpu.vector_load_idx %arg16[%parallel_loop3A_57] : memref<16384xf32, #tpu.memory_space<vmem>>[vector<16xi32>], vector<16xf32>,
      %parallel_loop3A_59 = arith.addf %broadcast_in_dim3A_1, %parallel_loop3A_58 : vector<16xf32>
      %parallel_loop3A_60 = arith.constant 1 : i32
      %parallel_loop3A_61 = vector.broadcast %parallel_loop3A_60 : i32 to vector<16xi32>
      %parallel_loop3A_62 = arith.addi %parallel_loop3A_49, %parallel_loop3A_61 : vector<16xi32>
      %parallel_loop3A_63 = tpu.vector_load_idx %arg15[%parallel_loop3A_62] : memref<16384xf32, #tpu.memory_space<vmem>>[vector<16xi32>], vector<16xf32>,
      %parallel_loop3A_64 = arith.addf %parallel_loop3A_54, %parallel_loop3A_63 : vector<16xf32>
      %parallel_loop3A_65 = arith.constant 1 : i32
      %parallel_loop3A_66 = vector.broadcast %parallel_loop3A_65 : i32 to vector<16xi32>
      %parallel_loop3A_67 = arith.addi %parallel_loop3A_49, %parallel_loop3A_66 : vector<16xi32>
      %parallel_loop3A_68 = tpu.vector_load_idx %arg16[%parallel_loop3A_67] : memref<16384xf32, #tpu.memory_space<vmem>>[vector<16xi32>], vector<16xf32>,
      %parallel_loop3A_69 = arith.addf %parallel_loop3A_59, %parallel_loop3A_68 : vector<16xf32>
      %parallel_loop3A_70 = arith.constant 2 : i32
      %parallel_loop3A_71 = vector.broadcast %parallel_loop3A_70 : i32 to vector<16xi32>
      %parallel_loop3A_72 = arith.addi %parallel_loop3A_49, %parallel_loop3A_71 : vector<16xi32>
      %parallel_loop3A_73 = tpu.vector_load_idx %arg15[%parallel_loop3A_72] : memref<16384xf32, #tpu.memory_space<vmem>>[vector<16xi32>], vector<16xf32>,
      %parallel_loop3A_74 = arith.addf %parallel_loop3A_64, %parallel_loop3A_73 : vector<16xf32>
      %parallel_loop3A_75 = arith.constant 2 : i32
      %parallel_loop3A_76 = vector.broadcast %parallel_loop3A_75 : i32 to vector<16xi32>
      %parallel_loop3A_77 = arith.addi %parallel_loop3A_49, %parallel_loop3A_76 : vector<16xi32>
      %parallel_loop3A_78 = tpu.vector_load_idx %arg16[%parallel_loop3A_77] : memref<16384xf32, #tpu.memory_space<vmem>>[vector<16xi32>], vector<16xf32>,
      %parallel_loop3A_79 = arith.addf %parallel_loop3A_69, %parallel_loop3A_78 : vector<16xf32>
      %parallel_loop3A_80 = arith.constant 3 : i32
      %parallel_loop3A_81 = vector.broadcast %parallel_loop3A_80 : i32 to vector<16xi32>
      %parallel_loop3A_82 = arith.addi %parallel_loop3A_49, %parallel_loop3A_81 : vector<16xi32>
      %parallel_loop3A_83 = tpu.vector_load_idx %arg15[%parallel_loop3A_82] : memref<16384xf32, #tpu.memory_space<vmem>>[vector<16xi32>], vector<16xf32>,
      %parallel_loop3A_84 = arith.addf %parallel_loop3A_74, %parallel_loop3A_83 : vector<16xf32>
      %parallel_loop3A_85 = arith.constant 3 : i32
      %parallel_loop3A_86 = vector.broadcast %parallel_loop3A_85 : i32 to vector<16xi32>
      %parallel_loop3A_87 = arith.addi %parallel_loop3A_49, %parallel_loop3A_86 : vector<16xi32>
      %parallel_loop3A_88 = tpu.vector_load_idx %arg16[%parallel_loop3A_87] : memref<16384xf32, #tpu.memory_space<vmem>>[vector<16xi32>], vector<16xf32>,
      %parallel_loop3A_89 = arith.addf %parallel_loop3A_79, %parallel_loop3A_88 : vector<16xf32>
      %parallel_loop3A_90 = arith.constant 4 : i32
      %parallel_loop3A_91 = vector.broadcast %parallel_loop3A_90 : i32 to vector<16xi32>
      %parallel_loop3A_92 = arith.addi %parallel_loop3A_49, %parallel_loop3A_91 : vector<16xi32>
      %parallel_loop3A_93 = tpu.vector_load_idx %arg15[%parallel_loop3A_92] : memref<16384xf32, #tpu.memory_space<vmem>>[vector<16xi32>], vector<16xf32>,
      %parallel_loop3A_94 = arith.addf %parallel_loop3A_84, %parallel_loop3A_93 : vector<16xf32>
      %parallel_loop3A_95 = arith.constant 4 : i32
      %parallel_loop3A_96 = vector.broadcast %parallel_loop3A_95 : i32 to vector<16xi32>
      %parallel_loop3A_97 = arith.addi %parallel_loop3A_49, %parallel_loop3A_96 : vector<16xi32>
      %parallel_loop3A_98 = tpu.vector_load_idx %arg16[%parallel_loop3A_97] : memref<16384xf32, #tpu.memory_space<vmem>>[vector<16xi32>], vector<16xf32>,
      %parallel_loop3A_99 = arith.addf %parallel_loop3A_89, %parallel_loop3A_98 : vector<16xf32>
      %parallel_loop3A_100 = arith.constant 5 : i32
      %parallel_loop3A_101 = vector.broadcast %parallel_loop3A_100 : i32 to vector<16xi32>
      %parallel_loop3A_102 = arith.addi %parallel_loop3A_49, %parallel_loop3A_101 : vector<16xi32>
      %parallel_loop3A_103 = tpu.vector_load_idx %arg15[%parallel_loop3A_102] : memref<16384xf32, #tpu.memory_space<vmem>>[vector<16xi32>], vector<16xf32>,
      %parallel_loop3A_104 = arith.addf %parallel_loop3A_94, %parallel_loop3A_103 : vector<16xf32>
      %parallel_loop3A_105 = arith.constant 5 : i32
      %parallel_loop3A_106 = vector.broadcast %parallel_loop3A_105 : i32 to vector<16xi32>
      %parallel_loop3A_107 = arith.addi %parallel_loop3A_49, %parallel_loop3A_106 : vector<16xi32>
      %parallel_loop3A_108 = tpu.vector_load_idx %arg16[%parallel_loop3A_107] : memref<16384xf32, #tpu.memory_space<vmem>>[vector<16xi32>], vector<16xf32>,
      %parallel_loop3A_109 = arith.addf %parallel_loop3A_99, %parallel_loop3A_108 : vector<16xf32>
      %parallel_loop3A_110 = arith.constant 6 : i32
      %parallel_loop3A_111 = vector.broadcast %parallel_loop3A_110 : i32 to vector<16xi32>
      %parallel_loop3A_112 = arith.addi %parallel_loop3A_49, %parallel_loop3A_111 : vector<16xi32>
      %parallel_loop3A_113 = tpu.vector_load_idx %arg15[%parallel_loop3A_112] : memref<16384xf32, #tpu.memory_space<vmem>>[vector<16xi32>], vector<16xf32>,
      %parallel_loop3A_114 = arith.addf %parallel_loop3A_104, %parallel_loop3A_113 : vector<16xf32>
      %parallel_loop3A_115 = arith.constant 6 : i32
      %parallel_loop3A_116 = vector.broadcast %parallel_loop3A_115 : i32 to vector<16xi32>
      %parallel_loop3A_117 = arith.addi %parallel_loop3A_49, %parallel_loop3A_116 : vector<16xi32>
      %parallel_loop3A_118 = tpu.vector_load_idx %arg16[%parallel_loop3A_117] : memref<16384xf32, #tpu.memory_space<vmem>>[vector<16xi32>], vector<16xf32>,
      %parallel_loop3A_119 = arith.addf %parallel_loop3A_109, %parallel_loop3A_118 : vector<16xf32>
      %parallel_loop3A_120 = arith.constant 7 : i32
      %parallel_loop3A_121 = vector.broadcast %parallel_loop3A_120 : i32 to vector<16xi32>
      %parallel_loop3A_122 = arith.addi %parallel_loop3A_49, %parallel_loop3A_121 : vector<16xi32>
      %parallel_loop3A_123 = tpu.vector_load_idx %arg15[%parallel_loop3A_122] : memref<16384xf32, #tpu.memory_space<vmem>>[vector<16xi32>], vector<16xf32>,
      %parallel_loop3A_124 = arith.addf %parallel_loop3A_114, %parallel_loop3A_123 : vector<16xf32>
      %parallel_loop3A_125 = arith.constant 7 : i32
      %parallel_loop3A_126 = vector.broadcast %parallel_loop3A_125 : i32 to vector<16xi32>
      %parallel_loop3A_127 = arith.addi %parallel_loop3A_49, %parallel_loop3A_126 : vector<16xi32>
      %parallel_loop3A_128 = tpu.vector_load_idx %arg16[%parallel_loop3A_127] : memref<16384xf32, #tpu.memory_space<vmem>>[vector<16xi32>], vector<16xf32>,
      %parallel_loop3A_129 = arith.addf %parallel_loop3A_119, %parallel_loop3A_128 : vector<16xf32>
      %parallel_loop3A_130 = arith.constant 8 : i32
      %parallel_loop3A_131 = vector.broadcast %parallel_loop3A_130 : i32 to vector<16xi32>
      %parallel_loop3A_132 = arith.addi %parallel_loop3A_49, %parallel_loop3A_131 : vector<16xi32>
      %parallel_loop3A_133 = tpu.vector_load_idx %arg15[%parallel_loop3A_132] : memref<16384xf32, #tpu.memory_space<vmem>>[vector<16xi32>], vector<16xf32>,
      %parallel_loop3A_134 = arith.addf %parallel_loop3A_124, %parallel_loop3A_133 : vector<16xf32>
      %parallel_loop3A_135 = arith.constant 8 : i32
      %parallel_loop3A_136 = vector.broadcast %parallel_loop3A_135 : i32 to vector<16xi32>
      %parallel_loop3A_137 = arith.addi %parallel_loop3A_49, %parallel_loop3A_136 : vector<16xi32>
      %parallel_loop3A_138 = tpu.vector_load_idx %arg16[%parallel_loop3A_137] : memref<16384xf32, #tpu.memory_space<vmem>>[vector<16xi32>], vector<16xf32>,
      %parallel_loop3A_139 = arith.addf %parallel_loop3A_129, %parallel_loop3A_138 : vector<16xf32>
      %parallel_loop3A_140 = arith.constant 9 : i32
      %parallel_loop3A_141 = vector.broadcast %parallel_loop3A_140 : i32 to vector<16xi32>
      %parallel_loop3A_142 = arith.addi %parallel_loop3A_49, %parallel_loop3A_141 : vector<16xi32>
      %parallel_loop3A_143 = tpu.vector_load_idx %arg15[%parallel_loop3A_142] : memref<16384xf32, #tpu.memory_space<vmem>>[vector<16xi32>], vector<16xf32>,
      %parallel_loop3A_144 = arith.addf %parallel_loop3A_134, %parallel_loop3A_143 : vector<16xf32>
      %parallel_loop3A_145 = arith.constant 9 : i32
      %parallel_loop3A_146 = vector.broadcast %parallel_loop3A_145 : i32 to vector<16xi32>
      %parallel_loop3A_147 = arith.addi %parallel_loop3A_49, %parallel_loop3A_146 : vector<16xi32>
      %parallel_loop3A_148 = tpu.vector_load_idx %arg16[%parallel_loop3A_147] : memref<16384xf32, #tpu.memory_space<vmem>>[vector<16xi32>], vector<16xf32>,
      %parallel_loop3A_149 = arith.addf %parallel_loop3A_139, %parallel_loop3A_148 : vector<16xf32>
      %parallel_loop3A_150 = arith.constant 10 : i32
      %parallel_loop3A_151 = vector.broadcast %parallel_loop3A_150 : i32 to vector<16xi32>
      %parallel_loop3A_152 = arith.addi %parallel_loop3A_49, %parallel_loop3A_151 : vector<16xi32>
      %parallel_loop3A_153 = tpu.vector_load_idx %arg15[%parallel_loop3A_152] : memref<16384xf32, #tpu.memory_space<vmem>>[vector<16xi32>], vector<16xf32>,
      %parallel_loop3A_154 = arith.addf %parallel_loop3A_144, %parallel_loop3A_153 : vector<16xf32>
      %parallel_loop3A_155 = arith.constant 10 : i32
      %parallel_loop3A_156 = vector.broadcast %parallel_loop3A_155 : i32 to vector<16xi32>
      %parallel_loop3A_157 = arith.addi %parallel_loop3A_49, %parallel_loop3A_156 : vector<16xi32>
      %parallel_loop3A_158 = tpu.vector_load_idx %arg16[%parallel_loop3A_157] : memref<16384xf32, #tpu.memory_space<vmem>>[vector<16xi32>], vector<16xf32>,
      %parallel_loop3A_159 = arith.addf %parallel_loop3A_149, %parallel_loop3A_158 : vector<16xf32>
      %parallel_loop3A_160 = arith.constant 11 : i32
      %parallel_loop3A_161 = vector.broadcast %parallel_loop3A_160 : i32 to vector<16xi32>
      %parallel_loop3A_162 = arith.addi %parallel_loop3A_49, %parallel_loop3A_161 : vector<16xi32>
      %parallel_loop3A_163 = tpu.vector_load_idx %arg15[%parallel_loop3A_162] : memref<16384xf32, #tpu.memory_space<vmem>>[vector<16xi32>], vector<16xf32>,
      %parallel_loop3A_164 = arith.addf %parallel_loop3A_154, %parallel_loop3A_163 : vector<16xf32>
      %parallel_loop3A_165 = arith.constant 11 : i32
      %parallel_loop3A_166 = vector.broadcast %parallel_loop3A_165 : i32 to vector<16xi32>
      %parallel_loop3A_167 = arith.addi %parallel_loop3A_49, %parallel_loop3A_166 : vector<16xi32>
      %parallel_loop3A_168 = tpu.vector_load_idx %arg16[%parallel_loop3A_167] : memref<16384xf32, #tpu.memory_space<vmem>>[vector<16xi32>], vector<16xf32>,
      %parallel_loop3A_169 = arith.addf %parallel_loop3A_159, %parallel_loop3A_168 : vector<16xf32>
      %parallel_loop3A_170 = arith.constant 12 : i32
      %parallel_loop3A_171 = vector.broadcast %parallel_loop3A_170 : i32 to vector<16xi32>
      %parallel_loop3A_172 = arith.addi %parallel_loop3A_49, %parallel_loop3A_171 : vector<16xi32>
      %parallel_loop3A_173 = tpu.vector_load_idx %arg15[%parallel_loop3A_172] : memref<16384xf32, #tpu.memory_space<vmem>>[vector<16xi32>], vector<16xf32>,
      %parallel_loop3A_174 = arith.addf %parallel_loop3A_164, %parallel_loop3A_173 : vector<16xf32>
      %parallel_loop3A_175 = arith.constant 12 : i32
      %parallel_loop3A_176 = vector.broadcast %parallel_loop3A_175 : i32 to vector<16xi32>
      %parallel_loop3A_177 = arith.addi %parallel_loop3A_49, %parallel_loop3A_176 : vector<16xi32>
      %parallel_loop3A_178 = tpu.vector_load_idx %arg16[%parallel_loop3A_177] : memref<16384xf32, #tpu.memory_space<vmem>>[vector<16xi32>], vector<16xf32>,
      %parallel_loop3A_179 = arith.addf %parallel_loop3A_169, %parallel_loop3A_178 : vector<16xf32>
      %parallel_loop3A_180 = arith.constant 13 : i32
      %parallel_loop3A_181 = vector.broadcast %parallel_loop3A_180 : i32 to vector<16xi32>
      %parallel_loop3A_182 = arith.addi %parallel_loop3A_49, %parallel_loop3A_181 : vector<16xi32>
      %parallel_loop3A_183 = tpu.vector_load_idx %arg15[%parallel_loop3A_182] : memref<16384xf32, #tpu.memory_space<vmem>>[vector<16xi32>], vector<16xf32>,
      %parallel_loop3A_184 = arith.addf %parallel_loop3A_174, %parallel_loop3A_183 : vector<16xf32>
      %parallel_loop3A_185 = arith.constant 13 : i32
      %parallel_loop3A_186 = vector.broadcast %parallel_loop3A_185 : i32 to vector<16xi32>
      %parallel_loop3A_187 = arith.addi %parallel_loop3A_49, %parallel_loop3A_186 : vector<16xi32>
      %parallel_loop3A_188 = tpu.vector_load_idx %arg16[%parallel_loop3A_187] : memref<16384xf32, #tpu.memory_space<vmem>>[vector<16xi32>], vector<16xf32>,
      %parallel_loop3A_189 = arith.addf %parallel_loop3A_179, %parallel_loop3A_188 : vector<16xf32>
      %parallel_loop3A_190 = arith.constant 14 : i32
      %parallel_loop3A_191 = vector.broadcast %parallel_loop3A_190 : i32 to vector<16xi32>
      %parallel_loop3A_192 = arith.addi %parallel_loop3A_49, %parallel_loop3A_191 : vector<16xi32>
      %parallel_loop3A_193 = tpu.vector_load_idx %arg15[%parallel_loop3A_192] : memref<16384xf32, #tpu.memory_space<vmem>>[vector<16xi32>], vector<16xf32>,
      %parallel_loop3A_194 = arith.addf %parallel_loop3A_184, %parallel_loop3A_193 : vector<16xf32>
      %parallel_loop3A_195 = arith.constant 14 : i32
      %parallel_loop3A_196 = vector.broadcast %parallel_loop3A_195 : i32 to vector<16xi32>
      %parallel_loop3A_197 = arith.addi %parallel_loop3A_49, %parallel_loop3A_196 : vector<16xi32>
      %parallel_loop3A_198 = tpu.vector_load_idx %arg16[%parallel_loop3A_197] : memref<16384xf32, #tpu.memory_space<vmem>>[vector<16xi32>], vector<16xf32>,
      %parallel_loop3A_199 = arith.addf %parallel_loop3A_189, %parallel_loop3A_198 : vector<16xf32>
      %parallel_loop3A_200 = arith.constant 15 : i32
      %parallel_loop3A_201 = vector.broadcast %parallel_loop3A_200 : i32 to vector<16xi32>
      %parallel_loop3A_202 = arith.addi %parallel_loop3A_49, %parallel_loop3A_201 : vector<16xi32>
      %parallel_loop3A_203 = tpu.vector_load_idx %arg15[%parallel_loop3A_202] : memref<16384xf32, #tpu.memory_space<vmem>>[vector<16xi32>], vector<16xf32>,
      %parallel_loop3A_204 = arith.addf %parallel_loop3A_194, %parallel_loop3A_203 : vector<16xf32>
      %parallel_loop3A_205 = arith.constant 15 : i32
      %parallel_loop3A_206 = vector.broadcast %parallel_loop3A_205 : i32 to vector<16xi32>
      %parallel_loop3A_207 = arith.addi %parallel_loop3A_49, %parallel_loop3A_206 : vector<16xi32>
      %parallel_loop3A_208 = tpu.vector_load_idx %arg16[%parallel_loop3A_207] : memref<16384xf32, #tpu.memory_space<vmem>>[vector<16xi32>], vector<16xf32>,
      %parallel_loop3A_209 = arith.addf %parallel_loop3A_199, %parallel_loop3A_208 : vector<16xf32>
      %parallel_loop3A_210 = arith.constant 16 : i32
      %parallel_loop3A_211 = arith.muli %parallel_loop3A_42, %parallel_loop3A_210 : i32
      %parallel_loop3A_212 = arith.index_cast %parallel_loop3A_211 : i32 to index
      %parallel_loop3A_213 = tpu.vector_load %arg17[%parallel_loop3A_212] {strides = array<i32>} : memref<2048xf32, #tpu.memory_space<vmem>>, vector<16xf32>,
      tpu.vector_store %arg17[%parallel_loop3A_212], %parallel_loop3A_204 {strides = array<i32>} : memref<2048xf32, #tpu.memory_space<vmem>>, vector<16xf32>,
      %parallel_loop3A_214 = arith.constant 16 : i32
      %parallel_loop3A_215 = arith.muli %parallel_loop3A_42, %parallel_loop3A_214 : i32
      %parallel_loop3A_216 = arith.constant 1024 : i32
      %parallel_loop3A_217 = arith.addi %parallel_loop3A_216, %parallel_loop3A_215 : i32
      %parallel_loop3A_218 = arith.index_cast %parallel_loop3A_217 : i32 to index
      %parallel_loop3A_219 = tpu.vector_load %arg17[%parallel_loop3A_218] {strides = array<i32>} : memref<2048xf32, #tpu.memory_space<vmem>>, vector<16xf32>,
      tpu.vector_store %arg17[%parallel_loop3A_218], %parallel_loop3A_209 {strides = array<i32>} : memref<2048xf32, #tpu.memory_space<vmem>>, vector<16xf32>,
    } {sc.loop_unroll_factor = 2 : i64, sc.parallel_access}
    "tpu.region"() ({
      %run_scoped3A = tpu.sem_alloc : memref<!tpu.dma_semaphore, #tpu.memory_space<semaphore_mem>>
      %dma_start3A_42 = arith.constant 0 : i32
      %dma_start3A_43 = tpu.memref_slice %arg6[%add3A, %dma_start3A_42] : memref<32x2048xf32, #tpu.memory_space<hbm>> -> memref<1x2048xf32, #tpu.memory_space<hbm>>
      %dma_start3A_44 = tpu.memref_squeeze %dma_start3A_43 : memref<1x2048xf32, #tpu.memory_space<hbm>> -> memref<2048xf32, #tpu.memory_space<hbm>>
      %dma_start3A_45 = arith.constant 0 : i32
      %dma_start3A_46 = tpu.memref_slice %arg6[%add3A, %dma_start3A_45] : memref<32x2048xf32, #tpu.memory_space<hbm>> -> memref<1x2048xf32, #tpu.memory_space<hbm>>
      %dma_start3A_47 = tpu.memref_squeeze %dma_start3A_46 : memref<1x2048xf32, #tpu.memory_space<hbm>> -> memref<2048xf32, #tpu.memory_space<hbm>>
      tpu.enqueue_dma source(%arg17 : memref<2048xf32, #tpu.memory_space<vmem>>) target(%dma_start3A_47 : memref<2048xf32, #tpu.memory_space<hbm>>) target_semaphore(%run_scoped3A : memref<!tpu.dma_semaphore, #tpu.memory_space<semaphore_mem>>)
      %dma_wait3A_48 = arith.constant 0 : i32
      %dma_wait3A_49 = tpu.memref_slice %arg6[%add3A, %dma_wait3A_48] : memref<32x2048xf32, #tpu.memory_space<hbm>> -> memref<1x2048xf32, #tpu.memory_space<hbm>>
      %dma_wait3A_50 = tpu.memref_squeeze %dma_wait3A_49 : memref<1x2048xf32, #tpu.memory_space<hbm>> -> memref<2048xf32, #tpu.memory_space<hbm>>
      %dma_wait3A_51 = arith.constant 0 : i32
      %dma_wait3A_52 = tpu.memref_slice %arg6[%add3A, %dma_wait3A_51] : memref<32x2048xf32, #tpu.memory_space<hbm>> -> memref<1x2048xf32, #tpu.memory_space<hbm>>
      %dma_wait3A_53 = tpu.memref_squeeze %dma_wait3A_52 : memref<1x2048xf32, #tpu.memory_space<hbm>> -> memref<2048xf32, #tpu.memory_space<hbm>>
      tpu.wait_dma2 semaphore(%run_scoped3A : memref<!tpu.dma_semaphore, #tpu.memory_space<semaphore_mem>>) src(%arg17 : memref<2048xf32, #tpu.memory_space<vmem>>) dst(%dma_wait3A_53 : memref<2048xf32, #tpu.memory_space<hbm>>)
      tpu.yield
    }) : () -> ()
    return
  }
}

#map = affine_map<(d0, d1) -> (0)>
#map1 = affine_map<(d0, d1) -> (0, 0)>
module attributes {stable_mosaic.version = 14 : i64} {
  func.func @_apply_body(%arg0: i32, %arg1: i32, %arg2: memref<1600000xf32, #tpu.memory_space<hbm>>, %arg3: memref<1600000xf32, #tpu.memory_space<hbm>>, %arg4: memref<1600000xf32, #tpu.memory_space<hbm>>, %arg5: memref<1600000xi32, #tpu.memory_space<hbm>>, %arg6: memref<32x2048xf32, #tpu.memory_space<hbm>>, %arg7: memref<16xf32, #tpu.memory_space<hbm>>, %arg8: memref<1600000xf32, #tpu.memory_space<hbm>>, %arg9: memref<1600000xf32, #tpu.memory_space<hbm>>, %arg10: memref<1600000xf32, #tpu.memory_space<hbm>>, %arg11: memref<2000xf32, #tpu.memory_space<vmem>>, %arg12: memref<2000xf32, #tpu.memory_space<vmem>>, %arg13: memref<2000xf32, #tpu.memory_space<vmem>>, %arg14: memref<2000xi32, #tpu.memory_space<vmem>>, %arg15: memref<2000xf32, #tpu.memory_space<vmem>>, %arg16: memref<2000xf32, #tpu.memory_space<vmem>>, %arg17: memref<2000xf32, #tpu.memory_space<vmem>>, %arg18: memref<2000xi32, #tpu.memory_space<vmem>>, %arg19: memref<2000xf32, #tpu.memory_space<vmem>>, %arg20: memref<2000xf32, #tpu.memory_space<vmem>>, %arg21: memref<2000xf32, #tpu.memory_space<vmem>>, %arg22: memref<2000xf32, #tpu.memory_space<vmem>>, %arg23: memref<2000xf32, #tpu.memory_space<vmem>>, %arg24: memref<2000xf32, #tpu.memory_space<vmem>>, %arg25: memref<32x128xf32, #tpu.memory_space<vmem>>, %arg26: memref<32x128xf32, #tpu.memory_space<vmem>>, %arg27: memref<128xf32, #tpu.memory_space<vmem>>, %arg28: memref<1024xf32, #tpu.memory_space<vmem>>, %arg29: memref<16xf32, #tpu.memory_space<vmem>>, %arg30: memref<1024xf32, #tpu.memory_space<vmem_shared>>, %arg31: memref<!tpu.dma_semaphore, #tpu.memory_space<semaphore_mem>>, %arg32: memref<!tpu.dma_semaphore, #tpu.memory_space<semaphore_mem>>, %arg33: memref<!tpu.dma_semaphore, #tpu.memory_space<semaphore_mem>>, %arg34: memref<!tpu.dma_semaphore, #tpu.memory_space<semaphore_mem>>) attributes {dimension_semantics = [#tpu.dimension_semantics<core_parallel>, #tpu.dimension_semantics<subcore_parallel>], iteration_bounds = array<i64: 2, 16>, scalar_prefetch = 0 : i64, scratch_operands = 24 : i64, tpu.core_type = #tpu.core_type<sc_vector_subcore>, window_params = [{transform_indices = #map}, {transform_indices = #map}, {transform_indices = #map}, {transform_indices = #map}, {transform_indices = #map1}, {transform_indices = #map}, {transform_indices = #map}, {transform_indices = #map}, {transform_indices = #map}]} {
    %mul3A = arith.constant 2 : i32
    %mul3A_0 = arith.muli %arg1, %mul3A : i32
    %add3A = arith.addi %mul3A_0, %arg0 : i32
    %mul3A_1 = arith.constant 50000 : i32
    %mul3A_2 = arith.muli %add3A, %mul3A_1 : i32
    %lt3A = arith.constant 8 : i32
    %lt3A_3 = arith.cmpi slt, %arg1, %lt3A : i32
    %convert_element_type3A = arith.extui %lt3A_3 : i1 to i32
    %cond3A = arith.constant 0 : i32
    %cond3A_4 = arith.cmpi ne, %convert_element_type3A, %cond3A : i32
    scf.if %cond3A_4 {
      %mul3A_107 = arith.constant 128 : i32
      %mul3A_108 = arith.muli %arg1, %mul3A_107 : i32
      "tpu.region"() ({
        %run_scoped3A = tpu.sem_alloc : memref<!tpu.dma_semaphore, #tpu.memory_space<semaphore_mem>>
        %dma_start3A_272 = arith.constant 0 : i32
        %dma_start3A_273 = tpu.memref_slice %arg6[%dma_start3A_272, %mul3A_108] : memref<32x2048xf32, #tpu.memory_space<hbm>> -> memref<32x128xf32, #tpu.memory_space<hbm>>
        %dma_start3A_274 = arith.constant 0 : i32
        %dma_start3A_275 = tpu.memref_slice %arg6[%dma_start3A_274, %mul3A_108] : memref<32x2048xf32, #tpu.memory_space<hbm>> -> memref<32x128xf32, #tpu.memory_space<hbm>>
        tpu.enqueue_dma source(%dma_start3A_275 : memref<32x128xf32, #tpu.memory_space<hbm>>) target(%arg25 : memref<32x128xf32, #tpu.memory_space<vmem>>) target_semaphore(%run_scoped3A : memref<!tpu.dma_semaphore, #tpu.memory_space<semaphore_mem>>)
        %dma_wait3A_276 = arith.constant 0 : i32
        %dma_wait3A_277 = tpu.memref_slice %arg6[%dma_wait3A_276, %mul3A_108] : memref<32x2048xf32, #tpu.memory_space<hbm>> -> memref<32x128xf32, #tpu.memory_space<hbm>>
        %dma_wait3A_278 = arith.constant 0 : i32
        %dma_wait3A_279 = tpu.memref_slice %arg6[%dma_wait3A_278, %mul3A_108] : memref<32x2048xf32, #tpu.memory_space<hbm>> -> memref<32x128xf32, #tpu.memory_space<hbm>>
        tpu.wait_dma2 semaphore(%run_scoped3A : memref<!tpu.dma_semaphore, #tpu.memory_space<semaphore_mem>>) src(%dma_wait3A_279 : memref<32x128xf32, #tpu.memory_space<hbm>>) dst(%arg25 : memref<32x128xf32, #tpu.memory_space<vmem>>)
        tpu.yield
      }) : () -> ()
      %mul3A_109 = arith.constant 128 : i32
      %mul3A_110 = arith.muli %arg1, %mul3A_109 : i32
      %add3A_111 = arith.constant 1024 : i32
      %add3A_112 = arith.addi %add3A_111, %mul3A_110 : i32
      "tpu.region"() ({
        %run_scoped3A = tpu.sem_alloc : memref<!tpu.dma_semaphore, #tpu.memory_space<semaphore_mem>>
        %dma_start3A_272 = arith.constant 0 : i32
        %dma_start3A_273 = tpu.memref_slice %arg6[%dma_start3A_272, %add3A_112] : memref<32x2048xf32, #tpu.memory_space<hbm>> -> memref<32x128xf32, #tpu.memory_space<hbm>>
        %dma_start3A_274 = arith.constant 0 : i32
        %dma_start3A_275 = tpu.memref_slice %arg6[%dma_start3A_274, %add3A_112] : memref<32x2048xf32, #tpu.memory_space<hbm>> -> memref<32x128xf32, #tpu.memory_space<hbm>>
        tpu.enqueue_dma source(%dma_start3A_275 : memref<32x128xf32, #tpu.memory_space<hbm>>) target(%arg26 : memref<32x128xf32, #tpu.memory_space<vmem>>) target_semaphore(%run_scoped3A : memref<!tpu.dma_semaphore, #tpu.memory_space<semaphore_mem>>)
        %dma_wait3A_276 = arith.constant 0 : i32
        %dma_wait3A_277 = tpu.memref_slice %arg6[%dma_wait3A_276, %add3A_112] : memref<32x2048xf32, #tpu.memory_space<hbm>> -> memref<32x128xf32, #tpu.memory_space<hbm>>
        %dma_wait3A_278 = arith.constant 0 : i32
        %dma_wait3A_279 = tpu.memref_slice %arg6[%dma_wait3A_278, %add3A_112] : memref<32x2048xf32, #tpu.memory_space<hbm>> -> memref<32x128xf32, #tpu.memory_space<hbm>>
        tpu.wait_dma2 semaphore(%run_scoped3A : memref<!tpu.dma_semaphore, #tpu.memory_space<semaphore_mem>>) src(%dma_wait3A_279 : memref<32x128xf32, #tpu.memory_space<hbm>>) dst(%arg26 : memref<32x128xf32, #tpu.memory_space<vmem>>)
        tpu.yield
      }) : () -> ()
      "tpu.region"() ({
        %run_scoped3A = tpu.sem_alloc : memref<!tpu.dma_semaphore, #tpu.memory_space<semaphore_mem>>
        tpu.enqueue_dma source(%arg7 : memref<16xf32, #tpu.memory_space<hbm>>) target(%arg29 : memref<16xf32, #tpu.memory_space<vmem>>) target_semaphore(%run_scoped3A : memref<!tpu.dma_semaphore, #tpu.memory_space<semaphore_mem>>)
        tpu.wait_dma2 semaphore(%run_scoped3A : memref<!tpu.dma_semaphore, #tpu.memory_space<semaphore_mem>>) src(%arg7 : memref<16xf32, #tpu.memory_space<hbm>>) dst(%arg29 : memref<16xf32, #tpu.memory_space<vmem>>)
        tpu.yield
      }) : () -> ()
      %get3A = arith.constant 0 : index
      %get3A_113 = tpu.vector_load %arg29[%get3A] {strides = array<i32>} : memref<16xf32, #tpu.memory_space<vmem>>, vector<16xf32>,
      %broadcast_in_dim3A = arith.constant 0.000000e+00 : f32
      %broadcast_in_dim3A_114 = vector.broadcast %broadcast_in_dim3A : f32 to vector<16xf32>
      %broadcast_in_dim3A_115 = arith.constant 0.000000e+00 : f32
      %broadcast_in_dim3A_116 = vector.broadcast %broadcast_in_dim3A_115 : f32 to vector<16xf32>
      %scan3A_117 = arith.constant 0 : i32
      %scan3A_118 = arith.constant 32 : i32
      %scan3A_119 = arith.addi %scan3A_117, %scan3A_118 : i32
      %scan3A_120 = arith.constant 1 : i32
      %scan3A_121:2 = scf.for %scan3A_272 = %scan3A_117 to %scan3A_119 step %scan3A_120 iter_args(%scan3A_273 = %broadcast_in_dim3A_114, %scan3A_274 = %broadcast_in_dim3A_116) -> (vector<16xf32>, vector<16xf32>)  : i32 {
        %get3A_275 = arith.index_cast %scan3A_272 : i32 to index
        %get3A_276 = arith.constant 0 : index
        %get3A_277 = tpu.vector_load %arg25[%get3A_275, %get3A_276] {strides = array<i32>} : memref<32x128xf32, #tpu.memory_space<vmem>>, vector<16xf32>,
        %add3A_278 = arith.addf %scan3A_273, %get3A_277 : vector<16xf32>
        %get3A_279 = arith.index_cast %scan3A_272 : i32 to index
        %get3A_280 = arith.constant 0 : index
        %get3A_281 = tpu.vector_load %arg26[%get3A_279, %get3A_280] {strides = array<i32>} : memref<32x128xf32, #tpu.memory_space<vmem>>, vector<16xf32>,
        %add3A_282 = arith.addf %scan3A_274, %get3A_281 : vector<16xf32>
        scf.yield %add3A_278, %add3A_282 : vector<16xf32>, vector<16xf32>
      }
      %scan3A_122 = arith.constant 32 : i32
      %max3A = arith.constant 1.000000e+00 : f32
      %max3A_123 = vector.broadcast %max3A : f32 to vector<16xf32>
      %max3A_124 = arith.maximumf %scan3A_121#1, %max3A_123 : vector<16xf32>
      %div3A = arith.divf %scan3A_121#0, %max3A_124 : vector<16xf32>
      %add3A_125 = arith.constant 9.99999974E-6 : f32
      %add3A_126 = vector.broadcast %add3A_125 : f32 to vector<16xf32>
      %add3A_127 = arith.addf %div3A, %add3A_126 : vector<16xf32>
      %div3A_128 = arith.divf %get3A_113, %add3A_127 : vector<16xf32>
      %swap3A = arith.constant 0 : index
      %swap3A_129 = tpu.vector_load %arg27[%swap3A] {strides = array<i32>} : memref<128xf32, #tpu.memory_space<vmem>>, vector<16xf32>,
      tpu.vector_store %arg27[%swap3A], %div3A_128 {strides = array<i32>} : memref<128xf32, #tpu.memory_space<vmem>>, vector<16xf32>,
      %broadcast_in_dim3A_130 = arith.constant 0.000000e+00 : f32
      %broadcast_in_dim3A_131 = vector.broadcast %broadcast_in_dim3A_130 : f32 to vector<16xf32>
      %broadcast_in_dim3A_132 = arith.constant 0.000000e+00 : f32
      %broadcast_in_dim3A_133 = vector.broadcast %broadcast_in_dim3A_132 : f32 to vector<16xf32>
      %scan3A_134 = arith.constant 0 : i32
      %scan3A_135 = arith.constant 32 : i32
      %scan3A_136 = arith.addi %scan3A_134, %scan3A_135 : i32
      %scan3A_137 = arith.constant 1 : i32
      %scan3A_138:2 = scf.for %scan3A_272 = %scan3A_134 to %scan3A_136 step %scan3A_137 iter_args(%scan3A_273 = %broadcast_in_dim3A_131, %scan3A_274 = %broadcast_in_dim3A_133) -> (vector<16xf32>, vector<16xf32>)  : i32 {
        %get3A_275 = arith.index_cast %scan3A_272 : i32 to index
        %get3A_276 = arith.constant 16 : index
        %get3A_277 = tpu.vector_load %arg25[%get3A_275, %get3A_276] {strides = array<i32>} : memref<32x128xf32, #tpu.memory_space<vmem>>, vector<16xf32>,
        %add3A_278 = arith.addf %scan3A_273, %get3A_277 : vector<16xf32>
        %get3A_279 = arith.index_cast %scan3A_272 : i32 to index
        %get3A_280 = arith.constant 16 : index
        %get3A_281 = tpu.vector_load %arg26[%get3A_279, %get3A_280] {strides = array<i32>} : memref<32x128xf32, #tpu.memory_space<vmem>>, vector<16xf32>,
        %add3A_282 = arith.addf %scan3A_274, %get3A_281 : vector<16xf32>
        scf.yield %add3A_278, %add3A_282 : vector<16xf32>, vector<16xf32>
      }
      %scan3A_139 = arith.constant 32 : i32
      %max3A_140 = arith.constant 1.000000e+00 : f32
      %max3A_141 = vector.broadcast %max3A_140 : f32 to vector<16xf32>
      %max3A_142 = arith.maximumf %scan3A_138#1, %max3A_141 : vector<16xf32>
      %div3A_143 = arith.divf %scan3A_138#0, %max3A_142 : vector<16xf32>
      %add3A_144 = arith.constant 9.99999974E-6 : f32
      %add3A_145 = vector.broadcast %add3A_144 : f32 to vector<16xf32>
      %add3A_146 = arith.addf %div3A_143, %add3A_145 : vector<16xf32>
      %div3A_147 = arith.divf %get3A_113, %add3A_146 : vector<16xf32>
      %swap3A_148 = arith.constant 16 : index
      %swap3A_149 = tpu.vector_load %arg27[%swap3A_148] {strides = array<i32>} : memref<128xf32, #tpu.memory_space<vmem>>, vector<16xf32>,
      tpu.vector_store %arg27[%swap3A_148], %div3A_147 {strides = array<i32>} : memref<128xf32, #tpu.memory_space<vmem>>, vector<16xf32>,
      %broadcast_in_dim3A_150 = arith.constant 0.000000e+00 : f32
      %broadcast_in_dim3A_151 = vector.broadcast %broadcast_in_dim3A_150 : f32 to vector<16xf32>
      %broadcast_in_dim3A_152 = arith.constant 0.000000e+00 : f32
      %broadcast_in_dim3A_153 = vector.broadcast %broadcast_in_dim3A_152 : f32 to vector<16xf32>
      %scan3A_154 = arith.constant 0 : i32
      %scan3A_155 = arith.constant 32 : i32
      %scan3A_156 = arith.addi %scan3A_154, %scan3A_155 : i32
      %scan3A_157 = arith.constant 1 : i32
      %scan3A_158:2 = scf.for %scan3A_272 = %scan3A_154 to %scan3A_156 step %scan3A_157 iter_args(%scan3A_273 = %broadcast_in_dim3A_151, %scan3A_274 = %broadcast_in_dim3A_153) -> (vector<16xf32>, vector<16xf32>)  : i32 {
        %get3A_275 = arith.index_cast %scan3A_272 : i32 to index
        %get3A_276 = arith.constant 32 : index
        %get3A_277 = tpu.vector_load %arg25[%get3A_275, %get3A_276] {strides = array<i32>} : memref<32x128xf32, #tpu.memory_space<vmem>>, vector<16xf32>,
        %add3A_278 = arith.addf %scan3A_273, %get3A_277 : vector<16xf32>
        %get3A_279 = arith.index_cast %scan3A_272 : i32 to index
        %get3A_280 = arith.constant 32 : index
        %get3A_281 = tpu.vector_load %arg26[%get3A_279, %get3A_280] {strides = array<i32>} : memref<32x128xf32, #tpu.memory_space<vmem>>, vector<16xf32>,
        %add3A_282 = arith.addf %scan3A_274, %get3A_281 : vector<16xf32>
        scf.yield %add3A_278, %add3A_282 : vector<16xf32>, vector<16xf32>
      }
      %scan3A_159 = arith.constant 32 : i32
      %max3A_160 = arith.constant 1.000000e+00 : f32
      %max3A_161 = vector.broadcast %max3A_160 : f32 to vector<16xf32>
      %max3A_162 = arith.maximumf %scan3A_158#1, %max3A_161 : vector<16xf32>
      %div3A_163 = arith.divf %scan3A_158#0, %max3A_162 : vector<16xf32>
      %add3A_164 = arith.constant 9.99999974E-6 : f32
      %add3A_165 = vector.broadcast %add3A_164 : f32 to vector<16xf32>
      %add3A_166 = arith.addf %div3A_163, %add3A_165 : vector<16xf32>
      %div3A_167 = arith.divf %get3A_113, %add3A_166 : vector<16xf32>
      %swap3A_168 = arith.constant 32 : index
      %swap3A_169 = tpu.vector_load %arg27[%swap3A_168] {strides = array<i32>} : memref<128xf32, #tpu.memory_space<vmem>>, vector<16xf32>,
      tpu.vector_store %arg27[%swap3A_168], %div3A_167 {strides = array<i32>} : memref<128xf32, #tpu.memory_space<vmem>>, vector<16xf32>,
      %broadcast_in_dim3A_170 = arith.constant 0.000000e+00 : f32
      %broadcast_in_dim3A_171 = vector.broadcast %broadcast_in_dim3A_170 : f32 to vector<16xf32>
      %broadcast_in_dim3A_172 = arith.constant 0.000000e+00 : f32
      %broadcast_in_dim3A_173 = vector.broadcast %broadcast_in_dim3A_172 : f32 to vector<16xf32>
      %scan3A_174 = arith.constant 0 : i32
      %scan3A_175 = arith.constant 32 : i32
      %scan3A_176 = arith.addi %scan3A_174, %scan3A_175 : i32
      %scan3A_177 = arith.constant 1 : i32
      %scan3A_178:2 = scf.for %scan3A_272 = %scan3A_174 to %scan3A_176 step %scan3A_177 iter_args(%scan3A_273 = %broadcast_in_dim3A_171, %scan3A_274 = %broadcast_in_dim3A_173) -> (vector<16xf32>, vector<16xf32>)  : i32 {
        %get3A_275 = arith.index_cast %scan3A_272 : i32 to index
        %get3A_276 = arith.constant 48 : index
        %get3A_277 = tpu.vector_load %arg25[%get3A_275, %get3A_276] {strides = array<i32>} : memref<32x128xf32, #tpu.memory_space<vmem>>, vector<16xf32>,
        %add3A_278 = arith.addf %scan3A_273, %get3A_277 : vector<16xf32>
        %get3A_279 = arith.index_cast %scan3A_272 : i32 to index
        %get3A_280 = arith.constant 48 : index
        %get3A_281 = tpu.vector_load %arg26[%get3A_279, %get3A_280] {strides = array<i32>} : memref<32x128xf32, #tpu.memory_space<vmem>>, vector<16xf32>,
        %add3A_282 = arith.addf %scan3A_274, %get3A_281 : vector<16xf32>
        scf.yield %add3A_278, %add3A_282 : vector<16xf32>, vector<16xf32>
      }
      %scan3A_179 = arith.constant 32 : i32
      %max3A_180 = arith.constant 1.000000e+00 : f32
      %max3A_181 = vector.broadcast %max3A_180 : f32 to vector<16xf32>
      %max3A_182 = arith.maximumf %scan3A_178#1, %max3A_181 : vector<16xf32>
      %div3A_183 = arith.divf %scan3A_178#0, %max3A_182 : vector<16xf32>
      %add3A_184 = arith.constant 9.99999974E-6 : f32
      %add3A_185 = vector.broadcast %add3A_184 : f32 to vector<16xf32>
      %add3A_186 = arith.addf %div3A_183, %add3A_185 : vector<16xf32>
      %div3A_187 = arith.divf %get3A_113, %add3A_186 : vector<16xf32>
      %swap3A_188 = arith.constant 48 : index
      %swap3A_189 = tpu.vector_load %arg27[%swap3A_188] {strides = array<i32>} : memref<128xf32, #tpu.memory_space<vmem>>, vector<16xf32>,
      tpu.vector_store %arg27[%swap3A_188], %div3A_187 {strides = array<i32>} : memref<128xf32, #tpu.memory_space<vmem>>, vector<16xf32>,
      %broadcast_in_dim3A_190 = arith.constant 0.000000e+00 : f32
      %broadcast_in_dim3A_191 = vector.broadcast %broadcast_in_dim3A_190 : f32 to vector<16xf32>
      %broadcast_in_dim3A_192 = arith.constant 0.000000e+00 : f32
      %broadcast_in_dim3A_193 = vector.broadcast %broadcast_in_dim3A_192 : f32 to vector<16xf32>
      %scan3A_194 = arith.constant 0 : i32
      %scan3A_195 = arith.constant 32 : i32
      %scan3A_196 = arith.addi %scan3A_194, %scan3A_195 : i32
      %scan3A_197 = arith.constant 1 : i32
      %scan3A_198:2 = scf.for %scan3A_272 = %scan3A_194 to %scan3A_196 step %scan3A_197 iter_args(%scan3A_273 = %broadcast_in_dim3A_191, %scan3A_274 = %broadcast_in_dim3A_193) -> (vector<16xf32>, vector<16xf32>)  : i32 {
        %get3A_275 = arith.index_cast %scan3A_272 : i32 to index
        %get3A_276 = arith.constant 64 : index
        %get3A_277 = tpu.vector_load %arg25[%get3A_275, %get3A_276] {strides = array<i32>} : memref<32x128xf32, #tpu.memory_space<vmem>>, vector<16xf32>,
        %add3A_278 = arith.addf %scan3A_273, %get3A_277 : vector<16xf32>
        %get3A_279 = arith.index_cast %scan3A_272 : i32 to index
        %get3A_280 = arith.constant 64 : index
        %get3A_281 = tpu.vector_load %arg26[%get3A_279, %get3A_280] {strides = array<i32>} : memref<32x128xf32, #tpu.memory_space<vmem>>, vector<16xf32>,
        %add3A_282 = arith.addf %scan3A_274, %get3A_281 : vector<16xf32>
        scf.yield %add3A_278, %add3A_282 : vector<16xf32>, vector<16xf32>
      }
      %scan3A_199 = arith.constant 32 : i32
      %max3A_200 = arith.constant 1.000000e+00 : f32
      %max3A_201 = vector.broadcast %max3A_200 : f32 to vector<16xf32>
      %max3A_202 = arith.maximumf %scan3A_198#1, %max3A_201 : vector<16xf32>
      %div3A_203 = arith.divf %scan3A_198#0, %max3A_202 : vector<16xf32>
      %add3A_204 = arith.constant 9.99999974E-6 : f32
      %add3A_205 = vector.broadcast %add3A_204 : f32 to vector<16xf32>
      %add3A_206 = arith.addf %div3A_203, %add3A_205 : vector<16xf32>
      %div3A_207 = arith.divf %get3A_113, %add3A_206 : vector<16xf32>
      %swap3A_208 = arith.constant 64 : index
      %swap3A_209 = tpu.vector_load %arg27[%swap3A_208] {strides = array<i32>} : memref<128xf32, #tpu.memory_space<vmem>>, vector<16xf32>,
      tpu.vector_store %arg27[%swap3A_208], %div3A_207 {strides = array<i32>} : memref<128xf32, #tpu.memory_space<vmem>>, vector<16xf32>,
      %broadcast_in_dim3A_210 = arith.constant 0.000000e+00 : f32
      %broadcast_in_dim3A_211 = vector.broadcast %broadcast_in_dim3A_210 : f32 to vector<16xf32>
      %broadcast_in_dim3A_212 = arith.constant 0.000000e+00 : f32
      %broadcast_in_dim3A_213 = vector.broadcast %broadcast_in_dim3A_212 : f32 to vector<16xf32>
      %scan3A_214 = arith.constant 0 : i32
      %scan3A_215 = arith.constant 32 : i32
      %scan3A_216 = arith.addi %scan3A_214, %scan3A_215 : i32
      %scan3A_217 = arith.constant 1 : i32
      %scan3A_218:2 = scf.for %scan3A_272 = %scan3A_214 to %scan3A_216 step %scan3A_217 iter_args(%scan3A_273 = %broadcast_in_dim3A_211, %scan3A_274 = %broadcast_in_dim3A_213) -> (vector<16xf32>, vector<16xf32>)  : i32 {
        %get3A_275 = arith.index_cast %scan3A_272 : i32 to index
        %get3A_276 = arith.constant 80 : index
        %get3A_277 = tpu.vector_load %arg25[%get3A_275, %get3A_276] {strides = array<i32>} : memref<32x128xf32, #tpu.memory_space<vmem>>, vector<16xf32>,
        %add3A_278 = arith.addf %scan3A_273, %get3A_277 : vector<16xf32>
        %get3A_279 = arith.index_cast %scan3A_272 : i32 to index
        %get3A_280 = arith.constant 80 : index
        %get3A_281 = tpu.vector_load %arg26[%get3A_279, %get3A_280] {strides = array<i32>} : memref<32x128xf32, #tpu.memory_space<vmem>>, vector<16xf32>,
        %add3A_282 = arith.addf %scan3A_274, %get3A_281 : vector<16xf32>
        scf.yield %add3A_278, %add3A_282 : vector<16xf32>, vector<16xf32>
      }
      %scan3A_219 = arith.constant 32 : i32
      %max3A_220 = arith.constant 1.000000e+00 : f32
      %max3A_221 = vector.broadcast %max3A_220 : f32 to vector<16xf32>
      %max3A_222 = arith.maximumf %scan3A_218#1, %max3A_221 : vector<16xf32>
      %div3A_223 = arith.divf %scan3A_218#0, %max3A_222 : vector<16xf32>
      %add3A_224 = arith.constant 9.99999974E-6 : f32
      %add3A_225 = vector.broadcast %add3A_224 : f32 to vector<16xf32>
      %add3A_226 = arith.addf %div3A_223, %add3A_225 : vector<16xf32>
      %div3A_227 = arith.divf %get3A_113, %add3A_226 : vector<16xf32>
      %swap3A_228 = arith.constant 80 : index
      %swap3A_229 = tpu.vector_load %arg27[%swap3A_228] {strides = array<i32>} : memref<128xf32, #tpu.memory_space<vmem>>, vector<16xf32>,
      tpu.vector_store %arg27[%swap3A_228], %div3A_227 {strides = array<i32>} : memref<128xf32, #tpu.memory_space<vmem>>, vector<16xf32>,
      %broadcast_in_dim3A_230 = arith.constant 0.000000e+00 : f32
      %broadcast_in_dim3A_231 = vector.broadcast %broadcast_in_dim3A_230 : f32 to vector<16xf32>
      %broadcast_in_dim3A_232 = arith.constant 0.000000e+00 : f32
      %broadcast_in_dim3A_233 = vector.broadcast %broadcast_in_dim3A_232 : f32 to vector<16xf32>
      %scan3A_234 = arith.constant 0 : i32
      %scan3A_235 = arith.constant 32 : i32
      %scan3A_236 = arith.addi %scan3A_234, %scan3A_235 : i32
      %scan3A_237 = arith.constant 1 : i32
      %scan3A_238:2 = scf.for %scan3A_272 = %scan3A_234 to %scan3A_236 step %scan3A_237 iter_args(%scan3A_273 = %broadcast_in_dim3A_231, %scan3A_274 = %broadcast_in_dim3A_233) -> (vector<16xf32>, vector<16xf32>)  : i32 {
        %get3A_275 = arith.index_cast %scan3A_272 : i32 to index
        %get3A_276 = arith.constant 96 : index
        %get3A_277 = tpu.vector_load %arg25[%get3A_275, %get3A_276] {strides = array<i32>} : memref<32x128xf32, #tpu.memory_space<vmem>>, vector<16xf32>,
        %add3A_278 = arith.addf %scan3A_273, %get3A_277 : vector<16xf32>
        %get3A_279 = arith.index_cast %scan3A_272 : i32 to index
        %get3A_280 = arith.constant 96 : index
        %get3A_281 = tpu.vector_load %arg26[%get3A_279, %get3A_280] {strides = array<i32>} : memref<32x128xf32, #tpu.memory_space<vmem>>, vector<16xf32>,
        %add3A_282 = arith.addf %scan3A_274, %get3A_281 : vector<16xf32>
        scf.yield %add3A_278, %add3A_282 : vector<16xf32>, vector<16xf32>
      }
      %scan3A_239 = arith.constant 32 : i32
      %max3A_240 = arith.constant 1.000000e+00 : f32
      %max3A_241 = vector.broadcast %max3A_240 : f32 to vector<16xf32>
      %max3A_242 = arith.maximumf %scan3A_238#1, %max3A_241 : vector<16xf32>
      %div3A_243 = arith.divf %scan3A_238#0, %max3A_242 : vector<16xf32>
      %add3A_244 = arith.constant 9.99999974E-6 : f32
      %add3A_245 = vector.broadcast %add3A_244 : f32 to vector<16xf32>
      %add3A_246 = arith.addf %div3A_243, %add3A_245 : vector<16xf32>
      %div3A_247 = arith.divf %get3A_113, %add3A_246 : vector<16xf32>
      %swap3A_248 = arith.constant 96 : index
      %swap3A_249 = tpu.vector_load %arg27[%swap3A_248] {strides = array<i32>} : memref<128xf32, #tpu.memory_space<vmem>>, vector<16xf32>,
      tpu.vector_store %arg27[%swap3A_248], %div3A_247 {strides = array<i32>} : memref<128xf32, #tpu.memory_space<vmem>>, vector<16xf32>,
      %broadcast_in_dim3A_250 = arith.constant 0.000000e+00 : f32
      %broadcast_in_dim3A_251 = vector.broadcast %broadcast_in_dim3A_250 : f32 to vector<16xf32>
      %broadcast_in_dim3A_252 = arith.constant 0.000000e+00 : f32
      %broadcast_in_dim3A_253 = vector.broadcast %broadcast_in_dim3A_252 : f32 to vector<16xf32>
      %scan3A_254 = arith.constant 0 : i32
      %scan3A_255 = arith.constant 32 : i32
      %scan3A_256 = arith.addi %scan3A_254, %scan3A_255 : i32
      %scan3A_257 = arith.constant 1 : i32
      %scan3A_258:2 = scf.for %scan3A_272 = %scan3A_254 to %scan3A_256 step %scan3A_257 iter_args(%scan3A_273 = %broadcast_in_dim3A_251, %scan3A_274 = %broadcast_in_dim3A_253) -> (vector<16xf32>, vector<16xf32>)  : i32 {
        %get3A_275 = arith.index_cast %scan3A_272 : i32 to index
        %get3A_276 = arith.constant 112 : index
        %get3A_277 = tpu.vector_load %arg25[%get3A_275, %get3A_276] {strides = array<i32>} : memref<32x128xf32, #tpu.memory_space<vmem>>, vector<16xf32>,
        %add3A_278 = arith.addf %scan3A_273, %get3A_277 : vector<16xf32>
        %get3A_279 = arith.index_cast %scan3A_272 : i32 to index
        %get3A_280 = arith.constant 112 : index
        %get3A_281 = tpu.vector_load %arg26[%get3A_279, %get3A_280] {strides = array<i32>} : memref<32x128xf32, #tpu.memory_space<vmem>>, vector<16xf32>,
        %add3A_282 = arith.addf %scan3A_274, %get3A_281 : vector<16xf32>
        scf.yield %add3A_278, %add3A_282 : vector<16xf32>, vector<16xf32>
      }
      %scan3A_259 = arith.constant 32 : i32
      %max3A_260 = arith.constant 1.000000e+00 : f32
      %max3A_261 = vector.broadcast %max3A_260 : f32 to vector<16xf32>
      %max3A_262 = arith.maximumf %scan3A_258#1, %max3A_261 : vector<16xf32>
      %div3A_263 = arith.divf %scan3A_258#0, %max3A_262 : vector<16xf32>
      %add3A_264 = arith.constant 9.99999974E-6 : f32
      %add3A_265 = vector.broadcast %add3A_264 : f32 to vector<16xf32>
      %add3A_266 = arith.addf %div3A_263, %add3A_265 : vector<16xf32>
      %div3A_267 = arith.divf %get3A_113, %add3A_266 : vector<16xf32>
      %swap3A_268 = arith.constant 112 : index
      %swap3A_269 = tpu.vector_load %arg27[%swap3A_268] {strides = array<i32>} : memref<128xf32, #tpu.memory_space<vmem>>, vector<16xf32>,
      tpu.vector_store %arg27[%swap3A_268], %div3A_267 {strides = array<i32>} : memref<128xf32, #tpu.memory_space<vmem>>, vector<16xf32>,
      %mul3A_270 = arith.constant 128 : i32
      %mul3A_271 = arith.muli %arg1, %mul3A_270 : i32
      "tpu.region"() ({
        %run_scoped3A = tpu.sem_alloc : memref<!tpu.dma_semaphore, #tpu.memory_space<semaphore_mem>>
        %dma_start3A_272 = tpu.memref_slice %arg30[%mul3A_271] : memref<1024xf32, #tpu.memory_space<vmem_shared>> -> memref<128xf32, #tpu.memory_space<vmem_shared>>
        %dma_start3A_273 = tpu.memref_slice %arg30[%mul3A_271] : memref<1024xf32, #tpu.memory_space<vmem_shared>> -> memref<128xf32, #tpu.memory_space<vmem_shared>>
        tpu.enqueue_dma source(%arg27 : memref<128xf32, #tpu.memory_space<vmem>>) target(%dma_start3A_273 : memref<128xf32, #tpu.memory_space<vmem_shared>>) target_semaphore(%run_scoped3A : memref<!tpu.dma_semaphore, #tpu.memory_space<semaphore_mem>>)
        %dma_wait3A_274 = tpu.memref_slice %arg30[%mul3A_271] : memref<1024xf32, #tpu.memory_space<vmem_shared>> -> memref<128xf32, #tpu.memory_space<vmem_shared>>
        %dma_wait3A_275 = tpu.memref_slice %arg30[%mul3A_271] : memref<1024xf32, #tpu.memory_space<vmem_shared>> -> memref<128xf32, #tpu.memory_space<vmem_shared>>
        tpu.wait_dma2 semaphore(%run_scoped3A : memref<!tpu.dma_semaphore, #tpu.memory_space<semaphore_mem>>) src(%arg27 : memref<128xf32, #tpu.memory_space<vmem>>) dst(%dma_wait3A_275 : memref<128xf32, #tpu.memory_space<vmem_shared>>)
        tpu.yield
      }) : () -> ()
    } else {
    }
    %barrier3A = arith.constant 0 : index
    tpu.barrier barrier_id(%barrier3A)
    "tpu.region"() ({
      %run_scoped3A = tpu.sem_alloc : memref<!tpu.dma_semaphore, #tpu.memory_space<semaphore_mem>>
      tpu.enqueue_dma source(%arg30 : memref<1024xf32, #tpu.memory_space<vmem_shared>>) target(%arg28 : memref<1024xf32, #tpu.memory_space<vmem>>) target_semaphore(%run_scoped3A : memref<!tpu.dma_semaphore, #tpu.memory_space<semaphore_mem>>)
      tpu.wait_dma2 semaphore(%run_scoped3A : memref<!tpu.dma_semaphore, #tpu.memory_space<semaphore_mem>>) src(%arg30 : memref<1024xf32, #tpu.memory_space<vmem_shared>>) dst(%arg28 : memref<1024xf32, #tpu.memory_space<vmem>>)
      tpu.yield
    }) : () -> ()
    %dma_start3A = arith.constant 0 : i32
    %dma_start3A_5 = tpu.memref_slice %arg8[%dma_start3A] : memref<1600000xf32, #tpu.memory_space<hbm>> -> memref<2000xf32, #tpu.memory_space<hbm>>
    %dma_start3A_6 = arith.constant 0 : i32
    %dma_start3A_7 = tpu.memref_slice %arg8[%dma_start3A_6] : memref<1600000xf32, #tpu.memory_space<hbm>> -> memref<2000xf32, #tpu.memory_space<hbm>>
    tpu.enqueue_dma source(%dma_start3A_7 : memref<2000xf32, #tpu.memory_space<hbm>>) target(%arg19 : memref<2000xf32, #tpu.memory_space<vmem>>) target_semaphore(%arg33 : memref<!tpu.dma_semaphore, #tpu.memory_space<semaphore_mem>>)
    %dma_start3A_8 = arith.constant 0 : i32
    %dma_start3A_9 = tpu.memref_slice %arg9[%dma_start3A_8] : memref<1600000xf32, #tpu.memory_space<hbm>> -> memref<2000xf32, #tpu.memory_space<hbm>>
    %dma_start3A_10 = arith.constant 0 : i32
    %dma_start3A_11 = tpu.memref_slice %arg9[%dma_start3A_10] : memref<1600000xf32, #tpu.memory_space<hbm>> -> memref<2000xf32, #tpu.memory_space<hbm>>
    tpu.enqueue_dma source(%dma_start3A_11 : memref<2000xf32, #tpu.memory_space<hbm>>) target(%arg20 : memref<2000xf32, #tpu.memory_space<vmem>>) target_semaphore(%arg33 : memref<!tpu.dma_semaphore, #tpu.memory_space<semaphore_mem>>)
    %dma_start3A_12 = arith.constant 0 : i32
    %dma_start3A_13 = tpu.memref_slice %arg10[%dma_start3A_12] : memref<1600000xf32, #tpu.memory_space<hbm>> -> memref<2000xf32, #tpu.memory_space<hbm>>
    %dma_start3A_14 = arith.constant 0 : i32
    %dma_start3A_15 = tpu.memref_slice %arg10[%dma_start3A_14] : memref<1600000xf32, #tpu.memory_space<hbm>> -> memref<2000xf32, #tpu.memory_space<hbm>>
    tpu.enqueue_dma source(%dma_start3A_15 : memref<2000xf32, #tpu.memory_space<hbm>>) target(%arg21 : memref<2000xf32, #tpu.memory_space<vmem>>) target_semaphore(%arg33 : memref<!tpu.dma_semaphore, #tpu.memory_space<semaphore_mem>>)
    %dma_start3A_16 = arith.constant 0 : i32
    %dma_start3A_17 = tpu.memref_slice %arg8[%dma_start3A_16] : memref<1600000xf32, #tpu.memory_space<hbm>> -> memref<2000xf32, #tpu.memory_space<hbm>>
    %dma_start3A_18 = arith.constant 0 : i32
    %dma_start3A_19 = tpu.memref_slice %arg8[%dma_start3A_18] : memref<1600000xf32, #tpu.memory_space<hbm>> -> memref<2000xf32, #tpu.memory_space<hbm>>
    tpu.enqueue_dma source(%dma_start3A_19 : memref<2000xf32, #tpu.memory_space<hbm>>) target(%arg22 : memref<2000xf32, #tpu.memory_space<vmem>>) target_semaphore(%arg34 : memref<!tpu.dma_semaphore, #tpu.memory_space<semaphore_mem>>)
    %dma_start3A_20 = arith.constant 0 : i32
    %dma_start3A_21 = tpu.memref_slice %arg9[%dma_start3A_20] : memref<1600000xf32, #tpu.memory_space<hbm>> -> memref<2000xf32, #tpu.memory_space<hbm>>
    %dma_start3A_22 = arith.constant 0 : i32
    %dma_start3A_23 = tpu.memref_slice %arg9[%dma_start3A_22] : memref<1600000xf32, #tpu.memory_space<hbm>> -> memref<2000xf32, #tpu.memory_space<hbm>>
    tpu.enqueue_dma source(%dma_start3A_23 : memref<2000xf32, #tpu.memory_space<hbm>>) target(%arg23 : memref<2000xf32, #tpu.memory_space<vmem>>) target_semaphore(%arg34 : memref<!tpu.dma_semaphore, #tpu.memory_space<semaphore_mem>>)
    %dma_start3A_24 = arith.constant 0 : i32
    %dma_start3A_25 = tpu.memref_slice %arg10[%dma_start3A_24] : memref<1600000xf32, #tpu.memory_space<hbm>> -> memref<2000xf32, #tpu.memory_space<hbm>>
    %dma_start3A_26 = arith.constant 0 : i32
    %dma_start3A_27 = tpu.memref_slice %arg10[%dma_start3A_26] : memref<1600000xf32, #tpu.memory_space<hbm>> -> memref<2000xf32, #tpu.memory_space<hbm>>
    tpu.enqueue_dma source(%dma_start3A_27 : memref<2000xf32, #tpu.memory_space<hbm>>) target(%arg24 : memref<2000xf32, #tpu.memory_space<vmem>>) target_semaphore(%arg34 : memref<!tpu.dma_semaphore, #tpu.memory_space<semaphore_mem>>)
    %dma_start3A_28 = tpu.memref_slice %arg2[%mul3A_2] : memref<1600000xf32, #tpu.memory_space<hbm>> -> memref<2000xf32, #tpu.memory_space<hbm>>
    %dma_start3A_29 = tpu.memref_slice %arg2[%mul3A_2] : memref<1600000xf32, #tpu.memory_space<hbm>> -> memref<2000xf32, #tpu.memory_space<hbm>>
    tpu.enqueue_dma source(%dma_start3A_29 : memref<2000xf32, #tpu.memory_space<hbm>>) target(%arg11 : memref<2000xf32, #tpu.memory_space<vmem>>) target_semaphore(%arg31 : memref<!tpu.dma_semaphore, #tpu.memory_space<semaphore_mem>>)
    %dma_start3A_30 = tpu.memref_slice %arg3[%mul3A_2] : memref<1600000xf32, #tpu.memory_space<hbm>> -> memref<2000xf32, #tpu.memory_space<hbm>>
    %dma_start3A_31 = tpu.memref_slice %arg3[%mul3A_2] : memref<1600000xf32, #tpu.memory_space<hbm>> -> memref<2000xf32, #tpu.memory_space<hbm>>
    tpu.enqueue_dma source(%dma_start3A_31 : memref<2000xf32, #tpu.memory_space<hbm>>) target(%arg12 : memref<2000xf32, #tpu.memory_space<vmem>>) target_semaphore(%arg31 : memref<!tpu.dma_semaphore, #tpu.memory_space<semaphore_mem>>)
    %dma_start3A_32 = tpu.memref_slice %arg4[%mul3A_2] : memref<1600000xf32, #tpu.memory_space<hbm>> -> memref<2000xf32, #tpu.memory_space<hbm>>
    %dma_start3A_33 = tpu.memref_slice %arg4[%mul3A_2] : memref<1600000xf32, #tpu.memory_space<hbm>> -> memref<2000xf32, #tpu.memory_space<hbm>>
    tpu.enqueue_dma source(%dma_start3A_33 : memref<2000xf32, #tpu.memory_space<hbm>>) target(%arg13 : memref<2000xf32, #tpu.memory_space<vmem>>) target_semaphore(%arg31 : memref<!tpu.dma_semaphore, #tpu.memory_space<semaphore_mem>>)
    %dma_start3A_34 = tpu.memref_slice %arg5[%mul3A_2] : memref<1600000xi32, #tpu.memory_space<hbm>> -> memref<2000xi32, #tpu.memory_space<hbm>>
    %dma_start3A_35 = tpu.memref_slice %arg5[%mul3A_2] : memref<1600000xi32, #tpu.memory_space<hbm>> -> memref<2000xi32, #tpu.memory_space<hbm>>
    tpu.enqueue_dma source(%dma_start3A_35 : memref<2000xi32, #tpu.memory_space<hbm>>) target(%arg14 : memref<2000xi32, #tpu.memory_space<vmem>>) target_semaphore(%arg31 : memref<!tpu.dma_semaphore, #tpu.memory_space<semaphore_mem>>)
    %scan3A = arith.constant 0 : i32
    %scan3A_36 = arith.constant 0 : i32
    %scan3A_37 = arith.constant 12 : i32
    %scan3A_38 = arith.addi %scan3A_36, %scan3A_37 : i32
    %scan3A_39 = arith.constant 1 : i32
    %scan3A_40 = scf.for %scan3A_107 = %scan3A_36 to %scan3A_38 step %scan3A_39 iter_args(%scan3A_108 = %scan3A) -> (i32)  : i32 {
      %mul3A_109 = arith.constant 2 : i32
      %mul3A_110 = arith.muli %mul3A_109, %scan3A_107 : i32
      %dma_wait3A_111 = arith.constant 0 : i32
      %dma_wait3A_112 = tpu.memref_slice %arg2[%dma_wait3A_111] : memref<1600000xf32, #tpu.memory_space<hbm>> -> memref<2000xf32, #tpu.memory_space<hbm>>
      %dma_wait3A_113 = arith.constant 0 : i32
      %dma_wait3A_114 = tpu.memref_slice %arg2[%dma_wait3A_113] : memref<1600000xf32, #tpu.memory_space<hbm>> -> memref<2000xf32, #tpu.memory_space<hbm>>
      tpu.wait_dma2 semaphore(%arg31 : memref<!tpu.dma_semaphore, #tpu.memory_space<semaphore_mem>>) src(%dma_wait3A_114 : memref<2000xf32, #tpu.memory_space<hbm>>) dst(%arg11 : memref<2000xf32, #tpu.memory_space<vmem>>)
      %dma_wait3A_115 = arith.constant 0 : i32
      %dma_wait3A_116 = tpu.memref_slice %arg3[%dma_wait3A_115] : memref<1600000xf32, #tpu.memory_space<hbm>> -> memref<2000xf32, #tpu.memory_space<hbm>>
      %dma_wait3A_117 = arith.constant 0 : i32
      %dma_wait3A_118 = tpu.memref_slice %arg3[%dma_wait3A_117] : memref<1600000xf32, #tpu.memory_space<hbm>> -> memref<2000xf32, #tpu.memory_space<hbm>>
      tpu.wait_dma2 semaphore(%arg31 : memref<!tpu.dma_semaphore, #tpu.memory_space<semaphore_mem>>) src(%dma_wait3A_118 : memref<2000xf32, #tpu.memory_space<hbm>>) dst(%arg12 : memref<2000xf32, #tpu.memory_space<vmem>>)
      %dma_wait3A_119 = arith.constant 0 : i32
      %dma_wait3A_120 = tpu.memref_slice %arg4[%dma_wait3A_119] : memref<1600000xf32, #tpu.memory_space<hbm>> -> memref<2000xf32, #tpu.memory_space<hbm>>
      %dma_wait3A_121 = arith.constant 0 : i32
      %dma_wait3A_122 = tpu.memref_slice %arg4[%dma_wait3A_121] : memref<1600000xf32, #tpu.memory_space<hbm>> -> memref<2000xf32, #tpu.memory_space<hbm>>
      tpu.wait_dma2 semaphore(%arg31 : memref<!tpu.dma_semaphore, #tpu.memory_space<semaphore_mem>>) src(%dma_wait3A_122 : memref<2000xf32, #tpu.memory_space<hbm>>) dst(%arg13 : memref<2000xf32, #tpu.memory_space<vmem>>)
      %dma_wait3A_123 = arith.constant 0 : i32
      %dma_wait3A_124 = tpu.memref_slice %arg5[%dma_wait3A_123] : memref<1600000xi32, #tpu.memory_space<hbm>> -> memref<2000xi32, #tpu.memory_space<hbm>>
      %dma_wait3A_125 = arith.constant 0 : i32
      %dma_wait3A_126 = tpu.memref_slice %arg5[%dma_wait3A_125] : memref<1600000xi32, #tpu.memory_space<hbm>> -> memref<2000xi32, #tpu.memory_space<hbm>>
      tpu.wait_dma2 semaphore(%arg31 : memref<!tpu.dma_semaphore, #tpu.memory_space<semaphore_mem>>) src(%dma_wait3A_126 : memref<2000xi32, #tpu.memory_space<hbm>>) dst(%arg14 : memref<2000xi32, #tpu.memory_space<vmem>>)
      %add3A_127 = arith.constant 1 : i32
      %add3A_128 = arith.addi %mul3A_110, %add3A_127 : i32
      %mul3A_129 = arith.constant 2000 : i32
      %mul3A_130 = arith.muli %add3A_128, %mul3A_129 : i32
      %add3A_131 = arith.addi %mul3A_2, %mul3A_130 : i32
      %dma_start3A_132 = tpu.memref_slice %arg2[%add3A_131] : memref<1600000xf32, #tpu.memory_space<hbm>> -> memref<2000xf32, #tpu.memory_space<hbm>>
      %dma_start3A_133 = tpu.memref_slice %arg2[%add3A_131] : memref<1600000xf32, #tpu.memory_space<hbm>> -> memref<2000xf32, #tpu.memory_space<hbm>>
      tpu.enqueue_dma source(%dma_start3A_133 : memref<2000xf32, #tpu.memory_space<hbm>>) target(%arg15 : memref<2000xf32, #tpu.memory_space<vmem>>) target_semaphore(%arg32 : memref<!tpu.dma_semaphore, #tpu.memory_space<semaphore_mem>>)
      %dma_start3A_134 = tpu.memref_slice %arg3[%add3A_131] : memref<1600000xf32, #tpu.memory_space<hbm>> -> memref<2000xf32, #tpu.memory_space<hbm>>
      %dma_start3A_135 = tpu.memref_slice %arg3[%add3A_131] : memref<1600000xf32, #tpu.memory_space<hbm>> -> memref<2000xf32, #tpu.memory_space<hbm>>
      tpu.enqueue_dma source(%dma_start3A_135 : memref<2000xf32, #tpu.memory_space<hbm>>) target(%arg16 : memref<2000xf32, #tpu.memory_space<vmem>>) target_semaphore(%arg32 : memref<!tpu.dma_semaphore, #tpu.memory_space<semaphore_mem>>)
      %dma_start3A_136 = tpu.memref_slice %arg4[%add3A_131] : memref<1600000xf32, #tpu.memory_space<hbm>> -> memref<2000xf32, #tpu.memory_space<hbm>>
      %dma_start3A_137 = tpu.memref_slice %arg4[%add3A_131] : memref<1600000xf32, #tpu.memory_space<hbm>> -> memref<2000xf32, #tpu.memory_space<hbm>>
      tpu.enqueue_dma source(%dma_start3A_137 : memref<2000xf32, #tpu.memory_space<hbm>>) target(%arg17 : memref<2000xf32, #tpu.memory_space<vmem>>) target_semaphore(%arg32 : memref<!tpu.dma_semaphore, #tpu.memory_space<semaphore_mem>>)
      %dma_start3A_138 = tpu.memref_slice %arg5[%add3A_131] : memref<1600000xi32, #tpu.memory_space<hbm>> -> memref<2000xi32, #tpu.memory_space<hbm>>
      %dma_start3A_139 = tpu.memref_slice %arg5[%add3A_131] : memref<1600000xi32, #tpu.memory_space<hbm>> -> memref<2000xi32, #tpu.memory_space<hbm>>
      tpu.enqueue_dma source(%dma_start3A_139 : memref<2000xi32, #tpu.memory_space<hbm>>) target(%arg18 : memref<2000xi32, #tpu.memory_space<vmem>>) target_semaphore(%arg32 : memref<!tpu.dma_semaphore, #tpu.memory_space<semaphore_mem>>)
      %dma_wait3A_140 = arith.constant 0 : i32
      %dma_wait3A_141 = tpu.memref_slice %arg8[%dma_wait3A_140] : memref<1600000xf32, #tpu.memory_space<hbm>> -> memref<2000xf32, #tpu.memory_space<hbm>>
      %dma_wait3A_142 = arith.constant 0 : i32
      %dma_wait3A_143 = tpu.memref_slice %arg8[%dma_wait3A_142] : memref<1600000xf32, #tpu.memory_space<hbm>> -> memref<2000xf32, #tpu.memory_space<hbm>>
      tpu.wait_dma2 semaphore(%arg33 : memref<!tpu.dma_semaphore, #tpu.memory_space<semaphore_mem>>) src(%dma_wait3A_143 : memref<2000xf32, #tpu.memory_space<hbm>>) dst(%arg19 : memref<2000xf32, #tpu.memory_space<vmem>>)
      %dma_wait3A_144 = arith.constant 0 : i32
      %dma_wait3A_145 = tpu.memref_slice %arg9[%dma_wait3A_144] : memref<1600000xf32, #tpu.memory_space<hbm>> -> memref<2000xf32, #tpu.memory_space<hbm>>
      %dma_wait3A_146 = arith.constant 0 : i32
      %dma_wait3A_147 = tpu.memref_slice %arg9[%dma_wait3A_146] : memref<1600000xf32, #tpu.memory_space<hbm>> -> memref<2000xf32, #tpu.memory_space<hbm>>
      tpu.wait_dma2 semaphore(%arg33 : memref<!tpu.dma_semaphore, #tpu.memory_space<semaphore_mem>>) src(%dma_wait3A_147 : memref<2000xf32, #tpu.memory_space<hbm>>) dst(%arg20 : memref<2000xf32, #tpu.memory_space<vmem>>)
      %dma_wait3A_148 = arith.constant 0 : i32
      %dma_wait3A_149 = tpu.memref_slice %arg10[%dma_wait3A_148] : memref<1600000xf32, #tpu.memory_space<hbm>> -> memref<2000xf32, #tpu.memory_space<hbm>>
      %dma_wait3A_150 = arith.constant 0 : i32
      %dma_wait3A_151 = tpu.memref_slice %arg10[%dma_wait3A_150] : memref<1600000xf32, #tpu.memory_space<hbm>> -> memref<2000xf32, #tpu.memory_space<hbm>>
      tpu.wait_dma2 semaphore(%arg33 : memref<!tpu.dma_semaphore, #tpu.memory_space<semaphore_mem>>) src(%dma_wait3A_151 : memref<2000xf32, #tpu.memory_space<hbm>>) dst(%arg21 : memref<2000xf32, #tpu.memory_space<vmem>>)
      %parallel_loop3A_152 = arith.constant 0 : i32
      %parallel_loop3A_153 = arith.constant 125 : i32
      %parallel_loop3A_154 = arith.constant 1 : i32
      scf.for %parallel_loop3A_226 = %parallel_loop3A_152 to %parallel_loop3A_153 step %parallel_loop3A_154  : i32 {
        %parallel_loop3A_227 = arith.constant 16 : i32
        %parallel_loop3A_228 = arith.muli %parallel_loop3A_226, %parallel_loop3A_227 : i32
        %parallel_loop3A_229 = arith.index_cast %parallel_loop3A_228 : i32 to index
        %parallel_loop3A_230 = tpu.vector_load %arg14[%parallel_loop3A_229] {strides = array<i32>} : memref<2000xi32, #tpu.memory_space<vmem>>, vector<16xi32>,
        %parallel_loop3A_231 = tpu.vector_load_idx %arg28[%parallel_loop3A_230] : memref<1024xf32, #tpu.memory_space<vmem>>[vector<16xi32>], vector<16xf32>,
        %parallel_loop3A_232 = arith.index_cast %parallel_loop3A_228 : i32 to index
        %parallel_loop3A_233 = tpu.vector_load %arg11[%parallel_loop3A_232] {strides = array<i32>} : memref<2000xf32, #tpu.memory_space<vmem>>, vector<16xf32>,
        %parallel_loop3A_234 = arith.mulf %parallel_loop3A_233, %parallel_loop3A_231 : vector<16xf32>
        %parallel_loop3A_235 = arith.index_cast %parallel_loop3A_228 : i32 to index
        %parallel_loop3A_236 = tpu.vector_load %arg19[%parallel_loop3A_235] {strides = array<i32>} : memref<2000xf32, #tpu.memory_space<vmem>>, vector<16xf32>,
        tpu.vector_store %arg19[%parallel_loop3A_235], %parallel_loop3A_234 {strides = array<i32>} : memref<2000xf32, #tpu.memory_space<vmem>>, vector<16xf32>,
        %parallel_loop3A_237 = arith.index_cast %parallel_loop3A_228 : i32 to index
        %parallel_loop3A_238 = tpu.vector_load %arg12[%parallel_loop3A_237] {strides = array<i32>} : memref<2000xf32, #tpu.memory_space<vmem>>, vector<16xf32>,
        %parallel_loop3A_239 = arith.mulf %parallel_loop3A_238, %parallel_loop3A_231 : vector<16xf32>
        %parallel_loop3A_240 = arith.index_cast %parallel_loop3A_228 : i32 to index
        %parallel_loop3A_241 = tpu.vector_load %arg20[%parallel_loop3A_240] {strides = array<i32>} : memref<2000xf32, #tpu.memory_space<vmem>>, vector<16xf32>,
        tpu.vector_store %arg20[%parallel_loop3A_240], %parallel_loop3A_239 {strides = array<i32>} : memref<2000xf32, #tpu.memory_space<vmem>>, vector<16xf32>,
        %parallel_loop3A_242 = arith.index_cast %parallel_loop3A_228 : i32 to index
        %parallel_loop3A_243 = tpu.vector_load %arg13[%parallel_loop3A_242] {strides = array<i32>} : memref<2000xf32, #tpu.memory_space<vmem>>, vector<16xf32>,
        %parallel_loop3A_244 = arith.mulf %parallel_loop3A_243, %parallel_loop3A_231 : vector<16xf32>
        %parallel_loop3A_245 = arith.index_cast %parallel_loop3A_228 : i32 to index
        %parallel_loop3A_246 = tpu.vector_load %arg21[%parallel_loop3A_245] {strides = array<i32>} : memref<2000xf32, #tpu.memory_space<vmem>>, vector<16xf32>,
        tpu.vector_store %arg21[%parallel_loop3A_245], %parallel_loop3A_244 {strides = array<i32>} : memref<2000xf32, #tpu.memory_space<vmem>>, vector<16xf32>,
      } {sc.loop_unroll_factor = 8 : i64, sc.parallel_access}
      %mul3A_155 = arith.constant 2000 : i32
      %mul3A_156 = arith.muli %mul3A_110, %mul3A_155 : i32
      %add3A_157 = arith.addi %mul3A_2, %mul3A_156 : i32
      %dma_start3A_158 = tpu.memref_slice %arg8[%add3A_157] : memref<1600000xf32, #tpu.memory_space<hbm>> -> memref<2000xf32, #tpu.memory_space<hbm>>
      %dma_start3A_159 = tpu.memref_slice %arg8[%add3A_157] : memref<1600000xf32, #tpu.memory_space<hbm>> -> memref<2000xf32, #tpu.memory_space<hbm>>
      tpu.enqueue_dma source(%arg19 : memref<2000xf32, #tpu.memory_space<vmem>>) target(%dma_start3A_159 : memref<2000xf32, #tpu.memory_space<hbm>>) target_semaphore(%arg33 : memref<!tpu.dma_semaphore, #tpu.memory_space<semaphore_mem>>)
      %mul3A_160 = arith.constant 2000 : i32
      %mul3A_161 = arith.muli %mul3A_110, %mul3A_160 : i32
      %add3A_162 = arith.addi %mul3A_2, %mul3A_161 : i32
      %dma_start3A_163 = tpu.memref_slice %arg9[%add3A_162] : memref<1600000xf32, #tpu.memory_space<hbm>> -> memref<2000xf32, #tpu.memory_space<hbm>>
      %dma_start3A_164 = tpu.memref_slice %arg9[%add3A_162] : memref<1600000xf32, #tpu.memory_space<hbm>> -> memref<2000xf32, #tpu.memory_space<hbm>>
      tpu.enqueue_dma source(%arg20 : memref<2000xf32, #tpu.memory_space<vmem>>) target(%dma_start3A_164 : memref<2000xf32, #tpu.memory_space<hbm>>) target_semaphore(%arg33 : memref<!tpu.dma_semaphore, #tpu.memory_space<semaphore_mem>>)
      %mul3A_165 = arith.constant 2000 : i32
      %mul3A_166 = arith.muli %mul3A_110, %mul3A_165 : i32
      %add3A_167 = arith.addi %mul3A_2, %mul3A_166 : i32
      %dma_start3A_168 = tpu.memref_slice %arg10[%add3A_167] : memref<1600000xf32, #tpu.memory_space<hbm>> -> memref<2000xf32, #tpu.memory_space<hbm>>
      %dma_start3A_169 = tpu.memref_slice %arg10[%add3A_167] : memref<1600000xf32, #tpu.memory_space<hbm>> -> memref<2000xf32, #tpu.memory_space<hbm>>
      tpu.enqueue_dma source(%arg21 : memref<2000xf32, #tpu.memory_space<vmem>>) target(%dma_start3A_169 : memref<2000xf32, #tpu.memory_space<hbm>>) target_semaphore(%arg33 : memref<!tpu.dma_semaphore, #tpu.memory_space<semaphore_mem>>)
      %add3A_170 = arith.constant 2 : i32
      %add3A_171 = arith.addi %mul3A_110, %add3A_170 : i32
      %lt3A_172 = arith.constant 25 : i32
      %lt3A_173 = arith.cmpi slt, %add3A_171, %lt3A_172 : i32
      %convert_element_type3A_174 = arith.extui %lt3A_173 : i1 to i32
      %cond3A_175 = arith.constant 0 : i32
      %cond3A_176 = arith.cmpi ne, %convert_element_type3A_174, %cond3A_175 : i32
      scf.if %cond3A_176 {
        %add3A_226 = arith.constant 2 : i32
        %add3A_227 = arith.addi %mul3A_110, %add3A_226 : i32
        %mul3A_228 = arith.constant 2000 : i32
        %mul3A_229 = arith.muli %add3A_227, %mul3A_228 : i32
        %add3A_230 = arith.addi %mul3A_2, %mul3A_229 : i32
        %dma_start3A_231 = tpu.memref_slice %arg2[%add3A_230] : memref<1600000xf32, #tpu.memory_space<hbm>> -> memref<2000xf32, #tpu.memory_space<hbm>>
        %dma_start3A_232 = tpu.memref_slice %arg2[%add3A_230] : memref<1600000xf32, #tpu.memory_space<hbm>> -> memref<2000xf32, #tpu.memory_space<hbm>>
        tpu.enqueue_dma source(%dma_start3A_232 : memref<2000xf32, #tpu.memory_space<hbm>>) target(%arg11 : memref<2000xf32, #tpu.memory_space<vmem>>) target_semaphore(%arg31 : memref<!tpu.dma_semaphore, #tpu.memory_space<semaphore_mem>>)
        %dma_start3A_233 = tpu.memref_slice %arg3[%add3A_230] : memref<1600000xf32, #tpu.memory_space<hbm>> -> memref<2000xf32, #tpu.memory_space<hbm>>
        %dma_start3A_234 = tpu.memref_slice %arg3[%add3A_230] : memref<1600000xf32, #tpu.memory_space<hbm>> -> memref<2000xf32, #tpu.memory_space<hbm>>
        tpu.enqueue_dma source(%dma_start3A_234 : memref<2000xf32, #tpu.memory_space<hbm>>) target(%arg12 : memref<2000xf32, #tpu.memory_space<vmem>>) target_semaphore(%arg31 : memref<!tpu.dma_semaphore, #tpu.memory_space<semaphore_mem>>)
        %dma_start3A_235 = tpu.memref_slice %arg4[%add3A_230] : memref<1600000xf32, #tpu.memory_space<hbm>> -> memref<2000xf32, #tpu.memory_space<hbm>>
        %dma_start3A_236 = tpu.memref_slice %arg4[%add3A_230] : memref<1600000xf32, #tpu.memory_space<hbm>> -> memref<2000xf32, #tpu.memory_space<hbm>>
        tpu.enqueue_dma source(%dma_start3A_236 : memref<2000xf32, #tpu.memory_space<hbm>>) target(%arg13 : memref<2000xf32, #tpu.memory_space<vmem>>) target_semaphore(%arg31 : memref<!tpu.dma_semaphore, #tpu.memory_space<semaphore_mem>>)
        %dma_start3A_237 = tpu.memref_slice %arg5[%add3A_230] : memref<1600000xi32, #tpu.memory_space<hbm>> -> memref<2000xi32, #tpu.memory_space<hbm>>
        %dma_start3A_238 = tpu.memref_slice %arg5[%add3A_230] : memref<1600000xi32, #tpu.memory_space<hbm>> -> memref<2000xi32, #tpu.memory_space<hbm>>
        tpu.enqueue_dma source(%dma_start3A_238 : memref<2000xi32, #tpu.memory_space<hbm>>) target(%arg14 : memref<2000xi32, #tpu.memory_space<vmem>>) target_semaphore(%arg31 : memref<!tpu.dma_semaphore, #tpu.memory_space<semaphore_mem>>)
      } else {
      }
      %dma_wait3A_177 = arith.constant 0 : i32
      %dma_wait3A_178 = tpu.memref_slice %arg2[%dma_wait3A_177] : memref<1600000xf32, #tpu.memory_space<hbm>> -> memref<2000xf32, #tpu.memory_space<hbm>>
      %dma_wait3A_179 = arith.constant 0 : i32
      %dma_wait3A_180 = tpu.memref_slice %arg2[%dma_wait3A_179] : memref<1600000xf32, #tpu.memory_space<hbm>> -> memref<2000xf32, #tpu.memory_space<hbm>>
      tpu.wait_dma2 semaphore(%arg32 : memref<!tpu.dma_semaphore, #tpu.memory_space<semaphore_mem>>) src(%dma_wait3A_180 : memref<2000xf32, #tpu.memory_space<hbm>>) dst(%arg15 : memref<2000xf32, #tpu.memory_space<vmem>>)
      %dma_wait3A_181 = arith.constant 0 : i32
      %dma_wait3A_182 = tpu.memref_slice %arg3[%dma_wait3A_181] : memref<1600000xf32, #tpu.memory_space<hbm>> -> memref<2000xf32, #tpu.memory_space<hbm>>
      %dma_wait3A_183 = arith.constant 0 : i32
      %dma_wait3A_184 = tpu.memref_slice %arg3[%dma_wait3A_183] : memref<1600000xf32, #tpu.memory_space<hbm>> -> memref<2000xf32, #tpu.memory_space<hbm>>
      tpu.wait_dma2 semaphore(%arg32 : memref<!tpu.dma_semaphore, #tpu.memory_space<semaphore_mem>>) src(%dma_wait3A_184 : memref<2000xf32, #tpu.memory_space<hbm>>) dst(%arg16 : memref<2000xf32, #tpu.memory_space<vmem>>)
      %dma_wait3A_185 = arith.constant 0 : i32
      %dma_wait3A_186 = tpu.memref_slice %arg4[%dma_wait3A_185] : memref<1600000xf32, #tpu.memory_space<hbm>> -> memref<2000xf32, #tpu.memory_space<hbm>>
      %dma_wait3A_187 = arith.constant 0 : i32
      %dma_wait3A_188 = tpu.memref_slice %arg4[%dma_wait3A_187] : memref<1600000xf32, #tpu.memory_space<hbm>> -> memref<2000xf32, #tpu.memory_space<hbm>>
      tpu.wait_dma2 semaphore(%arg32 : memref<!tpu.dma_semaphore, #tpu.memory_space<semaphore_mem>>) src(%dma_wait3A_188 : memref<2000xf32, #tpu.memory_space<hbm>>) dst(%arg17 : memref<2000xf32, #tpu.memory_space<vmem>>)
      %dma_wait3A_189 = arith.constant 0 : i32
      %dma_wait3A_190 = tpu.memref_slice %arg5[%dma_wait3A_189] : memref<1600000xi32, #tpu.memory_space<hbm>> -> memref<2000xi32, #tpu.memory_space<hbm>>
      %dma_wait3A_191 = arith.constant 0 : i32
      %dma_wait3A_192 = tpu.memref_slice %arg5[%dma_wait3A_191] : memref<1600000xi32, #tpu.memory_space<hbm>> -> memref<2000xi32, #tpu.memory_space<hbm>>
      tpu.wait_dma2 semaphore(%arg32 : memref<!tpu.dma_semaphore, #tpu.memory_space<semaphore_mem>>) src(%dma_wait3A_192 : memref<2000xi32, #tpu.memory_space<hbm>>) dst(%arg18 : memref<2000xi32, #tpu.memory_space<vmem>>)
      %add3A_193 = arith.constant 1 : i32
      %add3A_194 = arith.addi %mul3A_110, %add3A_193 : i32
      %dma_wait3A_195 = arith.constant 0 : i32
      %dma_wait3A_196 = tpu.memref_slice %arg8[%dma_wait3A_195] : memref<1600000xf32, #tpu.memory_space<hbm>> -> memref<2000xf32, #tpu.memory_space<hbm>>
      %dma_wait3A_197 = arith.constant 0 : i32
      %dma_wait3A_198 = tpu.memref_slice %arg8[%dma_wait3A_197] : memref<1600000xf32, #tpu.memory_space<hbm>> -> memref<2000xf32, #tpu.memory_space<hbm>>
      tpu.wait_dma2 semaphore(%arg34 : memref<!tpu.dma_semaphore, #tpu.memory_space<semaphore_mem>>) src(%dma_wait3A_198 : memref<2000xf32, #tpu.memory_space<hbm>>) dst(%arg22 : memref<2000xf32, #tpu.memory_space<vmem>>)
      %dma_wait3A_199 = arith.constant 0 : i32
      %dma_wait3A_200 = tpu.memref_slice %arg9[%dma_wait3A_199] : memref<1600000xf32, #tpu.memory_space<hbm>> -> memref<2000xf32, #tpu.memory_space<hbm>>
      %dma_wait3A_201 = arith.constant 0 : i32
      %dma_wait3A_202 = tpu.memref_slice %arg9[%dma_wait3A_201] : memref<1600000xf32, #tpu.memory_space<hbm>> -> memref<2000xf32, #tpu.memory_space<hbm>>
      tpu.wait_dma2 semaphore(%arg34 : memref<!tpu.dma_semaphore, #tpu.memory_space<semaphore_mem>>) src(%dma_wait3A_202 : memref<2000xf32, #tpu.memory_space<hbm>>) dst(%arg23 : memref<2000xf32, #tpu.memory_space<vmem>>)
      %dma_wait3A_203 = arith.constant 0 : i32
      %dma_wait3A_204 = tpu.memref_slice %arg10[%dma_wait3A_203] : memref<1600000xf32, #tpu.memory_space<hbm>> -> memref<2000xf32, #tpu.memory_space<hbm>>
      %dma_wait3A_205 = arith.constant 0 : i32
      %dma_wait3A_206 = tpu.memref_slice %arg10[%dma_wait3A_205] : memref<1600000xf32, #tpu.memory_space<hbm>> -> memref<2000xf32, #tpu.memory_space<hbm>>
      tpu.wait_dma2 semaphore(%arg34 : memref<!tpu.dma_semaphore, #tpu.memory_space<semaphore_mem>>) src(%dma_wait3A_206 : memref<2000xf32, #tpu.memory_space<hbm>>) dst(%arg24 : memref<2000xf32, #tpu.memory_space<vmem>>)
      %parallel_loop3A_207 = arith.constant 0 : i32
      %parallel_loop3A_208 = arith.constant 125 : i32
      %parallel_loop3A_209 = arith.constant 1 : i32
      scf.for %parallel_loop3A_226 = %parallel_loop3A_207 to %parallel_loop3A_208 step %parallel_loop3A_209  : i32 {
        %parallel_loop3A_227 = arith.constant 16 : i32
        %parallel_loop3A_228 = arith.muli %parallel_loop3A_226, %parallel_loop3A_227 : i32
        %parallel_loop3A_229 = arith.index_cast %parallel_loop3A_228 : i32 to index
        %parallel_loop3A_230 = tpu.vector_load %arg18[%parallel_loop3A_229] {strides = array<i32>} : memref<2000xi32, #tpu.memory_space<vmem>>, vector<16xi32>,
        %parallel_loop3A_231 = tpu.vector_load_idx %arg28[%parallel_loop3A_230] : memref<1024xf32, #tpu.memory_space<vmem>>[vector<16xi32>], vector<16xf32>,
        %parallel_loop3A_232 = arith.index_cast %parallel_loop3A_228 : i32 to index
        %parallel_loop3A_233 = tpu.vector_load %arg15[%parallel_loop3A_232] {strides = array<i32>} : memref<2000xf32, #tpu.memory_space<vmem>>, vector<16xf32>,
        %parallel_loop3A_234 = arith.mulf %parallel_loop3A_233, %parallel_loop3A_231 : vector<16xf32>
        %parallel_loop3A_235 = arith.index_cast %parallel_loop3A_228 : i32 to index
        %parallel_loop3A_236 = tpu.vector_load %arg22[%parallel_loop3A_235] {strides = array<i32>} : memref<2000xf32, #tpu.memory_space<vmem>>, vector<16xf32>,
        tpu.vector_store %arg22[%parallel_loop3A_235], %parallel_loop3A_234 {strides = array<i32>} : memref<2000xf32, #tpu.memory_space<vmem>>, vector<16xf32>,
        %parallel_loop3A_237 = arith.index_cast %parallel_loop3A_228 : i32 to index
        %parallel_loop3A_238 = tpu.vector_load %arg16[%parallel_loop3A_237] {strides = array<i32>} : memref<2000xf32, #tpu.memory_space<vmem>>, vector<16xf32>,
        %parallel_loop3A_239 = arith.mulf %parallel_loop3A_238, %parallel_loop3A_231 : vector<16xf32>
        %parallel_loop3A_240 = arith.index_cast %parallel_loop3A_228 : i32 to index
        %parallel_loop3A_241 = tpu.vector_load %arg23[%parallel_loop3A_240] {strides = array<i32>} : memref<2000xf32, #tpu.memory_space<vmem>>, vector<16xf32>,
        tpu.vector_store %arg23[%parallel_loop3A_240], %parallel_loop3A_239 {strides = array<i32>} : memref<2000xf32, #tpu.memory_space<vmem>>, vector<16xf32>,
        %parallel_loop3A_242 = arith.index_cast %parallel_loop3A_228 : i32 to index
        %parallel_loop3A_243 = tpu.vector_load %arg17[%parallel_loop3A_242] {strides = array<i32>} : memref<2000xf32, #tpu.memory_space<vmem>>, vector<16xf32>,
        %parallel_loop3A_244 = arith.mulf %parallel_loop3A_243, %parallel_loop3A_231 : vector<16xf32>
        %parallel_loop3A_245 = arith.index_cast %parallel_loop3A_228 : i32 to index
        %parallel_loop3A_246 = tpu.vector_load %arg24[%parallel_loop3A_245] {strides = array<i32>} : memref<2000xf32, #tpu.memory_space<vmem>>, vector<16xf32>,
        tpu.vector_store %arg24[%parallel_loop3A_245], %parallel_loop3A_244 {strides = array<i32>} : memref<2000xf32, #tpu.memory_space<vmem>>, vector<16xf32>,
      } {sc.loop_unroll_factor = 8 : i64, sc.parallel_access}
      %mul3A_210 = arith.constant 2000 : i32
      %mul3A_211 = arith.muli %add3A_194, %mul3A_210 : i32
      %add3A_212 = arith.addi %mul3A_2, %mul3A_211 : i32
      %dma_start3A_213 = tpu.memref_slice %arg8[%add3A_212] : memref<1600000xf32, #tpu.memory_space<hbm>> -> memref<2000xf32, #tpu.memory_space<hbm>>
      %dma_start3A_214 = tpu.memref_slice %arg8[%add3A_212] : memref<1600000xf32, #tpu.memory_space<hbm>> -> memref<2000xf32, #tpu.memory_space<hbm>>
      tpu.enqueue_dma source(%arg22 : memref<2000xf32, #tpu.memory_space<vmem>>) target(%dma_start3A_214 : memref<2000xf32, #tpu.memory_space<hbm>>) target_semaphore(%arg34 : memref<!tpu.dma_semaphore, #tpu.memory_space<semaphore_mem>>)
      %mul3A_215 = arith.constant 2000 : i32
      %mul3A_216 = arith.muli %add3A_194, %mul3A_215 : i32
      %add3A_217 = arith.addi %mul3A_2, %mul3A_216 : i32
      %dma_start3A_218 = tpu.memref_slice %arg9[%add3A_217] : memref<1600000xf32, #tpu.memory_space<hbm>> -> memref<2000xf32, #tpu.memory_space<hbm>>
      %dma_start3A_219 = tpu.memref_slice %arg9[%add3A_217] : memref<1600000xf32, #tpu.memory_space<hbm>> -> memref<2000xf32, #tpu.memory_space<hbm>>
      tpu.enqueue_dma source(%arg23 : memref<2000xf32, #tpu.memory_space<vmem>>) target(%dma_start3A_219 : memref<2000xf32, #tpu.memory_space<hbm>>) target_semaphore(%arg34 : memref<!tpu.dma_semaphore, #tpu.memory_space<semaphore_mem>>)
      %mul3A_220 = arith.constant 2000 : i32
      %mul3A_221 = arith.muli %add3A_194, %mul3A_220 : i32
      %add3A_222 = arith.addi %mul3A_2, %mul3A_221 : i32
      %dma_start3A_223 = tpu.memref_slice %arg10[%add3A_222] : memref<1600000xf32, #tpu.memory_space<hbm>> -> memref<2000xf32, #tpu.memory_space<hbm>>
      %dma_start3A_224 = tpu.memref_slice %arg10[%add3A_222] : memref<1600000xf32, #tpu.memory_space<hbm>> -> memref<2000xf32, #tpu.memory_space<hbm>>
      tpu.enqueue_dma source(%arg24 : memref<2000xf32, #tpu.memory_space<vmem>>) target(%dma_start3A_224 : memref<2000xf32, #tpu.memory_space<hbm>>) target_semaphore(%arg34 : memref<!tpu.dma_semaphore, #tpu.memory_space<semaphore_mem>>)
      %scan3A_225 = arith.constant 0 : i32
      scf.yield %scan3A_225 : i32
    }
    %scan3A_41 = arith.constant 12 : i32
    %dma_wait3A = arith.constant 0 : i32
    %dma_wait3A_42 = tpu.memref_slice %arg2[%dma_wait3A] : memref<1600000xf32, #tpu.memory_space<hbm>> -> memref<2000xf32, #tpu.memory_space<hbm>>
    %dma_wait3A_43 = arith.constant 0 : i32
    %dma_wait3A_44 = tpu.memref_slice %arg2[%dma_wait3A_43] : memref<1600000xf32, #tpu.memory_space<hbm>> -> memref<2000xf32, #tpu.memory_space<hbm>>
    tpu.wait_dma2 semaphore(%arg31 : memref<!tpu.dma_semaphore, #tpu.memory_space<semaphore_mem>>) src(%dma_wait3A_44 : memref<2000xf32, #tpu.memory_space<hbm>>) dst(%arg11 : memref<2000xf32, #tpu.memory_space<vmem>>)
    %dma_wait3A_45 = arith.constant 0 : i32
    %dma_wait3A_46 = tpu.memref_slice %arg3[%dma_wait3A_45] : memref<1600000xf32, #tpu.memory_space<hbm>> -> memref<2000xf32, #tpu.memory_space<hbm>>
    %dma_wait3A_47 = arith.constant 0 : i32
    %dma_wait3A_48 = tpu.memref_slice %arg3[%dma_wait3A_47] : memref<1600000xf32, #tpu.memory_space<hbm>> -> memref<2000xf32, #tpu.memory_space<hbm>>
    tpu.wait_dma2 semaphore(%arg31 : memref<!tpu.dma_semaphore, #tpu.memory_space<semaphore_mem>>) src(%dma_wait3A_48 : memref<2000xf32, #tpu.memory_space<hbm>>) dst(%arg12 : memref<2000xf32, #tpu.memory_space<vmem>>)
    %dma_wait3A_49 = arith.constant 0 : i32
    %dma_wait3A_50 = tpu.memref_slice %arg4[%dma_wait3A_49] : memref<1600000xf32, #tpu.memory_space<hbm>> -> memref<2000xf32, #tpu.memory_space<hbm>>
    %dma_wait3A_51 = arith.constant 0 : i32
    %dma_wait3A_52 = tpu.memref_slice %arg4[%dma_wait3A_51] : memref<1600000xf32, #tpu.memory_space<hbm>> -> memref<2000xf32, #tpu.memory_space<hbm>>
    tpu.wait_dma2 semaphore(%arg31 : memref<!tpu.dma_semaphore, #tpu.memory_space<semaphore_mem>>) src(%dma_wait3A_52 : memref<2000xf32, #tpu.memory_space<hbm>>) dst(%arg13 : memref<2000xf32, #tpu.memory_space<vmem>>)
    %dma_wait3A_53 = arith.constant 0 : i32
    %dma_wait3A_54 = tpu.memref_slice %arg5[%dma_wait3A_53] : memref<1600000xi32, #tpu.memory_space<hbm>> -> memref<2000xi32, #tpu.memory_space<hbm>>
    %dma_wait3A_55 = arith.constant 0 : i32
    %dma_wait3A_56 = tpu.memref_slice %arg5[%dma_wait3A_55] : memref<1600000xi32, #tpu.memory_space<hbm>> -> memref<2000xi32, #tpu.memory_space<hbm>>
    tpu.wait_dma2 semaphore(%arg31 : memref<!tpu.dma_semaphore, #tpu.memory_space<semaphore_mem>>) src(%dma_wait3A_56 : memref<2000xi32, #tpu.memory_space<hbm>>) dst(%arg14 : memref<2000xi32, #tpu.memory_space<vmem>>)
    %dma_wait3A_57 = arith.constant 0 : i32
    %dma_wait3A_58 = tpu.memref_slice %arg8[%dma_wait3A_57] : memref<1600000xf32, #tpu.memory_space<hbm>> -> memref<2000xf32, #tpu.memory_space<hbm>>
    %dma_wait3A_59 = arith.constant 0 : i32
    %dma_wait3A_60 = tpu.memref_slice %arg8[%dma_wait3A_59] : memref<1600000xf32, #tpu.memory_space<hbm>> -> memref<2000xf32, #tpu.memory_space<hbm>>
    tpu.wait_dma2 semaphore(%arg33 : memref<!tpu.dma_semaphore, #tpu.memory_space<semaphore_mem>>) src(%dma_wait3A_60 : memref<2000xf32, #tpu.memory_space<hbm>>) dst(%arg19 : memref<2000xf32, #tpu.memory_space<vmem>>)
    %dma_wait3A_61 = arith.constant 0 : i32
    %dma_wait3A_62 = tpu.memref_slice %arg9[%dma_wait3A_61] : memref<1600000xf32, #tpu.memory_space<hbm>> -> memref<2000xf32, #tpu.memory_space<hbm>>
    %dma_wait3A_63 = arith.constant 0 : i32
    %dma_wait3A_64 = tpu.memref_slice %arg9[%dma_wait3A_63] : memref<1600000xf32, #tpu.memory_space<hbm>> -> memref<2000xf32, #tpu.memory_space<hbm>>
    tpu.wait_dma2 semaphore(%arg33 : memref<!tpu.dma_semaphore, #tpu.memory_space<semaphore_mem>>) src(%dma_wait3A_64 : memref<2000xf32, #tpu.memory_space<hbm>>) dst(%arg20 : memref<2000xf32, #tpu.memory_space<vmem>>)
    %dma_wait3A_65 = arith.constant 0 : i32
    %dma_wait3A_66 = tpu.memref_slice %arg10[%dma_wait3A_65] : memref<1600000xf32, #tpu.memory_space<hbm>> -> memref<2000xf32, #tpu.memory_space<hbm>>
    %dma_wait3A_67 = arith.constant 0 : i32
    %dma_wait3A_68 = tpu.memref_slice %arg10[%dma_wait3A_67] : memref<1600000xf32, #tpu.memory_space<hbm>> -> memref<2000xf32, #tpu.memory_space<hbm>>
    tpu.wait_dma2 semaphore(%arg33 : memref<!tpu.dma_semaphore, #tpu.memory_space<semaphore_mem>>) src(%dma_wait3A_68 : memref<2000xf32, #tpu.memory_space<hbm>>) dst(%arg21 : memref<2000xf32, #tpu.memory_space<vmem>>)
    %parallel_loop3A = arith.constant 0 : i32
    %parallel_loop3A_69 = arith.constant 125 : i32
    %parallel_loop3A_70 = arith.constant 1 : i32
    scf.for %parallel_loop3A_107 = %parallel_loop3A to %parallel_loop3A_69 step %parallel_loop3A_70  : i32 {
      %parallel_loop3A_108 = arith.constant 16 : i32
      %parallel_loop3A_109 = arith.muli %parallel_loop3A_107, %parallel_loop3A_108 : i32
      %parallel_loop3A_110 = arith.index_cast %parallel_loop3A_109 : i32 to index
      %parallel_loop3A_111 = tpu.vector_load %arg14[%parallel_loop3A_110] {strides = array<i32>} : memref<2000xi32, #tpu.memory_space<vmem>>, vector<16xi32>,
      %parallel_loop3A_112 = tpu.vector_load_idx %arg28[%parallel_loop3A_111] : memref<1024xf32, #tpu.memory_space<vmem>>[vector<16xi32>], vector<16xf32>,
      %parallel_loop3A_113 = arith.index_cast %parallel_loop3A_109 : i32 to index
      %parallel_loop3A_114 = tpu.vector_load %arg11[%parallel_loop3A_113] {strides = array<i32>} : memref<2000xf32, #tpu.memory_space<vmem>>, vector<16xf32>,
      %parallel_loop3A_115 = arith.mulf %parallel_loop3A_114, %parallel_loop3A_112 : vector<16xf32>
      %parallel_loop3A_116 = arith.index_cast %parallel_loop3A_109 : i32 to index
      %parallel_loop3A_117 = tpu.vector_load %arg19[%parallel_loop3A_116] {strides = array<i32>} : memref<2000xf32, #tpu.memory_space<vmem>>, vector<16xf32>,
      tpu.vector_store %arg19[%parallel_loop3A_116], %parallel_loop3A_115 {strides = array<i32>} : memref<2000xf32, #tpu.memory_space<vmem>>, vector<16xf32>,
      %parallel_loop3A_118 = arith.index_cast %parallel_loop3A_109 : i32 to index
      %parallel_loop3A_119 = tpu.vector_load %arg12[%parallel_loop3A_118] {strides = array<i32>} : memref<2000xf32, #tpu.memory_space<vmem>>, vector<16xf32>,
      %parallel_loop3A_120 = arith.mulf %parallel_loop3A_119, %parallel_loop3A_112 : vector<16xf32>
      %parallel_loop3A_121 = arith.index_cast %parallel_loop3A_109 : i32 to index
      %parallel_loop3A_122 = tpu.vector_load %arg20[%parallel_loop3A_121] {strides = array<i32>} : memref<2000xf32, #tpu.memory_space<vmem>>, vector<16xf32>,
      tpu.vector_store %arg20[%parallel_loop3A_121], %parallel_loop3A_120 {strides = array<i32>} : memref<2000xf32, #tpu.memory_space<vmem>>, vector<16xf32>,
      %parallel_loop3A_123 = arith.index_cast %parallel_loop3A_109 : i32 to index
      %parallel_loop3A_124 = tpu.vector_load %arg13[%parallel_loop3A_123] {strides = array<i32>} : memref<2000xf32, #tpu.memory_space<vmem>>, vector<16xf32>,
      %parallel_loop3A_125 = arith.mulf %parallel_loop3A_124, %parallel_loop3A_112 : vector<16xf32>
      %parallel_loop3A_126 = arith.index_cast %parallel_loop3A_109 : i32 to index
      %parallel_loop3A_127 = tpu.vector_load %arg21[%parallel_loop3A_126] {strides = array<i32>} : memref<2000xf32, #tpu.memory_space<vmem>>, vector<16xf32>,
      tpu.vector_store %arg21[%parallel_loop3A_126], %parallel_loop3A_125 {strides = array<i32>} : memref<2000xf32, #tpu.memory_space<vmem>>, vector<16xf32>,
    } {sc.loop_unroll_factor = 8 : i64, sc.parallel_access}
    %add3A_71 = arith.constant 48000 : i32
    %add3A_72 = arith.addi %mul3A_2, %add3A_71 : i32
    %dma_start3A_73 = tpu.memref_slice %arg8[%add3A_72] : memref<1600000xf32, #tpu.memory_space<hbm>> -> memref<2000xf32, #tpu.memory_space<hbm>>
    %dma_start3A_74 = tpu.memref_slice %arg8[%add3A_72] : memref<1600000xf32, #tpu.memory_space<hbm>> -> memref<2000xf32, #tpu.memory_space<hbm>>
    tpu.enqueue_dma source(%arg19 : memref<2000xf32, #tpu.memory_space<vmem>>) target(%dma_start3A_74 : memref<2000xf32, #tpu.memory_space<hbm>>) target_semaphore(%arg33 : memref<!tpu.dma_semaphore, #tpu.memory_space<semaphore_mem>>)
    %add3A_75 = arith.constant 48000 : i32
    %add3A_76 = arith.addi %mul3A_2, %add3A_75 : i32
    %dma_start3A_77 = tpu.memref_slice %arg9[%add3A_76] : memref<1600000xf32, #tpu.memory_space<hbm>> -> memref<2000xf32, #tpu.memory_space<hbm>>
    %dma_start3A_78 = tpu.memref_slice %arg9[%add3A_76] : memref<1600000xf32, #tpu.memory_space<hbm>> -> memref<2000xf32, #tpu.memory_space<hbm>>
    tpu.enqueue_dma source(%arg20 : memref<2000xf32, #tpu.memory_space<vmem>>) target(%dma_start3A_78 : memref<2000xf32, #tpu.memory_space<hbm>>) target_semaphore(%arg33 : memref<!tpu.dma_semaphore, #tpu.memory_space<semaphore_mem>>)
    %add3A_79 = arith.constant 48000 : i32
    %add3A_80 = arith.addi %mul3A_2, %add3A_79 : i32
    %dma_start3A_81 = tpu.memref_slice %arg10[%add3A_80] : memref<1600000xf32, #tpu.memory_space<hbm>> -> memref<2000xf32, #tpu.memory_space<hbm>>
    %dma_start3A_82 = tpu.memref_slice %arg10[%add3A_80] : memref<1600000xf32, #tpu.memory_space<hbm>> -> memref<2000xf32, #tpu.memory_space<hbm>>
    tpu.enqueue_dma source(%arg21 : memref<2000xf32, #tpu.memory_space<vmem>>) target(%dma_start3A_82 : memref<2000xf32, #tpu.memory_space<hbm>>) target_semaphore(%arg33 : memref<!tpu.dma_semaphore, #tpu.memory_space<semaphore_mem>>)
    %dma_wait3A_83 = arith.constant 0 : i32
    %dma_wait3A_84 = tpu.memref_slice %arg8[%dma_wait3A_83] : memref<1600000xf32, #tpu.memory_space<hbm>> -> memref<2000xf32, #tpu.memory_space<hbm>>
    %dma_wait3A_85 = arith.constant 0 : i32
    %dma_wait3A_86 = tpu.memref_slice %arg8[%dma_wait3A_85] : memref<1600000xf32, #tpu.memory_space<hbm>> -> memref<2000xf32, #tpu.memory_space<hbm>>
    tpu.wait_dma2 semaphore(%arg33 : memref<!tpu.dma_semaphore, #tpu.memory_space<semaphore_mem>>) src(%dma_wait3A_86 : memref<2000xf32, #tpu.memory_space<hbm>>) dst(%arg19 : memref<2000xf32, #tpu.memory_space<vmem>>)
    %dma_wait3A_87 = arith.constant 0 : i32
    %dma_wait3A_88 = tpu.memref_slice %arg9[%dma_wait3A_87] : memref<1600000xf32, #tpu.memory_space<hbm>> -> memref<2000xf32, #tpu.memory_space<hbm>>
    %dma_wait3A_89 = arith.constant 0 : i32
    %dma_wait3A_90 = tpu.memref_slice %arg9[%dma_wait3A_89] : memref<1600000xf32, #tpu.memory_space<hbm>> -> memref<2000xf32, #tpu.memory_space<hbm>>
    tpu.wait_dma2 semaphore(%arg33 : memref<!tpu.dma_semaphore, #tpu.memory_space<semaphore_mem>>) src(%dma_wait3A_90 : memref<2000xf32, #tpu.memory_space<hbm>>) dst(%arg20 : memref<2000xf32, #tpu.memory_space<vmem>>)
    %dma_wait3A_91 = arith.constant 0 : i32
    %dma_wait3A_92 = tpu.memref_slice %arg10[%dma_wait3A_91] : memref<1600000xf32, #tpu.memory_space<hbm>> -> memref<2000xf32, #tpu.memory_space<hbm>>
    %dma_wait3A_93 = arith.constant 0 : i32
    %dma_wait3A_94 = tpu.memref_slice %arg10[%dma_wait3A_93] : memref<1600000xf32, #tpu.memory_space<hbm>> -> memref<2000xf32, #tpu.memory_space<hbm>>
    tpu.wait_dma2 semaphore(%arg33 : memref<!tpu.dma_semaphore, #tpu.memory_space<semaphore_mem>>) src(%dma_wait3A_94 : memref<2000xf32, #tpu.memory_space<hbm>>) dst(%arg21 : memref<2000xf32, #tpu.memory_space<vmem>>)
    %dma_wait3A_95 = arith.constant 0 : i32
    %dma_wait3A_96 = tpu.memref_slice %arg8[%dma_wait3A_95] : memref<1600000xf32, #tpu.memory_space<hbm>> -> memref<2000xf32, #tpu.memory_space<hbm>>
    %dma_wait3A_97 = arith.constant 0 : i32
    %dma_wait3A_98 = tpu.memref_slice %arg8[%dma_wait3A_97] : memref<1600000xf32, #tpu.memory_space<hbm>> -> memref<2000xf32, #tpu.memory_space<hbm>>
    tpu.wait_dma2 semaphore(%arg34 : memref<!tpu.dma_semaphore, #tpu.memory_space<semaphore_mem>>) src(%dma_wait3A_98 : memref<2000xf32, #tpu.memory_space<hbm>>) dst(%arg22 : memref<2000xf32, #tpu.memory_space<vmem>>)
    %dma_wait3A_99 = arith.constant 0 : i32
    %dma_wait3A_100 = tpu.memref_slice %arg9[%dma_wait3A_99] : memref<1600000xf32, #tpu.memory_space<hbm>> -> memref<2000xf32, #tpu.memory_space<hbm>>
    %dma_wait3A_101 = arith.constant 0 : i32
    %dma_wait3A_102 = tpu.memref_slice %arg9[%dma_wait3A_101] : memref<1600000xf32, #tpu.memory_space<hbm>> -> memref<2000xf32, #tpu.memory_space<hbm>>
    tpu.wait_dma2 semaphore(%arg34 : memref<!tpu.dma_semaphore, #tpu.memory_space<semaphore_mem>>) src(%dma_wait3A_102 : memref<2000xf32, #tpu.memory_space<hbm>>) dst(%arg23 : memref<2000xf32, #tpu.memory_space<vmem>>)
    %dma_wait3A_103 = arith.constant 0 : i32
    %dma_wait3A_104 = tpu.memref_slice %arg10[%dma_wait3A_103] : memref<1600000xf32, #tpu.memory_space<hbm>> -> memref<2000xf32, #tpu.memory_space<hbm>>
    %dma_wait3A_105 = arith.constant 0 : i32
    %dma_wait3A_106 = tpu.memref_slice %arg10[%dma_wait3A_105] : memref<1600000xf32, #tpu.memory_space<hbm>> -> memref<2000xf32, #tpu.memory_space<hbm>>
    tpu.wait_dma2 semaphore(%arg34 : memref<!tpu.dma_semaphore, #tpu.memory_space<semaphore_mem>>) src(%dma_wait3A_106 : memref<2000xf32, #tpu.memory_space<hbm>>) dst(%arg24 : memref<2000xf32, #tpu.memory_space<vmem>>)
    return
  }
}

</mosaic_0001>

<sc_bundles>
// kernel: kernel.4.cloned.1.call-start
scs
__scs_entry_jumppad:
0x0: {  	(pc) =	sbr.rel $0x88, $3  }
0x1: {  	(tag) =	ssettag $0x0;
	lr =	simm.s32 $0x1  }
0x2: {  	[smem:$0x3F9E] =	sst lr;
	_ =	strace $0xD0000000  }
0x3: {  	_ = 	snop  }
0x4: {  	_ = 	snop  }
0x5: {  	_ = 	snop  }
0x6: {  	_ = 	snop  }
0x7: {  	_ = 	snop  }
__scs_overlays_trampoline_lowered:
0x8: {  	[smem:$0x3FAD] =	sst s0  }
0x9: {  	[smem:$0x3FAE] =	sst s1  }
0xa: {  	[smem:$0x3FAF] =	sst s2  }
0xb: {  	[smem:$0x3FB0] =	sst s3  }
0xc: {  	[smem:$0x3FB1] =	sst s4  }
0xd: {  	[smem:$0x3FB2] =	sst s5  }
0xe: {  	[smem:$0x3FB3] =	sst s6  }
0xf: {  	[smem:$0x3FB4] =	sst s7  }
0x10: {  	[smem:$0x3FB5] =	sst s8  }
0x11: {  	[smem:$0x3FB6] =	sst s9;
	s0 =	simm.s32 @!p0 $0x0  }
0x12: {  	s1 =	sld [smem:$0x3F9C];
	s0 =	simm.s32 @p0 $0x1  }
0x13: {  	[smem:$0x3FB7] =	sst s0;
	s0 =	simm.s32 @!p1 $0x0  }
0x14: {  	s2 =	sld [smem:$0x3F9B];
	s0 =	simm.s32 @p1 $0x1  }
0x15: {  	[smem:$0x3FB8] =	sst s0;
	s0 =	simm.s32 @!p2 $0x0  }
0x16: {  	s3 =	sld [smem:$0x3FDB];
	s0 =	simm.s32 @p2 $0x1  }
0x17: {  	s4 =	simm.s32 $0x1BF5;
	[smem:$0x3FBA] =	sst s0  }
0x18: {  	s0 =	sld [smem:$0x3F9D];
	_ =	swait.ge [sflag:s4], $0x0  }
0x19: {  	s7 =	sld [smem:$0x3F9E]  }
0x1a: {  	s8 =	sadd.s32 $0xFFFFE003, lr  }
0x1b: {  	s9 =	sadd.s32 $0xFFFFFEF7, lr;
	s5 =	simm.s32 $0xFFFFFFFF;
	p2 =	slt.u32 s8, $0xFFFFF086  }
0x1c: {  	p1 =	slt.u32 s9, $0xF7A;
	s5 =	simm.s32 @!p2 $0x0  }
0x1d: {  	s5 =	simm.s32 @p1 $0x1;
	p0 =	seq.s32 s7, s2  }
0x1e: {  	s7 =	smul.u32 @!p0 $0xF7A, s2;
	p2 =	seq.s32 @!p0 s5, $0x0  }
0x1f: {  	s9 =	smul.u32 $0xF7A, s1;
	s8 =	simm.s32 @!p0 $0x1BF5;
	p2 =	por !p2, p0  }
0x20: {  	[sflag:s8] =	ssyncset.s32 @!p0 $0xFFFFF086;
	s6 =	sadd.s32 @!p0 s3, s7;
	s7 =	simm.s32 @!p0 $0x108  }
0x21: {  	s3 =	sadd.s32 s3, s9;
	s6 =	sadd.s32 @!p0 $0x88, s6;
	s7 =	simm.s32 @p2 $0x1082  }
0x22: {  	[simem:s7], [sflag:s8] =	dma.local @!p0 [hbm:s6], $0xF7A  }
0x23: {  	s9 =	sor.u32 $0xD0000000, s2;
	s6 =	simm.s32 $0x108;
	_ =	swait.ge @!p0 [sflag:s8], $0x0  }
0x24: {  	s3 =	sadd.s32 $0x88, s3;
	s6 =	simm.s32 @!p1 $0x1082;
	[sflag:s4] =	ssyncset.s32 $0xFFFFF086  }
0x25: {  	[simem:s6], [sflag:s4] =	dma.local [hbm:s3], $0xF7A  }
0x26: {  	[smem:$0x3F9E] =	sst s1;
	(tag) =	ssettag s2;
	_ =	strace s9  }
0x27: {  	s1 =	sld [smem:$0x3FAE]  }
0x28: {  	s2 =	sld [smem:$0x3FAF]  }
0x29: {  	s4 =	sld [smem:$0x3FB1]  }
0x2a: {  	p0 =	seq.s32 s5, $0x0;
	s5 =	sld [smem:$0x3FB2]  }
0x2b: {  	s6 =	sld [smem:$0x3FB3]  }
0x2c: {  	s7 =	sld [smem:$0x3FB4]  }
0x2d: {  	s3 =	simm.s32 $0x108;
	s8 =	sld [smem:$0x3FB5]  }
0x2e: {  	s3 =	simm.s32 @!p0 $0x1082;
	s9 =	sld [smem:$0x3FB6]  }
0x2f: {  	lr =	sadd.s32 s0, s3;
	s0 =	sld [smem:$0x3FAD]  }
0x30: {  	s3 =	sld [smem:$0x3FB0]  }
0x31: {  	[smem:$0x3FB9] =	sst s10  }
0x32: {  	s10 =	sld [smem:$0x3FB7];
	_ =	sdelay $0x3  }
0x33: {  	p0 =	seq.s32 s10, $0x1;
	s10 =	sld [smem:$0x3FB9];
	_ =	sdelay $0x3  }
0x34: {  	[smem:$0x3FB9] =	sst s10  }
0x35: {  	s10 =	sld [smem:$0x3FB8];
	_ =	sdelay $0x3  }
0x36: {  	p1 =	seq.s32 s10, $0x1;
	s10 =	sld [smem:$0x3FB9];
	_ =	sdelay $0x3  }
0x37: {  	[smem:$0x3FB9] =	sst s10  }
0x38: {  	s10 =	sld [smem:$0x3FBA]  }
0x39: {  	_ = 	snop;
	(pc) =	sbr.ind lr, $3  }
0x3a: {  	_ = 	snop  }
0x3b: {  	_ = 	snop  }
0x3c: {  	p2 =	seq.s32 s10, $0x1;
	s10 =	sld [smem:$0x3FB9]  }
0x3d: {  	_ =	shalt  }
0x3e: {  	_ =	shalt  }
0x3f: {  	_ =	shalt  }
0x40: {  	_ =	shalt  }
0x41: {  	_ =	shalt  }
0x42: {  	_ =	shalt  }
0x43: {  	_ =	shalt  }
0x44: {  	_ =	shalt  }
0x45: {  	_ =	shalt  }
0x46: {  	_ =	shalt  }
0x47: {  	_ =	shalt  }
0x48: {  	_ =	shalt  }
0x49: {  	_ =	shalt  }
0x4a: {  	_ =	shalt  }
0x4b: {  	_ =	shalt  }
0x4c: {  	_ =	shalt  }
0x4d: {  	_ =	shalt  }
0x4e: {  	_ =	shalt  }
0x4f: {  	_ =	shalt  }
0x50: {  	_ =	shalt  }
0x51: {  	_ =	shalt  }
0x52: {  	_ =	shalt  }
0x53: {  	_ =	shalt  }
0x54: {  	_ =	shalt  }
0x55: {  	_ =	shalt  }
0x56: {  	_ =	shalt  }
0x57: {  	_ =	shalt  }
0x58: {  	_ =	shalt  }
0x59: {  	_ =	shalt  }
0x5a: {  	_ =	shalt  }
0x5b: {  	_ =	shalt  }
0x5c: {  	_ =	shalt  }
0x5d: {  	_ =	shalt  }
0x5e: {  	_ =	shalt  }
0x5f: {  	_ =	shalt  }
0x60: {  	_ =	shalt  }
0x61: {  	_ =	shalt  }
0x62: {  	_ =	shalt  }
0x63: {  	_ =	shalt  }
0x64: {  	_ =	shalt  }
0x65: {  	_ =	shalt  }
0x66: {  	_ =	shalt  }
0x67: {  	_ =	shalt  }
0x68: {  	_ =	shalt  }
0x69: {  	_ =	shalt  }
0x6a: {  	_ =	shalt  }
0x6b: {  	_ =	shalt  }
0x6c: {  	_ =	shalt  }
0x6d: {  	_ =	shalt  }
0x6e: {  	_ =	shalt  }
0x6f: {  	_ =	shalt  }
0x70: {  	_ =	shalt  }
0x71: {  	_ =	shalt  }
0x72: {  	_ =	shalt  }
0x73: {  	_ =	shalt  }
0x74: {  	_ =	shalt  }
0x75: {  	_ =	shalt  }
0x76: {  	_ =	shalt  }
0x77: {  	_ =	shalt  }
0x78: {  	_ =	shalt  }
0x79: {  	_ =	shalt  }
0x7a: {  	_ =	shalt  }
0x7b: {  	_ =	shalt  }
0x7c: {  	_ =	shalt  }
0x7d: {  	_ =	shalt  }
0x7e: {  	_ =	shalt  }
0x7f: {  	_ =	shalt  }
0x80: {  	_ =	shalt  }
0x81: {  	_ =	shalt  }
0x82: {  	_ =	shalt  }
0x83: {  	_ =	shalt  }
0x84: {  	_ =	shalt  }
0x85: {  	_ =	shalt  }
0x86: {  	_ =	shalt  }
0x87: {  	_ =	shalt  }
.Lfunc_end0:
.L_simem_size_0:
called_computation_lowered:
.L_overlay_start_0:
0x88: {  	s2 =	sld [smem:$0x3FD9]  }
0x89: {  	s3 =	sld [smem:$0x3FFE];
	_ =	sdelay $0x1  }
0x8a: {  	s1 =	srdreg.scid  }
0x8b: {  	s0 =	sand.u32 $0x1, s1  }
0x8c: {  	s17 =	sshll.u32 s0, $0xA;
	s2 =	sadd.s32 s3, s2  }
0x8d: {  	s2 =	sadd.s32 s2, s17  }
0x8e: {  	[smem:$0x3FC5] =	sst s2  }
0x8f: {  	_ = 	snop  }
0x90: {  	s2 =	sld [smem:$0x3FC8]  }
0x91: {  	s18 =	sld [smem:$0x3FD0];
	(tm) =	ssettm $0x1  }
0x92: {  	s4 =	sld [smem:$0x3FFB];
	_ =	sdelay $0x3  }
0x93: {  	_ =	strace s4  }
0x94: {  	s4 =	sld [smem:$0x3FFC];
	_ =	sdelay $0x3  }
0x95: {  	_ =	strace s4  }
0x96: {  	s4 =	sld [smem:$0x3FFD];
	_ =	sdelay $0x3  }
0x97: {  	_ =	strace s4  }
0x98: {  	_ =	strace $0x8FFFFFFF  }
0x99: {  	s19 =	sld [smem:$0x3FDB];
	_ =	sdelay $0x1  }
0x9a: {  	s5 =	simm.s32 $_scs_section_size  }
0x9b: {  	s6 =	simm.s32 $_size__tile_overlayer_lowered;
	s7 =	simm.s32 $_tile_overlayer_lowered  }
0x9c: {  	s22 =	simm.s32 $0x1BFF;
	s21 =	sshll.u32 s7, $0x1;
	s4 =	sadd.s32 s5, s19  }
0x9d: {  	s8 =	simm.s32 $0x0;
	s20 =	sshll.u32 s6, $0x1;
	s6 =	sadd.s32 s21, s4  }
0x9e: {  	[timem:s8], [sflag:s22] =	dma.local [hbm:s6], s20  }
0x9f: {  	_ =	swait.ge [sflag:s22], s20  }
0xa0: {  	s5 =	ssub.s32 $0x0, s20;
	[sflag:s22] =	ssyncset.done $0x0  }
0xa1: {  	[sflag:s22] =	ssyncadd.s32 s5;
	_ =	sdelay $0x1  }
0xa2: {  	s23 =	simm.s32 $0x1B8B  }
0xa3: {  	_ =	swait.ge [sflag:s23], $0x1  }
0xa4: {  	[sflag:s23] =	ssyncset.done $0x0  }
0xa5: {  	s25 =	simm.s32 $0x1B8E;
	s24 =	sld [smem:$0x3FFE];
	[sflag:s23] =	ssyncadd.s32 $0xFFFFFFFF  }
0xa6: {  	s26 =	simm.s32 $execute0_lowered;
	[smem:$0x3FD2] =	sst s25  }
0xa7: {  	s6 =	sshll.u32 s26, $0x1;
	_ =	strace $0x80000046;
	[dreg:$0x1] =	wrdreg $0xFFFFFFFF  }
0xa8: {  	s28 =	simm.s32 $_size_execute0_lowered;
	s4 =	sadd.s32 s4, s6;
	[dreg:$0x0] =	wrdreg $0x0  }
0xa9: {  	s6 =	sshll.u32 s28, $0x1;
	[dreg:$0x2] =	wrdreg s4  }
0xaa: {  	[dreg:$0x3] =	wrdreg s6  }
0xab: {  	[dreg:$0x4] =	wrdreg $0xC0  }
0xac: {  	_ =	task [dreg:s8], $0x5FFFF  }
0xad: {  	[dreg:$0x1] =	wrdreg $0xFFFFFFFF  }
0xae: {  	[dreg:$0x0] =	wrdreg $0x60  }
0xaf: {  	[dreg:$0x2] =	wrdreg s24  }
0xb0: {  	[dreg:$0x3] =	wrdreg s18  }
0xb1: {  	[dreg:$0x4] =	wrdreg s2  }
0xb2: {  	[dreg:$0x5] =	wrdreg $0x9  }
0xb3: {  	_ =	task.clear_ibuf [dreg:s8], $0x6FFFF;
	_ =	strace $0x90000046  }
0xb4: {  	s29 =	simm.s32 $0x9;
	_ =	strace $0x80000048  }
0xb5: {  	_ =	swait.ge [sflag:s29], $0x1  }
0xb6: {  	[sflag:s29] =	ssyncadd.s32 $0xFFFFFFFF  }
0xb7: {  	_ =	strace $0x90000048  }
0xb8: {  	_ =	sfence  }
0xb9: {  	s30 =	sld [smem:$0x0];
	_ =	sdelay $0x2  }
0xba: {  	s31 =	sshll.u32 s1, $0xD;
	s1 =	sshrl.u32 s1, $0x2  }
0xbb: {  	s3 =	sand.u32 $0x4000, s31;
	s1 =	sadd.s32 s1, s30  }
0xbc: {  	s0 =	sor.u32 s3, s0;
	s1 =	sshll.u32 s1, $0x11  }
0xbd: {  	s0 =	sor.u32 s1, s0  }
0xbe: {  	s0 =	sadd.s32 $0x8F2B, s0  }
0xbf: {  	[sflag:s0] =	ssyncadd.remote.s32 $0x1  }
0xc0: {  	_ =	sfence.sel $0xFFFF  }
0xc1: {  	[dreg:$0x0] =	wrdreg $0xFFFFFFFF;
	(pc) =	sbr.abs _section_cstart, $3  }
0xc2: {  	[dreg:$0x1] =	wrdreg $0xFFFFFFFF  }
0xc3: {  	_ =	task.clear_ibuf [dreg:s8], $0x2FFFF;
	_ =	strace $0x9FFFFFFF  }
0xc4: {  	(tm) =	ssettm $0x7FFFFFFF  }
0xc5: {  	_ =	shalt  }
tec
execute0_lowered:
.L_overlay_start_1:
0x0: {  	(tag) =	ssettag $0x1  }
0x1: {  	s1 =	rddreg [dreg:$0x0]  }
0x2: {  	s3 =	rddreg [dreg:$0x1]  }
0x3: {  	s4 =	rddreg [dreg:$0x2];
	s5 =	simm.s32 $0x0;
	s6 =	stileid.u32  }
0x4: {  	s0 =	srdreg.scid;
	s15 =	simm.s32 $0x800;
	s16 =	simm.s32 $0x1000  }
0x5: {  	s17 =	simm.s32 $0x1800;
	s18 =	simm.s32 $0x1;
	s19 =	simm.s32 $0x2000  }
0x6: {  	s20 =	simm.s32 $0x2800;
	s21 =	simm.s32 $0x3000;
	s22 =	simm.s32 $0x3800  }
0x7: {  	s23 =	simm.s32 $0x4000;
	s24 =	simm.s32 $0x8000;
	s25 =	simm.s32 $0x2  }
0x8: {  	s30 =	simm.s32 $0x3;
	s31 =	simm.s32 $0x0;
	[smem:$0x7FF] =	sst s5  }
0x9: {  	s0 =	sand.u32 $0x1, s0;
	s2 =	sshll.u32 s6, $0x1;
	s7 =	sshll.u32 s6, $0x9  }
0xa: {  	s6 =	sadd.s32 $0x30E00, s1;
	_ =	strace $0x80000047;
	s2 =	sor.u32 s0, s2  }
0xb: {  	s0 =	ssub.s32 $0x2, s0;
	s7 =	sand.u32 $0x1800, s7;
	s8 =	smul.u32 $0xC350, s2  }
0xc: {  	s9 =	sshrl.u32 s0, $0x1;
	s7 =	sadd.s32 s7, s1;
	s2 =	sshll.u32 s2, $0x4  }
0xd: {  	s0 =	ssub.s32 s0, s9;
	s2 =	sand.u32 $0x70, s2;
	s26 =	sshrl.u32 s8, $0x3  }
0xe: {  	s11 =	sadd.s32 $0x7D0, s8;
	s12 =	sadd.s32 $0xFA0, s8;
	s10 =	sadd.s32 s6, s26  }
0xf: {  	s2 =	sadd.s32 s2, s7;
	s28 =	sadd.s32 s1, s26;
	[dreg:$0x4] =	wrdreg s10  }
0x10: {  	s14 =	smax.u32 s0, $0x1;
	s29 =	sadd.s32 s3, s26;
	[dreg:$0x5] =	wrdreg s28  }
0x11: {  	v0 =	vimm.f32 $0.0e+00;
	v1 =	vlaneseq.u32;
	v2 =	vimm.f32 $1.000000000e+00;
	s13 =	sadd.s32 $0x61C00, s2;
	[dreg:$0x6] =	wrdreg s29;
	s10 =	sadd.s32 s4, s26  }
.LBB2_1:
0x12: {  	s0 =	simm.s32 $0x4040  }
0x13: {  	[tilespmem:s0+$0x30] =	vst v0  }
0x14: {  	[tilespmem:s0+$0xFFFFFFF0] =	vst v0  }
0x15: {  	[tilespmem:s0+$0xFFFFFFC0] =	vst v0  }
0x16: {  	[tilespmem:s0+$0xFFFFFFE0] =	vst v0  }
0x17: {  	[tilespmem:s0+$0x10] =	vst v0  }
0x18: {  	[tilespmem:s0+$0x20] =	vst v0  }
0x19: {  	[tilespmem:s0+$0x0] =	vst v0  }
0x1a: {  	s2 =	simm.s32 $0x8040;
	[tilespmem:s0+$0xFFFFFFD0] =	vst v0  }
0x1b: {  	[tilespmem:s2+$0xFFFFFFC0] =	vst v0  }
0x1c: {  	[tilespmem:s2+$0x30] =	vst v0  }
0x1d: {  	[tilespmem:s2+$0x20] =	vst v0  }
0x1e: {  	[tilespmem:s2+$0x10] =	vst v0  }
0x1f: {  	[tilespmem:s2+$0xFFFFFFE0] =	vst v0  }
0x20: {  	[tilespmem:s2+$0x0] =	vst v0  }
0x21: {  	s7 =	simm.s32 $0x0;
	[tilespmem:s2+$0xFFFFFFF0] =	vst v0  }
.LBB2_2:
0x22: {  	s7 =	sadd.s32 $0x8, s7;
	[tilespmem:s2+$0xFFFFFFD0] =	vst v0;
	s0 =	sadd.s32 $0x80, s0;
	s2 =	sadd.s32 $0x80, s2  }
0x23: {  	[tilespmem:s0+$0x30] =	vst v0;
	p0 =	slt.u32 s7, $0x3F8  }
0x24: {  	[tilespmem:s0+$0xFFFFFFF0] =	vst v0  }
0x25: {  	[tilespmem:s0+$0xFFFFFFC0] =	vst v0  }
0x26: {  	[tilespmem:s2+$0xFFFFFFC0] =	vst v0  }
0x27: {  	[tilespmem:s2+$0x30] =	vst v0  }
0x28: {  	[tilespmem:s0+$0xFFFFFFE0] =	vst v0  }
0x29: {  	[tilespmem:s0+$0x10] =	vst v0  }
0x2a: {  	[tilespmem:s0+$0x20] =	vst v0  }
0x2b: {  	[tilespmem:s2+$0x20] =	vst v0  }
0x2c: {  	[tilespmem:s2+$0x10] =	vst v0  }
.Ltmp0:
0x2d: {  	[tilespmem:s2+$0xFFFFFFE0] =	vst v0;
	(pc) =	sbr.rel @p0 .LBB2_2-.Ltmp0, $4  }
0x2e: {  	[tilespmem:s0+$0x0] =	vst v0  }
0x2f: {  	[tilespmem:s2+$0x0] =	vst v0  }
0x30: {  	[tilespmem:s2+$0xFFFFFFF0] =	vst v0  }
0x31: {  	[tilespmem:s0+$0xFFFFFFD0] =	vst v0  }
0x32: {  	[tilespmem:s2+$0xFFFFFFD0] =	vst v0  }
0x33: {  	s0 =	simm.s32 $0x0;
	s2 =	rddreg [dreg:$0x4]  }
0x34: {  	[tilespmem:s0], [sflag:$0x1] =	stream.linear.gather [hbm4b:s2+s0], $0x7D0, $0x38;
	[tilespmem:$0xC800] =	vst v63  }
0x35: {  	s28 =	rddreg [dreg:$0x5]  }
0x36: {  	[tilespmem:s15], [sflag:$0x1] =	stream.linear.gather [hbm4b:s28+s0], $0x7D0, $0x38;
	[tilespmem:$0xC800] =	vst v63  }
0x37: {  	s29 =	rddreg [dreg:$0x6]  }
0x38: {  	[tilespmem:s16], [sflag:$0x1] =	stream.linear.gather [hbm4b:s29+s0], $0x7D0, $0x38;
	[tilespmem:$0xC800] =	vst v63  }
0x39: {  	_ = 	snop  }
0x3a: {  	[tilespmem:s17], [sflag:$0x1] =	stream.linear.gather [hbm4b:s10+s0], $0x7D0, $0x38;
	[tilespmem:$0xC800] =	vst v63  }
.LBB2_4:
0x3b: {  	_ =	swait.ge [sflag:s18], $0x7D0  }
0x3c: {  	[sflag:s18] =	ssyncset.done $0x0  }
0x3d: {  	[sflag:s18] =	ssyncadd.s32 $0xFFFFF830  }
0x3e: {  	_ =	swait.ge [sflag:s18], $0x7D0  }
0x3f: {  	[sflag:s18] =	ssyncset.done $0x0  }
0x40: {  	[sflag:s18] =	ssyncadd.s32 $0xFFFFF830  }
0x41: {  	_ =	swait.ge [sflag:s18], $0x7D0  }
0x42: {  	s2 =	smul.u32 $0xFA0, s0;
	[sflag:s18] =	ssyncset.done $0x0  }
0x43: {  	[sflag:s18] =	ssyncadd.s32 $0xFFFFF830  }
0x44: {  	s7 =	sadd.s32 s2, s11;
	_ =	swait.ge [sflag:s18], $0x7D0  }
0x45: {  	s7 =	sshrl.u32 s7, $0x3;
	[sflag:s18] =	ssyncset.done $0x0  }
0x46: {  	s8 =	sadd.s32 s6, s7;
	[sflag:s18] =	ssyncadd.s32 $0xFFFFF830  }
0x47: {  	[tilespmem:s19], [sflag:$0x2] =	stream.linear.gather [hbm4b:s8+s5], $0x7D0, $0x38;
	[tilespmem:$0xC800] =	vst v63  }
0x48: {  	s9 =	sadd.s32 s1, s7  }
0x49: {  	[tilespmem:s20], [sflag:$0x2] =	stream.linear.gather [hbm4b:s9+s5], $0x7D0, $0x38;
	[tilespmem:$0xC800] =	vst v63  }
0x4a: {  	s26 =	sadd.s32 s3, s7  }
0x4b: {  	[tilespmem:s21], [sflag:$0x2] =	stream.linear.gather [hbm4b:s26+s5], $0x7D0, $0x38;
	[tilespmem:$0xC800] =	vst v63  }
0x4c: {  	s7 =	sadd.s32 s4, s7;
	s8 =	simm.s32 $0x840  }
0x4d: {  	[tilespmem:s22], [sflag:$0x2] =	stream.linear.gather [hbm4b:s7+s5], $0x7D0, $0x38;
	[tilespmem:$0xC800] =	vst v63  }
0x4e: {  	s26 =	simm.s32 $0x1040;
	v3 =	vld [tilespmem:s8+$0x10]  }
0x4f: {  	v4 =	vld [tilespmem:s26+$0x10]  }
0x50: {  	s9 =	simm.s32 $0x40;
	v6 =	vld [tilespmem:s26+$0xFFFFFFD0]  }
0x51: {  	v5 =	vld [tilespmem:s9+$0x10]  }
0x52: {  	v7 =	vld [tilespmem:s26+$0xFFFFFFC0]  }
0x53: {  	v8 =	vld [tilespmem:s8+$0xFFFFFFC0]  }
0x54: {  	v9 =	vld [tilespmem:s8+$0x30]  }
0x55: {  	v10 =	vld [tilespmem:s9+$0xFFFFFFD0]  }
0x56: {  	v11 =	vld [tilespmem:s8+$0xFFFFFFD0]  }
0x57: {  	v12 =	vld [tilespmem:s8+$0xFFFFFFF0]  }
0x58: {  	v13 =	vld [tilespmem:s9+$0xFFFFFFE0]  }
0x59: {  	v15 =	vld [tilespmem:s26+$0xFFFFFFE0]  }
0x5a: {  	v14 =	vld [tilespmem:s8+$0xFFFFFFE0]  }
0x5b: {  	v16 =	vld [tilespmem:s9+$0x0];
	v3 =	vmul.f32 v3, v3;
	v5 =	vmul.f32 v5, v5  }
0x5c: {  	v17 =	vld [tilespmem:s8+$0x0];
	v4 =	vmul.f32 v4, v4;
	v12 =	vmul.f32 v12, v12  }
0x5d: {  	v18 =	vld [tilespmem:s26+$0x0];
	v11 =	vmul.f32 v11, v11;
	v10 =	vmul.f32 v10, v10  }
0x5e: {  	v20 =	vmul.f32 v8, v8;
	v8 =	vmul.f32 v15, v15;
	v15 =	vld [tilespmem:s9+$0x20];
	v3 =	vadd.f32 v3, v5  }
0x5f: {  	v9 =	vmul.f32 v9, v9;
	v6 =	vmul.f32 v6, v6;
	v10 =	vadd.f32 v11, v10  }
0x60: {  	v14 =	vmul.f32 v14, v14;
	v13 =	vmul.f32 v13, v13;
	v11 =	vld [tilespmem:s8+$0x20];
	v5 =	vadd.f32 v4, v3  }
0x61: {  	v3 =	vmul.f32 v7, v7;
	v4 =	vld [tilespmem:s9+$0xFFFFFFC0];
	v28 =	vadd.f32 v6, v10;
	v10 =	vmul.f32 v16, v16  }
0x62: {  	v6 =	vadd.f32 v14, v13;
	v13 =	vmul.f32 v17, v17;
	v14 =	vmul.f32 v18, v18  }
0x63: {  	v22 =	vld [tilespmem:s26+$0x30];
	v15 =	vmul.f32 v15, v15;
	v7 =	vmul.f32 $5.000000000e-01, v5;
	v19 =	vshra.s32 v5, $0x1  }
0x64: {  	v16 =	vld [tilespmem:s9+$0x30];
	v17 =	vshra.s32 v28, $0x1;
	v18 =	vmul.f32 $5.000000000e-01, v28;
	v8 =	vadd.f32 v8, v6  }
0x65: {  	v10 =	vadd.f32 v13, v10;
	v25 =	vsub.s32 $0x5F3759DF, v19;
	v17 =	vsub.s32 $0x5F3759DF, v17  }
0x66: {  	v19 =	vld [tilespmem:s9+$0xFFFFFFF0];
	v11 =	vmul.f32 v11, v11;
	v21 =	vshra.s32 v8, $0x1;
	v4 =	vmul.f32 v4, v4  }
0x67: {  	v6 =	vmul.f32 v25, v7;
	v13 =	vmul.f32 v17, v18;
	v26 =	vsub.s32 $0x5F3759DF, v21  }
0x68: {  	v21 =	vmul.f32 v22, v22;
	v20 =	vadd.f32 v20, v4;
	v4 =	vadd.f32 v14, v10  }
0x69: {  	v10 =	vmul.f32 v17, v13;
	v14 =	vadd.f32 v11, v15;
	v11 =	vmul.f32 v16, v16  }
0x6a: {  	v13 =	vmul.f32 v25, v6;
	v3 =	vadd.f32 v3, v20;
	v20 =	vmul.f32 $5.000000000e-01, v8  }
0x6b: {  	v6 =	vsub.f32 $1.500000000e+00, v10;
	v9 =	vadd.f32 v9, v11;
	v10 =	vmul.f32 v19, v19  }
0x6c: {  	v23 =	vld [tilespmem:s26+$0xFFFFFFF0];
	v16 =	vshra.s32 v4, $0x1;
	v31 =	vsub.f32 $1.500000000e+00, v13;
	v11 =	vshra.s32 v3, $0x1  }
0x6d: {  	v15 =	vld [tilespmem:s26+$0x20];
	v22 =	vmul.f32 v17, v6;
	v10 =	vadd.f32 v12, v10;
	v6 =	vadd.f32 v21, v9  }
0x6e: {  	v19 =	vmul.f32 $5.000000000e-01, v3;
	v27 =	vmul.f32 v26, v20;
	v17 =	vsub.s32 $0x5F3759DF, v11  }
0x6f: {  	s28 =	simm.s32 $0x1840;
	v11 =	vmul.f32 $5.000000000e-01, v4;
	v18 =	vmul.f32 v22, v18;
	v13 =	vshra.s32 v6, $0x1  }
0x70: {  	v9 =	vld [tilespmem:s28+$0xFFFFFFC0];
	v29 =	vmul.f32 v17, v19;
	v24 =	vsub.s32 $0x5F3759DF, v13;
	v13 =	vmul.f32 v26, v27  }
0x71: {  	v12 =	vsub.s32 $0x5F3759DF, v16;
	v16 =	vld [tilespmem:s28+$0x0];
	v27 =	vmul.f32 v23, v23;
	v18 =	vmul.f32 v18, v22  }
0x72: {  	v21 =	vld [tilespmem:s28+$0x30];
	v33 =	vmul.f32 v15, v15;
	v29 =	vmul.f32 v17, v29;
	v34 =	vsub.f32 $1.500000000e+00, v13  }
0x73: {  	v23 =	vmul.f32 v12, v11;
	v13 =	vld [tilespmem:s28+$0x20];
	v10 =	vadd.f32 v27, v10;
	v15 =	vsub.f32 $1.500000000e+00, v18  }
0x74: {  	v27 =	vld [tilespmem:s28+$0xFFFFFFF0];
	v18 =	vmul.f32 $5.000000000e-01, v6;
	v30 =	vsub.f32 $1.500000000e+00, v29;
	v29 =	vmul.f32 v26, v34  }
0x75: {  	v14 =	vadd.f32 v33, v14;
	v26 =	vmul.f32 v25, v31;
	v31 =	vld [tilespmem:s28+$0x10];
	v15 =	vmul.f32 v15, v22  }
0x76: {  	v25 =	vshra.s32 v10, $0x1;
	v22 =	vld [tilespmem:s28+$0xFFFFFFE0];
	v32 =	vmul.f32 v24, v18;
	v33 =	vmul.f32 v29, v20  }
0x77: {  	s29 =	simm.s32 $0x0;
	s7 =	simm.s32 $0xC0;
	s8 =	simm.s32 $0x8C0;
	v25 =	vsub.s32 $0x5F3759DF, v25;
	v20 =	vmul.f32 $5.000000000e-01, v10;
	v15 =	vmul.f32 v15, v28;
	v28 =	vld [tilespmem:s28+$0xFFFFFFD0]  }
.LBB2_5:
0x78: {  	v34 =	vld [tilespmem:s8+$0x10];
	s29 =	sadd.s32 $0x8, s29;
	v7 =	vmul.f32 v26, v7;
	v35 =	vshra.s32 v14, $0x1;
	v32 =	vmul.f32 v24, v32;
	s26 =	sadd.s32 $0x80, s26;
	s28 =	sadd.s32 $0x80, s28  }
0x79: {  	v17 =	vmul.f32 v17, v30;
	v36 =	vld [tilespmem:s26+$0x10];
	p0 =	slt.u32 s29, $0x70;
	v30 =	vmul.f32 v33, v29;
	v33 =	vshll.u32 v21, $0x4  }
0x7a: {  	v38 =	vmul.f32 $5.000000000e-01, v14;
	v35 =	vsub.s32 $0x5F3759DF, v35;
	v37 =	vld [tilespmem:s26+$0xFFFFFFD0];
	v32 =	vsub.f32 $1.500000000e+00, v32  }
0x7b: {  	v40 =	vmul.f32 v17, v19;
	v7 =	vmul.f32 v7, v26;
	v39 =	vld [tilespmem:s26+$0xFFFFFFC0];
	v19 =	vsub.f32 $1.500000000e+00, v30  }
0x7c: {  	v21 =	vld [tilespmem:s8+$0x20];
	v30 =	vshll.u32 v31, $0x4;
	v31 =	vmul.f32 v35, v38;
	v24 =	vmul.f32 v24, v32  }
0x7d: {  	v28 =	vshll.u32 v28, $0x4;
	v7 =	vsub.f32 $1.500000000e+00, v7;
	v32 =	vld [tilespmem:s8+$0xFFFFFFC0];
	v29 =	vmul.f32 v19, v29  }
0x7e: {  	v16 =	vshll.u32 v16, $0x4;
	v41 =	vmul.f32 v25, v20;
	v34 =	vmul.f32 v34, v34;
	v19 =	vld [tilespmem:s7+$0x20]  }
0x7f: {  	v27 =	vshll.u32 v27, $0x4;
	v42 =	vld [tilespmem:s7+$0x10];
	v8 =	vmul.f32 v29, v8;
	v29 =	vmul.f32 v35, v31  }
0x80: {  	v23 =	vmul.f32 v12, v23;
	v22 =	vshll.u32 v22, $0x4;
	v41 =	vmul.f32 v25, v41;
	v31 =	vld [tilespmem:s8+$0x30]  }
0x81: {  	v44 =	vmul.f32 v24, v18;
	v18 =	vor.u32 v1, v33;
	v43 =	vld [tilespmem:s7+$0xFFFFFFD0];
	v29 =	vsub.f32 $1.500000000e+00, v29  }
0x82: {  	v41 =	vsub.f32 $1.500000000e+00, v41;
	v7 =	vmul.f32 v7, v26;
	v26 =	vor.u32 v1, v30;
	v33 =	vld [tilespmem:s8+$0xFFFFFFD0]  }
0x83: {  	v23 =	vsub.f32 $1.500000000e+00, v23;
	v36 =	vmul.f32 v36, v36;
	v30 =	vld [tilespmem:s7+$0xFFFFFFE0];
	v29 =	vmul.f32 v35, v29  }
0x84: {  	v28 =	vor.u32 v1, v28;
	v5 =	vmul.f32 v7, v5;
	v35 =	vld [tilespmem:s8+$0xFFFFFFF0];
	v42 =	vmul.f32 v42, v42  }
0x85: {  	v16 =	vor.u32 v1, v16;
	v12 =	vmul.f32 v12, v23;
	v45 =	vld [tilespmem:s26+$0xFFFFFFE0];
	v7 =	vmul.f32 v29, v38  }
0x86: {  	v25 =	vmul.f32 v25, v41;
	v38 =	vmul.f32 v44, v24;
	v23 =	vld [tilespmem:s8+$0xFFFFFFE0];
	v34 =	vadd.f32 v34, v42  }
0x87: {  	v9 =	vshll.u32 v9, $0x4;
	[tilespmem:v26+s23+$0x0] =	vst.idx.add.f32.msk $0xffff, v5;
	v7 =	vmul.f32 v7, v29  }
0x88: {  	v27 =	vor.u32 v1, v27;
	v11 =	vmul.f32 v12, v11;
	[tilespmem:v26+s24+$0x0] =	vst.idx.add.f32.msk $0xffff, v2;
	v26 =	vsub.f32 $1.500000000e+00, v38  }
0x89: {  	v5 =	vadd.f32 v36, v34;
	v34 =	vor.u32 v1, v9;
	v9 =	vmul.f32 v25, v20;
	v38 =	vld [tilespmem:s7+$0xFFFFFFF0]  }
0x8a: {  	v20 =	vmul.f32 v39, v39;
	[tilespmem:v28+s23+$0x0] =	vst.idx.add.f32.msk $0xffff, v15;
	v15 =	vsub.f32 $1.500000000e+00, v7;
	v24 =	vmul.f32 v26, v24  }
0x8b: {  	v35 =	vmul.f32 v35, v35;
	v36 =	vshra.s32 v5, $0x1;
	v7 =	vmul.f32 $5.000000000e-01, v5;
	v26 =	vld [tilespmem:s7+$0xFFFFFFC0]  }
0x8c: {  	v22 =	vor.u32 v1, v22;
	v31 =	vmul.f32 v31, v31;
	v9 =	vmul.f32 v9, v25;
	v39 =	vld [tilespmem:s7+$0x0]  }
0x8d: {  	v13 =	vshll.u32 v13, $0x4;
	v23 =	vmul.f32 v23, v23;
	v15 =	vmul.f32 v15, v29;
	v41 =	vld [tilespmem:s8+$0x0]  }
0x8e: {  	v13 =	vor.u32 v1, v13;
	v40 =	vmul.f32 v40, v17;
	v29 =	vmul.f32 v30, v30;
	v30 =	vld [tilespmem:s26+$0x0]  }
0x8f: {  	v33 =	vmul.f32 v33, v33;
	v9 =	vsub.f32 $1.500000000e+00, v9;
	v14 =	vmul.f32 v15, v14;
	[tilespmem:v28+s24+$0x0] =	vst.idx.add.f32.msk $0xffff, v2  }
0x90: {  	v6 =	vmul.f32 v24, v6;
	v15 =	vmul.f32 v43, v43;
	v28 =	vsub.f32 $1.500000000e+00, v40  }
0x91: {  	v24 =	vmul.f32 v32, v32;
	[tilespmem:v22+s23+$0x0] =	vst.idx.add.f32.msk $0xffff, v8;
	v8 =	vmul.f32 v9, v25  }
0x92: {  	v9 =	vadd.f32 v33, v15;
	v15 =	vmul.f32 v45, v45;
	v25 =	vld [tilespmem:s26+$0xFFFFFFF0]  }
0x93: {  	v32 =	vmul.f32 v37, v37;
	v33 =	vsub.s32 $0x5F3759DF, v36;
	v10 =	vmul.f32 v8, v10;
	[tilespmem:v13+s23+$0x0] =	vst.idx.add.f32.msk $0xffff, v14  }
0x94: {  	v14 =	vmul.f32 v26, v26;
	v8 =	vadd.f32 v23, v29;
	v23 =	vmul.f32 v39, v39  }
0x95: {  	v36 =	vadd.f32 v32, v9;
	v9 =	vmul.f32 v41, v41;
	v26 =	vmul.f32 v30, v30  }
0x96: {  	v11 =	vmul.f32 v11, v12;
	v8 =	vadd.f32 v15, v8;
	v15 =	vmul.f32 v33, v7;
	v29 =	vld [tilespmem:s7+$0x30]  }
0x97: {  	v21 =	vmul.f32 v21, v21;
	v17 =	vmul.f32 v28, v17;
	v30 =	vshra.s32 v36, $0x1;
	[tilespmem:v27+s23+$0x0] =	vst.idx.add.f32.msk $0xffff, v10  }
0x98: {  	v9 =	vadd.f32 v9, v23;
	v10 =	vmul.f32 $5.000000000e-01, v36;
	v28 =	vshra.s32 v8, $0x1;
	[tilespmem:v22+s24+$0x0] =	vst.idx.add.f32.msk $0xffff, v2  }
0x99: {  	v19 =	vmul.f32 v19, v19;
	v14 =	vadd.f32 v24, v14;
	v22 =	vsub.s32 $0x5F3759DF, v30;
	v23 =	vld [tilespmem:s26+$0x30]  }
0x9a: {  	v11 =	vsub.f32 $1.500000000e+00, v11;
	v28 =	vsub.s32 $0x5F3759DF, v28;
	v24 =	vmul.f32 v22, v10;
	[tilespmem:v27+s24+$0x0] =	vst.idx.add.f32.msk $0xffff, v2  }
0x9b: {  	v37 =	vadd.f32 v21, v19;
	v9 =	vadd.f32 v26, v9;
	v26 =	vld [tilespmem:s26+$0x20];
	v19 =	vmul.f32 v29, v29  }
0x9c: {  	v11 =	vmul.f32 v11, v12;
	v14 =	vadd.f32 v20, v14;
	v20 =	vmul.f32 v22, v24  }
0x9d: {  	v39 =	vmul.f32 $5.000000000e-01, v8;
	v15 =	vmul.f32 v33, v15;
	v12 =	vadd.f32 v31, v19;
	[tilespmem:v18+s23+$0x0] =	vst.idx.add.f32.msk $0xffff, v6  }
0x9e: {  	v11 =	vmul.f32 v11, v4;
	v6 =	vsub.f32 $1.500000000e+00, v20;
	v19 =	vmul.f32 v38, v38;
	[tilespmem:v18+s24+$0x0] =	vst.idx.add.f32.msk $0xffff, v2  }
0x9f: {  	v4 =	vmovc v9;
	v20 =	vshra.s32 v9, $0x1;
	v18 =	vshra.s32 v14, $0x1;
	v21 =	vmul.f32 v23, v23;
	[tilespmem:v13+s24+$0x0] =	vst.idx.add.f32.msk $0xffff, v2  }
0xa0: {  	v22 =	vmul.f32 v22, v6;
	v27 =	vadd.f32 v35, v19;
	v13 =	vmul.f32 v17, v3;
	v3 =	vmovc v14;
	v9 =	vld [tilespmem:s28+$0xFFFFFFC0]  }
0xa1: {  	v14 =	vmul.f32 v28, v39;
	v19 =	vmul.f32 $5.000000000e-01, v3;
	v6 =	vadd.f32 v21, v12;
	[tilespmem:v16+s23+$0x0] =	vst.idx.add.f32.msk $0xffff, v11  }
0xa2: {  	v15 =	vsub.f32 $1.500000000e+00, v15;
	v12 =	vsub.s32 $0x5F3759DF, v20;
	v10 =	vmul.f32 v22, v10;
	[tilespmem:v34+s23+$0x0] =	vst.idx.add.f32.msk $0xffff, v13  }
0xa3: {  	v17 =	vsub.s32 $0x5F3759DF, v18;
	v11 =	vmul.f32 $5.000000000e-01, v4;
	v13 =	vshra.s32 v6, $0x1;
	[tilespmem:v34+s24+$0x0] =	vst.idx.add.f32.msk $0xffff, v2  }
0xa4: {  	v20 =	vmul.f32 v17, v19;
	v10 =	vmul.f32 v10, v22;
	v24 =	vsub.s32 $0x5F3759DF, v13;
	[tilespmem:v16+s24+$0x0] =	vst.idx.add.f32.msk $0xffff, v2  }
0xa5: {  	v13 =	vmul.f32 v28, v14;
	v14 =	vmul.f32 v26, v26;
	v16 =	vld [tilespmem:s28+$0x0]  }
0xa6: {  	v25 =	vmul.f32 v25, v25;
	v18 =	vmul.f32 $5.000000000e-01, v6;
	v10 =	vsub.f32 $1.500000000e+00, v10;
	v21 =	vld [tilespmem:s28+$0x30]  }
.Ltmp1:
0xa7: {  	v23 =	vmul.f32 v12, v11;
	v20 =	vmul.f32 v17, v20;
	v26 =	vsub.f32 $1.500000000e+00, v13;
	v13 =	vld [tilespmem:s28+$0x20];
	(pc) =	sbr.rel @p0 .LBB2_5-.Ltmp1, $4  }
0xa8: {  	v32 =	vmul.f32 v24, v18;
	v31 =	vmul.f32 v10, v22;
	v10 =	vadd.f32 v25, v27;
	v22 =	vld [tilespmem:s28+$0xFFFFFFE0]  }
0xa9: {  	v30 =	vsub.f32 $1.500000000e+00, v20;
	v29 =	vmul.f32 v28, v26;
	v26 =	vmul.f32 v33, v15;
	v27 =	vld [tilespmem:s28+$0xFFFFFFF0]  }
0xaa: {  	v14 =	vadd.f32 v14, v37;
	v15 =	vmul.f32 v31, v36;
	v20 =	vshra.s32 v10, $0x1;
	v28 =	vld [tilespmem:s28+$0xFFFFFFD0]  }
0xab: {  	s9 =	simm.s32 $0x0;
	s8 =	sadd.s32 $0x80, s8;
	s7 =	sadd.s32 $0x80, s7;
	v33 =	vmul.f32 v29, v39;
	v25 =	vsub.s32 $0x5F3759DF, v20;
	v20 =	vmul.f32 $5.000000000e-01, v10;
	v31 =	vld [tilespmem:s28+$0x10]  }
0xac: {  	v35 =	vmul.f32 $5.000000000e-01, v14  }
0xad: {  	v32 =	vmul.f32 v24, v32;
	v17 =	vmul.f32 v17, v30  }
0xae: {  	v34 =	vshra.s32 v14, $0x1;
	v7 =	vmul.f32 v26, v7;
	v23 =	vmul.f32 v12, v23  }
0xaf: {  	v13 =	vshll.u32 v13, $0x4;
	v21 =	vshll.u32 v21, $0x4;
	v58 =	vshll.u32 v16, $0x4  }
0xb0: {  	v33 =	vmul.f32 v33, v29;
	v34 =	vsub.s32 $0x5F3759DF, v34;
	v43 =	vmul.f32 v25, v20  }
0xb1: {  	v22 =	vshll.u32 v22, $0x4;
	v52 =	vor.u32 v1, v13;
	v41 =	vmul.f32 v34, v35  }
0xb2: {  	v32 =	vsub.f32 $1.500000000e+00, v32;
	v7 =	vmul.f32 v7, v26;
	v23 =	vsub.f32 $1.500000000e+00, v23  }
0xb3: {  	v22 =	vor.u32 v1, v22;
	v33 =	vsub.f32 $1.500000000e+00, v33;
	v28 =	vshll.u32 v28, $0x4  }
0xb4: {  	v30 =	vmul.f32 v34, v41;
	v31 =	vshll.u32 v31, $0x4;
	v44 =	vmul.f32 v24, v32  }
0xb5: {  	v7 =	vsub.f32 $1.500000000e+00, v7;
	v28 =	vor.u32 v1, v28;
	v51 =	vmul.f32 v12, v23  }
0xb6: {  	v42 =	vmul.f32 v33, v29;
	v33 =	vmul.f32 v25, v43;
	v48 =	vor.u32 v1, v31  }
0xb7: {  	v30 =	vsub.f32 $1.500000000e+00, v30;
	v7 =	vmul.f32 v7, v26;
	v18 =	vmul.f32 v44, v18  }
0xb8: {  	v11 =	vmul.f32 v51, v11;
	v45 =	vsub.f32 $1.500000000e+00, v33;
	v8 =	vmul.f32 v42, v8  }
0xb9: {  	v55 =	vor.u32 v1, v21;
	v46 =	vmul.f32 v34, v30;
	v18 =	vmul.f32 v18, v44  }
0xba: {  	v61 =	vor.u32 v1, v58;
	v57 =	vmul.f32 v11, v51;
	v47 =	vmul.f32 v25, v45  }
0xbb: {  	v5 =	vmul.f32 v7, v5;
	[tilespmem:v28+s23+$0x0] =	vst.idx.add.f32.msk $0xffff, v15;
	v30 =	vmul.f32 v46, v35;
	v18 =	vsub.f32 $1.500000000e+00, v18  }
0xbc: {  	v19 =	vmul.f32 v17, v19;
	[tilespmem:v22+s23+$0x0] =	vst.idx.add.f32.msk $0xffff, v8;
	v62 =	vsub.f32 $1.500000000e+00, v57;
	v49 =	vmul.f32 v47, v20  }
0xbd: {  	[tilespmem:v48+s23+$0x0] =	vst.idx.add.f32.msk $0xffff, v5;
	v50 =	vmul.f32 v30, v46;
	v59 =	vmul.f32 v18, v44  }
0xbe: {  	[tilespmem:v28+s24+$0x0] =	vst.idx.add.f32.msk $0xffff, v2;
	v8 =	vmul.f32 v62, v51;
	v20 =	vmul.f32 v49, v47  }
0xbf: {  	v27 =	vshll.u32 v27, $0x4;
	[tilespmem:v22+s24+$0x0] =	vst.idx.add.f32.msk $0xffff, v2;
	v7 =	vsub.f32 $1.500000000e+00, v50;
	v6 =	vmul.f32 v59, v6  }
0xc0: {  	v54 =	vor.u32 v1, v27;
	[tilespmem:v48+s24+$0x0] =	vst.idx.add.f32.msk $0xffff, v2;
	v4 =	vmul.f32 v8, v4;
	v53 =	vsub.f32 $1.500000000e+00, v20  }
0xc1: {  	v60 =	vmul.f32 v19, v17;
	v7 =	vmul.f32 v7, v46;
	[tilespmem:v55+s23+$0x0] =	vst.idx.add.f32.msk $0xffff, v6  }
0xc2: {  	[tilespmem:v61+s23+$0x0] =	vst.idx.add.f32.msk $0xffff, v4;
	v13 =	vmul.f32 v53, v47  }
0xc3: {  	v9 =	vshll.u32 v9, $0x4;
	v63 =	vsub.f32 $1.500000000e+00, v60;
	[tilespmem:v55+s24+$0x0] =	vst.idx.add.f32.msk $0xffff, v2;
	v7 =	vmul.f32 v7, v14  }
0xc4: {  	v9 =	vor.u32 v1, v9;
	[tilespmem:v61+s24+$0x0] =	vst.idx.add.f32.msk $0xffff, v2;
	v56 =	vmul.f32 v13, v10  }
0xc5: {  	v10 =	vmul.f32 v63, v17;
	[tilespmem:v52+s23+$0x0] =	vst.idx.add.f32.msk $0xffff, v7  }
0xc6: {  	[tilespmem:v54+s23+$0x0] =	vst.idx.add.f32.msk $0xffff, v56  }
0xc7: {  	[tilespmem:v52+s24+$0x0] =	vst.idx.add.f32.msk $0xffff, v2;
	v3 =	vmul.f32 v10, v3  }
0xc8: {  	[tilespmem:v54+s24+$0x0] =	vst.idx.add.f32.msk $0xffff, v2  }
0xc9: {  	[tilespmem:v9+s23+$0x0] =	vst.idx.add.f32.msk $0xffff, v3  }
0xca: {  	[tilespmem:v9+s24+$0x0] =	vst.idx.add.f32.msk $0xffff, v2  }
.LBB2_7:
0xcb: {  	s7 =	sshra.s32 s9, $0x2  }
0xcc: {  	v3 =	vld [tilespmem:s7+$0x780]  }
0xcd: {  	v4 =	vld [tilespmem:s7+$0xF80];
	_ =	sdelay $0x1  }
0xce: {  	v5 =	vld [tilespmem:s7+$0x1780];
	_ =	sdelay $0x2  }
0xcf: {  	v3 =	vmul.f32 v3, v3;
	v4 =	vmul.f32 v4, v4;
	_ =	sdelay $0x1  }
0xd0: {  	v61 =	vmul.f32 v5, v5;
	v3 =	vadd.f32 v4, v3;
	_ =	sdelay $0x1  }
0xd1: {  	v3 =	vadd.f32 v61, v3;
	_ =	sdelay $0x1  }
0xd2: {  	v4 =	vshra.s32 v3, $0x1;
	v62 =	vmul.f32 $5.000000000e-01, v3  }
0xd3: {  	v4 =	vsub.s32 $0x5F3759DF, v4  }
0xd4: {  	v6 =	vmul.f32 v4, v62;
	_ =	sdelay $0x1  }
0xd5: {  	v6 =	vmul.f32 v4, v6;
	_ =	sdelay $0x1  }
0xd6: {  	v6 =	vsub.f32 $1.500000000e+00, v6;
	_ =	sdelay $0x1  }
0xd7: {  	v4 =	vmul.f32 v4, v6  }
0xd8: {  	v63 =	vld [tilespmem:s7+$0x1F80]  }
0xd9: {  	v5 =	vmul.f32 v4, v62;
	_ =	sdelay $0x1  }
0xda: {  	v5 =	vmul.f32 v5, v4;
	_ =	sdelay $0x1  }
0xdb: {  	v6 =	vshll.u32 v63, $0x4;
	v5 =	vsub.f32 $1.500000000e+00, v5  }
0xdc: {  	v6 =	vor.u32 v1, v6  }
0xdd: {  	p0 =	sne.s32 s9, $0x100;
	v4 =	vmul.f32 v5, v4  }
.Ltmp2:
0xde: {  	_ = 	snop;
	(pc) =	sbr.rel @p0 .LBB2_7-.Ltmp2, $3  }
0xdf: {  	v3 =	vmul.f32 v4, v3;
	_ =	sdelay $0x1  }
0xe0: {  	[tilespmem:v6+s23+$0x0] =	vst.idx.add.f32.msk $0xffff, v3  }
0xe1: {  	s9 =	sadd.s32 $0x40, s9;
	[tilespmem:v6+s24+$0x0] =	vst.idx.add.f32.msk $0xffff, v2  }
0xe2: {  	s2 =	sadd.s32 s2, s12  }
0xe3: {  	s2 =	sshrl.u32 s2, $0x3  }
0xe4: {  	s7 =	sadd.s32 s6, s2  }
0xe5: {  	[tilespmem:s5], [sflag:$0x1] =	stream.linear.gather [hbm4b:s7+s5], $0x7D0, $0x38;
	[tilespmem:$0xC800] =	vst v63  }
0xe6: {  	s9 =	sadd.s32 s1, s2  }
0xe7: {  	[tilespmem:s15], [sflag:$0x1] =	stream.linear.gather [hbm4b:s9+s5], $0x7D0, $0x38;
	[tilespmem:$0xC800] =	vst v63  }
0xe8: {  	s26 =	sadd.s32 s3, s2  }
0xe9: {  	[tilespmem:s16], [sflag:$0x1] =	stream.linear.gather [hbm4b:s26+s5], $0x7D0, $0x38;
	[tilespmem:$0xC800] =	vst v63  }
0xea: {  	s2 =	sadd.s32 s4, s2  }
0xeb: {  	[tilespmem:s17], [sflag:$0x1] =	stream.linear.gather [hbm4b:s2+s5], $0x7D0, $0x38;
	[tilespmem:$0xC800] =	vst v63  }
0xec: {  	_ =	swait.ge [sflag:s25], $0x7D0  }
0xed: {  	[sflag:s25] =	ssyncset.done $0x0  }
0xee: {  	[sflag:s25] =	ssyncadd.s32 $0xFFFFF830  }
0xef: {  	_ =	swait.ge [sflag:s25], $0x7D0  }
0xf0: {  	[sflag:s25] =	ssyncset.done $0x0  }
0xf1: {  	[sflag:s25] =	ssyncadd.s32 $0xFFFFF830  }
0xf2: {  	_ =	swait.ge [sflag:s25], $0x7D0  }
0xf3: {  	[sflag:s25] =	ssyncset.done $0x0  }
0xf4: {  	[sflag:s25] =	ssyncadd.s32 $0xFFFFF830  }
0xf5: {  	_ =	swait.ge [sflag:s25], $0x7D0  }
0xf6: {  	[sflag:s25] =	ssyncset.done $0x0  }
0xf7: {  	s29 =	simm.s32 $0x2840;
	[sflag:s25] =	ssyncadd.s32 $0xFFFFF830  }
0xf8: {  	s2 =	simm.s32 $0x3040;
	v3 =	vld [tilespmem:s29+$0x10]  }
0xf9: {  	v4 =	vld [tilespmem:s2+$0x10]  }
0xfa: {  	s8 =	simm.s32 $0x2040;
	v6 =	vld [tilespmem:s2+$0xFFFFFFD0]  }
0xfb: {  	v5 =	vld [tilespmem:s8+$0x10]  }
0xfc: {  	v7 =	vld [tilespmem:s2+$0xFFFFFFC0]  }
0xfd: {  	v8 =	vld [tilespmem:s29+$0xFFFFFFC0]  }
0xfe: {  	v9 =	vld [tilespmem:s29+$0x30]  }
0xff: {  	v10 =	vld [tilespmem:s8+$0xFFFFFFD0]  }
0x100: {  	v11 =	vld [tilespmem:s29+$0xFFFFFFD0]  }
0x101: {  	v12 =	vld [tilespmem:s29+$0xFFFFFFF0]  }
0x102: {  	v13 =	vld [tilespmem:s8+$0xFFFFFFE0]  }
0x103: {  	v15 =	vld [tilespmem:s2+$0xFFFFFFE0]  }
0x104: {  	v14 =	vld [tilespmem:s29+$0xFFFFFFE0]  }
0x105: {  	v16 =	vld [tilespmem:s8+$0x0];
	v3 =	vmul.f32 v3, v3;
	v5 =	vmul.f32 v5, v5  }
0x106: {  	v17 =	vld [tilespmem:s29+$0x0];
	v4 =	vmul.f32 v4, v4;
	v12 =	vmul.f32 v12, v12  }
0x107: {  	v18 =	vld [tilespmem:s2+$0x0];
	v11 =	vmul.f32 v11, v11;
	v10 =	vmul.f32 v10, v10  }
0x108: {  	v20 =	vmul.f32 v8, v8;
	v8 =	vmul.f32 v15, v15;
	v15 =	vld [tilespmem:s8+$0x20];
	v3 =	vadd.f32 v3, v5  }
0x109: {  	v9 =	vmul.f32 v9, v9;
	v6 =	vmul.f32 v6, v6;
	v10 =	vadd.f32 v11, v10  }
0x10a: {  	v14 =	vmul.f32 v14, v14;
	v13 =	vmul.f32 v13, v13;
	v11 =	vld [tilespmem:s29+$0x20];
	v5 =	vadd.f32 v4, v3  }
0x10b: {  	v3 =	vmul.f32 v7, v7;
	v4 =	vld [tilespmem:s8+$0xFFFFFFC0];
	v28 =	vadd.f32 v6, v10;
	v10 =	vmul.f32 v16, v16  }
0x10c: {  	v6 =	vadd.f32 v14, v13;
	v13 =	vmul.f32 v17, v17;
	v14 =	vmul.f32 v18, v18  }
0x10d: {  	v22 =	vld [tilespmem:s2+$0x30];
	v15 =	vmul.f32 v15, v15;
	v7 =	vmul.f32 $5.000000000e-01, v5;
	v19 =	vshra.s32 v5, $0x1  }
0x10e: {  	v16 =	vld [tilespmem:s8+$0x30];
	v17 =	vshra.s32 v28, $0x1;
	v18 =	vmul.f32 $5.000000000e-01, v28;
	v8 =	vadd.f32 v8, v6  }
0x10f: {  	v10 =	vadd.f32 v13, v10;
	v25 =	vsub.s32 $0x5F3759DF, v19;
	v17 =	vsub.s32 $0x5F3759DF, v17  }
0x110: {  	v19 =	vld [tilespmem:s8+$0xFFFFFFF0];
	v11 =	vmul.f32 v11, v11;
	v21 =	vshra.s32 v8, $0x1;
	v4 =	vmul.f32 v4, v4  }
0x111: {  	v6 =	vmul.f32 v25, v7;
	v13 =	vmul.f32 v17, v18;
	v26 =	vsub.s32 $0x5F3759DF, v21  }
0x112: {  	v21 =	vmul.f32 v22, v22;
	v20 =	vadd.f32 v20, v4;
	v4 =	vadd.f32 v14, v10  }
0x113: {  	v10 =	vmul.f32 v17, v13;
	v14 =	vadd.f32 v11, v15;
	v11 =	vmul.f32 v16, v16  }
0x114: {  	v13 =	vmul.f32 v25, v6;
	v3 =	vadd.f32 v3, v20;
	v20 =	vmul.f32 $5.000000000e-01, v8  }
0x115: {  	v6 =	vsub.f32 $1.500000000e+00, v10;
	v9 =	vadd.f32 v9, v11;
	v10 =	vmul.f32 v19, v19  }
0x116: {  	v23 =	vld [tilespmem:s2+$0xFFFFFFF0];
	v16 =	vshra.s32 v4, $0x1;
	v31 =	vsub.f32 $1.500000000e+00, v13;
	v11 =	vshra.s32 v3, $0x1  }
0x117: {  	v15 =	vld [tilespmem:s2+$0x20];
	v22 =	vmul.f32 v17, v6;
	v10 =	vadd.f32 v12, v10;
	v6 =	vadd.f32 v21, v9  }
0x118: {  	v19 =	vmul.f32 $5.000000000e-01, v3;
	v27 =	vmul.f32 v26, v20;
	v17 =	vsub.s32 $0x5F3759DF, v11  }
0x119: {  	s26 =	simm.s32 $0x3840;
	v11 =	vmul.f32 $5.000000000e-01, v4;
	v18 =	vmul.f32 v22, v18;
	v13 =	vshra.s32 v6, $0x1  }
0x11a: {  	v9 =	vld [tilespmem:s26+$0xFFFFFFC0];
	v29 =	vmul.f32 v17, v19;
	v24 =	vsub.s32 $0x5F3759DF, v13;
	v13 =	vmul.f32 v26, v27  }
0x11b: {  	v12 =	vsub.s32 $0x5F3759DF, v16;
	v16 =	vld [tilespmem:s26+$0x0];
	v27 =	vmul.f32 v23, v23;
	v18 =	vmul.f32 v18, v22  }
0x11c: {  	v21 =	vld [tilespmem:s26+$0x30];
	v33 =	vmul.f32 v15, v15;
	v29 =	vmul.f32 v17, v29;
	v34 =	vsub.f32 $1.500000000e+00, v13  }
0x11d: {  	v23 =	vmul.f32 v12, v11;
	v13 =	vld [tilespmem:s26+$0x20];
	v10 =	vadd.f32 v27, v10;
	v15 =	vsub.f32 $1.500000000e+00, v18  }
0x11e: {  	v27 =	vld [tilespmem:s26+$0xFFFFFFF0];
	v18 =	vmul.f32 $5.000000000e-01, v6;
	v30 =	vsub.f32 $1.500000000e+00, v29;
	v29 =	vmul.f32 v26, v34  }
0x11f: {  	v14 =	vadd.f32 v33, v14;
	v26 =	vmul.f32 v25, v31;
	v31 =	vld [tilespmem:s26+$0x10];
	v15 =	vmul.f32 v15, v22  }
0x120: {  	v25 =	vshra.s32 v10, $0x1;
	v22 =	vld [tilespmem:s26+$0xFFFFFFE0];
	v32 =	vmul.f32 v24, v18;
	v33 =	vmul.f32 v29, v20  }
0x121: {  	s28 =	simm.s32 $0x0;
	s7 =	simm.s32 $0x20C0;
	s8 =	simm.s32 $0x28C0;
	v25 =	vsub.s32 $0x5F3759DF, v25;
	v20 =	vmul.f32 $5.000000000e-01, v10;
	v15 =	vmul.f32 v15, v28;
	v28 =	vld [tilespmem:s26+$0xFFFFFFD0]  }
.LBB2_9:
0x122: {  	v34 =	vld [tilespmem:s8+$0x10];
	s28 =	sadd.s32 $0x8, s28;
	v7 =	vmul.f32 v26, v7;
	v35 =	vshra.s32 v14, $0x1;
	v32 =	vmul.f32 v24, v32;
	s2 =	sadd.s32 $0x80, s2;
	s26 =	sadd.s32 $0x80, s26  }
0x123: {  	v17 =	vmul.f32 v17, v30;
	v36 =	vld [tilespmem:s2+$0x10];
	p0 =	slt.u32 s28, $0x70;
	v30 =	vmul.f32 v33, v29;
	v33 =	vshll.u32 v21, $0x4  }
0x124: {  	v38 =	vmul.f32 $5.000000000e-01, v14;
	v35 =	vsub.s32 $0x5F3759DF, v35;
	v37 =	vld [tilespmem:s2+$0xFFFFFFD0];
	v32 =	vsub.f32 $1.500000000e+00, v32  }
0x125: {  	v40 =	vmul.f32 v17, v19;
	v7 =	vmul.f32 v7, v26;
	v39 =	vld [tilespmem:s2+$0xFFFFFFC0];
	v19 =	vsub.f32 $1.500000000e+00, v30  }
0x126: {  	v21 =	vld [tilespmem:s8+$0x20];
	v30 =	vshll.u32 v31, $0x4;
	v31 =	vmul.f32 v35, v38;
	v24 =	vmul.f32 v24, v32  }
0x127: {  	v28 =	vshll.u32 v28, $0x4;
	v7 =	vsub.f32 $1.500000000e+00, v7;
	v32 =	vld [tilespmem:s8+$0xFFFFFFC0];
	v29 =	vmul.f32 v19, v29  }
0x128: {  	v16 =	vshll.u32 v16, $0x4;
	v41 =	vmul.f32 v25, v20;
	v34 =	vmul.f32 v34, v34;
	v19 =	vld [tilespmem:s7+$0x20]  }
0x129: {  	v27 =	vshll.u32 v27, $0x4;
	v42 =	vld [tilespmem:s7+$0x10];
	v8 =	vmul.f32 v29, v8;
	v29 =	vmul.f32 v35, v31  }
0x12a: {  	v23 =	vmul.f32 v12, v23;
	v22 =	vshll.u32 v22, $0x4;
	v41 =	vmul.f32 v25, v41;
	v31 =	vld [tilespmem:s8+$0x30]  }
0x12b: {  	v44 =	vmul.f32 v24, v18;
	v18 =	vor.u32 v1, v33;
	v43 =	vld [tilespmem:s7+$0xFFFFFFD0];
	v29 =	vsub.f32 $1.500000000e+00, v29  }
0x12c: {  	v41 =	vsub.f32 $1.500000000e+00, v41;
	v7 =	vmul.f32 v7, v26;
	v26 =	vor.u32 v1, v30;
	v33 =	vld [tilespmem:s8+$0xFFFFFFD0]  }
0x12d: {  	v23 =	vsub.f32 $1.500000000e+00, v23;
	v36 =	vmul.f32 v36, v36;
	v30 =	vld [tilespmem:s7+$0xFFFFFFE0];
	v29 =	vmul.f32 v35, v29  }
0x12e: {  	v28 =	vor.u32 v1, v28;
	v5 =	vmul.f32 v7, v5;
	v35 =	vld [tilespmem:s8+$0xFFFFFFF0];
	v42 =	vmul.f32 v42, v42  }
0x12f: {  	v16 =	vor.u32 v1, v16;
	v12 =	vmul.f32 v12, v23;
	v45 =	vld [tilespmem:s2+$0xFFFFFFE0];
	v7 =	vmul.f32 v29, v38  }
0x130: {  	v25 =	vmul.f32 v25, v41;
	v38 =	vmul.f32 v44, v24;
	v23 =	vld [tilespmem:s8+$0xFFFFFFE0];
	v34 =	vadd.f32 v34, v42  }
0x131: {  	v9 =	vshll.u32 v9, $0x4;
	[tilespmem:v26+s23+$0x0] =	vst.idx.add.f32.msk $0xffff, v5;
	v7 =	vmul.f32 v7, v29  }
0x132: {  	v27 =	vor.u32 v1, v27;
	v11 =	vmul.f32 v12, v11;
	[tilespmem:v26+s24+$0x0] =	vst.idx.add.f32.msk $0xffff, v2;
	v26 =	vsub.f32 $1.500000000e+00, v38  }
0x133: {  	v5 =	vadd.f32 v36, v34;
	v34 =	vor.u32 v1, v9;
	v9 =	vmul.f32 v25, v20;
	v38 =	vld [tilespmem:s7+$0xFFFFFFF0]  }
0x134: {  	v20 =	vmul.f32 v39, v39;
	[tilespmem:v28+s23+$0x0] =	vst.idx.add.f32.msk $0xffff, v15;
	v15 =	vsub.f32 $1.500000000e+00, v7;
	v24 =	vmul.f32 v26, v24  }
0x135: {  	v35 =	vmul.f32 v35, v35;
	v36 =	vshra.s32 v5, $0x1;
	v7 =	vmul.f32 $5.000000000e-01, v5;
	v26 =	vld [tilespmem:s7+$0xFFFFFFC0]  }
0x136: {  	v22 =	vor.u32 v1, v22;
	v31 =	vmul.f32 v31, v31;
	v9 =	vmul.f32 v9, v25;
	v39 =	vld [tilespmem:s7+$0x0]  }
0x137: {  	v13 =	vshll.u32 v13, $0x4;
	v23 =	vmul.f32 v23, v23;
	v15 =	vmul.f32 v15, v29;
	v41 =	vld [tilespmem:s8+$0x0]  }
0x138: {  	v13 =	vor.u32 v1, v13;
	v40 =	vmul.f32 v40, v17;
	v29 =	vmul.f32 v30, v30;
	v30 =	vld [tilespmem:s2+$0x0]  }
0x139: {  	v33 =	vmul.f32 v33, v33;
	v9 =	vsub.f32 $1.500000000e+00, v9;
	v14 =	vmul.f32 v15, v14;
	[tilespmem:v28+s24+$0x0] =	vst.idx.add.f32.msk $0xffff, v2  }
0x13a: {  	v6 =	vmul.f32 v24, v6;
	v15 =	vmul.f32 v43, v43;
	v28 =	vsub.f32 $1.500000000e+00, v40  }
0x13b: {  	v24 =	vmul.f32 v32, v32;
	[tilespmem:v22+s23+$0x0] =	vst.idx.add.f32.msk $0xffff, v8;
	v8 =	vmul.f32 v9, v25  }
0x13c: {  	v9 =	vadd.f32 v33, v15;
	v15 =	vmul.f32 v45, v45;
	v25 =	vld [tilespmem:s2+$0xFFFFFFF0]  }
0x13d: {  	v32 =	vmul.f32 v37, v37;
	v33 =	vsub.s32 $0x5F3759DF, v36;
	v10 =	vmul.f32 v8, v10;
	[tilespmem:v13+s23+$0x0] =	vst.idx.add.f32.msk $0xffff, v14  }
0x13e: {  	v14 =	vmul.f32 v26, v26;
	v8 =	vadd.f32 v23, v29;
	v23 =	vmul.f32 v39, v39  }
0x13f: {  	v36 =	vadd.f32 v32, v9;
	v9 =	vmul.f32 v41, v41;
	v26 =	vmul.f32 v30, v30  }
0x140: {  	v11 =	vmul.f32 v11, v12;
	v8 =	vadd.f32 v15, v8;
	v15 =	vmul.f32 v33, v7;
	v29 =	vld [tilespmem:s7+$0x30]  }
0x141: {  	v21 =	vmul.f32 v21, v21;
	v17 =	vmul.f32 v28, v17;
	v30 =	vshra.s32 v36, $0x1;
	[tilespmem:v27+s23+$0x0] =	vst.idx.add.f32.msk $0xffff, v10  }
0x142: {  	v9 =	vadd.f32 v9, v23;
	v10 =	vmul.f32 $5.000000000e-01, v36;
	v28 =	vshra.s32 v8, $0x1;
	[tilespmem:v22+s24+$0x0] =	vst.idx.add.f32.msk $0xffff, v2  }
0x143: {  	v19 =	vmul.f32 v19, v19;
	v14 =	vadd.f32 v24, v14;
	v22 =	vsub.s32 $0x5F3759DF, v30;
	v23 =	vld [tilespmem:s2+$0x30]  }
0x144: {  	v11 =	vsub.f32 $1.500000000e+00, v11;
	v28 =	vsub.s32 $0x5F3759DF, v28;
	v24 =	vmul.f32 v22, v10;
	[tilespmem:v27+s24+$0x0] =	vst.idx.add.f32.msk $0xffff, v2  }
0x145: {  	v37 =	vadd.f32 v21, v19;
	v9 =	vadd.f32 v26, v9;
	v26 =	vld [tilespmem:s2+$0x20];
	v19 =	vmul.f32 v29, v29  }
0x146: {  	v11 =	vmul.f32 v11, v12;
	v14 =	vadd.f32 v20, v14;
	v20 =	vmul.f32 v22, v24  }
0x147: {  	v39 =	vmul.f32 $5.000000000e-01, v8;
	v15 =	vmul.f32 v33, v15;
	v12 =	vadd.f32 v31, v19;
	[tilespmem:v18+s23+$0x0] =	vst.idx.add.f32.msk $0xffff, v6  }
0x148: {  	v11 =	vmul.f32 v11, v4;
	v6 =	vsub.f32 $1.500000000e+00, v20;
	v19 =	vmul.f32 v38, v38;
	[tilespmem:v18+s24+$0x0] =	vst.idx.add.f32.msk $0xffff, v2  }
0x149: {  	v4 =	vmovc v9;
	v20 =	vshra.s32 v9, $0x1;
	v18 =	vshra.s32 v14, $0x1;
	v21 =	vmul.f32 v23, v23;
	[tilespmem:v13+s24+$0x0] =	vst.idx.add.f32.msk $0xffff, v2  }
0x14a: {  	v22 =	vmul.f32 v22, v6;
	v27 =	vadd.f32 v35, v19;
	v13 =	vmul.f32 v17, v3;
	v3 =	vmovc v14;
	v9 =	vld [tilespmem:s26+$0xFFFFFFC0]  }
0x14b: {  	v14 =	vmul.f32 v28, v39;
	v19 =	vmul.f32 $5.000000000e-01, v3;
	v6 =	vadd.f32 v21, v12;
	[tilespmem:v16+s23+$0x0] =	vst.idx.add.f32.msk $0xffff, v11  }
0x14c: {  	v15 =	vsub.f32 $1.500000000e+00, v15;
	v12 =	vsub.s32 $0x5F3759DF, v20;
	v10 =	vmul.f32 v22, v10;
	[tilespmem:v34+s23+$0x0] =	vst.idx.add.f32.msk $0xffff, v13  }
0x14d: {  	v17 =	vsub.s32 $0x5F3759DF, v18;
	v11 =	vmul.f32 $5.000000000e-01, v4;
	v13 =	vshra.s32 v6, $0x1;
	[tilespmem:v34+s24+$0x0] =	vst.idx.add.f32.msk $0xffff, v2  }
0x14e: {  	v20 =	vmul.f32 v17, v19;
	v10 =	vmul.f32 v10, v22;
	v24 =	vsub.s32 $0x5F3759DF, v13;
	[tilespmem:v16+s24+$0x0] =	vst.idx.add.f32.msk $0xffff, v2  }
0x14f: {  	v13 =	vmul.f32 v28, v14;
	v14 =	vmul.f32 v26, v26;
	v16 =	vld [tilespmem:s26+$0x0]  }
0x150: {  	v25 =	vmul.f32 v25, v25;
	v18 =	vmul.f32 $5.000000000e-01, v6;
	v10 =	vsub.f32 $1.500000000e+00, v10;
	v21 =	vld [tilespmem:s26+$0x30]  }
.Ltmp3:
0x151: {  	v23 =	vmul.f32 v12, v11;
	v20 =	vmul.f32 v17, v20;
	v26 =	vsub.f32 $1.500000000e+00, v13;
	v13 =	vld [tilespmem:s26+$0x20];
	(pc) =	sbr.rel @p0 .LBB2_9-.Ltmp3, $4  }
0x152: {  	v32 =	vmul.f32 v24, v18;
	v31 =	vmul.f32 v10, v22;
	v10 =	vadd.f32 v25, v27;
	v22 =	vld [tilespmem:s26+$0xFFFFFFE0]  }
0x153: {  	v30 =	vsub.f32 $1.500000000e+00, v20;
	v29 =	vmul.f32 v28, v26;
	v26 =	vmul.f32 v33, v15;
	v27 =	vld [tilespmem:s26+$0xFFFFFFF0]  }
0x154: {  	v14 =	vadd.f32 v14, v37;
	v15 =	vmul.f32 v31, v36;
	v20 =	vshra.s32 v10, $0x1;
	v28 =	vld [tilespmem:s26+$0xFFFFFFD0]  }
0x155: {  	s9 =	simm.s32 $0x0;
	s8 =	sadd.s32 $0x80, s8;
	s7 =	sadd.s32 $0x80, s7;
	v33 =	vmul.f32 v29, v39;
	v25 =	vsub.s32 $0x5F3759DF, v20;
	v20 =	vmul.f32 $5.000000000e-01, v10;
	v31 =	vld [tilespmem:s26+$0x10]  }
0x156: {  	v35 =	vmul.f32 $5.000000000e-01, v14  }
0x157: {  	v32 =	vmul.f32 v24, v32;
	v17 =	vmul.f32 v17, v30  }
0x158: {  	v34 =	vshra.s32 v14, $0x1;
	v7 =	vmul.f32 v26, v7;
	v23 =	vmul.f32 v12, v23  }
0x159: {  	v13 =	vshll.u32 v13, $0x4;
	v21 =	vshll.u32 v21, $0x4;
	v58 =	vshll.u32 v16, $0x4  }
0x15a: {  	v33 =	vmul.f32 v33, v29;
	v34 =	vsub.s32 $0x5F3759DF, v34;
	v43 =	vmul.f32 v25, v20  }
0x15b: {  	v22 =	vshll.u32 v22, $0x4;
	v52 =	vor.u32 v1, v13;
	v41 =	vmul.f32 v34, v35  }
0x15c: {  	v32 =	vsub.f32 $1.500000000e+00, v32;
	v7 =	vmul.f32 v7, v26;
	v23 =	vsub.f32 $1.500000000e+00, v23  }
0x15d: {  	v22 =	vor.u32 v1, v22;
	v33 =	vsub.f32 $1.500000000e+00, v33;
	v28 =	vshll.u32 v28, $0x4  }
0x15e: {  	v30 =	vmul.f32 v34, v41;
	v31 =	vshll.u32 v31, $0x4;
	v44 =	vmul.f32 v24, v32  }
0x15f: {  	v7 =	vsub.f32 $1.500000000e+00, v7;
	v28 =	vor.u32 v1, v28;
	v51 =	vmul.f32 v12, v23  }
0x160: {  	v42 =	vmul.f32 v33, v29;
	v33 =	vmul.f32 v25, v43;
	v48 =	vor.u32 v1, v31  }
0x161: {  	v30 =	vsub.f32 $1.500000000e+00, v30;
	v7 =	vmul.f32 v7, v26;
	v18 =	vmul.f32 v44, v18  }
0x162: {  	v11 =	vmul.f32 v51, v11;
	v45 =	vsub.f32 $1.500000000e+00, v33;
	v8 =	vmul.f32 v42, v8  }
0x163: {  	v55 =	vor.u32 v1, v21;
	v46 =	vmul.f32 v34, v30;
	v18 =	vmul.f32 v18, v44  }
0x164: {  	v61 =	vor.u32 v1, v58;
	v57 =	vmul.f32 v11, v51;
	v47 =	vmul.f32 v25, v45  }
0x165: {  	v5 =	vmul.f32 v7, v5;
	[tilespmem:v28+s23+$0x0] =	vst.idx.add.f32.msk $0xffff, v15;
	v30 =	vmul.f32 v46, v35;
	v18 =	vsub.f32 $1.500000000e+00, v18  }
0x166: {  	v19 =	vmul.f32 v17, v19;
	[tilespmem:v22+s23+$0x0] =	vst.idx.add.f32.msk $0xffff, v8;
	v62 =	vsub.f32 $1.500000000e+00, v57;
	v49 =	vmul.f32 v47, v20  }
0x167: {  	[tilespmem:v48+s23+$0x0] =	vst.idx.add.f32.msk $0xffff, v5;
	v50 =	vmul.f32 v30, v46;
	v59 =	vmul.f32 v18, v44  }
0x168: {  	[tilespmem:v28+s24+$0x0] =	vst.idx.add.f32.msk $0xffff, v2;
	v8 =	vmul.f32 v62, v51;
	v20 =	vmul.f32 v49, v47  }
0x169: {  	v27 =	vshll.u32 v27, $0x4;
	[tilespmem:v22+s24+$0x0] =	vst.idx.add.f32.msk $0xffff, v2;
	v7 =	vsub.f32 $1.500000000e+00, v50;
	v6 =	vmul.f32 v59, v6  }
0x16a: {  	v54 =	vor.u32 v1, v27;
	[tilespmem:v48+s24+$0x0] =	vst.idx.add.f32.msk $0xffff, v2;
	v4 =	vmul.f32 v8, v4;
	v53 =	vsub.f32 $1.500000000e+00, v20  }
0x16b: {  	v60 =	vmul.f32 v19, v17;
	v7 =	vmul.f32 v7, v46;
	[tilespmem:v55+s23+$0x0] =	vst.idx.add.f32.msk $0xffff, v6  }
0x16c: {  	[tilespmem:v61+s23+$0x0] =	vst.idx.add.f32.msk $0xffff, v4;
	v13 =	vmul.f32 v53, v47  }
0x16d: {  	v9 =	vshll.u32 v9, $0x4;
	v63 =	vsub.f32 $1.500000000e+00, v60;
	[tilespmem:v55+s24+$0x0] =	vst.idx.add.f32.msk $0xffff, v2;
	v7 =	vmul.f32 v7, v14  }
0x16e: {  	v9 =	vor.u32 v1, v9;
	[tilespmem:v61+s24+$0x0] =	vst.idx.add.f32.msk $0xffff, v2;
	v56 =	vmul.f32 v13, v10  }
0x16f: {  	v10 =	vmul.f32 v63, v17;
	[tilespmem:v52+s23+$0x0] =	vst.idx.add.f32.msk $0xffff, v7  }
0x170: {  	[tilespmem:v54+s23+$0x0] =	vst.idx.add.f32.msk $0xffff, v56  }
0x171: {  	[tilespmem:v52+s24+$0x0] =	vst.idx.add.f32.msk $0xffff, v2;
	v3 =	vmul.f32 v10, v3  }
0x172: {  	[tilespmem:v54+s24+$0x0] =	vst.idx.add.f32.msk $0xffff, v2  }
0x173: {  	[tilespmem:v9+s23+$0x0] =	vst.idx.add.f32.msk $0xffff, v3  }
0x174: {  	[tilespmem:v9+s24+$0x0] =	vst.idx.add.f32.msk $0xffff, v2  }
.LBB2_11:
0x175: {  	s2 =	sshra.s32 s9, $0x2  }
0x176: {  	v3 =	vld [tilespmem:s2+$0x2780]  }
0x177: {  	v4 =	vld [tilespmem:s2+$0x2F80];
	_ =	sdelay $0x1  }
0x178: {  	v5 =	vld [tilespmem:s2+$0x3780];
	_ =	sdelay $0x2  }
0x179: {  	v3 =	vmul.f32 v3, v3;
	v4 =	vmul.f32 v4, v4;
	_ =	sdelay $0x1  }
0x17a: {  	v61 =	vmul.f32 v5, v5;
	v3 =	vadd.f32 v4, v3;
	_ =	sdelay $0x1  }
0x17b: {  	v3 =	vadd.f32 v61, v3;
	_ =	sdelay $0x1  }
0x17c: {  	v4 =	vshra.s32 v3, $0x1;
	v62 =	vmul.f32 $5.000000000e-01, v3  }
0x17d: {  	v4 =	vsub.s32 $0x5F3759DF, v4  }
0x17e: {  	v6 =	vmul.f32 v4, v62;
	_ =	sdelay $0x1  }
0x17f: {  	v6 =	vmul.f32 v4, v6;
	_ =	sdelay $0x1  }
0x180: {  	v6 =	vsub.f32 $1.500000000e+00, v6;
	_ =	sdelay $0x1  }
0x181: {  	v4 =	vmul.f32 v4, v6  }
0x182: {  	v63 =	vld [tilespmem:s2+$0x3F80]  }
0x183: {  	v5 =	vmul.f32 v4, v62;
	_ =	sdelay $0x1  }
0x184: {  	v5 =	vmul.f32 v5, v4;
	_ =	sdelay $0x1  }
0x185: {  	v6 =	vshll.u32 v63, $0x4;
	v5 =	vsub.f32 $1.500000000e+00, v5  }
0x186: {  	v6 =	vor.u32 v1, v6  }
0x187: {  	p0 =	sne.s32 s9, $0x100;
	v4 =	vmul.f32 v5, v4  }
.Ltmp4:
0x188: {  	_ = 	snop;
	(pc) =	sbr.rel @p0 .LBB2_11-.Ltmp4, $3  }
0x189: {  	v3 =	vmul.f32 v4, v3;
	_ =	sdelay $0x1  }
0x18a: {  	[tilespmem:v6+s23+$0x0] =	vst.idx.add.f32.msk $0xffff, v3  }
0x18b: {  	s9 =	sadd.s32 $0x40, s9;
	[tilespmem:v6+s24+$0x0] =	vst.idx.add.f32.msk $0xffff, v2  }
0x18c: {  	s0 =	sadd.s32 $0x1, s0  }
0x18d: {  	p0 =	sne.s32 s0, $0xC  }
.Ltmp5:
0x18e: {  	_ = 	snop;
	(pc) =	sbr.rel @p0 .LBB2_4-.Ltmp5, $1  }
0x18f: {  	_ =	sdelay $0x3  }
0x190: {  	_ =	swait.ge [sflag:s18], $0x7D0  }
0x191: {  	[sflag:s18] =	ssyncset.done $0x0  }
0x192: {  	[sflag:s18] =	ssyncadd.s32 $0xFFFFF830  }
0x193: {  	_ =	swait.ge [sflag:s18], $0x7D0  }
0x194: {  	[sflag:s18] =	ssyncset.done $0x0  }
0x195: {  	[sflag:s18] =	ssyncadd.s32 $0xFFFFF830  }
0x196: {  	_ =	swait.ge [sflag:s18], $0x7D0  }
0x197: {  	[sflag:s18] =	ssyncset.done $0x0  }
0x198: {  	[sflag:s18] =	ssyncadd.s32 $0xFFFFF830  }
0x199: {  	_ =	swait.ge [sflag:s18], $0x7D0  }
0x19a: {  	[sflag:s18] =	ssyncset.done $0x0  }
0x19b: {  	s2 =	simm.s32 $0x840;
	[sflag:s18] =	ssyncadd.s32 $0xFFFFF830  }
0x19c: {  	s0 =	simm.s32 $0x1040;
	v3 =	vld [tilespmem:s2+$0x10]  }
0x19d: {  	v4 =	vld [tilespmem:s0+$0x10]  }
0x19e: {  	s7 =	simm.s32 $0x40;
	v6 =	vld [tilespmem:s0+$0xFFFFFFD0]  }
0x19f: {  	v5 =	vld [tilespmem:s7+$0x10]  }
0x1a0: {  	v7 =	vld [tilespmem:s0+$0xFFFFFFC0]  }
0x1a1: {  	v8 =	vld [tilespmem:s2+$0xFFFFFFC0]  }
0x1a2: {  	v9 =	vld [tilespmem:s2+$0x30]  }
0x1a3: {  	v10 =	vld [tilespmem:s7+$0xFFFFFFD0]  }
0x1a4: {  	v11 =	vld [tilespmem:s2+$0xFFFFFFD0]  }
0x1a5: {  	v12 =	vld [tilespmem:s2+$0xFFFFFFF0]  }
0x1a6: {  	v13 =	vld [tilespmem:s7+$0xFFFFFFE0]  }
0x1a7: {  	v15 =	vld [tilespmem:s0+$0xFFFFFFE0]  }
0x1a8: {  	v14 =	vld [tilespmem:s2+$0xFFFFFFE0]  }
0x1a9: {  	v16 =	vld [tilespmem:s7+$0x0];
	v3 =	vmul.f32 v3, v3;
	v5 =	vmul.f32 v5, v5  }
0x1aa: {  	v17 =	vld [tilespmem:s2+$0x0];
	v4 =	vmul.f32 v4, v4;
	v12 =	vmul.f32 v12, v12  }
0x1ab: {  	v18 =	vld [tilespmem:s0+$0x0];
	v11 =	vmul.f32 v11, v11;
	v10 =	vmul.f32 v10, v10  }
0x1ac: {  	v20 =	vmul.f32 v8, v8;
	v8 =	vmul.f32 v15, v15;
	v15 =	vld [tilespmem:s7+$0x20];
	v3 =	vadd.f32 v3, v5  }
0x1ad: {  	v9 =	vmul.f32 v9, v9;
	v6 =	vmul.f32 v6, v6;
	v10 =	vadd.f32 v11, v10  }
0x1ae: {  	v14 =	vmul.f32 v14, v14;
	v13 =	vmul.f32 v13, v13;
	v11 =	vld [tilespmem:s2+$0x20];
	v5 =	vadd.f32 v4, v3  }
0x1af: {  	v3 =	vmul.f32 v7, v7;
	v4 =	vld [tilespmem:s7+$0xFFFFFFC0];
	v28 =	vadd.f32 v6, v10;
	v10 =	vmul.f32 v16, v16  }
0x1b0: {  	v6 =	vadd.f32 v14, v13;
	v13 =	vmul.f32 v17, v17;
	v14 =	vmul.f32 v18, v18  }
0x1b1: {  	v22 =	vld [tilespmem:s0+$0x30];
	v15 =	vmul.f32 v15, v15;
	v7 =	vmul.f32 $5.000000000e-01, v5;
	v19 =	vshra.s32 v5, $0x1  }
0x1b2: {  	v16 =	vld [tilespmem:s7+$0x30];
	v17 =	vshra.s32 v28, $0x1;
	v18 =	vmul.f32 $5.000000000e-01, v28;
	v8 =	vadd.f32 v8, v6  }
0x1b3: {  	v10 =	vadd.f32 v13, v10;
	v25 =	vsub.s32 $0x5F3759DF, v19;
	v17 =	vsub.s32 $0x5F3759DF, v17  }
0x1b4: {  	v19 =	vld [tilespmem:s7+$0xFFFFFFF0];
	v11 =	vmul.f32 v11, v11;
	v21 =	vshra.s32 v8, $0x1;
	v4 =	vmul.f32 v4, v4  }
0x1b5: {  	v6 =	vmul.f32 v25, v7;
	v13 =	vmul.f32 v17, v18;
	v26 =	vsub.s32 $0x5F3759DF, v21  }
0x1b6: {  	v21 =	vmul.f32 v22, v22;
	v20 =	vadd.f32 v20, v4;
	v4 =	vadd.f32 v14, v10  }
0x1b7: {  	v10 =	vmul.f32 v17, v13;
	v14 =	vadd.f32 v11, v15;
	v11 =	vmul.f32 v16, v16  }
0x1b8: {  	v13 =	vmul.f32 v25, v6;
	v3 =	vadd.f32 v3, v20;
	v20 =	vmul.f32 $5.000000000e-01, v8  }
0x1b9: {  	v6 =	vsub.f32 $1.500000000e+00, v10;
	v9 =	vadd.f32 v9, v11;
	v10 =	vmul.f32 v19, v19  }
0x1ba: {  	v23 =	vld [tilespmem:s0+$0xFFFFFFF0];
	v16 =	vshra.s32 v4, $0x1;
	v31 =	vsub.f32 $1.500000000e+00, v13;
	v11 =	vshra.s32 v3, $0x1  }
0x1bb: {  	v15 =	vld [tilespmem:s0+$0x20];
	v22 =	vmul.f32 v17, v6;
	v10 =	vadd.f32 v12, v10;
	v6 =	vadd.f32 v21, v9  }
0x1bc: {  	v19 =	vmul.f32 $5.000000000e-01, v3;
	v27 =	vmul.f32 v26, v20;
	v17 =	vsub.s32 $0x5F3759DF, v11  }
0x1bd: {  	s2 =	simm.s32 $0x1840;
	v11 =	vmul.f32 $5.000000000e-01, v4;
	v18 =	vmul.f32 v22, v18;
	v13 =	vshra.s32 v6, $0x1  }
0x1be: {  	v9 =	vld [tilespmem:s2+$0xFFFFFFC0];
	v29 =	vmul.f32 v17, v19;
	v24 =	vsub.s32 $0x5F3759DF, v13;
	v13 =	vmul.f32 v26, v27  }
0x1bf: {  	v12 =	vsub.s32 $0x5F3759DF, v16;
	v16 =	vld [tilespmem:s2+$0x0];
	v27 =	vmul.f32 v23, v23;
	v18 =	vmul.f32 v18, v22  }
0x1c0: {  	v21 =	vld [tilespmem:s2+$0x30];
	v33 =	vmul.f32 v15, v15;
	v29 =	vmul.f32 v17, v29;
	v34 =	vsub.f32 $1.500000000e+00, v13  }
0x1c1: {  	v23 =	vmul.f32 v12, v11;
	v13 =	vld [tilespmem:s2+$0x20];
	v10 =	vadd.f32 v27, v10;
	v15 =	vsub.f32 $1.500000000e+00, v18  }
0x1c2: {  	v27 =	vld [tilespmem:s2+$0xFFFFFFF0];
	v18 =	vmul.f32 $5.000000000e-01, v6;
	v30 =	vsub.f32 $1.500000000e+00, v29;
	v29 =	vmul.f32 v26, v34  }
0x1c3: {  	v14 =	vadd.f32 v33, v14;
	v26 =	vmul.f32 v25, v31;
	v31 =	vld [tilespmem:s2+$0x10];
	v15 =	vmul.f32 v15, v22  }
0x1c4: {  	v25 =	vshra.s32 v10, $0x1;
	v22 =	vld [tilespmem:s2+$0xFFFFFFE0];
	v32 =	vmul.f32 v24, v18;
	v33 =	vmul.f32 v29, v20  }
0x1c5: {  	s26 =	simm.s32 $0x0;
	s8 =	simm.s32 $0x8C0;
	s7 =	simm.s32 $0xC0;
	v25 =	vsub.s32 $0x5F3759DF, v25;
	v20 =	vmul.f32 $5.000000000e-01, v10;
	v15 =	vmul.f32 v15, v28;
	v28 =	vld [tilespmem:s2+$0xFFFFFFD0]  }
.LBB2_14:
0x1c6: {  	v34 =	vld [tilespmem:s8+$0x10];
	s26 =	sadd.s32 $0x8, s26;
	v7 =	vmul.f32 v26, v7;
	v35 =	vshra.s32 v14, $0x1;
	v32 =	vmul.f32 v24, v32;
	s0 =	sadd.s32 $0x80, s0;
	s2 =	sadd.s32 $0x80, s2  }
0x1c7: {  	v17 =	vmul.f32 v17, v30;
	v36 =	vld [tilespmem:s0+$0x10];
	p0 =	slt.u32 s26, $0x70;
	v30 =	vmul.f32 v33, v29;
	v33 =	vshll.u32 v21, $0x4  }
0x1c8: {  	v38 =	vmul.f32 $5.000000000e-01, v14;
	v35 =	vsub.s32 $0x5F3759DF, v35;
	v37 =	vld [tilespmem:s0+$0xFFFFFFD0];
	v32 =	vsub.f32 $1.500000000e+00, v32  }
0x1c9: {  	v40 =	vmul.f32 v17, v19;
	v7 =	vmul.f32 v7, v26;
	v39 =	vld [tilespmem:s0+$0xFFFFFFC0];
	v19 =	vsub.f32 $1.500000000e+00, v30  }
0x1ca: {  	v21 =	vld [tilespmem:s8+$0x20];
	v30 =	vshll.u32 v31, $0x4;
	v31 =	vmul.f32 v35, v38;
	v24 =	vmul.f32 v24, v32  }
0x1cb: {  	v28 =	vshll.u32 v28, $0x4;
	v7 =	vsub.f32 $1.500000000e+00, v7;
	v32 =	vld [tilespmem:s8+$0xFFFFFFC0];
	v29 =	vmul.f32 v19, v29  }
0x1cc: {  	v16 =	vshll.u32 v16, $0x4;
	v41 =	vmul.f32 v25, v20;
	v34 =	vmul.f32 v34, v34;
	v19 =	vld [tilespmem:s7+$0x20]  }
0x1cd: {  	v27 =	vshll.u32 v27, $0x4;
	v42 =	vld [tilespmem:s7+$0x10];
	v8 =	vmul.f32 v29, v8;
	v29 =	vmul.f32 v35, v31  }
0x1ce: {  	v23 =	vmul.f32 v12, v23;
	v22 =	vshll.u32 v22, $0x4;
	v41 =	vmul.f32 v25, v41;
	v31 =	vld [tilespmem:s8+$0x30]  }
0x1cf: {  	v44 =	vmul.f32 v24, v18;
	v18 =	vor.u32 v1, v33;
	v43 =	vld [tilespmem:s7+$0xFFFFFFD0];
	v29 =	vsub.f32 $1.500000000e+00, v29  }
0x1d0: {  	v41 =	vsub.f32 $1.500000000e+00, v41;
	v7 =	vmul.f32 v7, v26;
	v26 =	vor.u32 v1, v30;
	v33 =	vld [tilespmem:s8+$0xFFFFFFD0]  }
0x1d1: {  	v23 =	vsub.f32 $1.500000000e+00, v23;
	v36 =	vmul.f32 v36, v36;
	v30 =	vld [tilespmem:s7+$0xFFFFFFE0];
	v29 =	vmul.f32 v35, v29  }
0x1d2: {  	v28 =	vor.u32 v1, v28;
	v5 =	vmul.f32 v7, v5;
	v35 =	vld [tilespmem:s8+$0xFFFFFFF0];
	v42 =	vmul.f32 v42, v42  }
0x1d3: {  	v16 =	vor.u32 v1, v16;
	v12 =	vmul.f32 v12, v23;
	v45 =	vld [tilespmem:s0+$0xFFFFFFE0];
	v7 =	vmul.f32 v29, v38  }
0x1d4: {  	v25 =	vmul.f32 v25, v41;
	v38 =	vmul.f32 v44, v24;
	v23 =	vld [tilespmem:s8+$0xFFFFFFE0];
	v34 =	vadd.f32 v34, v42  }
0x1d5: {  	v9 =	vshll.u32 v9, $0x4;
	[tilespmem:v26+s23+$0x0] =	vst.idx.add.f32.msk $0xffff, v5;
	v7 =	vmul.f32 v7, v29  }
0x1d6: {  	v27 =	vor.u32 v1, v27;
	v11 =	vmul.f32 v12, v11;
	[tilespmem:v26+s24+$0x0] =	vst.idx.add.f32.msk $0xffff, v2;
	v26 =	vsub.f32 $1.500000000e+00, v38  }
0x1d7: {  	v5 =	vadd.f32 v36, v34;
	v34 =	vor.u32 v1, v9;
	v9 =	vmul.f32 v25, v20;
	v38 =	vld [tilespmem:s7+$0xFFFFFFF0]  }
0x1d8: {  	v20 =	vmul.f32 v39, v39;
	[tilespmem:v28+s23+$0x0] =	vst.idx.add.f32.msk $0xffff, v15;
	v15 =	vsub.f32 $1.500000000e+00, v7;
	v24 =	vmul.f32 v26, v24  }
0x1d9: {  	v35 =	vmul.f32 v35, v35;
	v36 =	vshra.s32 v5, $0x1;
	v7 =	vmul.f32 $5.000000000e-01, v5;
	v26 =	vld [tilespmem:s7+$0xFFFFFFC0]  }
0x1da: {  	v22 =	vor.u32 v1, v22;
	v31 =	vmul.f32 v31, v31;
	v9 =	vmul.f32 v9, v25;
	v39 =	vld [tilespmem:s7+$0x0]  }
0x1db: {  	v13 =	vshll.u32 v13, $0x4;
	v23 =	vmul.f32 v23, v23;
	v15 =	vmul.f32 v15, v29;
	v41 =	vld [tilespmem:s8+$0x0]  }
0x1dc: {  	v13 =	vor.u32 v1, v13;
	v40 =	vmul.f32 v40, v17;
	v29 =	vmul.f32 v30, v30;
	v30 =	vld [tilespmem:s0+$0x0]  }
0x1dd: {  	v33 =	vmul.f32 v33, v33;
	v9 =	vsub.f32 $1.500000000e+00, v9;
	v14 =	vmul.f32 v15, v14;
	[tilespmem:v28+s24+$0x0] =	vst.idx.add.f32.msk $0xffff, v2  }
0x1de: {  	v6 =	vmul.f32 v24, v6;
	v15 =	vmul.f32 v43, v43;
	v28 =	vsub.f32 $1.500000000e+00, v40  }
0x1df: {  	v24 =	vmul.f32 v32, v32;
	[tilespmem:v22+s23+$0x0] =	vst.idx.add.f32.msk $0xffff, v8;
	v8 =	vmul.f32 v9, v25  }
0x1e0: {  	v9 =	vadd.f32 v33, v15;
	v15 =	vmul.f32 v45, v45;
	v25 =	vld [tilespmem:s0+$0xFFFFFFF0]  }
0x1e1: {  	v32 =	vmul.f32 v37, v37;
	v33 =	vsub.s32 $0x5F3759DF, v36;
	v10 =	vmul.f32 v8, v10;
	[tilespmem:v13+s23+$0x0] =	vst.idx.add.f32.msk $0xffff, v14  }
0x1e2: {  	v14 =	vmul.f32 v26, v26;
	v8 =	vadd.f32 v23, v29;
	v23 =	vmul.f32 v39, v39  }
0x1e3: {  	v36 =	vadd.f32 v32, v9;
	v9 =	vmul.f32 v41, v41;
	v26 =	vmul.f32 v30, v30  }
0x1e4: {  	v11 =	vmul.f32 v11, v12;
	v8 =	vadd.f32 v15, v8;
	v15 =	vmul.f32 v33, v7;
	v29 =	vld [tilespmem:s7+$0x30]  }
0x1e5: {  	v21 =	vmul.f32 v21, v21;
	v17 =	vmul.f32 v28, v17;
	v30 =	vshra.s32 v36, $0x1;
	[tilespmem:v27+s23+$0x0] =	vst.idx.add.f32.msk $0xffff, v10  }
0x1e6: {  	v9 =	vadd.f32 v9, v23;
	v10 =	vmul.f32 $5.000000000e-01, v36;
	v28 =	vshra.s32 v8, $0x1;
	[tilespmem:v22+s24+$0x0] =	vst.idx.add.f32.msk $0xffff, v2  }
0x1e7: {  	v19 =	vmul.f32 v19, v19;
	v14 =	vadd.f32 v24, v14;
	v22 =	vsub.s32 $0x5F3759DF, v30;
	v23 =	vld [tilespmem:s0+$0x30]  }
0x1e8: {  	v11 =	vsub.f32 $1.500000000e+00, v11;
	v28 =	vsub.s32 $0x5F3759DF, v28;
	v24 =	vmul.f32 v22, v10;
	[tilespmem:v27+s24+$0x0] =	vst.idx.add.f32.msk $0xffff, v2  }
0x1e9: {  	v37 =	vadd.f32 v21, v19;
	v9 =	vadd.f32 v26, v9;
	v26 =	vld [tilespmem:s0+$0x20];
	v19 =	vmul.f32 v29, v29  }
0x1ea: {  	v11 =	vmul.f32 v11, v12;
	v14 =	vadd.f32 v20, v14;
	v20 =	vmul.f32 v22, v24  }
0x1eb: {  	v39 =	vmul.f32 $5.000000000e-01, v8;
	v15 =	vmul.f32 v33, v15;
	v12 =	vadd.f32 v31, v19;
	[tilespmem:v18+s23+$0x0] =	vst.idx.add.f32.msk $0xffff, v6  }
0x1ec: {  	v11 =	vmul.f32 v11, v4;
	v6 =	vsub.f32 $1.500000000e+00, v20;
	v19 =	vmul.f32 v38, v38;
	[tilespmem:v18+s24+$0x0] =	vst.idx.add.f32.msk $0xffff, v2  }
0x1ed: {  	v4 =	vmovc v9;
	v20 =	vshra.s32 v9, $0x1;
	v18 =	vshra.s32 v14, $0x1;
	v21 =	vmul.f32 v23, v23;
	[tilespmem:v13+s24+$0x0] =	vst.idx.add.f32.msk $0xffff, v2  }
0x1ee: {  	v22 =	vmul.f32 v22, v6;
	v27 =	vadd.f32 v35, v19;
	v13 =	vmul.f32 v17, v3;
	v3 =	vmovc v14;
	v9 =	vld [tilespmem:s2+$0xFFFFFFC0]  }
0x1ef: {  	v14 =	vmul.f32 v28, v39;
	v19 =	vmul.f32 $5.000000000e-01, v3;
	v6 =	vadd.f32 v21, v12;
	[tilespmem:v16+s23+$0x0] =	vst.idx.add.f32.msk $0xffff, v11  }
0x1f0: {  	v15 =	vsub.f32 $1.500000000e+00, v15;
	v12 =	vsub.s32 $0x5F3759DF, v20;
	v10 =	vmul.f32 v22, v10;
	[tilespmem:v34+s23+$0x0] =	vst.idx.add.f32.msk $0xffff, v13  }
0x1f1: {  	v17 =	vsub.s32 $0x5F3759DF, v18;
	v11 =	vmul.f32 $5.000000000e-01, v4;
	v13 =	vshra.s32 v6, $0x1;
	[tilespmem:v34+s24+$0x0] =	vst.idx.add.f32.msk $0xffff, v2  }
0x1f2: {  	v20 =	vmul.f32 v17, v19;
	v10 =	vmul.f32 v10, v22;
	v24 =	vsub.s32 $0x5F3759DF, v13;
	[tilespmem:v16+s24+$0x0] =	vst.idx.add.f32.msk $0xffff, v2  }
0x1f3: {  	v13 =	vmul.f32 v28, v14;
	v14 =	vmul.f32 v26, v26;
	v16 =	vld [tilespmem:s2+$0x0]  }
0x1f4: {  	v25 =	vmul.f32 v25, v25;
	v18 =	vmul.f32 $5.000000000e-01, v6;
	v10 =	vsub.f32 $1.500000000e+00, v10;
	v21 =	vld [tilespmem:s2+$0x30]  }
.Ltmp6:
0x1f5: {  	v23 =	vmul.f32 v12, v11;
	v20 =	vmul.f32 v17, v20;
	v26 =	vsub.f32 $1.500000000e+00, v13;
	v13 =	vld [tilespmem:s2+$0x20];
	(pc) =	sbr.rel @p0 .LBB2_14-.Ltmp6, $4  }
0x1f6: {  	v32 =	vmul.f32 v24, v18;
	v31 =	vmul.f32 v10, v22;
	v10 =	vadd.f32 v25, v27;
	v22 =	vld [tilespmem:s2+$0xFFFFFFE0]  }
0x1f7: {  	v30 =	vsub.f32 $1.500000000e+00, v20;
	v29 =	vmul.f32 v28, v26;
	v26 =	vmul.f32 v33, v15;
	v27 =	vld [tilespmem:s2+$0xFFFFFFF0]  }
0x1f8: {  	v14 =	vadd.f32 v14, v37;
	v15 =	vmul.f32 v31, v36;
	v20 =	vshra.s32 v10, $0x1;
	v28 =	vld [tilespmem:s2+$0xFFFFFFD0]  }
0x1f9: {  	s9 =	simm.s32 $0x0;
	s8 =	sadd.s32 $0x80, s8;
	s7 =	sadd.s32 $0x80, s7;
	v33 =	vmul.f32 v29, v39;
	v25 =	vsub.s32 $0x5F3759DF, v20;
	v20 =	vmul.f32 $5.000000000e-01, v10;
	v31 =	vld [tilespmem:s2+$0x10]  }
0x1fa: {  	v35 =	vmul.f32 $5.000000000e-01, v14  }
0x1fb: {  	v32 =	vmul.f32 v24, v32;
	v17 =	vmul.f32 v17, v30  }
0x1fc: {  	v34 =	vshra.s32 v14, $0x1;
	v7 =	vmul.f32 v26, v7;
	v23 =	vmul.f32 v12, v23  }
0x1fd: {  	v13 =	vshll.u32 v13, $0x4;
	v21 =	vshll.u32 v21, $0x4;
	v58 =	vshll.u32 v16, $0x4  }
0x1fe: {  	v33 =	vmul.f32 v33, v29;
	v34 =	vsub.s32 $0x5F3759DF, v34;
	v43 =	vmul.f32 v25, v20  }
0x1ff: {  	v22 =	vshll.u32 v22, $0x4;
	v52 =	vor.u32 v1, v13;
	v41 =	vmul.f32 v34, v35  }
0x200: {  	v32 =	vsub.f32 $1.500000000e+00, v32;
	v7 =	vmul.f32 v7, v26;
	v23 =	vsub.f32 $1.500000000e+00, v23  }
0x201: {  	v22 =	vor.u32 v1, v22;
	v33 =	vsub.f32 $1.500000000e+00, v33;
	v28 =	vshll.u32 v28, $0x4  }
0x202: {  	v30 =	vmul.f32 v34, v41;
	v31 =	vshll.u32 v31, $0x4;
	v44 =	vmul.f32 v24, v32  }
0x203: {  	v7 =	vsub.f32 $1.500000000e+00, v7;
	v28 =	vor.u32 v1, v28;
	v51 =	vmul.f32 v12, v23  }
0x204: {  	v42 =	vmul.f32 v33, v29;
	v33 =	vmul.f32 v25, v43;
	v48 =	vor.u32 v1, v31  }
0x205: {  	v30 =	vsub.f32 $1.500000000e+00, v30;
	v7 =	vmul.f32 v7, v26;
	v18 =	vmul.f32 v44, v18  }
0x206: {  	v11 =	vmul.f32 v51, v11;
	v45 =	vsub.f32 $1.500000000e+00, v33;
	v8 =	vmul.f32 v42, v8  }
0x207: {  	v55 =	vor.u32 v1, v21;
	v46 =	vmul.f32 v34, v30;
	v18 =	vmul.f32 v18, v44  }
0x208: {  	v61 =	vor.u32 v1, v58;
	v57 =	vmul.f32 v11, v51;
	v47 =	vmul.f32 v25, v45  }
0x209: {  	v5 =	vmul.f32 v7, v5;
	[tilespmem:v28+s23+$0x0] =	vst.idx.add.f32.msk $0xffff, v15;
	v30 =	vmul.f32 v46, v35;
	v18 =	vsub.f32 $1.500000000e+00, v18  }
0x20a: {  	v19 =	vmul.f32 v17, v19;
	[tilespmem:v22+s23+$0x0] =	vst.idx.add.f32.msk $0xffff, v8;
	v62 =	vsub.f32 $1.500000000e+00, v57;
	v49 =	vmul.f32 v47, v20  }
0x20b: {  	[tilespmem:v48+s23+$0x0] =	vst.idx.add.f32.msk $0xffff, v5;
	v50 =	vmul.f32 v30, v46;
	v59 =	vmul.f32 v18, v44  }
0x20c: {  	[tilespmem:v28+s24+$0x0] =	vst.idx.add.f32.msk $0xffff, v2;
	v8 =	vmul.f32 v62, v51;
	v20 =	vmul.f32 v49, v47  }
0x20d: {  	v27 =	vshll.u32 v27, $0x4;
	[tilespmem:v22+s24+$0x0] =	vst.idx.add.f32.msk $0xffff, v2;
	v7 =	vsub.f32 $1.500000000e+00, v50;
	v6 =	vmul.f32 v59, v6  }
0x20e: {  	v54 =	vor.u32 v1, v27;
	[tilespmem:v48+s24+$0x0] =	vst.idx.add.f32.msk $0xffff, v2;
	v4 =	vmul.f32 v8, v4;
	v53 =	vsub.f32 $1.500000000e+00, v20  }
0x20f: {  	v60 =	vmul.f32 v19, v17;
	v7 =	vmul.f32 v7, v46;
	[tilespmem:v55+s23+$0x0] =	vst.idx.add.f32.msk $0xffff, v6  }
0x210: {  	[tilespmem:v61+s23+$0x0] =	vst.idx.add.f32.msk $0xffff, v4;
	v13 =	vmul.f32 v53, v47  }
0x211: {  	v9 =	vshll.u32 v9, $0x4;
	v63 =	vsub.f32 $1.500000000e+00, v60;
	[tilespmem:v55+s24+$0x0] =	vst.idx.add.f32.msk $0xffff, v2;
	v7 =	vmul.f32 v7, v14  }
0x212: {  	v9 =	vor.u32 v1, v9;
	[tilespmem:v61+s24+$0x0] =	vst.idx.add.f32.msk $0xffff, v2;
	v56 =	vmul.f32 v13, v10  }
0x213: {  	v10 =	vmul.f32 v63, v17;
	[tilespmem:v52+s23+$0x0] =	vst.idx.add.f32.msk $0xffff, v7  }
0x214: {  	[tilespmem:v54+s23+$0x0] =	vst.idx.add.f32.msk $0xffff, v56  }
0x215: {  	[tilespmem:v52+s24+$0x0] =	vst.idx.add.f32.msk $0xffff, v2;
	v3 =	vmul.f32 v10, v3  }
0x216: {  	[tilespmem:v54+s24+$0x0] =	vst.idx.add.f32.msk $0xffff, v2  }
0x217: {  	[tilespmem:v9+s23+$0x0] =	vst.idx.add.f32.msk $0xffff, v3  }
0x218: {  	[tilespmem:v9+s24+$0x0] =	vst.idx.add.f32.msk $0xffff, v2  }
.LBB2_16:
0x219: {  	s0 =	sshra.s32 s9, $0x2  }
0x21a: {  	v3 =	vld [tilespmem:s0+$0x780]  }
0x21b: {  	v4 =	vld [tilespmem:s0+$0xF80];
	_ =	sdelay $0x1  }
0x21c: {  	v5 =	vld [tilespmem:s0+$0x1780];
	_ =	sdelay $0x2  }
0x21d: {  	v3 =	vmul.f32 v3, v3;
	v4 =	vmul.f32 v4, v4;
	_ =	sdelay $0x1  }
0x21e: {  	v61 =	vmul.f32 v5, v5;
	v3 =	vadd.f32 v4, v3;
	_ =	sdelay $0x1  }
0x21f: {  	v3 =	vadd.f32 v61, v3;
	_ =	sdelay $0x1  }
0x220: {  	v4 =	vshra.s32 v3, $0x1;
	v62 =	vmul.f32 $5.000000000e-01, v3  }
0x221: {  	v4 =	vsub.s32 $0x5F3759DF, v4  }
0x222: {  	v6 =	vmul.f32 v4, v62;
	_ =	sdelay $0x1  }
0x223: {  	v6 =	vmul.f32 v4, v6;
	_ =	sdelay $0x1  }
0x224: {  	v6 =	vsub.f32 $1.500000000e+00, v6;
	_ =	sdelay $0x1  }
0x225: {  	v4 =	vmul.f32 v4, v6  }
0x226: {  	v63 =	vld [tilespmem:s0+$0x1F80]  }
0x227: {  	v5 =	vmul.f32 v4, v62;
	_ =	sdelay $0x1  }
0x228: {  	v5 =	vmul.f32 v5, v4;
	_ =	sdelay $0x1  }
0x229: {  	v6 =	vshll.u32 v63, $0x4;
	v5 =	vsub.f32 $1.500000000e+00, v5  }
0x22a: {  	v6 =	vor.u32 v1, v6  }
0x22b: {  	p0 =	sne.s32 s9, $0x100;
	v4 =	vmul.f32 v5, v4  }
.Ltmp7:
0x22c: {  	_ = 	snop;
	(pc) =	sbr.rel @p0 .LBB2_16-.Ltmp7, $3  }
0x22d: {  	v3 =	vmul.f32 v4, v3;
	_ =	sdelay $0x1  }
0x22e: {  	[tilespmem:v6+s23+$0x0] =	vst.idx.add.f32.msk $0xffff, v3  }
0x22f: {  	s9 =	sadd.s32 $0x40, s9;
	[tilespmem:v6+s24+$0x0] =	vst.idx.add.f32.msk $0xffff, v2  }
0x230: {  	s2 =	simm.s32 $0x0  }
0x231: {  	v3 =	vmul.u32 $0x10, v1;
	v4 =	vmov s2  }
0x232: {  	v4 =	vshll.u32 v4, $0x4  }
0x233: {  	v4 =	vor.u32 v3, v4;
	_ =	sdelay $0x1  }
0x234: {  	v5 =	vor.u32 $0x1, v4;
	_ =	sdelay $0x1  }
0x235: {  	v6 =	vor.u32 $0x2, v4  }
0x236: {  	v7 =	vld.idx.msk [tilespmem:v4+s23+$0x0], $0xffff  }
0x237: {  	v9 =	vor.u32 $0x3, v4;
	v8 =	vld.idx.msk [tilespmem:v4+s24+$0x0], $0xffff  }
0x238: {  	v10 =	vld.idx.msk [tilespmem:v5+s23+$0x0], $0xffff  }
0x239: {  	v11 =	vor.u32 $0x4, v4;
	v5 =	vld.idx.msk [tilespmem:v5+s24+$0x0], $0xffff  }
0x23a: {  	v12 =	vld.idx.msk [tilespmem:v6+s23+$0x0], $0xffff  }
0x23b: {  	v13 =	vor.u32 $0x5, v4;
	v6 =	vld.idx.msk [tilespmem:v6+s24+$0x0], $0xffff  }
0x23c: {  	v14 =	vld.idx.msk [tilespmem:v9+s23+$0x0], $0xffff  }
0x23d: {  	v15 =	vor.u32 $0x6, v4;
	v9 =	vld.idx.msk [tilespmem:v9+s24+$0x0], $0xffff  }
0x23e: {  	v16 =	vld.idx.msk [tilespmem:v11+s23+$0x0], $0xffff  }
0x23f: {  	v17 =	vor.u32 $0x7, v4;
	v11 =	vld.idx.msk [tilespmem:v11+s24+$0x0], $0xffff  }
0x240: {  	v18 =	vld.idx.msk [tilespmem:v13+s23+$0x0], $0xffff  }
0x241: {  	v19 =	vor.u32 $0x8, v4;
	v13 =	vld.idx.msk [tilespmem:v13+s24+$0x0], $0xffff  }
0x242: {  	v20 =	vld.idx.msk [tilespmem:v15+s23+$0x0], $0xffff  }
0x243: {  	v21 =	vor.u32 $0x9, v4;
	v15 =	vld.idx.msk [tilespmem:v15+s24+$0x0], $0xffff  }
0x244: {  	v22 =	vld.idx.msk [tilespmem:v17+s23+$0x0], $0xffff  }
0x245: {  	v23 =	vor.u32 $0xA, v4;
	v17 =	vld.idx.msk [tilespmem:v17+s24+$0x0], $0xffff  }
0x246: {  	v24 =	vld.idx.msk [tilespmem:v19+s23+$0x0], $0xffff  }
0x247: {  	v25 =	vor.u32 $0xB, v4;
	v19 =	vld.idx.msk [tilespmem:v19+s24+$0x0], $0xffff  }
0x248: {  	v26 =	vld.idx.msk [tilespmem:v21+s23+$0x0], $0xffff  }
0x249: {  	v27 =	vor.u32 $0xC, v4;
	v21 =	vld.idx.msk [tilespmem:v21+s24+$0x0], $0xffff  }
0x24a: {  	v28 =	vld.idx.msk [tilespmem:v23+s23+$0x0], $0xffff  }
0x24b: {  	v29 =	vor.u32 $0xD, v4;
	v23 =	vld.idx.msk [tilespmem:v23+s24+$0x0], $0xffff;
	v7 =	vadd.f32 $0.0e+00, v7  }
0x24c: {  	v30 =	vld.idx.msk [tilespmem:v25+s23+$0x0], $0xffff;
	v8 =	vadd.f32 $0.0e+00, v8  }
0x24d: {  	v31 =	vor.u32 $0xE, v4;
	v25 =	vld.idx.msk [tilespmem:v25+s24+$0x0], $0xffff;
	v7 =	vadd.f32 v10, v7  }
0x24e: {  	s0 =	simm.s32 $0x10;
	v5 =	vadd.f32 v5, v8;
	v8 =	vld.idx.msk [tilespmem:v27+s23+$0x0], $0xffff  }
0x24f: {  	v4 =	vor.u32 $0xF, v4;
	v10 =	vmov s0;
	v27 =	vld.idx.msk [tilespmem:v27+s24+$0x0], $0xffff;
	v7 =	vadd.f32 v12, v7  }
0x250: {  	v10 =	vshll.u32 v10, $0x4;
	v5 =	vadd.f32 v6, v5;
	v6 =	vld.idx.msk [tilespmem:v29+s23+$0x0], $0xffff  }
0x251: {  	v32 =	vor.u32 v3, v10;
	v10 =	vld.idx.msk [tilespmem:v29+s24+$0x0], $0xffff;
	v7 =	vadd.f32 v14, v7  }
0x252: {  	v5 =	vadd.f32 v9, v5;
	v9 =	vld.idx.msk [tilespmem:v31+s23+$0x0], $0xffff  }
0x253: {  	v12 =	vor.u32 $0x1, v32;
	v14 =	vld.idx.msk [tilespmem:v31+s24+$0x0], $0xffff;
	v7 =	vadd.f32 v16, v7  }
0x254: {  	v5 =	vadd.f32 v11, v5;
	v11 =	vld.idx.msk [tilespmem:v4+s23+$0x0], $0xffff  }
0x255: {  	v54 =	vor.u32 $0x2, v32;
	v4 =	vld.idx.msk [tilespmem:v4+s24+$0x0], $0xffff;
	v7 =	vadd.f32 v18, v7  }
0x256: {  	v5 =	vadd.f32 v13, v5;
	v13 =	vld.idx.msk [tilespmem:v32+s23+$0x0], $0xffff  }
0x257: {  	v55 =	vld.idx.msk [tilespmem:v32+s24+$0x0], $0xffff;
	v18 =	vor.u32 $0x3, v32;
	v7 =	vadd.f32 v20, v7  }
0x258: {  	v5 =	vadd.f32 v15, v5;
	v15 =	vld.idx.msk [tilespmem:v12+s23+$0x0], $0xffff  }
0x259: {  	v20 =	vor.u32 $0x4, v32;
	v12 =	vld.idx.msk [tilespmem:v12+s24+$0x0], $0xffff;
	v7 =	vadd.f32 v22, v7  }
0x25a: {  	v56 =	vld.idx.msk [tilespmem:v54+s23+$0x0], $0xffff;
	v5 =	vadd.f32 v17, v5  }
0x25b: {  	v16 =	vld.idx.msk [tilespmem:v54+s24+$0x0], $0xffff;
	v22 =	vor.u32 $0x5, v32;
	v13 =	vadd.f32 $0.0e+00, v13;
	v7 =	vadd.f32 v24, v7  }
0x25c: {  	v57 =	vor.u32 $0x6, v32;
	v29 =	vadd.f32 $0.0e+00, v55;
	v5 =	vadd.f32 v19, v5;
	v19 =	vld.idx.msk [tilespmem:v18+s23+$0x0], $0xffff  }
0x25d: {  	v18 =	vld.idx.msk [tilespmem:v18+s24+$0x0], $0xffff;
	v13 =	vadd.f32 v15, v13;
	v7 =	vadd.f32 v26, v7  }
0x25e: {  	v12 =	vadd.f32 v12, v29;
	v5 =	vadd.f32 v21, v5;
	v21 =	vld.idx.msk [tilespmem:v20+s23+$0x0], $0xffff  }
0x25f: {  	v58 =	vor.u32 $0x7, v32;
	v15 =	vld.idx.msk [tilespmem:v20+s24+$0x0], $0xffff;
	v13 =	vadd.f32 v56, v13;
	v7 =	vadd.f32 v28, v7  }
0x260: {  	v20 =	vld.idx.msk [tilespmem:v22+s23+$0x0], $0xffff;
	v12 =	vadd.f32 v16, v12;
	v5 =	vadd.f32 v23, v5  }
0x261: {  	v62 =	vor.u32 $0xB, v32;
	v60 =	vld.idx.msk [tilespmem:v57+s23+$0x0], $0xffff;
	v13 =	vadd.f32 v19, v13;
	v7 =	vadd.f32 v30, v7  }
0x262: {  	v59 =	vld.idx.msk [tilespmem:v22+s24+$0x0], $0xffff;
	v23 =	vor.u32 $0x8, v32;
	v12 =	vadd.f32 v18, v12;
	v5 =	vadd.f32 v25, v5  }
0x263: {  	v18 =	vld.idx.msk [tilespmem:v57+s24+$0x0], $0xffff;
	v13 =	vadd.f32 v21, v13;
	v7 =	vadd.f32 v8, v7  }
0x264: {  	v22 =	vor.u32 $0x9, v32;
	v12 =	vadd.f32 v15, v12;
	v5 =	vadd.f32 v27, v5;
	v8 =	vld.idx.msk [tilespmem:v58+s23+$0x0], $0xffff  }
0x265: {  	v15 =	vld.idx.msk [tilespmem:v58+s24+$0x0], $0xffff;
	v6 =	vadd.f32 v6, v7;
	v7 =	vadd.f32 v20, v13  }
0x266: {  	v19 =	vor.u32 $0xA, v32;
	v21 =	vld.idx.msk [tilespmem:v62+s23+$0x0], $0xffff;
	v5 =	vadd.f32 v10, v5  }
0x267: {  	v61 =	vld.idx.msk [tilespmem:v23+s23+$0x0], $0xffff;
	v10 =	vadd.f32 v59, v12;
	v7 =	vadd.f32 v60, v7  }
0x268: {  	v63 =	vld.idx.msk [tilespmem:v23+s24+$0x0], $0xffff;
	v6 =	vadd.f32 v9, v6;
	v5 =	vadd.f32 v14, v5  }
0x269: {  	v12 =	vld.idx.msk [tilespmem:v22+s23+$0x0], $0xffff;
	v9 =	vadd.f32 v18, v10;
	v8 =	vadd.f32 v8, v7;
	v7 =	vor.u32 $0xC, v32  }
0x26a: {  	v10 =	vld.idx.msk [tilespmem:v22+s24+$0x0], $0xffff;
	v13 =	vadd.f32 v11, v6  }
0x26b: {  	s0 =	simm.s32 $0xC000;
	v14 =	vadd.f32 v4, v5;
	v11 =	vld.idx.msk [tilespmem:v19+s23+$0x0], $0xffff;
	v9 =	vadd.f32 v15, v9;
	v6 =	vor.u32 $0xD, v32  }
0x26c: {  	s7 =	sand.u32 $0x3E0, s2;
	v20 =	vld.idx.msk [tilespmem:v19+s24+$0x0], $0xffff;
	[tilespmem:s0+$0x0] =	vst v13;
	v13 =	vadd.f32 v61, v8  }
0x26d: {  	s2 =	simm.s32 $0x0;
	v22 =	vld.idx.msk [tilespmem:v62+s24+$0x0], $0xffff;
	v5 =	vor.u32 $0xE, v32;
	v4 =	vor.u32 $0xF, v32;
	v9 =	vadd.f32 v63, v9;
	[tilespmem:s7+$0xC400] =	vst v14;
	s7 =	simm.s32 $0x30  }
.LBB2_18:
0x26e: {  	s8 =	sadd.s32 $0xFFFFFFF0, s7;
	v8 =	vmov s7;
	v12 =	vadd.f32 v12, v13;
	v23 =	vld.idx.msk [tilespmem:v7+s23+$0x0], $0xffff  }
0x26f: {  	s2 =	sadd.s32 $0x2, s2;
	v13 =	vmov s8;
	v8 =	vshll.u32 v8, $0x4;
	v24 =	vld.idx.msk [tilespmem:v7+s24+$0x0], $0xffff  }
0x270: {  	p0 =	slt.u32 s2, $0x3E;
	v25 =	vadd.f32 v10, v9;
	v7 =	vshll.u32 v13, $0x4;
	v26 =	vadd.f32 v11, v12;
	v27 =	vld.idx.msk [tilespmem:v6+s23+$0x0], $0xffff  }
0x271: {  	v19 =	vor.u32 v3, v8;
	v28 =	vor.u32 v3, v7;
	v29 =	vld.idx.msk [tilespmem:v6+s24+$0x0], $0xffff  }
0x272: {  	v18 =	vor.u32 $0x1, v19;
	v17 =	vor.u32 $0x2, v19;
	v16 =	vor.u32 $0x3, v19;
	v30 =	vld.idx.msk [tilespmem:v5+s23+$0x0], $0xffff  }
0x273: {  	v15 =	vor.u32 $0x4, v19;
	v14 =	vor.u32 $0x5, v19;
	v31 =	vor.u32 $0x1, v28;
	v32 =	vld.idx.msk [tilespmem:v5+s24+$0x0], $0xffff  }
0x274: {  	v13 =	vor.u32 $0x6, v19;
	v12 =	vor.u32 $0x7, v19;
	v11 =	vor.u32 $0x8, v19;
	v33 =	vld.idx.msk [tilespmem:v4+s23+$0x0], $0xffff  }
0x275: {  	v10 =	vor.u32 $0x9, v19;
	v9 =	vor.u32 $0xA, v19;
	v34 =	vor.u32 $0x2, v28;
	v35 =	vld.idx.msk [tilespmem:v4+s24+$0x0], $0xffff  }
0x276: {  	v8 =	vor.u32 $0xB, v19;
	v7 =	vor.u32 $0xC, v19;
	v20 =	vadd.f32 v20, v25;
	v36 =	vld.idx.msk [tilespmem:v28+s23+$0x0], $0xffff  }
0x277: {  	v6 =	vor.u32 $0xD, v19;
	v37 =	vor.u32 $0x3, v28;
	v21 =	vadd.f32 v21, v26;
	v25 =	vld.idx.msk [tilespmem:v28+s24+$0x0], $0xffff  }
0x278: {  	v5 =	vor.u32 $0xE, v19;
	v20 =	vadd.f32 v22, v20;
	v4 =	vor.u32 $0xF, v19;
	v26 =	vld.idx.msk [tilespmem:v31+s23+$0x0], $0xffff  }
0x279: {  	v21 =	vadd.f32 v23, v21;
	v22 =	vld.idx.msk [tilespmem:v31+s24+$0x0], $0xffff;
	v31 =	vor.u32 $0x4, v28  }
0x27a: {  	v20 =	vadd.f32 v24, v20;
	v23 =	vld.idx.msk [tilespmem:v34+s23+$0x0], $0xffff  }
0x27b: {  	v21 =	vadd.f32 v27, v21;
	v24 =	vld.idx.msk [tilespmem:v34+s24+$0x0], $0xffff;
	v34 =	vor.u32 $0x5, v28  }
0x27c: {  	v20 =	vadd.f32 v29, v20;
	v27 =	vadd.f32 $0.0e+00, v36;
	v36 =	vld.idx.msk [tilespmem:v37+s23+$0x0], $0xffff  }
0x27d: {  	v21 =	vadd.f32 v30, v21;
	v25 =	vadd.f32 $0.0e+00, v25;
	v29 =	vld.idx.msk [tilespmem:v37+s24+$0x0], $0xffff;
	v37 =	vor.u32 $0x6, v28  }
0x27e: {  	v20 =	vadd.f32 v32, v20;
	v26 =	vadd.f32 v26, v27;
	v27 =	vld.idx.msk [tilespmem:v31+s23+$0x0], $0xffff  }
0x27f: {  	v30 =	vor.u32 $0x7, v28;
	v21 =	vadd.f32 v33, v21;
	v22 =	vadd.f32 v22, v25;
	v25 =	vld.idx.msk [tilespmem:v31+s24+$0x0], $0xffff  }
0x280: {  	v20 =	vadd.f32 v35, v20;
	v23 =	vadd.f32 v23, v26;
	v26 =	vld.idx.msk [tilespmem:v34+s23+$0x0], $0xffff  }
0x281: {  	v31 =	vor.u32 $0x8, v28;
	v22 =	vadd.f32 v24, v22;
	v24 =	vld.idx.msk [tilespmem:v34+s24+$0x0], $0xffff;
	[tilespmem:s0+$0x10] =	vst v21  }
0x282: {  	v21 =	vadd.f32 v36, v23;
	v23 =	vld.idx.msk [tilespmem:v37+s23+$0x0], $0xffff;
	[tilespmem:s0+$0x410] =	vst v20  }
0x283: {  	v20 =	vadd.f32 v29, v22;
	v29 =	vor.u32 $0x9, v28;
	v22 =	vld.idx.msk [tilespmem:v37+s24+$0x0], $0xffff  }
0x284: {  	v21 =	vadd.f32 v27, v21;
	v27 =	vld.idx.msk [tilespmem:v30+s23+$0x0], $0xffff  }
0x285: {  	v20 =	vadd.f32 v25, v20;
	v25 =	vld.idx.msk [tilespmem:v30+s24+$0x0], $0xffff;
	v30 =	vor.u32 $0xA, v28  }
0x286: {  	v21 =	vadd.f32 v26, v21;
	v26 =	vld.idx.msk [tilespmem:v31+s23+$0x0], $0xffff  }
0x287: {  	v20 =	vadd.f32 v24, v20;
	v24 =	vld.idx.msk [tilespmem:v31+s24+$0x0], $0xffff;
	v31 =	vor.u32 $0xB, v28  }
0x288: {  	v21 =	vadd.f32 v23, v21;
	v23 =	vld.idx.msk [tilespmem:v29+s23+$0x0], $0xffff  }
0x289: {  	v20 =	vadd.f32 v22, v20;
	v22 =	vld.idx.msk [tilespmem:v29+s24+$0x0], $0xffff;
	v29 =	vor.u32 $0xC, v28  }
0x28a: {  	v21 =	vadd.f32 v27, v21;
	v27 =	vld.idx.msk [tilespmem:v30+s23+$0x0], $0xffff  }
0x28b: {  	v20 =	vadd.f32 v25, v20;
	v25 =	vld.idx.msk [tilespmem:v30+s24+$0x0], $0xffff;
	v30 =	vor.u32 $0xD, v28  }
0x28c: {  	v21 =	vadd.f32 v26, v21;
	v26 =	vld.idx.msk [tilespmem:v31+s23+$0x0], $0xffff  }
0x28d: {  	v20 =	vadd.f32 v24, v20;
	v24 =	vld.idx.msk [tilespmem:v31+s24+$0x0], $0xffff;
	v31 =	vor.u32 $0xE, v28  }
0x28e: {  	v21 =	vadd.f32 v23, v21;
	v23 =	vld.idx.msk [tilespmem:v29+s23+$0x0], $0xffff  }
0x28f: {  	v28 =	vor.u32 $0xF, v28;
	v20 =	vadd.f32 v22, v20;
	v22 =	vld.idx.msk [tilespmem:v29+s24+$0x0], $0xffff  }
0x290: {  	v21 =	vadd.f32 v27, v21;
	v27 =	vld.idx.msk [tilespmem:v30+s23+$0x0], $0xffff  }
0x291: {  	v20 =	vadd.f32 v25, v20;
	v25 =	vld.idx.msk [tilespmem:v30+s24+$0x0], $0xffff  }
0x292: {  	v21 =	vadd.f32 v26, v21;
	v26 =	vld.idx.msk [tilespmem:v31+s23+$0x0], $0xffff  }
0x293: {  	v20 =	vadd.f32 v24, v20;
	v24 =	vld.idx.msk [tilespmem:v31+s24+$0x0], $0xffff  }
0x294: {  	v21 =	vadd.f32 v23, v21;
	v23 =	vld.idx.msk [tilespmem:v28+s23+$0x0], $0xffff  }
0x295: {  	v20 =	vadd.f32 v22, v20;
	v22 =	vld.idx.msk [tilespmem:v28+s24+$0x0], $0xffff  }
0x296: {  	v21 =	vadd.f32 v27, v21;
	v27 =	vld.idx.msk [tilespmem:v19+s23+$0x0], $0xffff  }
0x297: {  	v20 =	vadd.f32 v25, v20;
	v19 =	vld.idx.msk [tilespmem:v19+s24+$0x0], $0xffff  }
0x298: {  	v21 =	vadd.f32 v26, v21;
	v25 =	vld.idx.msk [tilespmem:v18+s23+$0x0], $0xffff  }
0x299: {  	v20 =	vadd.f32 v24, v20;
	v18 =	vld.idx.msk [tilespmem:v18+s24+$0x0], $0xffff  }
0x29a: {  	v21 =	vadd.f32 v23, v21;
	v23 =	vld.idx.msk [tilespmem:v17+s23+$0x0], $0xffff  }
0x29b: {  	s0 =	sadd.s32 $0x20, s0;
	v20 =	vadd.f32 v22, v20;
	v17 =	vld.idx.msk [tilespmem:v17+s24+$0x0], $0xffff  }
0x29c: {  	s8 =	sand.u32 $0x3E0, s8;
	[tilespmem:s0+$0x0] =	vst v21;
	v21 =	vadd.f32 $0.0e+00, v27;
	v22 =	vld.idx.msk [tilespmem:v16+s23+$0x0], $0xffff  }
0x29d: {  	v19 =	vadd.f32 $0.0e+00, v19;
	[tilespmem:s8+$0xC400] =	vst v20;
	v16 =	vld.idx.msk [tilespmem:v16+s24+$0x0], $0xffff  }
0x29e: {  	v20 =	vadd.f32 v25, v21;
	v21 =	vld.idx.msk [tilespmem:v15+s23+$0x0], $0xffff  }
0x29f: {  	v18 =	vadd.f32 v18, v19;
	v15 =	vld.idx.msk [tilespmem:v15+s24+$0x0], $0xffff  }
0x2a0: {  	v19 =	vadd.f32 v23, v20;
	v20 =	vld.idx.msk [tilespmem:v14+s23+$0x0], $0xffff  }
0x2a1: {  	v17 =	vadd.f32 v17, v18;
	v14 =	vld.idx.msk [tilespmem:v14+s24+$0x0], $0xffff  }
0x2a2: {  	v18 =	vadd.f32 v22, v19;
	v19 =	vld.idx.msk [tilespmem:v13+s23+$0x0], $0xffff  }
0x2a3: {  	v16 =	vadd.f32 v16, v17;
	v13 =	vld.idx.msk [tilespmem:v13+s24+$0x0], $0xffff  }
0x2a4: {  	v17 =	vadd.f32 v21, v18;
	v18 =	vld.idx.msk [tilespmem:v12+s23+$0x0], $0xffff  }
0x2a5: {  	v15 =	vadd.f32 v15, v16;
	v16 =	vld.idx.msk [tilespmem:v12+s24+$0x0], $0xffff  }
0x2a6: {  	v12 =	vadd.f32 v20, v17;
	v17 =	vld.idx.msk [tilespmem:v11+s23+$0x0], $0xffff  }
0x2a7: {  	v14 =	vadd.f32 v14, v15;
	v15 =	vld.idx.msk [tilespmem:v11+s24+$0x0], $0xffff  }
0x2a8: {  	v11 =	vadd.f32 v19, v12;
	v12 =	vld.idx.msk [tilespmem:v10+s23+$0x0], $0xffff  }
.Ltmp8:
0x2a9: {  	v13 =	vadd.f32 v13, v14;
	v10 =	vld.idx.msk [tilespmem:v10+s24+$0x0], $0xffff;
	(pc) =	sbr.rel @p0 .LBB2_18-.Ltmp8, $4  }
0x2aa: {  	v14 =	vadd.f32 v18, v11;
	v11 =	vld.idx.msk [tilespmem:v9+s23+$0x0], $0xffff  }
0x2ab: {  	v16 =	vadd.f32 v16, v13;
	v20 =	vld.idx.msk [tilespmem:v9+s24+$0x0], $0xffff  }
0x2ac: {  	v13 =	vadd.f32 v17, v14;
	v21 =	vld.idx.msk [tilespmem:v8+s23+$0x0], $0xffff  }
0x2ad: {  	s7 =	sadd.s32 $0x20, s7;
	v9 =	vadd.f32 v15, v16;
	v22 =	vld.idx.msk [tilespmem:v8+s24+$0x0], $0xffff  }
0x2ae: {  	_ =	sdelay $0x2  }
0x2af: {  	v3 =	vadd.f32 v12, v13  }
0x2b0: {  	v8 =	vld.idx.msk [tilespmem:v7+s23+$0x0], $0xffff;
	v9 =	vadd.f32 v10, v9  }
0x2b1: {  	v57 =	vld.idx.msk [tilespmem:v7+s24+$0x0], $0xffff;
	v3 =	vadd.f32 v11, v3  }
0x2b2: {  	v58 =	vld.idx.msk [tilespmem:v6+s23+$0x0], $0xffff;
	v9 =	vadd.f32 v20, v9  }
0x2b3: {  	v59 =	vld.idx.msk [tilespmem:v6+s24+$0x0], $0xffff;
	v3 =	vadd.f32 v21, v3  }
0x2b4: {  	v60 =	vld.idx.msk [tilespmem:v5+s23+$0x0], $0xffff;
	v9 =	vadd.f32 v22, v9  }
0x2b5: {  	v61 =	vld.idx.msk [tilespmem:v5+s24+$0x0], $0xffff;
	v3 =	vadd.f32 v8, v3  }
0x2b6: {  	v62 =	vld.idx.msk [tilespmem:v4+s23+$0x0], $0xffff;
	v7 =	vadd.f32 v57, v9  }
0x2b7: {  	v63 =	vld.idx.msk [tilespmem:v4+s24+$0x0], $0xffff;
	v3 =	vadd.f32 v58, v3  }
0x2b8: {  	v6 =	vadd.f32 v59, v7  }
0x2b9: {  	v3 =	vadd.f32 v60, v3  }
0x2ba: {  	v5 =	vadd.f32 v61, v6  }
0x2bb: {  	v3 =	vadd.f32 v62, v3  }
0x2bc: {  	s31 =	sadd.s32 $0x1, s31;
	v4 =	vadd.f32 v63, v5  }
0x2bd: {  	s29 =	simm.s32 $0x80;
	p0 =	sne.s32 s31, s14;
	[tilespmem:s0+$0x10] =	vst v3  }
.Ltmp9:
0x2be: {  	s2 =	simm.s32 $0x400;
	s7 =	simm.s32 $0xC000;
	[tilespmem:s0+$0x410] =	vst v4;
	(pc) =	sbr.rel @p0 .LBB2_1-.Ltmp9, $4  }
0x2bf: {  	[hbm4b:s13+s29] =	stream.strided.scatter [tilespmem:s7], [sflag:$0x3], $0x800, s2, s29, $0x38;
	[tilespmem:$0xC800] =	vst v63  }
0x2c0: {  	_ =	swait.ge [sflag:s30], $0x800  }
0x2c1: {  	[sflag:s30] =	ssyncset.done $0x0  }
0x2c2: {  	[sflag:s30] =	ssyncadd.s32 $0xFFFFF800  }
0x2c3: {  	_ =	sfence.sel $0x180000  }
0x2c4: {  	[bflag:$0x0] =	sbarrier.arrive $0xFFFF  }
0x2c5: {  	_ =	strace $0x90000047  }
0x2c6: {  	s0 =	stileid.u32;
	[bflag:$0x2] =	sbarrier.arrive $0xFFFF  }
0x2c7: {  	p0 =	sne.s32 s0, $0x0;
	s0 =	rddreg [dreg:$0x3]  }
0x2c8: {  	s0 =	sadd.s32 @!p0 $0x100000, s0  }
0x2c9: {  	[sflag:s0] =	ssyncadd.tile.s32 @!p0 $0x1;
	_ =	shalt  }
.Lfunc_end2:
_tile_overlayer_lowered:
.L_overlay_start_2:
0x2ca: {  	(tag) =	ssettag $0x2  }
0x2cb: {  	s0 =	rddreg [dreg:$0x0];
	s2 =	stileid.u32  }
0x2cc: {  	s1 =	rddreg [dreg:$0x1];
	p0 =	sne.s32 s2, $0x0  }
0x2cd: {  	s3 =	rddreg [dreg:$0x2];
	[bflag:$0x3] =	sbarrier.arrive $0xFFFF;
	s2 =	simm.s32 @!p0 $0x1C03  }
0x2ce: {  	[timem:s3], [sflag:s2] =	dma.local @!p0 [hbm:s0], s1  }
0x2cf: {  	s0 =	simm.s32 @!p0 $0x3  }
0x2d0: {  	_ =	swait.ge @!p0 [sflag:s0], s1  }
0x2d1: {  	s1 =	ssub.s32 @!p0 $0x0, s1;
	[sflag:s0] =	ssyncset.done @!p0 $0x0  }
0x2d2: {  	[sflag:s0] =	ssyncadd.s32 @!p0 s1  }
0x2d3: {  	[bflag:$0x3] =	sbarrier.arrive $0xFFFF  }
0x2d4: {  	_ =	shalt  }

// kernel: kernel.7.cloned.1.call-start
scs
__scs_entry_jumppad:
0x0: {  	(pc) =	sbr.rel $0x88, $3  }
0x1: {  	(tag) =	ssettag $0x0;
	lr =	simm.s32 $0x1  }
0x2: {  	[smem:$0x3F9E] =	sst lr;
	_ =	strace $0xD0000000  }
0x3: {  	_ = 	snop  }
0x4: {  	_ = 	snop  }
0x5: {  	_ = 	snop  }
0x6: {  	_ = 	snop  }
0x7: {  	_ = 	snop  }
__scs_overlays_trampoline_lowered:
0x8: {  	[smem:$0x3FAD] =	sst s0  }
0x9: {  	[smem:$0x3FAE] =	sst s1  }
0xa: {  	[smem:$0x3FAF] =	sst s2  }
0xb: {  	[smem:$0x3FB0] =	sst s3  }
0xc: {  	[smem:$0x3FB1] =	sst s4  }
0xd: {  	[smem:$0x3FB2] =	sst s5  }
0xe: {  	[smem:$0x3FB3] =	sst s6  }
0xf: {  	[smem:$0x3FB4] =	sst s7  }
0x10: {  	[smem:$0x3FB5] =	sst s8  }
0x11: {  	[smem:$0x3FB6] =	sst s9;
	s0 =	simm.s32 @!p0 $0x0  }
0x12: {  	s1 =	sld [smem:$0x3F9C];
	s0 =	simm.s32 @p0 $0x1  }
0x13: {  	[smem:$0x3FB7] =	sst s0;
	s0 =	simm.s32 @!p1 $0x0  }
0x14: {  	s2 =	sld [smem:$0x3F9B];
	s0 =	simm.s32 @p1 $0x1  }
0x15: {  	[smem:$0x3FB8] =	sst s0;
	s0 =	simm.s32 @!p2 $0x0  }
0x16: {  	s3 =	sld [smem:$0x3FDB];
	s0 =	simm.s32 @p2 $0x1  }
0x17: {  	s4 =	simm.s32 $0x1BF5;
	[smem:$0x3FBA] =	sst s0  }
0x18: {  	s0 =	sld [smem:$0x3F9D];
	_ =	swait.ge [sflag:s4], $0x0  }
0x19: {  	s7 =	sld [smem:$0x3F9E]  }
0x1a: {  	s8 =	sadd.s32 $0xFFFFE003, lr  }
0x1b: {  	s9 =	sadd.s32 $0xFFFFFEF7, lr;
	s5 =	simm.s32 $0xFFFFFFFF;
	p2 =	slt.u32 s8, $0xFFFFF086  }
0x1c: {  	p1 =	slt.u32 s9, $0xF7A;
	s5 =	simm.s32 @!p2 $0x0  }
0x1d: {  	s5 =	simm.s32 @p1 $0x1;
	p0 =	seq.s32 s7, s2  }
0x1e: {  	s7 =	smul.u32 @!p0 $0xF7A, s2;
	p2 =	seq.s32 @!p0 s5, $0x0  }
0x1f: {  	s9 =	smul.u32 $0xF7A, s1;
	s8 =	simm.s32 @!p0 $0x1BF5;
	p2 =	por !p2, p0  }
0x20: {  	[sflag:s8] =	ssyncset.s32 @!p0 $0xFFFFF086;
	s6 =	sadd.s32 @!p0 s3, s7;
	s7 =	simm.s32 @!p0 $0x108  }
0x21: {  	s3 =	sadd.s32 s3, s9;
	s6 =	sadd.s32 @!p0 $0x88, s6;
	s7 =	simm.s32 @p2 $0x1082  }
0x22: {  	[simem:s7], [sflag:s8] =	dma.local @!p0 [hbm:s6], $0xF7A  }
0x23: {  	s9 =	sor.u32 $0xD0000000, s2;
	s6 =	simm.s32 $0x108;
	_ =	swait.ge @!p0 [sflag:s8], $0x0  }
0x24: {  	s3 =	sadd.s32 $0x88, s3;
	s6 =	simm.s32 @!p1 $0x1082;
	[sflag:s4] =	ssyncset.s32 $0xFFFFF086  }
0x25: {  	[simem:s6], [sflag:s4] =	dma.local [hbm:s3], $0xF7A  }
0x26: {  	[smem:$0x3F9E] =	sst s1;
	(tag) =	ssettag s2;
	_ =	strace s9  }
0x27: {  	s1 =	sld [smem:$0x3FAE]  }
0x28: {  	s2 =	sld [smem:$0x3FAF]  }
0x29: {  	s4 =	sld [smem:$0x3FB1]  }
0x2a: {  	p0 =	seq.s32 s5, $0x0;
	s5 =	sld [smem:$0x3FB2]  }
0x2b: {  	s6 =	sld [smem:$0x3FB3]  }
0x2c: {  	s7 =	sld [smem:$0x3FB4]  }
0x2d: {  	s3 =	simm.s32 $0x108;
	s8 =	sld [smem:$0x3FB5]  }
0x2e: {  	s3 =	simm.s32 @!p0 $0x1082;
	s9 =	sld [smem:$0x3FB6]  }
0x2f: {  	lr =	sadd.s32 s0, s3;
	s0 =	sld [smem:$0x3FAD]  }
0x30: {  	s3 =	sld [smem:$0x3FB0]  }
0x31: {  	[smem:$0x3FB9] =	sst s10  }
0x32: {  	s10 =	sld [smem:$0x3FB7];
	_ =	sdelay $0x3  }
0x33: {  	p0 =	seq.s32 s10, $0x1;
	s10 =	sld [smem:$0x3FB9];
	_ =	sdelay $0x3  }
0x34: {  	[smem:$0x3FB9] =	sst s10  }
0x35: {  	s10 =	sld [smem:$0x3FB8];
	_ =	sdelay $0x3  }
0x36: {  	p1 =	seq.s32 s10, $0x1;
	s10 =	sld [smem:$0x3FB9];
	_ =	sdelay $0x3  }
0x37: {  	[smem:$0x3FB9] =	sst s10  }
0x38: {  	s10 =	sld [smem:$0x3FBA]  }
0x39: {  	_ = 	snop;
	(pc) =	sbr.ind lr, $3  }
0x3a: {  	_ = 	snop  }
0x3b: {  	_ = 	snop  }
0x3c: {  	p2 =	seq.s32 s10, $0x1;
	s10 =	sld [smem:$0x3FB9]  }
0x3d: {  	_ =	shalt  }
0x3e: {  	_ =	shalt  }
0x3f: {  	_ =	shalt  }
0x40: {  	_ =	shalt  }
0x41: {  	_ =	shalt  }
0x42: {  	_ =	shalt  }
0x43: {  	_ =	shalt  }
0x44: {  	_ =	shalt  }
0x45: {  	_ =	shalt  }
0x46: {  	_ =	shalt  }
0x47: {  	_ =	shalt  }
0x48: {  	_ =	shalt  }
0x49: {  	_ =	shalt  }
0x4a: {  	_ =	shalt  }
0x4b: {  	_ =	shalt  }
0x4c: {  	_ =	shalt  }
0x4d: {  	_ =	shalt  }
0x4e: {  	_ =	shalt  }
0x4f: {  	_ =	shalt  }
0x50: {  	_ =	shalt  }
0x51: {  	_ =	shalt  }
0x52: {  	_ =	shalt  }
0x53: {  	_ =	shalt  }
0x54: {  	_ =	shalt  }
0x55: {  	_ =	shalt  }
0x56: {  	_ =	shalt  }
0x57: {  	_ =	shalt  }
0x58: {  	_ =	shalt  }
0x59: {  	_ =	shalt  }
0x5a: {  	_ =	shalt  }
0x5b: {  	_ =	shalt  }
0x5c: {  	_ =	shalt  }
0x5d: {  	_ =	shalt  }
0x5e: {  	_ =	shalt  }
0x5f: {  	_ =	shalt  }
0x60: {  	_ =	shalt  }
0x61: {  	_ =	shalt  }
0x62: {  	_ =	shalt  }
0x63: {  	_ =	shalt  }
0x64: {  	_ =	shalt  }
0x65: {  	_ =	shalt  }
0x66: {  	_ =	shalt  }
0x67: {  	_ =	shalt  }
0x68: {  	_ =	shalt  }
0x69: {  	_ =	shalt  }
0x6a: {  	_ =	shalt  }
0x6b: {  	_ =	shalt  }
0x6c: {  	_ =	shalt  }
0x6d: {  	_ =	shalt  }
0x6e: {  	_ =	shalt  }
0x6f: {  	_ =	shalt  }
0x70: {  	_ =	shalt  }
0x71: {  	_ =	shalt  }
0x72: {  	_ =	shalt  }
0x73: {  	_ =	shalt  }
0x74: {  	_ =	shalt  }
0x75: {  	_ =	shalt  }
0x76: {  	_ =	shalt  }
0x77: {  	_ =	shalt  }
0x78: {  	_ =	shalt  }
0x79: {  	_ =	shalt  }
0x7a: {  	_ =	shalt  }
0x7b: {  	_ =	shalt  }
0x7c: {  	_ =	shalt  }
0x7d: {  	_ =	shalt  }
0x7e: {  	_ =	shalt  }
0x7f: {  	_ =	shalt  }
0x80: {  	_ =	shalt  }
0x81: {  	_ =	shalt  }
0x82: {  	_ =	shalt  }
0x83: {  	_ =	shalt  }
0x84: {  	_ =	shalt  }
0x85: {  	_ =	shalt  }
0x86: {  	_ =	shalt  }
0x87: {  	_ =	shalt  }
.Lfunc_end0:
.L_simem_size_0:
called_computation.1_lowered:
.L_overlay_start_0:
0x88: {  	s2 =	sld [smem:$0x3FD9]  }
0x89: {  	s3 =	sld [smem:$0x3FFE];
	_ =	sdelay $0x1  }
0x8a: {  	s1 =	srdreg.scid  }
0x8b: {  	s0 =	sand.u32 $0x1, s1  }
0x8c: {  	s17 =	sshll.u32 s0, $0xA;
	s2 =	sadd.s32 s3, s2  }
0x8d: {  	s2 =	sadd.s32 s2, s17  }
0x8e: {  	[smem:$0x3FC5] =	sst s2  }
0x8f: {  	_ = 	snop  }
0x90: {  	s2 =	sld [smem:$0x3FC8]  }
0x91: {  	s18 =	sld [smem:$0x3FD0];
	(tm) =	ssettm $0x1  }
0x92: {  	s4 =	sld [smem:$0x3FFB];
	_ =	sdelay $0x3  }
0x93: {  	_ =	strace s4  }
0x94: {  	s4 =	sld [smem:$0x3FFC];
	_ =	sdelay $0x3  }
0x95: {  	_ =	strace s4  }
0x96: {  	s4 =	sld [smem:$0x3FFD];
	_ =	sdelay $0x3  }
0x97: {  	_ =	strace s4  }
0x98: {  	_ =	strace $0x8FFFFFFF  }
0x99: {  	s19 =	sld [smem:$0x3FDB];
	_ =	sdelay $0x1  }
0x9a: {  	s5 =	simm.s32 $_scs_section_size  }
0x9b: {  	s6 =	simm.s32 $_size__tile_overlayer_lowered;
	s7 =	simm.s32 $_tile_overlayer_lowered  }
0x9c: {  	s22 =	simm.s32 $0x1BFF;
	s21 =	sshll.u32 s7, $0x1;
	s4 =	sadd.s32 s5, s19  }
0x9d: {  	s8 =	simm.s32 $0x0;
	s20 =	sshll.u32 s6, $0x1;
	s6 =	sadd.s32 s21, s4  }
0x9e: {  	[timem:s8], [sflag:s22] =	dma.local [hbm:s6], s20  }
0x9f: {  	_ =	swait.ge [sflag:s22], s20  }
0xa0: {  	s5 =	ssub.s32 $0x0, s20;
	[sflag:s22] =	ssyncset.done $0x0  }
0xa1: {  	[sflag:s22] =	ssyncadd.s32 s5;
	_ =	sdelay $0x1  }
0xa2: {  	s23 =	simm.s32 $0x1B8B  }
0xa3: {  	_ =	swait.ge [sflag:s23], $0x1  }
0xa4: {  	[sflag:s23] =	ssyncset.done $0x0  }
0xa5: {  	s25 =	simm.s32 $0x1B8E;
	s24 =	sld [smem:$0x3FFE];
	[sflag:s23] =	ssyncadd.s32 $0xFFFFFFFF  }
0xa6: {  	s26 =	simm.s32 $execute0_lowered;
	[smem:$0x3FD2] =	sst s25  }
0xa7: {  	s6 =	sshll.u32 s26, $0x1;
	_ =	strace $0x80000049;
	[dreg:$0x1] =	wrdreg $0xFFFFFFFF  }
0xa8: {  	s28 =	simm.s32 $_size_execute0_lowered;
	s4 =	sadd.s32 s4, s6;
	[dreg:$0x0] =	wrdreg $0x0  }
0xa9: {  	s6 =	sshll.u32 s28, $0x1;
	[dreg:$0x2] =	wrdreg s4  }
0xaa: {  	[dreg:$0x3] =	wrdreg s6  }
0xab: {  	[dreg:$0x4] =	wrdreg $0xC0  }
0xac: {  	_ =	task [dreg:s8], $0x5FFFF  }
0xad: {  	[dreg:$0x1] =	wrdreg $0xFFFFFFFF  }
0xae: {  	[dreg:$0x0] =	wrdreg $0x60  }
0xaf: {  	[dreg:$0x2] =	wrdreg s24  }
0xb0: {  	[dreg:$0x3] =	wrdreg s18  }
0xb1: {  	[dreg:$0x4] =	wrdreg s2  }
0xb2: {  	[dreg:$0x5] =	wrdreg $0x95000  }
0xb3: {  	[dreg:$0x6] =	wrdreg $0x9  }
0xb4: {  	_ =	task.clear_ibuf [dreg:s8], $0x7FFFF;
	_ =	strace $0x90000049  }
0xb5: {  	s29 =	simm.s32 $0x9;
	_ =	strace $0x8000004B  }
0xb6: {  	_ =	swait.ge [sflag:s29], $0x1  }
0xb7: {  	[sflag:s29] =	ssyncadd.s32 $0xFFFFFFFF  }
0xb8: {  	_ =	strace $0x9000004B  }
0xb9: {  	_ =	sfence  }
0xba: {  	s30 =	sld [smem:$0x0];
	_ =	sdelay $0x2  }
0xbb: {  	s31 =	sshll.u32 s1, $0xD;
	s1 =	sshrl.u32 s1, $0x2  }
0xbc: {  	s3 =	sand.u32 $0x4000, s31;
	s1 =	sadd.s32 s1, s30  }
0xbd: {  	s0 =	sor.u32 s3, s0;
	s1 =	sshll.u32 s1, $0x11  }
0xbe: {  	s0 =	sor.u32 s1, s0  }
0xbf: {  	s0 =	sadd.s32 $0x8F2B, s0  }
0xc0: {  	[sflag:s0] =	ssyncadd.remote.s32 $0x1  }
0xc1: {  	_ =	sfence.sel $0xFFFF  }
0xc2: {  	[dreg:$0x0] =	wrdreg $0xFFFFFFFF;
	(pc) =	sbr.abs _section_cstart, $3  }
0xc3: {  	[dreg:$0x1] =	wrdreg $0xFFFFFFFF  }
0xc4: {  	_ =	task.clear_ibuf [dreg:s8], $0x2FFFF;
	_ =	strace $0x9FFFFFFF  }
0xc5: {  	(tm) =	ssettm $0x7FFFFFFF  }
tec
execute0_lowered:
.L_overlay_start_1:
0x0: {  	(tag) =	ssettag $0x1  }
0x1: {  	s1 =	rddreg [dreg:$0x0]  }
0x2: {  	s2 =	rddreg [dreg:$0x1]  }
0x3: {  	s3 =	rddreg [dreg:$0x2]  }
0x4: {  	s13 =	rddreg [dreg:$0x3];
	s6 =	simm.s32 $0x0  }
0x5: {  	s14 =	stileid.u32;
	s0 =	srdreg.scid;
	s28 =	simm.s32 $0x4000  }
0x6: {  	s29 =	simm.s32 $0x9080;
	s15 =	simm.s32 $0x1;
	[smem:$0x7FF] =	sst s6  }
0x7: {  	s7 =	sadd.s32 $0x30E00, s1;
	s4 =	sshll.u32 s14, $0x7;
	s0 =	sand.u32 $0x1, s0  }
0x8: {  	s5 =	sshll.u32 s14, $0x1;
	s9 =	sadd.s32 $0x63E00, s1;
	s11 =	sadd.s32 $0x94E00, s1  }
0x9: {  	s12 =	sadd.s32 $0xC5C00, s1;
	p0 =	sgt.u32 s14, $0x7;
	_ =	strace $0x8000004A  }
0xa: {  	s8 =	sadd.s32 s4, s1;
	[dreg:$0x5] =	wrdreg s9;
	s5 =	sor.u32 s0, s5  }
0xb: {  	s0 =	ssub.s32 $0x2, s0;
	s4 =	sadd.s32 s4, s13;
	s10 =	smul.u32 $0xC350, s5  }
0xc: {  	s20 =	sshrl.u32 s0, $0x1;
	s21 =	sadd.s32 $0x61C00, s8;
	[dreg:$0x8] =	wrdreg s4  }
0xd: {  	s8 =	sadd.s32 $0x62000, s8;
	s0 =	ssub.s32 s0, s20;
	[dreg:$0x6] =	wrdreg s21  }
0xe: {  	[dreg:$0x7] =	wrdreg s8;
	s22 =	sshrl.u32 s10, $0x3;
	s0 =	smax.u32 s0, $0x1  }
0xf: {  	s9 =	sadd.s32 $0x64000, s1;
	s23 =	sadd.s32 s7, s22;
	[dreg:$0x10] =	wrdreg s0  }
0x10: {  	s8 =	simm.s32 $0x5;
	s24 =	sadd.s32 s1, s22;
	[dreg:$0x9] =	wrdreg s23  }
0x11: {  	s20 =	sadd.s32 $0x7D0, s10;
	s25 =	sadd.s32 s2, s22;
	[dreg:$0xa] =	wrdreg s24  }
0x12: {  	s26 =	sadd.s32 s3, s22;
	s30 =	sadd.s32 $0x1770, s22;
	[dreg:$0xb] =	wrdreg s25  }
0x13: {  	s21 =	sadd.s32 $0xFA0, s10;
	[dreg:$0xc] =	wrdreg s26;
	s5 =	sadd.s32 s9, s30  }
0x14: {  	s22 =	simm.s32 $0x3;
	s31 =	sadd.s32 s11, s30;
	[dreg:$0xd] =	wrdreg s5  }
0x15: {  	s4 =	sadd.s32 s12, s30;
	s23 =	simm.s32 $0x2;
	[dreg:$0xe] =	wrdreg s31  }
0x16: {  	s24 =	simm.s32 $0x4;
	[dreg:$0xf] =	wrdreg s4;
	s4 =	simm.s32 $0x0  }
.LBB2_1:
.Ltmp0:
0x17: {  	(pc) =	sbr.rel @p0 .LBB2_19-.Ltmp0, $2  }
0x18: {  	_ =	sdelay $0x2  }
0x19: {  	[dreg:$0x11] =	wrdreg s4  }
0x1a: {  	s0 =	rddreg [dreg:$0x6];
	s4 =	simm.s32 $0x400;
	s5 =	simm.s32 $0x7000  }
0x1b: {  	[tilespmem:s5], [sflag:$0x5] =	stream.strided.gather [hbm4b:s0+s4], $0x1000, s28, s4, $0x38;
	[tilespmem:$0x9540] =	vst v63  }
0x1c: {  	_ =	swait.ge [sflag:s8], $0x1000  }
0x1d: {  	[sflag:s8] =	ssyncset.done $0x0  }
0x1e: {  	s19 =	simm.s32 $0x8000;
	s18 =	rddreg [dreg:$0x7];
	[sflag:s8] =	ssyncadd.s32 $0xFFFFF000  }
0x1f: {  	[tilespmem:s19], [sflag:$0x5] =	stream.strided.gather [hbm4b:s18+s4], $0x1000, s28, s4, $0x38;
	[tilespmem:$0x9540] =	vst v63  }
0x20: {  	_ =	swait.ge [sflag:s8], $0x1000  }
0x21: {  	s25 =	simm.s32 $0x0;
	[sflag:s8] =	ssyncset.done $0x0  }
0x22: {  	s30 =	simm.s32 $0x9480;
	s26 =	rddreg [dreg:$0x5];
	[sflag:s8] =	ssyncadd.s32 $0xFFFFF000  }
0x23: {  	[tilespmem:s30], [sflag:$0x5] =	stream.linear.gather [hbm4b:s26+s25], $0x80, $0x38;
	[tilespmem:$0x9540] =	vst v63  }
0x24: {  	_ =	swait.ge [sflag:s8], $0x80  }
0x25: {  	[sflag:s8] =	ssyncset.done $0x0  }
0x26: {  	[sflag:s8] =	ssyncadd.s32 $0xFFFFFF80  }
0x27: {  	s31 =	simm.s32 $0x0;
	v0 =	vld [tilespmem:$0x9480]  }
0x28: {  	v3 =	vld [tilespmem:s31+$0x8000]  }
0x29: {  	v1 =	vimm.f32 $0.0e+00;
	v2 =	vimm.f32 $0.0e+00;
	s0 =	simm.s32 $0x200;
	v4 =	vld [tilespmem:s31+$0x7000]  }
.LBB2_3:
0x2a: {  	p1 =	sne.s32 s0, $0x3E00  }
.Ltmp1:
0x2b: {  	_ = 	snop;
	(pc) =	sbr.rel @p1 .LBB2_3-.Ltmp1, $4  }
0x2c: {  	_ = 	snop  }
0x2d: {  	s4 =	sshra.s32 s0, $0x2;
	s0 =	sadd.s32 $0x200, s0;
	v1 =	vadd.f32 v3, v1  }
0x2e: {  	v3 =	vld [tilespmem:s4+$0x8000];
	v2 =	vadd.f32 v4, v2  }
0x2f: {  	v4 =	vld [tilespmem:s4+$0x7000]  }
0x30: {  	_ =	sdelay $0x2  }
0x31: {  	v1 =	vadd.f32 v3, v1;
	_ =	sdelay $0x1  }
0x32: {  	v1 =	vmax.f32 v1, $1.000000000e+00  }
0x33: {  	(erf) = vrcp.f32 v1;
	_ =	sdelay $0x7  }
0x34: {  	v1 =	vadd.f32 v4, v2  }
0x35: {  	v2 =	vpop (erf)  }
0x36: {  	v1 =	vmul.f32 v2, v1;
	_ =	sdelay $0x1  }
0x37: {  	v1 =	vadd.f32 $9.999999740e-06, v1;
	_ =	sdelay $0x1  }
0x38: {  	(erf) = vrcp.f32 v1;
	_ =	sdelay $0x8  }
0x39: {  	v1 =	vpop (erf)  }
0x3a: {  	v1 =	vmul.f32 v1, v0;
	_ =	sdelay $0x1  }
0x3b: {  	s4 =	simm.s32 $0x0;
	[tilespmem:$0x9000] =	vst v1  }
0x3c: {  	v3 =	vld [tilespmem:s4+$0x8010]  }
0x3d: {  	s0 =	simm.s32 $0x200;
	v2 =	vimm.f32 $0.0e+00;
	v1 =	vimm.f32 $0.0e+00;
	v4 =	vld [tilespmem:s4+$0x7010]  }
.LBB2_5:
0x3e: {  	p1 =	sne.s32 s0, $0x3E00  }
.Ltmp2:
0x3f: {  	_ = 	snop;
	(pc) =	sbr.rel @p1 .LBB2_5-.Ltmp2, $4  }
0x40: {  	_ = 	snop  }
0x41: {  	s4 =	sshra.s32 s0, $0x2;
	s0 =	sadd.s32 $0x200, s0;
	v1 =	vadd.f32 v3, v1  }
0x42: {  	v3 =	vld [tilespmem:s4+$0x8010];
	v2 =	vadd.f32 v4, v2  }
0x43: {  	v4 =	vld [tilespmem:s4+$0x7010]  }
0x44: {  	_ =	sdelay $0x2  }
0x45: {  	v1 =	vadd.f32 v3, v1;
	_ =	sdelay $0x1  }
0x46: {  	v1 =	vmax.f32 v1, $1.000000000e+00  }
0x47: {  	(erf) = vrcp.f32 v1;
	_ =	sdelay $0x7  }
0x48: {  	v1 =	vadd.f32 v4, v2  }
0x49: {  	v2 =	vpop (erf)  }
0x4a: {  	v1 =	vmul.f32 v2, v1;
	_ =	sdelay $0x1  }
0x4b: {  	v1 =	vadd.f32 $9.999999740e-06, v1;
	_ =	sdelay $0x1  }
0x4c: {  	(erf) = vrcp.f32 v1;
	_ =	sdelay $0x8  }
0x4d: {  	v1 =	vpop (erf)  }
0x4e: {  	v1 =	vmul.f32 v1, v0;
	_ =	sdelay $0x1  }
0x4f: {  	s4 =	simm.s32 $0x0;
	[tilespmem:$0x9010] =	vst v1  }
0x50: {  	v3 =	vld [tilespmem:s4+$0x8020]  }
0x51: {  	s0 =	simm.s32 $0x200;
	v2 =	vimm.f32 $0.0e+00;
	v1 =	vimm.f32 $0.0e+00;
	v4 =	vld [tilespmem:s4+$0x7020]  }
.LBB2_7:
0x52: {  	p1 =	sne.s32 s0, $0x3E00  }
.Ltmp3:
0x53: {  	_ = 	snop;
	(pc) =	sbr.rel @p1 .LBB2_7-.Ltmp3, $4  }
0x54: {  	_ = 	snop  }
0x55: {  	s4 =	sshra.s32 s0, $0x2;
	s0 =	sadd.s32 $0x200, s0;
	v1 =	vadd.f32 v3, v1  }
0x56: {  	v3 =	vld [tilespmem:s4+$0x8020];
	v2 =	vadd.f32 v4, v2  }
0x57: {  	v4 =	vld [tilespmem:s4+$0x7020]  }
0x58: {  	_ =	sdelay $0x2  }
0x59: {  	v1 =	vadd.f32 v3, v1;
	_ =	sdelay $0x1  }
0x5a: {  	v1 =	vmax.f32 v1, $1.000000000e+00  }
0x5b: {  	(erf) = vrcp.f32 v1;
	_ =	sdelay $0x7  }
0x5c: {  	v1 =	vadd.f32 v4, v2  }
0x5d: {  	v2 =	vpop (erf)  }
0x5e: {  	v1 =	vmul.f32 v2, v1;
	_ =	sdelay $0x1  }
0x5f: {  	v1 =	vadd.f32 $9.999999740e-06, v1;
	_ =	sdelay $0x1  }
0x60: {  	(erf) = vrcp.f32 v1;
	_ =	sdelay $0x8  }
0x61: {  	v1 =	vpop (erf)  }
0x62: {  	v1 =	vmul.f32 v1, v0;
	_ =	sdelay $0x1  }
0x63: {  	s4 =	simm.s32 $0x0;
	[tilespmem:$0x9020] =	vst v1  }
0x64: {  	v3 =	vld [tilespmem:s4+$0x8030]  }
0x65: {  	s0 =	simm.s32 $0x200;
	v2 =	vimm.f32 $0.0e+00;
	v1 =	vimm.f32 $0.0e+00;
	v4 =	vld [tilespmem:s4+$0x7030]  }
.LBB2_9:
0x66: {  	p1 =	sne.s32 s0, $0x3E00  }
.Ltmp4:
0x67: {  	_ = 	snop;
	(pc) =	sbr.rel @p1 .LBB2_9-.Ltmp4, $4  }
0x68: {  	_ = 	snop  }
0x69: {  	s4 =	sshra.s32 s0, $0x2;
	s0 =	sadd.s32 $0x200, s0;
	v1 =	vadd.f32 v3, v1  }
0x6a: {  	v3 =	vld [tilespmem:s4+$0x8030];
	v2 =	vadd.f32 v4, v2  }
0x6b: {  	v4 =	vld [tilespmem:s4+$0x7030]  }
0x6c: {  	_ =	sdelay $0x2  }
0x6d: {  	v1 =	vadd.f32 v3, v1;
	_ =	sdelay $0x1  }
0x6e: {  	v1 =	vmax.f32 v1, $1.000000000e+00  }
0x6f: {  	(erf) = vrcp.f32 v1;
	_ =	sdelay $0x7  }
0x70: {  	v1 =	vadd.f32 v4, v2  }
0x71: {  	v2 =	vpop (erf)  }
0x72: {  	v1 =	vmul.f32 v2, v1;
	_ =	sdelay $0x1  }
0x73: {  	v1 =	vadd.f32 $9.999999740e-06, v1;
	_ =	sdelay $0x1  }
0x74: {  	(erf) = vrcp.f32 v1;
	_ =	sdelay $0x8  }
0x75: {  	v1 =	vpop (erf)  }
0x76: {  	v1 =	vmul.f32 v1, v0;
	_ =	sdelay $0x1  }
0x77: {  	s4 =	simm.s32 $0x0;
	[tilespmem:$0x9030] =	vst v1  }
0x78: {  	v3 =	vld [tilespmem:s4+$0x8040]  }
0x79: {  	s0 =	simm.s32 $0x200;
	v2 =	vimm.f32 $0.0e+00;
	v1 =	vimm.f32 $0.0e+00;
	v4 =	vld [tilespmem:s4+$0x7040]  }
.LBB2_11:
0x7a: {  	p1 =	sne.s32 s0, $0x3E00  }
.Ltmp5:
0x7b: {  	_ = 	snop;
	(pc) =	sbr.rel @p1 .LBB2_11-.Ltmp5, $4  }
0x7c: {  	_ = 	snop  }
0x7d: {  	s4 =	sshra.s32 s0, $0x2;
	s0 =	sadd.s32 $0x200, s0;
	v1 =	vadd.f32 v3, v1  }
0x7e: {  	v3 =	vld [tilespmem:s4+$0x8040];
	v2 =	vadd.f32 v4, v2  }
0x7f: {  	v4 =	vld [tilespmem:s4+$0x7040]  }
0x80: {  	_ =	sdelay $0x2  }
0x81: {  	v1 =	vadd.f32 v3, v1;
	_ =	sdelay $0x1  }
0x82: {  	v1 =	vmax.f32 v1, $1.000000000e+00  }
0x83: {  	(erf) = vrcp.f32 v1;
	_ =	sdelay $0x7  }
0x84: {  	v1 =	vadd.f32 v4, v2  }
0x85: {  	v2 =	vpop (erf)  }
0x86: {  	v1 =	vmul.f32 v2, v1;
	_ =	sdelay $0x1  }
0x87: {  	v1 =	vadd.f32 $9.999999740e-06, v1;
	_ =	sdelay $0x1  }
0x88: {  	(erf) = vrcp.f32 v1;
	_ =	sdelay $0x8  }
0x89: {  	v1 =	vpop (erf)  }
0x8a: {  	v1 =	vmul.f32 v1, v0;
	_ =	sdelay $0x1  }
0x8b: {  	s4 =	simm.s32 $0x0;
	[tilespmem:$0x9040] =	vst v1  }
0x8c: {  	v3 =	vld [tilespmem:s4+$0x8050]  }
0x8d: {  	s0 =	simm.s32 $0x200;
	v2 =	vimm.f32 $0.0e+00;
	v1 =	vimm.f32 $0.0e+00;
	v4 =	vld [tilespmem:s4+$0x7050]  }
.LBB2_13:
0x8e: {  	p1 =	sne.s32 s0, $0x3E00  }
.Ltmp6:
0x8f: {  	_ = 	snop;
	(pc) =	sbr.rel @p1 .LBB2_13-.Ltmp6, $4  }
0x90: {  	_ = 	snop  }
0x91: {  	s4 =	sshra.s32 s0, $0x2;
	s0 =	sadd.s32 $0x200, s0;
	v1 =	vadd.f32 v3, v1  }
0x92: {  	v3 =	vld [tilespmem:s4+$0x8050];
	v2 =	vadd.f32 v4, v2  }
0x93: {  	v4 =	vld [tilespmem:s4+$0x7050]  }
0x94: {  	_ =	sdelay $0x2  }
0x95: {  	v1 =	vadd.f32 v3, v1;
	_ =	sdelay $0x1  }
0x96: {  	v1 =	vmax.f32 v1, $1.000000000e+00  }
0x97: {  	(erf) = vrcp.f32 v1;
	_ =	sdelay $0x7  }
0x98: {  	v1 =	vadd.f32 v4, v2  }
0x99: {  	v2 =	vpop (erf)  }
0x9a: {  	v1 =	vmul.f32 v2, v1;
	_ =	sdelay $0x1  }
0x9b: {  	v1 =	vadd.f32 $9.999999740e-06, v1;
	_ =	sdelay $0x1  }
0x9c: {  	(erf) = vrcp.f32 v1;
	_ =	sdelay $0x8  }
0x9d: {  	v1 =	vpop (erf)  }
0x9e: {  	v1 =	vmul.f32 v1, v0;
	_ =	sdelay $0x1  }
0x9f: {  	s4 =	simm.s32 $0x0;
	[tilespmem:$0x9050] =	vst v1  }
0xa0: {  	v3 =	vld [tilespmem:s4+$0x8060]  }
0xa1: {  	s0 =	simm.s32 $0x200;
	v2 =	vimm.f32 $0.0e+00;
	v1 =	vimm.f32 $0.0e+00;
	v4 =	vld [tilespmem:s4+$0x7060]  }
.LBB2_15:
0xa2: {  	p1 =	sne.s32 s0, $0x3E00  }
.Ltmp7:
0xa3: {  	_ = 	snop;
	(pc) =	sbr.rel @p1 .LBB2_15-.Ltmp7, $4  }
0xa4: {  	_ = 	snop  }
0xa5: {  	s4 =	sshra.s32 s0, $0x2;
	s0 =	sadd.s32 $0x200, s0;
	v1 =	vadd.f32 v3, v1  }
0xa6: {  	v3 =	vld [tilespmem:s4+$0x8060];
	v2 =	vadd.f32 v4, v2  }
0xa7: {  	v4 =	vld [tilespmem:s4+$0x7060]  }
0xa8: {  	_ =	sdelay $0x2  }
0xa9: {  	v1 =	vadd.f32 v3, v1;
	_ =	sdelay $0x1  }
0xaa: {  	v1 =	vmax.f32 v1, $1.000000000e+00  }
0xab: {  	(erf) = vrcp.f32 v1;
	_ =	sdelay $0x7  }
0xac: {  	v1 =	vadd.f32 v4, v2  }
0xad: {  	v2 =	vpop (erf)  }
0xae: {  	v1 =	vmul.f32 v2, v1;
	_ =	sdelay $0x1  }
0xaf: {  	v1 =	vadd.f32 $9.999999740e-06, v1;
	_ =	sdelay $0x1  }
0xb0: {  	(erf) = vrcp.f32 v1;
	_ =	sdelay $0x8  }
0xb1: {  	v1 =	vpop (erf)  }
0xb2: {  	v1 =	vmul.f32 v1, v0;
	_ =	sdelay $0x1  }
0xb3: {  	s4 =	simm.s32 $0x0;
	[tilespmem:$0x9060] =	vst v1  }
0xb4: {  	v3 =	vld [tilespmem:s4+$0x8070]  }
0xb5: {  	s0 =	simm.s32 $0x200;
	v2 =	vimm.f32 $0.0e+00;
	v1 =	vimm.f32 $0.0e+00;
	v4 =	vld [tilespmem:s4+$0x7070]  }
.LBB2_17:
0xb6: {  	p1 =	sne.s32 s0, $0x3E00  }
.Ltmp8:
0xb7: {  	_ = 	snop;
	(pc) =	sbr.rel @p1 .LBB2_17-.Ltmp8, $4  }
0xb8: {  	_ = 	snop  }
0xb9: {  	s4 =	sshra.s32 s0, $0x2;
	s0 =	sadd.s32 $0x200, s0;
	v1 =	vadd.f32 v3, v1  }
0xba: {  	v3 =	vld [tilespmem:s4+$0x8070];
	v2 =	vadd.f32 v4, v2  }
0xbb: {  	v4 =	vld [tilespmem:s4+$0x7070]  }
0xbc: {  	_ =	sdelay $0x2  }
0xbd: {  	v1 =	vadd.f32 v3, v1;
	_ =	sdelay $0x1  }
0xbe: {  	v1 =	vmax.f32 v1, $1.000000000e+00  }
0xbf: {  	(erf) = vrcp.f32 v1;
	_ =	sdelay $0x7  }
0xc0: {  	v62 =	vadd.f32 v4, v2  }
0xc1: {  	v63 =	vpop (erf)  }
0xc2: {  	v1 =	vmul.f32 v63, v62;
	_ =	sdelay $0x1  }
0xc3: {  	v1 =	vadd.f32 $9.999999740e-06, v1;
	_ =	sdelay $0x1  }
0xc4: {  	(erf) = vrcp.f32 v1;
	_ =	sdelay $0x8  }
0xc5: {  	v1 =	vpop (erf)  }
0xc6: {  	v0 =	vmul.f32 v1, v0;
	_ =	sdelay $0x1  }
0xc7: {  	s0 =	rddreg [dreg:$0x8];
	s4 =	simm.s32 $0x9000;
	[tilespmem:$0x9070] =	vst v0  }
0xc8: {  	[spmem:s0] =	stream.linear.scatter [tilespmem:s4], [sflag:$0x5], $0x80, $0x38;
	[tilespmem:$0x9540] =	vst v63  }
0xc9: {  	_ =	swait.ge [sflag:s8], $0x80  }
0xca: {  	[sflag:s8] =	ssyncset.done $0x0  }
0xcb: {  	[sflag:s8] =	ssyncadd.s32 $0xFFFFFF80  }
.LBB2_19:
0xcc: {  	[bflag:$0x0] =	sbarrier.arrive $0xFFFF  }
0xcd: {  	s0 =	rddreg [dreg:$0x3]  }
0xce: {  	[tilespmem:s29], [sflag:$0x5] =	stream.linear.gather [spmem:s0], $0x400, $0x38;
	[tilespmem:$0x9540] =	vst v63  }
0xcf: {  	_ =	swait.ge [sflag:s8], $0x400  }
0xd0: {  	[sflag:s8] =	ssyncset.done $0x0  }
0xd1: {  	s30 =	simm.s32 $0x0;
	[sflag:s8] =	ssyncadd.s32 $0xFFFFFC00  }
0xd2: {  	[tilespmem:s28], [sflag:$0x3] =	stream.linear.gather [hbm4b:s9+s30], $0x7D0, $0x38;
	[tilespmem:$0x9540] =	vst v63  }
0xd3: {  	s5 =	simm.s32 $0x4800  }
0xd4: {  	[tilespmem:s5], [sflag:$0x3] =	stream.linear.gather [hbm4b:s11+s30], $0x7D0, $0x38;
	[tilespmem:$0x9540] =	vst v63  }
0xd5: {  	s8 =	simm.s32 $0x5000  }
0xd6: {  	[tilespmem:s8], [sflag:$0x3] =	stream.linear.gather [hbm4b:s12+s30], $0x7D0, $0x38;
	[tilespmem:$0x9540] =	vst v63  }
0xd7: {  	s13 =	simm.s32 $0x5800  }
0xd8: {  	[tilespmem:s13], [sflag:$0x4] =	stream.linear.gather [hbm4b:s9+s30], $0x7D0, $0x38;
	[tilespmem:$0x9540] =	vst v63  }
0xd9: {  	s14 =	simm.s32 $0x6000  }
0xda: {  	[tilespmem:s14], [sflag:$0x4] =	stream.linear.gather [hbm4b:s11+s30], $0x7D0, $0x38;
	[tilespmem:$0x9540] =	vst v63  }
0xdb: {  	s16 =	simm.s32 $0x6800  }
0xdc: {  	[tilespmem:s16], [sflag:$0x4] =	stream.linear.gather [hbm4b:s12+s30], $0x7D0, $0x38;
	[tilespmem:$0x9540] =	vst v63  }
0xdd: {  	s17 =	rddreg [dreg:$0x9]  }
0xde: {  	[tilespmem:s30], [sflag:$0x1] =	stream.linear.gather [hbm4b:s17+s30], $0x7D0, $0x38;
	[tilespmem:$0x9540] =	vst v63  }
0xdf: {  	s4 =	simm.s32 $0x800;
	s18 =	rddreg [dreg:$0xa]  }
0xe0: {  	[tilespmem:s4], [sflag:$0x1] =	stream.linear.gather [hbm4b:s18+s30], $0x7D0, $0x38;
	[tilespmem:$0x9540] =	vst v63  }
0xe1: {  	s25 =	simm.s32 $0x1000;
	s19 =	rddreg [dreg:$0xb]  }
0xe2: {  	[tilespmem:s25], [sflag:$0x1] =	stream.linear.gather [hbm4b:s19+s30], $0x7D0, $0x38;
	[tilespmem:$0x9540] =	vst v63  }
0xe3: {  	s31 =	simm.s32 $0x1800;
	s26 =	rddreg [dreg:$0xc]  }
0xe4: {  	[tilespmem:s31], [sflag:$0x1] =	stream.linear.gather [hbm4b:s26+s30], $0x7D0, $0x38;
	[tilespmem:$0x9540] =	vst v63  }
.LBB2_20:
0xe5: {  	_ =	swait.ge [sflag:s15], $0x7D0  }
0xe6: {  	[sflag:s15] =	ssyncset.done $0x0  }
0xe7: {  	[sflag:s15] =	ssyncadd.s32 $0xFFFFF830  }
0xe8: {  	_ =	swait.ge [sflag:s15], $0x7D0  }
0xe9: {  	[sflag:s15] =	ssyncset.done $0x0  }
0xea: {  	[sflag:s15] =	ssyncadd.s32 $0xFFFFF830  }
0xeb: {  	_ =	swait.ge [sflag:s15], $0x7D0  }
0xec: {  	s16 =	smul.u32 $0xFA0, s30;
	[sflag:s15] =	ssyncset.done $0x0  }
0xed: {  	[sflag:s15] =	ssyncadd.s32 $0xFFFFF830  }
0xee: {  	s0 =	sadd.s32 s16, s20;
	_ =	swait.ge [sflag:s15], $0x7D0  }
0xef: {  	s25 =	sshrl.u32 s0, $0x3;
	[sflag:s15] =	ssyncset.done $0x0  }
0xf0: {  	s4 =	simm.s32 $0x2000;
	s0 =	sadd.s32 s7, s25;
	[sflag:s15] =	ssyncadd.s32 $0xFFFFF830  }
0xf1: {  	[tilespmem:s4], [sflag:$0x2] =	stream.linear.gather [hbm4b:s0+s6], $0x7D0, $0x38;
	[tilespmem:$0x9540] =	vst v63  }
0xf2: {  	s14 =	simm.s32 $0x2800;
	s13 =	sadd.s32 s1, s25  }
0xf3: {  	[tilespmem:s14], [sflag:$0x2] =	stream.linear.gather [hbm4b:s13+s6], $0x7D0, $0x38;
	[tilespmem:$0x9540] =	vst v63  }
0xf4: {  	s18 =	simm.s32 $0x3000;
	s17 =	sadd.s32 s2, s25  }
0xf5: {  	[tilespmem:s18], [sflag:$0x2] =	stream.linear.gather [hbm4b:s17+s6], $0x7D0, $0x38;
	[tilespmem:$0x9540] =	vst v63  }
0xf6: {  	s26 =	simm.s32 $0x3800;
	s19 =	sadd.s32 s3, s25  }
0xf7: {  	[tilespmem:s26], [sflag:$0x2] =	stream.linear.gather [hbm4b:s19+s6], $0x7D0, $0x38;
	[tilespmem:$0x9540] =	vst v63  }
0xf8: {  	_ =	swait.ge [sflag:s22], $0x7D0  }
0xf9: {  	[sflag:s22] =	ssyncset.done $0x0  }
0xfa: {  	[sflag:s22] =	ssyncadd.s32 $0xFFFFF830  }
0xfb: {  	_ =	swait.ge [sflag:s22], $0x7D0  }
0xfc: {  	[sflag:s22] =	ssyncset.done $0x0  }
0xfd: {  	[sflag:s22] =	ssyncadd.s32 $0xFFFFF830  }
0xfe: {  	_ =	swait.ge [sflag:s22], $0x7D0  }
0xff: {  	[sflag:s22] =	ssyncset.done $0x0  }
0x100: {  	s5 =	simm.s32 $0x1840;
	[sflag:s22] =	ssyncadd.s32 $0xFFFFF830  }
0x101: {  	v0 =	vld [tilespmem:s5+$0x30]  }
0x102: {  	v1 =	vld [tilespmem:s5+$0xFFFFFFD0]  }
0x103: {  	v2 =	vld [tilespmem:s5+$0xFFFFFFE0]  }
0x104: {  	v3 =	vld [tilespmem:s5+$0xFFFFFFF0]  }
0x105: {  	v4 =	vld [tilespmem:s5+$0x0]  }
0x106: {  	v5 =	vld [tilespmem:s5+$0x10]  }
0x107: {  	v6 =	vld [tilespmem:s5+$0x20]  }
0x108: {  	s8 =	simm.s32 $0x40;
	v7 =	vld [tilespmem:s5+$0xFFFFFFC0]  }
0x109: {  	v8 =	vld [tilespmem:s8+$0x30]  }
0x10a: {  	s26 =	simm.s32 $0x18C0;
	v15 =	vld [tilespmem:s8+$0x20]  }
0x10b: {  	v21 =	vld [tilespmem:s26+$0xFFFFFFF0]  }
0x10c: {  	v22 =	vld [tilespmem:s26+$0x0]  }
0x10d: {  	v23 =	vld [tilespmem:s26+$0x10]  }
0x10e: {  	v24 =	vld [tilespmem:s26+$0x20]  }
0x10f: {  	v25 =	vld [tilespmem:s26+$0xFFFFFFC0]  }
0x110: {  	v0 =	vld.idx.msk [tilespmem:v0+s29+$0x0], $0xffff  }
0x111: {  	v9 =	vld.idx.msk [tilespmem:v1+s29+$0x0], $0xffff  }
0x112: {  	v10 =	vld.idx.msk [tilespmem:v2+s29+$0x0], $0xffff  }
0x113: {  	v11 =	vld.idx.msk [tilespmem:v3+s29+$0x0], $0xffff  }
0x114: {  	v12 =	vld.idx.msk [tilespmem:v4+s29+$0x0], $0xffff  }
0x115: {  	v13 =	vld.idx.msk [tilespmem:v5+s29+$0x0], $0xffff  }
0x116: {  	v7 =	vld.idx.msk [tilespmem:v7+s29+$0x0], $0xffff  }
0x117: {  	v1 =	vld [tilespmem:s8+$0xFFFFFFC0]  }
0x118: {  	v2 =	vld [tilespmem:s8+$0xFFFFFFD0]  }
0x119: {  	v3 =	vld [tilespmem:s8+$0xFFFFFFE0]  }
0x11a: {  	v5 =	vld [tilespmem:s8+$0xFFFFFFF0];
	v4 =	vmul.f32 v8, v0  }
0x11b: {  	s13 =	simm.s32 $0x4040;
	v8 =	vld [tilespmem:s8+$0x0]  }
0x11c: {  	s5 =	simm.s32 $0x840;
	v1 =	vmul.f32 v1, v7;
	[tilespmem:s13+$0x30] =	vst v4;
	v4 =	vld [tilespmem:s8+$0x10]  }
0x11d: {  	v2 =	vmul.f32 v2, v9;
	v14 =	vld [tilespmem:s5+$0x30]  }
0x11e: {  	v6 =	vld.idx.msk [tilespmem:v6+s29+$0x0], $0xffff;
	[tilespmem:s13+$0xFFFFFFC0] =	vst v1;
	v1 =	vmul.f32 v3, v10  }
0x11f: {  	[tilespmem:s13+$0xFFFFFFD0] =	vst v2;
	v2 =	vmul.f32 v5, v11;
	v3 =	vld [tilespmem:s5+$0xFFFFFFC0]  }
0x120: {  	s17 =	simm.s32 $0xC0;
	v5 =	vld [tilespmem:s5+$0xFFFFFFD0];
	[tilespmem:s13+$0xFFFFFFE0] =	vst v1;
	v1 =	vmul.f32 v8, v12  }
0x121: {  	v27 =	vld [tilespmem:s17+$0x30];
	[tilespmem:s13+$0xFFFFFFF0] =	vst v2;
	v2 =	vmul.f32 v4, v13  }
0x122: {  	[tilespmem:s13+$0x0] =	vst v1;
	v4 =	vmul.f32 v14, v0;
	v14 =	vld [tilespmem:s5+$0xFFFFFFF0]  }
0x123: {  	v8 =	vld [tilespmem:s5+$0xFFFFFFE0];
	v1 =	vmul.f32 v15, v6;
	[tilespmem:s13+$0x10] =	vst v2  }
0x124: {  	v2 =	vmul.f32 v3, v7;
	v3 =	vld [tilespmem:s5+$0x10]  }
0x125: {  	v62 =	vld.idx.msk [tilespmem:v25+s29+$0x0], $0xffff;
	s8 =	simm.s32 $0x4840;
	[tilespmem:s13+$0x20] =	vst v1;
	v1 =	vmul.f32 v5, v9  }
0x126: {  	v15 =	vld [tilespmem:s5+$0x0];
	[tilespmem:s8+$0x30] =	vst v4  }
0x127: {  	s14 =	simm.s32 $0x1040;
	v17 =	vld [tilespmem:s5+$0x20];
	[tilespmem:s8+$0xFFFFFFD0] =	vst v1;
	v1 =	vmul.f32 v14, v11  }
0x128: {  	v16 =	vld [tilespmem:s14+$0x30];
	[tilespmem:s8+$0xFFFFFFC0] =	vst v2;
	v2 =	vmul.f32 v8, v10  }
0x129: {  	v8 =	vld [tilespmem:s14+$0xFFFFFFC0];
	[tilespmem:s8+$0xFFFFFFF0] =	vst v1;
	v1 =	vmul.f32 v3, v13  }
0x12a: {  	v14 =	vld [tilespmem:s14+$0xFFFFFFD0];
	[tilespmem:s8+$0xFFFFFFE0] =	vst v2  }
0x12b: {  	v2 =	vmul.f32 v15, v12;
	[tilespmem:s8+$0x10] =	vst v1;
	v1 =	vld [tilespmem:s26+$0x30]  }
0x12c: {  	v15 =	vld [tilespmem:s14+$0xFFFFFFE0]  }
0x12d: {  	[tilespmem:s8+$0x0] =	vst v2;
	v2 =	vld [tilespmem:s26+$0xFFFFFFD0]  }
0x12e: {  	v3 =	vld [tilespmem:s26+$0xFFFFFFE0]  }
0x12f: {  	v18 =	vld [tilespmem:s14+$0xFFFFFFF0]  }
0x130: {  	v19 =	vld [tilespmem:s14+$0x0];
	v0 =	vmul.f32 v16, v0  }
0x131: {  	s18 =	simm.s32 $0x5040;
	v20 =	vld [tilespmem:s14+$0x10]  }
0x132: {  	v7 =	vmul.f32 v8, v7;
	[tilespmem:s18+$0x30] =	vst v0;
	v0 =	vld.idx.msk [tilespmem:v24+s29+$0x0], $0xffff  }
0x133: {  	v8 =	vmul.f32 v14, v9;
	v26 =	vld.idx.msk [tilespmem:v1+s29+$0x0], $0xffff  }
0x134: {  	[tilespmem:s18+$0xFFFFFFC0] =	vst v7;
	v7 =	vmul.f32 v15, v10;
	v10 =	vld [tilespmem:s17+$0xFFFFFFC0]  }
0x135: {  	[tilespmem:s18+$0xFFFFFFD0] =	vst v8;
	v8 =	vmul.f32 v18, v11;
	v11 =	vld [tilespmem:s17+$0xFFFFFFD0]  }
0x136: {  	[tilespmem:s18+$0xFFFFFFE0] =	vst v7;
	v7 =	vmul.f32 v19, v12;
	v12 =	vld [tilespmem:s17+$0xFFFFFFE0]  }
0x137: {  	v5 =	vld.idx.msk [tilespmem:v2+s29+$0x0], $0xffff  }
0x138: {  	v4 =	vld.idx.msk [tilespmem:v3+s29+$0x0], $0xffff;
	v61 =	vmul.f32 v27, v26  }
0x139: {  	s19 =	simm.s32 $0x40C0;
	v3 =	vld.idx.msk [tilespmem:v21+s29+$0x0], $0xffff  }
0x13a: {  	s5 =	simm.s32 $0x8C0;
	v2 =	vld.idx.msk [tilespmem:v22+s29+$0x0], $0xffff;
	[tilespmem:s19+$0x30] =	vst v61  }
0x13b: {  	v9 =	vld [tilespmem:s5+$0x30]  }
0x13c: {  	[tilespmem:s18+$0xFFFFFFF0] =	vst v8;
	v8 =	vmul.f32 v20, v13;
	v13 =	vld [tilespmem:s17+$0xFFFFFFF0]  }
0x13d: {  	v17 =	vmul.f32 v17, v6;
	[tilespmem:s18+$0x0] =	vst v7;
	v7 =	vld [tilespmem:s17+$0x0]  }
0x13e: {  	v1 =	vld.idx.msk [tilespmem:v23+s29+$0x0], $0xffff;
	[tilespmem:s18+$0x10] =	vst v8;
	v8 =	vmul.f32 v10, v62  }
0x13f: {  	[tilespmem:s8+$0x20] =	vst v17;
	v10 =	vld [tilespmem:s17+$0x10];
	v11 =	vmul.f32 v11, v5  }
0x140: {  	v14 =	vld [tilespmem:s17+$0x20];
	[tilespmem:s19+$0xFFFFFFC0] =	vst v8;
	v9 =	vmul.f32 v9, v26  }
0x141: {  	s26 =	simm.s32 $0x48C0;
	v8 =	vmul.f32 v12, v4;
	v12 =	vld [tilespmem:s5+$0xFFFFFFC0];
	[tilespmem:s19+$0xFFFFFFD0] =	vst v11  }
0x142: {  	s4 =	simm.s32 $0x10C0;
	v11 =	vmul.f32 v13, v3;
	v13 =	vld [tilespmem:s5+$0xFFFFFFD0];
	[tilespmem:s26+$0x30] =	vst v9  }
0x143: {  	v7 =	vmul.f32 v7, v2;
	[tilespmem:s19+$0xFFFFFFE0] =	vst v8;
	v9 =	vld [tilespmem:s4+$0x30]  }
0x144: {  	v10 =	vmul.f32 v10, v1;
	v8 =	vld [tilespmem:s5+$0xFFFFFFE0];
	[tilespmem:s19+$0xFFFFFFF0] =	vst v11  }
0x145: {  	[tilespmem:s19+$0x0] =	vst v7;
	v7 =	vmul.f32 v14, v0;
	v11 =	vld [tilespmem:s5+$0xFFFFFFF0]  }
0x146: {  	v14 =	vld [tilespmem:s5+$0x0];
	[tilespmem:s19+$0x10] =	vst v10;
	v10 =	vmul.f32 v12, v62  }
0x147: {  	[tilespmem:s19+$0x20] =	vst v7;
	v12 =	vld [tilespmem:s5+$0x10];
	v7 =	vmul.f32 v13, v5  }
0x148: {  	[tilespmem:s26+$0xFFFFFFC0] =	vst v10;
	v13 =	vld [tilespmem:s5+$0x20];
	v9 =	vmul.f32 v9, v26  }
0x149: {  	s8 =	simm.s32 $0x50C0;
	v15 =	vld [tilespmem:s14+$0x20];
	v8 =	vmul.f32 v8, v4;
	[tilespmem:s26+$0xFFFFFFD0] =	vst v7  }
0x14a: {  	v63 =	vld [tilespmem:s4+$0xFFFFFFC0];
	[tilespmem:s8+$0x30] =	vst v9;
	v9 =	vmul.f32 v11, v3  }
0x14b: {  	[tilespmem:s26+$0xFFFFFFE0] =	vst v8;
	v10 =	vld [tilespmem:s4+$0xFFFFFFD0];
	v11 =	vmul.f32 v14, v2  }
0x14c: {  	v12 =	vmul.f32 v12, v1;
	v7 =	vld [tilespmem:s4+$0xFFFFFFE0];
	[tilespmem:s26+$0xFFFFFFF0] =	vst v9  }
0x14d: {  	v13 =	vmul.f32 v13, v0;
	[tilespmem:s26+$0x0] =	vst v11;
	v8 =	vld [tilespmem:s4+$0xFFFFFFF0]  }
0x14e: {  	s31 =	simm.s32 $0x10C0;
	[tilespmem:s26+$0x10] =	vst v12;
	v12 =	vmul.f32 v15, v6;
	v9 =	vld [tilespmem:s4+$0x0]  }
0x14f: {  	s0 =	simm.s32 $0x1940;
	s13 =	simm.s32 $0x1E00;
	s14 =	simm.s32 $0x8;
	v6 =	vld [tilespmem:s4+$0x10];
	[tilespmem:s26+$0x20] =	vst v13;
	v11 =	vmul.f32 v63, v62  }
.LBB2_21:
0x150: {  	v13 =	vld [tilespmem:s0+$0x30];
	s14 =	sadd.s32 $0x8, s14;
	v5 =	vmul.f32 v10, v5;
	[tilespmem:s18+$0x20] =	vst v12;
	s18 =	smov.u32 s8  }
0x151: {  	v10 =	vld [tilespmem:s0+$0xFFFFFFD0];
	p1 =	slt.u32 s14, $0x70;
	[tilespmem:s8+$0xFFFFFFC0] =	vst v11;
	v4 =	vmul.f32 v7, v4  }
0x152: {  	v7 =	vld [tilespmem:s0+$0xFFFFFFE0];
	[tilespmem:s8+$0xFFFFFFD0] =	vst v5;
	v3 =	vmul.f32 v8, v3  }
0x153: {  	v8 =	vld [tilespmem:s0+$0xFFFFFFF0];
	[tilespmem:s8+$0xFFFFFFE0] =	vst v4;
	v2 =	vmul.f32 v9, v2  }
0x154: {  	v9 =	vld [tilespmem:s0+$0x0];
	[tilespmem:s8+$0xFFFFFFF0] =	vst v3;
	v1 =	vmul.f32 v6, v1  }
0x155: {  	v6 =	vld [tilespmem:s0+$0x10];
	[tilespmem:s8+$0x0] =	vst v2  }
0x156: {  	v11 =	vld [tilespmem:s0+$0x20];
	[tilespmem:s8+$0x10] =	vst v1  }
0x157: {  	v12 =	vld [tilespmem:s0+$0xFFFFFFC0]  }
0x158: {  	s17 =	sadd.s32 $0x80, s17;
	v13 =	vld.idx.msk [tilespmem:v13+s29+$0x0], $0xffff  }
0x159: {  	v14 =	vld [tilespmem:s17+$0x30]  }
0x15a: {  	v5 =	vld.idx.msk [tilespmem:v10+s29+$0x0], $0xffff  }
0x15b: {  	v4 =	vld.idx.msk [tilespmem:v7+s29+$0x0], $0xffff  }
0x15c: {  	v3 =	vld.idx.msk [tilespmem:v8+s29+$0x0], $0xffff  }
0x15d: {  	v2 =	vld.idx.msk [tilespmem:v9+s29+$0x0], $0xffff  }
0x15e: {  	v1 =	vld.idx.msk [tilespmem:v6+s29+$0x0], $0xffff;
	v6 =	vmul.f32 v14, v13  }
0x15f: {  	s19 =	sadd.s32 $0x80, s19;
	v14 =	vld.idx.msk [tilespmem:v12+s29+$0x0], $0xffff  }
0x160: {  	s5 =	sadd.s32 $0x80, s5;
	v11 =	vld.idx.msk [tilespmem:v11+s29+$0x0], $0xffff;
	[tilespmem:s19+$0x30] =	vst v6  }
0x161: {  	v6 =	vld [tilespmem:s5+$0x30]  }
0x162: {  	v7 =	vld [tilespmem:s17+$0xFFFFFFC0]  }
0x163: {  	v8 =	vld [tilespmem:s17+$0xFFFFFFD0]  }
0x164: {  	v9 =	vld [tilespmem:s17+$0xFFFFFFE0]  }
0x165: {  	v10 =	vld [tilespmem:s17+$0xFFFFFFF0]  }
0x166: {  	v12 =	vld [tilespmem:s17+$0x0];
	v6 =	vmul.f32 v6, v13  }
0x167: {  	s26 =	sadd.s32 $0x80, s26;
	v7 =	vmul.f32 v7, v14;
	v15 =	vld [tilespmem:s17+$0x10]  }
0x168: {  	s4 =	sadd.s32 $0x80, s4;
	v8 =	vmul.f32 v8, v5;
	v16 =	vld [tilespmem:s17+$0x20];
	[tilespmem:s26+$0x30] =	vst v6  }
0x169: {  	[tilespmem:s19+$0xFFFFFFC0] =	vst v7;
	v6 =	vmul.f32 v9, v4;
	v7 =	vld [tilespmem:s4+$0x30]  }
0x16a: {  	v9 =	vld [tilespmem:s5+$0xFFFFFFC0];
	[tilespmem:s19+$0xFFFFFFD0] =	vst v8;
	v8 =	vmul.f32 v10, v3  }
0x16b: {  	v10 =	vld [tilespmem:s5+$0xFFFFFFD0];
	[tilespmem:s19+$0xFFFFFFE0] =	vst v6;
	v6 =	vmul.f32 v12, v2  }
0x16c: {  	v12 =	vld [tilespmem:s5+$0xFFFFFFE0];
	[tilespmem:s19+$0xFFFFFFF0] =	vst v8;
	v8 =	vmul.f32 v15, v1  }
0x16d: {  	v15 =	vld [tilespmem:s5+$0xFFFFFFF0];
	[tilespmem:s19+$0x0] =	vst v6;
	v6 =	vmul.f32 v16, v11  }
0x16e: {  	v16 =	vld [tilespmem:s5+$0x0];
	[tilespmem:s19+$0x10] =	vst v8;
	v7 =	vmul.f32 v7, v13  }
0x16f: {  	s8 =	sadd.s32 $0x80, s8;
	v8 =	vmul.f32 v9, v14;
	v9 =	vld [tilespmem:s5+$0x10];
	[tilespmem:s19+$0x20] =	vst v6  }
0x170: {  	v6 =	vmul.f32 v10, v5;
	v13 =	vld [tilespmem:s5+$0x20];
	[tilespmem:s8+$0x30] =	vst v7  }
0x171: {  	[tilespmem:s26+$0xFFFFFFC0] =	vst v8;
	v7 =	vmul.f32 v12, v4;
	v12 =	vld [tilespmem:s31+$0x20];
	s31 =	smov.u32 s4  }
0x172: {  	v17 =	vld [tilespmem:s4+$0xFFFFFFC0];
	[tilespmem:s26+$0xFFFFFFD0] =	vst v6;
	v6 =	vmul.f32 v15, v3  }
.Ltmp9:
0x173: {  	v10 =	vld [tilespmem:s4+$0xFFFFFFD0];
	[tilespmem:s26+$0xFFFFFFE0] =	vst v7;
	v15 =	vmul.f32 v16, v2;
	(pc) =	sbr.rel @p1 .LBB2_21-.Ltmp9, $4  }
0x174: {  	v7 =	vld [tilespmem:s4+$0xFFFFFFE0];
	[tilespmem:s26+$0xFFFFFFF0] =	vst v6;
	v6 =	vmul.f32 v9, v1  }
0x175: {  	v8 =	vld [tilespmem:s4+$0xFFFFFFF0];
	[tilespmem:s26+$0x0] =	vst v15;
	v13 =	vmul.f32 v13, v11  }
0x176: {  	v9 =	vld [tilespmem:s4+$0x0];
	[tilespmem:s26+$0x10] =	vst v6;
	v12 =	vmul.f32 v12, v0;
	v0 =	vmov v11  }
0x177: {  	s0 =	sadd.s32 $0x80, s0;
	v11 =	vmul.f32 v17, v14;
	v6 =	vld [tilespmem:s4+$0x10];
	[tilespmem:s26+$0x20] =	vst v13  }
0x178: {  	v5 =	vmul.f32 v10, v5;
	[tilespmem:s18+$0x20] =	vst v12;
	v63 =	vld [tilespmem:s31+$0x20]  }
0x179: {  	[tilespmem:s8+$0xFFFFFFC0] =	vst v11;
	v4 =	vmul.f32 v7, v4  }
0x17a: {  	[tilespmem:s8+$0xFFFFFFD0] =	vst v5;
	v3 =	vmul.f32 v8, v3  }
0x17b: {  	[tilespmem:s8+$0xFFFFFFE0] =	vst v4;
	v2 =	vmul.f32 v9, v2  }
0x17c: {  	[tilespmem:s8+$0xFFFFFFF0] =	vst v3;
	v1 =	vmul.f32 v6, v1  }
0x17d: {  	[tilespmem:s8+$0x0] =	vst v2;
	v0 =	vmul.f32 v63, v0  }
0x17e: {  	[tilespmem:s8+$0x10] =	vst v1  }
0x17f: {  	[tilespmem:s8+$0x20] =	vst v0  }
.LBB2_23:
0x180: {  	s0 =	sshra.s32 s13, $0x2  }
0x181: {  	v0 =	vld [tilespmem:s0+$0x1800];
	_ =	sdelay $0x6  }
0x182: {  	v1 =	vld [tilespmem:s0+$0x0]  }
0x183: {  	v0 =	vld.idx.msk [tilespmem:v0+s29+$0x0], $0xffff  }
0x184: {  	v2 =	vld [tilespmem:s0+$0x800]  }
0x185: {  	v3 =	vld [tilespmem:s0+$0x1000];
	_ =	sdelay $0x1  }
0x186: {  	p1 =	sne.s32 s13, $0x1F00  }
.Ltmp10:
0x187: {  	v1 =	vmul.f32 v1, v0;
	(pc) =	sbr.rel @p1 .LBB2_23-.Ltmp10, $4  }
0x188: {  	v2 =	vmul.f32 v2, v0  }
0x189: {  	v0 =	vmul.f32 v3, v0;
	[tilespmem:s0+$0x4000] =	vst v1  }
0x18a: {  	[tilespmem:s0+$0x4800] =	vst v2  }
0x18b: {  	s13 =	sadd.s32 $0x40, s13;
	[tilespmem:s0+$0x5000] =	vst v0  }
0x18c: {  	s0 =	sadd.s32 s10, s16  }
0x18d: {  	s0 =	sshrl.u32 s0, $0x3  }
0x18e: {  	s4 =	sadd.s32 s9, s0  }
0x18f: {  	[hbm4b:s4+s6] =	stream.linear.scatter [tilespmem:s28], [sflag:$0x3], $0x7D0, $0x38;
	[tilespmem:$0x9540] =	vst v63  }
0x190: {  	s5 =	simm.s32 $0x4800;
	s14 =	sadd.s32 s11, s0  }
0x191: {  	[hbm4b:s14+s6] =	stream.linear.scatter [tilespmem:s5], [sflag:$0x3], $0x7D0, $0x38;
	[tilespmem:$0x9540] =	vst v63  }
0x192: {  	s17 =	simm.s32 $0x5000;
	s18 =	sadd.s32 s16, s21;
	s0 =	sadd.s32 s12, s0  }
0x193: {  	[hbm4b:s0+s6] =	stream.linear.scatter [tilespmem:s17], [sflag:$0x3], $0x7D0, $0x38;
	[tilespmem:$0x9540] =	vst v63  }
0x194: {  	s0 =	sshrl.u32 s18, $0x3  }
0x195: {  	s19 =	sadd.s32 s7, s0  }
0x196: {  	[tilespmem:s6], [sflag:$0x1] =	stream.linear.gather [hbm4b:s19+s6], $0x7D0, $0x38;
	[tilespmem:$0x9540] =	vst v63  }
0x197: {  	s31 =	simm.s32 $0x800;
	s26 =	sadd.s32 s1, s0  }
0x198: {  	[tilespmem:s31], [sflag:$0x1] =	stream.linear.gather [hbm4b:s26+s6], $0x7D0, $0x38;
	[tilespmem:$0x9540] =	vst v63  }
0x199: {  	s13 =	simm.s32 $0x1000;
	s8 =	sadd.s32 s2, s0  }
0x19a: {  	[tilespmem:s13], [sflag:$0x1] =	stream.linear.gather [hbm4b:s8+s6], $0x7D0, $0x38;
	[tilespmem:$0x9540] =	vst v63  }
0x19b: {  	s14 =	simm.s32 $0x1800;
	s0 =	sadd.s32 s3, s0  }
0x19c: {  	[tilespmem:s14], [sflag:$0x1] =	stream.linear.gather [hbm4b:s0+s6], $0x7D0, $0x38;
	[tilespmem:$0x9540] =	vst v63  }
0x19d: {  	_ =	swait.ge [sflag:s23], $0x7D0  }
0x19e: {  	[sflag:s23] =	ssyncset.done $0x0  }
0x19f: {  	[sflag:s23] =	ssyncadd.s32 $0xFFFFF830  }
0x1a0: {  	_ =	swait.ge [sflag:s23], $0x7D0  }
0x1a1: {  	[sflag:s23] =	ssyncset.done $0x0  }
0x1a2: {  	[sflag:s23] =	ssyncadd.s32 $0xFFFFF830  }
0x1a3: {  	_ =	swait.ge [sflag:s23], $0x7D0  }
0x1a4: {  	[sflag:s23] =	ssyncset.done $0x0  }
0x1a5: {  	[sflag:s23] =	ssyncadd.s32 $0xFFFFF830  }
0x1a6: {  	_ =	swait.ge [sflag:s23], $0x7D0  }
0x1a7: {  	[sflag:s23] =	ssyncset.done $0x0  }
0x1a8: {  	[sflag:s23] =	ssyncadd.s32 $0xFFFFF830  }
0x1a9: {  	_ =	swait.ge [sflag:s24], $0x7D0  }
0x1aa: {  	[sflag:s24] =	ssyncset.done $0x0  }
0x1ab: {  	[sflag:s24] =	ssyncadd.s32 $0xFFFFF830  }
0x1ac: {  	_ =	swait.ge [sflag:s24], $0x7D0  }
0x1ad: {  	[sflag:s24] =	ssyncset.done $0x0  }
0x1ae: {  	[sflag:s24] =	ssyncadd.s32 $0xFFFFF830  }
0x1af: {  	_ =	swait.ge [sflag:s24], $0x7D0  }
0x1b0: {  	[sflag:s24] =	ssyncset.done $0x0  }
0x1b1: {  	s16 =	simm.s32 $0x3840;
	[sflag:s24] =	ssyncadd.s32 $0xFFFFF830  }
0x1b2: {  	v0 =	vld [tilespmem:s16+$0x30]  }
0x1b3: {  	v1 =	vld [tilespmem:s16+$0xFFFFFFD0]  }
0x1b4: {  	v2 =	vld [tilespmem:s16+$0xFFFFFFE0]  }
0x1b5: {  	v3 =	vld [tilespmem:s16+$0xFFFFFFF0]  }
0x1b6: {  	v4 =	vld [tilespmem:s16+$0x0]  }
0x1b7: {  	v5 =	vld [tilespmem:s16+$0x10]  }
0x1b8: {  	v6 =	vld [tilespmem:s16+$0x20]  }
0x1b9: {  	s17 =	simm.s32 $0x2040;
	v7 =	vld [tilespmem:s16+$0xFFFFFFC0]  }
0x1ba: {  	v8 =	vld [tilespmem:s17+$0x30]  }
0x1bb: {  	s31 =	simm.s32 $0x38C0;
	v15 =	vld [tilespmem:s17+$0x20]  }
0x1bc: {  	v21 =	vld [tilespmem:s31+$0xFFFFFFF0]  }
0x1bd: {  	v22 =	vld [tilespmem:s31+$0x0]  }
0x1be: {  	v23 =	vld [tilespmem:s31+$0x10]  }
0x1bf: {  	v24 =	vld [tilespmem:s31+$0x20]  }
0x1c0: {  	v25 =	vld [tilespmem:s31+$0xFFFFFFC0]  }
0x1c1: {  	v0 =	vld.idx.msk [tilespmem:v0+s29+$0x0], $0xffff  }
0x1c2: {  	v9 =	vld.idx.msk [tilespmem:v1+s29+$0x0], $0xffff  }
0x1c3: {  	v10 =	vld.idx.msk [tilespmem:v2+s29+$0x0], $0xffff  }
0x1c4: {  	v11 =	vld.idx.msk [tilespmem:v3+s29+$0x0], $0xffff  }
0x1c5: {  	v12 =	vld.idx.msk [tilespmem:v4+s29+$0x0], $0xffff  }
0x1c6: {  	v13 =	vld.idx.msk [tilespmem:v5+s29+$0x0], $0xffff  }
0x1c7: {  	v7 =	vld.idx.msk [tilespmem:v7+s29+$0x0], $0xffff  }
0x1c8: {  	v1 =	vld [tilespmem:s17+$0xFFFFFFC0]  }
0x1c9: {  	v2 =	vld [tilespmem:s17+$0xFFFFFFD0]  }
0x1ca: {  	v3 =	vld [tilespmem:s17+$0xFFFFFFE0]  }
0x1cb: {  	v5 =	vld [tilespmem:s17+$0xFFFFFFF0];
	v4 =	vmul.f32 v8, v0  }
0x1cc: {  	s18 =	simm.s32 $0x5840;
	v8 =	vld [tilespmem:s17+$0x0]  }
0x1cd: {  	s19 =	simm.s32 $0x2840;
	v1 =	vmul.f32 v1, v7;
	[tilespmem:s18+$0x30] =	vst v4;
	v4 =	vld [tilespmem:s17+$0x10]  }
0x1ce: {  	v2 =	vmul.f32 v2, v9;
	v14 =	vld [tilespmem:s19+$0x30]  }
0x1cf: {  	v6 =	vld.idx.msk [tilespmem:v6+s29+$0x0], $0xffff;
	[tilespmem:s18+$0xFFFFFFC0] =	vst v1;
	v1 =	vmul.f32 v3, v10  }
0x1d0: {  	[tilespmem:s18+$0xFFFFFFD0] =	vst v2;
	v2 =	vmul.f32 v5, v11;
	v3 =	vld [tilespmem:s19+$0xFFFFFFC0]  }
0x1d1: {  	s16 =	simm.s32 $0x20C0;
	v5 =	vld [tilespmem:s19+$0xFFFFFFD0];
	[tilespmem:s18+$0xFFFFFFE0] =	vst v1;
	v1 =	vmul.f32 v8, v12  }
0x1d2: {  	v27 =	vld [tilespmem:s16+$0x30];
	[tilespmem:s18+$0xFFFFFFF0] =	vst v2;
	v2 =	vmul.f32 v4, v13  }
0x1d3: {  	[tilespmem:s18+$0x0] =	vst v1;
	v4 =	vmul.f32 v14, v0;
	v14 =	vld [tilespmem:s19+$0xFFFFFFF0]  }
0x1d4: {  	v8 =	vld [tilespmem:s19+$0xFFFFFFE0];
	v1 =	vmul.f32 v15, v6;
	[tilespmem:s18+$0x10] =	vst v2  }
0x1d5: {  	v2 =	vmul.f32 v3, v7;
	v3 =	vld [tilespmem:s19+$0x10]  }
0x1d6: {  	s8 =	simm.s32 $0x6040;
	v62 =	vld.idx.msk [tilespmem:v25+s29+$0x0], $0xffff;
	[tilespmem:s18+$0x20] =	vst v1;
	v1 =	vmul.f32 v5, v9  }
0x1d7: {  	v15 =	vld [tilespmem:s19+$0x0];
	[tilespmem:s8+$0x30] =	vst v4  }
0x1d8: {  	s26 =	simm.s32 $0x3040;
	v17 =	vld [tilespmem:s19+$0x20];
	[tilespmem:s8+$0xFFFFFFD0] =	vst v1;
	v1 =	vmul.f32 v14, v11  }
0x1d9: {  	v16 =	vld [tilespmem:s26+$0x30];
	[tilespmem:s8+$0xFFFFFFC0] =	vst v2;
	v2 =	vmul.f32 v8, v10  }
0x1da: {  	v8 =	vld [tilespmem:s26+$0xFFFFFFC0];
	[tilespmem:s8+$0xFFFFFFF0] =	vst v1;
	v1 =	vmul.f32 v3, v13  }
0x1db: {  	v14 =	vld [tilespmem:s26+$0xFFFFFFD0];
	[tilespmem:s8+$0xFFFFFFE0] =	vst v2  }
0x1dc: {  	v2 =	vmul.f32 v15, v12;
	[tilespmem:s8+$0x10] =	vst v1;
	v1 =	vld [tilespmem:s31+$0x30]  }
0x1dd: {  	v15 =	vld [tilespmem:s26+$0xFFFFFFE0]  }
0x1de: {  	[tilespmem:s8+$0x0] =	vst v2;
	v2 =	vld [tilespmem:s31+$0xFFFFFFD0]  }
0x1df: {  	v3 =	vld [tilespmem:s31+$0xFFFFFFE0]  }
0x1e0: {  	v18 =	vld [tilespmem:s26+$0xFFFFFFF0]  }
0x1e1: {  	v19 =	vld [tilespmem:s26+$0x0];
	v0 =	vmul.f32 v16, v0  }
0x1e2: {  	s17 =	simm.s32 $0x6840;
	v20 =	vld [tilespmem:s26+$0x10]  }
0x1e3: {  	v7 =	vmul.f32 v8, v7;
	[tilespmem:s17+$0x30] =	vst v0;
	v0 =	vld.idx.msk [tilespmem:v24+s29+$0x0], $0xffff  }
0x1e4: {  	v8 =	vmul.f32 v14, v9;
	v26 =	vld.idx.msk [tilespmem:v1+s29+$0x0], $0xffff  }
0x1e5: {  	[tilespmem:s17+$0xFFFFFFC0] =	vst v7;
	v7 =	vmul.f32 v15, v10;
	v10 =	vld [tilespmem:s16+$0xFFFFFFC0]  }
0x1e6: {  	[tilespmem:s17+$0xFFFFFFD0] =	vst v8;
	v8 =	vmul.f32 v18, v11;
	v11 =	vld [tilespmem:s16+$0xFFFFFFD0]  }
0x1e7: {  	[tilespmem:s17+$0xFFFFFFE0] =	vst v7;
	v7 =	vmul.f32 v19, v12;
	v12 =	vld [tilespmem:s16+$0xFFFFFFE0]  }
0x1e8: {  	v5 =	vld.idx.msk [tilespmem:v2+s29+$0x0], $0xffff  }
0x1e9: {  	v4 =	vld.idx.msk [tilespmem:v3+s29+$0x0], $0xffff;
	v61 =	vmul.f32 v27, v26  }
0x1ea: {  	s18 =	simm.s32 $0x58C0;
	v3 =	vld.idx.msk [tilespmem:v21+s29+$0x0], $0xffff  }
0x1eb: {  	s5 =	simm.s32 $0x28C0;
	v2 =	vld.idx.msk [tilespmem:v22+s29+$0x0], $0xffff;
	[tilespmem:s18+$0x30] =	vst v61  }
0x1ec: {  	v9 =	vld [tilespmem:s5+$0x30]  }
0x1ed: {  	[tilespmem:s17+$0xFFFFFFF0] =	vst v8;
	v8 =	vmul.f32 v20, v13;
	v13 =	vld [tilespmem:s16+$0xFFFFFFF0]  }
0x1ee: {  	v17 =	vmul.f32 v17, v6;
	[tilespmem:s17+$0x0] =	vst v7;
	v7 =	vld [tilespmem:s16+$0x0]  }
0x1ef: {  	v1 =	vld.idx.msk [tilespmem:v23+s29+$0x0], $0xffff;
	[tilespmem:s17+$0x10] =	vst v8;
	v8 =	vmul.f32 v10, v62  }
0x1f0: {  	[tilespmem:s8+$0x20] =	vst v17;
	v10 =	vld [tilespmem:s16+$0x10];
	v11 =	vmul.f32 v11, v5  }
0x1f1: {  	v14 =	vld [tilespmem:s16+$0x20];
	[tilespmem:s18+$0xFFFFFFC0] =	vst v8;
	v9 =	vmul.f32 v9, v26  }
0x1f2: {  	s19 =	simm.s32 $0x60C0;
	v8 =	vmul.f32 v12, v4;
	v12 =	vld [tilespmem:s5+$0xFFFFFFC0];
	[tilespmem:s18+$0xFFFFFFD0] =	vst v11  }
0x1f3: {  	s4 =	simm.s32 $0x30C0;
	v11 =	vmul.f32 v13, v3;
	v13 =	vld [tilespmem:s5+$0xFFFFFFD0];
	[tilespmem:s19+$0x30] =	vst v9  }
0x1f4: {  	v7 =	vmul.f32 v7, v2;
	[tilespmem:s18+$0xFFFFFFE0] =	vst v8;
	v9 =	vld [tilespmem:s4+$0x30]  }
0x1f5: {  	v10 =	vmul.f32 v10, v1;
	v8 =	vld [tilespmem:s5+$0xFFFFFFE0];
	[tilespmem:s18+$0xFFFFFFF0] =	vst v11  }
0x1f6: {  	[tilespmem:s18+$0x0] =	vst v7;
	v7 =	vmul.f32 v14, v0;
	v11 =	vld [tilespmem:s5+$0xFFFFFFF0]  }
0x1f7: {  	v14 =	vld [tilespmem:s5+$0x0];
	[tilespmem:s18+$0x10] =	vst v10;
	v10 =	vmul.f32 v12, v62  }
0x1f8: {  	[tilespmem:s18+$0x20] =	vst v7;
	v12 =	vld [tilespmem:s5+$0x10];
	v7 =	vmul.f32 v13, v5  }
0x1f9: {  	[tilespmem:s19+$0xFFFFFFC0] =	vst v10;
	v13 =	vld [tilespmem:s5+$0x20];
	v9 =	vmul.f32 v9, v26  }
0x1fa: {  	s8 =	simm.s32 $0x68C0;
	v15 =	vld [tilespmem:s26+$0x20];
	v8 =	vmul.f32 v8, v4;
	[tilespmem:s19+$0xFFFFFFD0] =	vst v7  }
0x1fb: {  	v63 =	vld [tilespmem:s4+$0xFFFFFFC0];
	[tilespmem:s8+$0x30] =	vst v9;
	v9 =	vmul.f32 v11, v3  }
0x1fc: {  	[tilespmem:s19+$0xFFFFFFE0] =	vst v8;
	v10 =	vld [tilespmem:s4+$0xFFFFFFD0];
	v11 =	vmul.f32 v14, v2  }
0x1fd: {  	v12 =	vmul.f32 v12, v1;
	v7 =	vld [tilespmem:s4+$0xFFFFFFE0];
	[tilespmem:s19+$0xFFFFFFF0] =	vst v9  }
0x1fe: {  	v13 =	vmul.f32 v13, v0;
	[tilespmem:s19+$0x0] =	vst v11;
	v8 =	vld [tilespmem:s4+$0xFFFFFFF0]  }
0x1ff: {  	[tilespmem:s19+$0x10] =	vst v12;
	v12 =	vmul.f32 v15, v6;
	v9 =	vld [tilespmem:s4+$0x0]  }
0x200: {  	s13 =	simm.s32 $0x8;
	s14 =	simm.s32 $0x30C0;
	s26 =	simm.s32 $0x3940;
	v6 =	vld [tilespmem:s4+$0x10];
	[tilespmem:s19+$0x20] =	vst v13;
	v11 =	vmul.f32 v63, v62  }
.LBB2_25:
0x201: {  	v13 =	vld [tilespmem:s26+$0x30];
	s13 =	sadd.s32 $0x8, s13;
	v5 =	vmul.f32 v10, v5;
	[tilespmem:s17+$0x20] =	vst v12;
	s17 =	smov.u32 s8  }
0x202: {  	v10 =	vld [tilespmem:s26+$0xFFFFFFD0];
	p1 =	slt.u32 s13, $0x70;
	[tilespmem:s8+$0xFFFFFFC0] =	vst v11;
	v4 =	vmul.f32 v7, v4  }
0x203: {  	v7 =	vld [tilespmem:s26+$0xFFFFFFE0];
	[tilespmem:s8+$0xFFFFFFD0] =	vst v5;
	v3 =	vmul.f32 v8, v3  }
0x204: {  	v8 =	vld [tilespmem:s26+$0xFFFFFFF0];
	[tilespmem:s8+$0xFFFFFFE0] =	vst v4;
	v2 =	vmul.f32 v9, v2  }
0x205: {  	v9 =	vld [tilespmem:s26+$0x0];
	[tilespmem:s8+$0xFFFFFFF0] =	vst v3;
	v1 =	vmul.f32 v6, v1  }
0x206: {  	v6 =	vld [tilespmem:s26+$0x10];
	[tilespmem:s8+$0x0] =	vst v2  }
0x207: {  	v11 =	vld [tilespmem:s26+$0x20];
	[tilespmem:s8+$0x10] =	vst v1  }
0x208: {  	v12 =	vld [tilespmem:s26+$0xFFFFFFC0]  }
0x209: {  	s16 =	sadd.s32 $0x80, s16;
	v13 =	vld.idx.msk [tilespmem:v13+s29+$0x0], $0xffff  }
0x20a: {  	v14 =	vld [tilespmem:s16+$0x30]  }
0x20b: {  	v5 =	vld.idx.msk [tilespmem:v10+s29+$0x0], $0xffff  }
0x20c: {  	v4 =	vld.idx.msk [tilespmem:v7+s29+$0x0], $0xffff  }
0x20d: {  	v3 =	vld.idx.msk [tilespmem:v8+s29+$0x0], $0xffff  }
0x20e: {  	v2 =	vld.idx.msk [tilespmem:v9+s29+$0x0], $0xffff  }
0x20f: {  	v1 =	vld.idx.msk [tilespmem:v6+s29+$0x0], $0xffff;
	v6 =	vmul.f32 v14, v13  }
0x210: {  	s18 =	sadd.s32 $0x80, s18;
	v14 =	vld.idx.msk [tilespmem:v12+s29+$0x0], $0xffff  }
0x211: {  	s5 =	sadd.s32 $0x80, s5;
	v11 =	vld.idx.msk [tilespmem:v11+s29+$0x0], $0xffff;
	[tilespmem:s18+$0x30] =	vst v6  }
0x212: {  	v6 =	vld [tilespmem:s5+$0x30]  }
0x213: {  	v7 =	vld [tilespmem:s16+$0xFFFFFFC0]  }
0x214: {  	v8 =	vld [tilespmem:s16+$0xFFFFFFD0]  }
0x215: {  	v9 =	vld [tilespmem:s16+$0xFFFFFFE0]  }
0x216: {  	v10 =	vld [tilespmem:s16+$0xFFFFFFF0]  }
0x217: {  	v12 =	vld [tilespmem:s16+$0x0];
	v6 =	vmul.f32 v6, v13  }
0x218: {  	s19 =	sadd.s32 $0x80, s19;
	v7 =	vmul.f32 v7, v14;
	v15 =	vld [tilespmem:s16+$0x10]  }
0x219: {  	s4 =	sadd.s32 $0x80, s4;
	v8 =	vmul.f32 v8, v5;
	v16 =	vld [tilespmem:s16+$0x20];
	[tilespmem:s19+$0x30] =	vst v6  }
0x21a: {  	[tilespmem:s18+$0xFFFFFFC0] =	vst v7;
	v6 =	vmul.f32 v9, v4;
	v7 =	vld [tilespmem:s4+$0x30]  }
0x21b: {  	v9 =	vld [tilespmem:s5+$0xFFFFFFC0];
	[tilespmem:s18+$0xFFFFFFD0] =	vst v8;
	v8 =	vmul.f32 v10, v3  }
0x21c: {  	v10 =	vld [tilespmem:s5+$0xFFFFFFD0];
	[tilespmem:s18+$0xFFFFFFE0] =	vst v6;
	v6 =	vmul.f32 v12, v2  }
0x21d: {  	v12 =	vld [tilespmem:s5+$0xFFFFFFE0];
	[tilespmem:s18+$0xFFFFFFF0] =	vst v8;
	v8 =	vmul.f32 v15, v1  }
0x21e: {  	v15 =	vld [tilespmem:s5+$0xFFFFFFF0];
	[tilespmem:s18+$0x0] =	vst v6;
	v6 =	vmul.f32 v16, v11  }
0x21f: {  	v16 =	vld [tilespmem:s5+$0x0];
	[tilespmem:s18+$0x10] =	vst v8;
	v7 =	vmul.f32 v7, v13  }
0x220: {  	s8 =	sadd.s32 $0x80, s8;
	v8 =	vmul.f32 v9, v14;
	v9 =	vld [tilespmem:s5+$0x10];
	[tilespmem:s18+$0x20] =	vst v6  }
0x221: {  	s0 =	simm.s32 $0x1E00;
	v6 =	vmul.f32 v10, v5;
	v13 =	vld [tilespmem:s5+$0x20];
	[tilespmem:s8+$0x30] =	vst v7  }
0x222: {  	[tilespmem:s19+$0xFFFFFFC0] =	vst v8;
	v7 =	vmul.f32 v12, v4;
	v12 =	vld [tilespmem:s14+$0x20];
	s14 =	smov.u32 s4  }
0x223: {  	v17 =	vld [tilespmem:s4+$0xFFFFFFC0];
	[tilespmem:s19+$0xFFFFFFD0] =	vst v6;
	v6 =	vmul.f32 v15, v3  }
.Ltmp11:
0x224: {  	v10 =	vld [tilespmem:s4+$0xFFFFFFD0];
	[tilespmem:s19+$0xFFFFFFE0] =	vst v7;
	v15 =	vmul.f32 v16, v2;
	(pc) =	sbr.rel @p1 .LBB2_25-.Ltmp11, $4  }
0x225: {  	v7 =	vld [tilespmem:s4+$0xFFFFFFE0];
	[tilespmem:s19+$0xFFFFFFF0] =	vst v6;
	v6 =	vmul.f32 v9, v1  }
0x226: {  	v8 =	vld [tilespmem:s4+$0xFFFFFFF0];
	[tilespmem:s19+$0x0] =	vst v15;
	v13 =	vmul.f32 v13, v11  }
0x227: {  	v9 =	vld [tilespmem:s4+$0x0];
	[tilespmem:s19+$0x10] =	vst v6;
	v12 =	vmul.f32 v12, v0;
	v0 =	vmov v11  }
0x228: {  	s26 =	sadd.s32 $0x80, s26;
	v11 =	vmul.f32 v17, v14;
	v6 =	vld [tilespmem:s4+$0x10];
	[tilespmem:s19+$0x20] =	vst v13  }
0x229: {  	v5 =	vmul.f32 v10, v5;
	[tilespmem:s17+$0x20] =	vst v12;
	v63 =	vld [tilespmem:s14+$0x20]  }
0x22a: {  	[tilespmem:s8+$0xFFFFFFC0] =	vst v11;
	v4 =	vmul.f32 v7, v4  }
0x22b: {  	[tilespmem:s8+$0xFFFFFFD0] =	vst v5;
	v3 =	vmul.f32 v8, v3  }
0x22c: {  	[tilespmem:s8+$0xFFFFFFE0] =	vst v4;
	v2 =	vmul.f32 v9, v2  }
0x22d: {  	[tilespmem:s8+$0xFFFFFFF0] =	vst v3;
	v1 =	vmul.f32 v6, v1  }
0x22e: {  	[tilespmem:s8+$0x0] =	vst v2;
	v0 =	vmul.f32 v63, v0  }
0x22f: {  	[tilespmem:s8+$0x10] =	vst v1  }
0x230: {  	[tilespmem:s8+$0x20] =	vst v0  }
.LBB2_27:
0x231: {  	s4 =	sshra.s32 s0, $0x2  }
0x232: {  	v0 =	vld [tilespmem:s4+$0x3800];
	_ =	sdelay $0x6  }
0x233: {  	v1 =	vld [tilespmem:s4+$0x2000]  }
0x234: {  	v0 =	vld.idx.msk [tilespmem:v0+s29+$0x0], $0xffff  }
0x235: {  	v2 =	vld [tilespmem:s4+$0x2800]  }
0x236: {  	v3 =	vld [tilespmem:s4+$0x3000];
	_ =	sdelay $0x1  }
0x237: {  	p1 =	sne.s32 s0, $0x1F00  }
.Ltmp12:
0x238: {  	v1 =	vmul.f32 v1, v0;
	(pc) =	sbr.rel @p1 .LBB2_27-.Ltmp12, $4  }
0x239: {  	v2 =	vmul.f32 v2, v0  }
0x23a: {  	v0 =	vmul.f32 v3, v0;
	[tilespmem:s4+$0x5800] =	vst v1  }
0x23b: {  	[tilespmem:s4+$0x6000] =	vst v2  }
0x23c: {  	s0 =	sadd.s32 $0x40, s0;
	[tilespmem:s4+$0x6800] =	vst v0  }
0x23d: {  	s0 =	sadd.s32 s9, s25;
	s4 =	simm.s32 $0x5800;
	s30 =	sadd.s32 $0x1, s30  }
0x23e: {  	[hbm4b:s0+s6] =	stream.linear.scatter [tilespmem:s4], [sflag:$0x4], $0x7D0, $0x38;
	[tilespmem:$0x9540] =	vst v63  }
0x23f: {  	p1 =	sne.s32 s30, $0xC  }
.Ltmp13:
0x240: {  	_ = 	snop;
	(pc) =	sbr.rel @p1 .LBB2_20-.Ltmp13, $4  }
0x241: {  	s18 =	sadd.s32 s11, s25;
	s19 =	simm.s32 $0x6000  }
0x242: {  	[hbm4b:s18+s6] =	stream.linear.scatter [tilespmem:s19], [sflag:$0x4], $0x7D0, $0x38;
	[tilespmem:$0x9540] =	vst v63  }
0x243: {  	s26 =	sadd.s32 s12, s25;
	s31 =	simm.s32 $0x6800  }
0x244: {  	[hbm4b:s26+s6] =	stream.linear.scatter [tilespmem:s31], [sflag:$0x4], $0x7D0, $0x38;
	[tilespmem:$0x9540] =	vst v63  }
0x245: {  	_ =	swait.ge [sflag:s15], $0x7D0  }
0x246: {  	[sflag:s15] =	ssyncset.done $0x0  }
0x247: {  	[sflag:s15] =	ssyncadd.s32 $0xFFFFF830  }
0x248: {  	_ =	swait.ge [sflag:s15], $0x7D0  }
0x249: {  	[sflag:s15] =	ssyncset.done $0x0  }
0x24a: {  	[sflag:s15] =	ssyncadd.s32 $0xFFFFF830  }
0x24b: {  	_ =	swait.ge [sflag:s15], $0x7D0  }
0x24c: {  	[sflag:s15] =	ssyncset.done $0x0  }
0x24d: {  	[sflag:s15] =	ssyncadd.s32 $0xFFFFF830  }
0x24e: {  	_ =	swait.ge [sflag:s15], $0x7D0  }
0x24f: {  	[sflag:s15] =	ssyncset.done $0x0  }
0x250: {  	[sflag:s15] =	ssyncadd.s32 $0xFFFFF830  }
0x251: {  	_ =	swait.ge [sflag:s22], $0x7D0  }
0x252: {  	[sflag:s22] =	ssyncset.done $0x0  }
0x253: {  	[sflag:s22] =	ssyncadd.s32 $0xFFFFF830  }
0x254: {  	_ =	swait.ge [sflag:s22], $0x7D0  }
0x255: {  	[sflag:s22] =	ssyncset.done $0x0  }
0x256: {  	[sflag:s22] =	ssyncadd.s32 $0xFFFFF830  }
0x257: {  	_ =	swait.ge [sflag:s22], $0x7D0  }
0x258: {  	[sflag:s22] =	ssyncset.done $0x0  }
0x259: {  	s0 =	simm.s32 $0x1840;
	[sflag:s22] =	ssyncadd.s32 $0xFFFFF830  }
0x25a: {  	v0 =	vld [tilespmem:s0+$0x30]  }
0x25b: {  	v1 =	vld [tilespmem:s0+$0xFFFFFFD0]  }
0x25c: {  	v2 =	vld [tilespmem:s0+$0xFFFFFFE0]  }
0x25d: {  	v3 =	vld [tilespmem:s0+$0xFFFFFFF0]  }
0x25e: {  	v4 =	vld [tilespmem:s0+$0x0]  }
0x25f: {  	v5 =	vld [tilespmem:s0+$0x10]  }
0x260: {  	v6 =	vld [tilespmem:s0+$0x20]  }
0x261: {  	s26 =	simm.s32 $0x40;
	v7 =	vld [tilespmem:s0+$0xFFFFFFC0]  }
0x262: {  	v8 =	vld [tilespmem:s26+$0x30]  }
0x263: {  	s31 =	simm.s32 $0x18C0;
	v15 =	vld [tilespmem:s26+$0x20]  }
0x264: {  	v21 =	vld [tilespmem:s31+$0xFFFFFFF0]  }
0x265: {  	v22 =	vld [tilespmem:s31+$0x0]  }
0x266: {  	v23 =	vld [tilespmem:s31+$0x10]  }
0x267: {  	v24 =	vld [tilespmem:s31+$0x20]  }
0x268: {  	v25 =	vld [tilespmem:s31+$0xFFFFFFC0]  }
0x269: {  	v0 =	vld.idx.msk [tilespmem:v0+s29+$0x0], $0xffff  }
0x26a: {  	v9 =	vld.idx.msk [tilespmem:v1+s29+$0x0], $0xffff  }
0x26b: {  	v10 =	vld.idx.msk [tilespmem:v2+s29+$0x0], $0xffff  }
0x26c: {  	v11 =	vld.idx.msk [tilespmem:v3+s29+$0x0], $0xffff  }
0x26d: {  	v12 =	vld.idx.msk [tilespmem:v4+s29+$0x0], $0xffff  }
0x26e: {  	v13 =	vld.idx.msk [tilespmem:v5+s29+$0x0], $0xffff  }
0x26f: {  	v7 =	vld.idx.msk [tilespmem:v7+s29+$0x0], $0xffff  }
0x270: {  	v1 =	vld [tilespmem:s26+$0xFFFFFFC0]  }
0x271: {  	v2 =	vld [tilespmem:s26+$0xFFFFFFD0]  }
0x272: {  	v3 =	vld [tilespmem:s26+$0xFFFFFFE0]  }
0x273: {  	v5 =	vld [tilespmem:s26+$0xFFFFFFF0];
	v4 =	vmul.f32 v8, v0  }
0x274: {  	s4 =	simm.s32 $0x4040;
	v8 =	vld [tilespmem:s26+$0x0]  }
0x275: {  	s5 =	simm.s32 $0x840;
	v1 =	vmul.f32 v1, v7;
	[tilespmem:s4+$0x30] =	vst v4;
	v4 =	vld [tilespmem:s26+$0x10]  }
0x276: {  	v2 =	vmul.f32 v2, v9;
	v14 =	vld [tilespmem:s5+$0x30]  }
0x277: {  	v6 =	vld.idx.msk [tilespmem:v6+s29+$0x0], $0xffff;
	[tilespmem:s4+$0xFFFFFFC0] =	vst v1;
	v1 =	vmul.f32 v3, v10  }
0x278: {  	[tilespmem:s4+$0xFFFFFFD0] =	vst v2;
	v2 =	vmul.f32 v5, v11;
	v3 =	vld [tilespmem:s5+$0xFFFFFFC0]  }
0x279: {  	s16 =	simm.s32 $0xC0;
	v5 =	vld [tilespmem:s5+$0xFFFFFFD0];
	[tilespmem:s4+$0xFFFFFFE0] =	vst v1;
	v1 =	vmul.f32 v8, v12  }
0x27a: {  	v27 =	vld [tilespmem:s16+$0x30];
	[tilespmem:s4+$0xFFFFFFF0] =	vst v2;
	v2 =	vmul.f32 v4, v13  }
0x27b: {  	[tilespmem:s4+$0x0] =	vst v1;
	v4 =	vmul.f32 v14, v0;
	v14 =	vld [tilespmem:s5+$0xFFFFFFF0]  }
0x27c: {  	v8 =	vld [tilespmem:s5+$0xFFFFFFE0];
	v1 =	vmul.f32 v15, v6;
	[tilespmem:s4+$0x10] =	vst v2  }
0x27d: {  	v2 =	vmul.f32 v3, v7;
	v3 =	vld [tilespmem:s5+$0x10]  }
0x27e: {  	s8 =	simm.s32 $0x4840;
	v62 =	vld.idx.msk [tilespmem:v25+s29+$0x0], $0xffff;
	[tilespmem:s4+$0x20] =	vst v1;
	v1 =	vmul.f32 v5, v9  }
0x27f: {  	v15 =	vld [tilespmem:s5+$0x0];
	[tilespmem:s8+$0x30] =	vst v4  }
0x280: {  	s30 =	simm.s32 $0x1040;
	v17 =	vld [tilespmem:s5+$0x20];
	[tilespmem:s8+$0xFFFFFFD0] =	vst v1;
	v1 =	vmul.f32 v14, v11  }
0x281: {  	v16 =	vld [tilespmem:s30+$0x30];
	[tilespmem:s8+$0xFFFFFFC0] =	vst v2;
	v2 =	vmul.f32 v8, v10  }
0x282: {  	v8 =	vld [tilespmem:s30+$0xFFFFFFC0];
	[tilespmem:s8+$0xFFFFFFF0] =	vst v1;
	v1 =	vmul.f32 v3, v13  }
0x283: {  	v14 =	vld [tilespmem:s30+$0xFFFFFFD0];
	[tilespmem:s8+$0xFFFFFFE0] =	vst v2  }
0x284: {  	v2 =	vmul.f32 v15, v12;
	[tilespmem:s8+$0x10] =	vst v1;
	v1 =	vld [tilespmem:s31+$0x30]  }
0x285: {  	v15 =	vld [tilespmem:s30+$0xFFFFFFE0]  }
0x286: {  	[tilespmem:s8+$0x0] =	vst v2;
	v2 =	vld [tilespmem:s31+$0xFFFFFFD0]  }
0x287: {  	v3 =	vld [tilespmem:s31+$0xFFFFFFE0]  }
0x288: {  	v18 =	vld [tilespmem:s30+$0xFFFFFFF0]  }
0x289: {  	v19 =	vld [tilespmem:s30+$0x0];
	v0 =	vmul.f32 v16, v0  }
0x28a: {  	s17 =	simm.s32 $0x5040;
	v20 =	vld [tilespmem:s30+$0x10]  }
0x28b: {  	v7 =	vmul.f32 v8, v7;
	[tilespmem:s17+$0x30] =	vst v0;
	v0 =	vld.idx.msk [tilespmem:v24+s29+$0x0], $0xffff  }
0x28c: {  	v8 =	vmul.f32 v14, v9;
	v26 =	vld.idx.msk [tilespmem:v1+s29+$0x0], $0xffff  }
0x28d: {  	[tilespmem:s17+$0xFFFFFFC0] =	vst v7;
	v7 =	vmul.f32 v15, v10;
	v10 =	vld [tilespmem:s16+$0xFFFFFFC0]  }
0x28e: {  	[tilespmem:s17+$0xFFFFFFD0] =	vst v8;
	v8 =	vmul.f32 v18, v11;
	v11 =	vld [tilespmem:s16+$0xFFFFFFD0]  }
0x28f: {  	[tilespmem:s17+$0xFFFFFFE0] =	vst v7;
	v7 =	vmul.f32 v19, v12;
	v12 =	vld [tilespmem:s16+$0xFFFFFFE0]  }
0x290: {  	v5 =	vld.idx.msk [tilespmem:v2+s29+$0x0], $0xffff  }
0x291: {  	v4 =	vld.idx.msk [tilespmem:v3+s29+$0x0], $0xffff;
	v61 =	vmul.f32 v27, v26  }
0x292: {  	s18 =	simm.s32 $0x40C0;
	v3 =	vld.idx.msk [tilespmem:v21+s29+$0x0], $0xffff  }
0x293: {  	s5 =	simm.s32 $0x8C0;
	v2 =	vld.idx.msk [tilespmem:v22+s29+$0x0], $0xffff;
	[tilespmem:s18+$0x30] =	vst v61  }
0x294: {  	v9 =	vld [tilespmem:s5+$0x30]  }
0x295: {  	[tilespmem:s17+$0xFFFFFFF0] =	vst v8;
	v8 =	vmul.f32 v20, v13;
	v13 =	vld [tilespmem:s16+$0xFFFFFFF0]  }
0x296: {  	v17 =	vmul.f32 v17, v6;
	[tilespmem:s17+$0x0] =	vst v7;
	v7 =	vld [tilespmem:s16+$0x0]  }
0x297: {  	v1 =	vld.idx.msk [tilespmem:v23+s29+$0x0], $0xffff;
	[tilespmem:s17+$0x10] =	vst v8;
	v8 =	vmul.f32 v10, v62  }
0x298: {  	[tilespmem:s8+$0x20] =	vst v17;
	v10 =	vld [tilespmem:s16+$0x10];
	v11 =	vmul.f32 v11, v5  }
0x299: {  	v14 =	vld [tilespmem:s16+$0x20];
	[tilespmem:s18+$0xFFFFFFC0] =	vst v8;
	v9 =	vmul.f32 v9, v26  }
0x29a: {  	s19 =	simm.s32 $0x48C0;
	v8 =	vmul.f32 v12, v4;
	v12 =	vld [tilespmem:s5+$0xFFFFFFC0];
	[tilespmem:s18+$0xFFFFFFD0] =	vst v11  }
0x29b: {  	s4 =	simm.s32 $0x10C0;
	v11 =	vmul.f32 v13, v3;
	v13 =	vld [tilespmem:s5+$0xFFFFFFD0];
	[tilespmem:s19+$0x30] =	vst v9  }
0x29c: {  	v7 =	vmul.f32 v7, v2;
	[tilespmem:s18+$0xFFFFFFE0] =	vst v8;
	v9 =	vld [tilespmem:s4+$0x30]  }
0x29d: {  	v10 =	vmul.f32 v10, v1;
	v8 =	vld [tilespmem:s5+$0xFFFFFFE0];
	[tilespmem:s18+$0xFFFFFFF0] =	vst v11  }
0x29e: {  	[tilespmem:s18+$0x0] =	vst v7;
	v7 =	vmul.f32 v14, v0;
	v11 =	vld [tilespmem:s5+$0xFFFFFFF0]  }
0x29f: {  	v14 =	vld [tilespmem:s5+$0x0];
	[tilespmem:s18+$0x10] =	vst v10;
	v10 =	vmul.f32 v12, v62  }
0x2a0: {  	[tilespmem:s18+$0x20] =	vst v7;
	v12 =	vld [tilespmem:s5+$0x10];
	v7 =	vmul.f32 v13, v5  }
0x2a1: {  	[tilespmem:s19+$0xFFFFFFC0] =	vst v10;
	v13 =	vld [tilespmem:s5+$0x20];
	v9 =	vmul.f32 v9, v26  }
0x2a2: {  	s8 =	simm.s32 $0x50C0;
	v15 =	vld [tilespmem:s30+$0x20];
	v8 =	vmul.f32 v8, v4;
	[tilespmem:s19+$0xFFFFFFD0] =	vst v7  }
0x2a3: {  	v63 =	vld [tilespmem:s4+$0xFFFFFFC0];
	[tilespmem:s8+$0x30] =	vst v9;
	v9 =	vmul.f32 v11, v3  }
0x2a4: {  	[tilespmem:s19+$0xFFFFFFE0] =	vst v8;
	v10 =	vld [tilespmem:s4+$0xFFFFFFD0];
	v11 =	vmul.f32 v14, v2  }
0x2a5: {  	v12 =	vmul.f32 v12, v1;
	v7 =	vld [tilespmem:s4+$0xFFFFFFE0];
	[tilespmem:s19+$0xFFFFFFF0] =	vst v9  }
0x2a6: {  	v13 =	vmul.f32 v13, v0;
	[tilespmem:s19+$0x0] =	vst v11;
	v8 =	vld [tilespmem:s4+$0xFFFFFFF0]  }
0x2a7: {  	[tilespmem:s19+$0x10] =	vst v12;
	v12 =	vmul.f32 v15, v6;
	v9 =	vld [tilespmem:s4+$0x0]  }
0x2a8: {  	s13 =	simm.s32 $0x8;
	s25 =	simm.s32 $0x1940;
	s14 =	simm.s32 $0x10C0;
	v6 =	vld [tilespmem:s4+$0x10];
	[tilespmem:s19+$0x20] =	vst v13;
	v11 =	vmul.f32 v63, v62  }
.LBB2_30:
0x2a9: {  	v13 =	vld [tilespmem:s25+$0x30];
	s13 =	sadd.s32 $0x8, s13;
	v5 =	vmul.f32 v10, v5;
	[tilespmem:s17+$0x20] =	vst v12;
	s17 =	smov.u32 s8  }
0x2aa: {  	v10 =	vld [tilespmem:s25+$0xFFFFFFD0];
	p1 =	slt.u32 s13, $0x70;
	[tilespmem:s8+$0xFFFFFFC0] =	vst v11;
	v4 =	vmul.f32 v7, v4  }
0x2ab: {  	v7 =	vld [tilespmem:s25+$0xFFFFFFE0];
	[tilespmem:s8+$0xFFFFFFD0] =	vst v5;
	v3 =	vmul.f32 v8, v3  }
0x2ac: {  	v8 =	vld [tilespmem:s25+$0xFFFFFFF0];
	[tilespmem:s8+$0xFFFFFFE0] =	vst v4;
	v2 =	vmul.f32 v9, v2  }
0x2ad: {  	v9 =	vld [tilespmem:s25+$0x0];
	[tilespmem:s8+$0xFFFFFFF0] =	vst v3;
	v1 =	vmul.f32 v6, v1  }
0x2ae: {  	v6 =	vld [tilespmem:s25+$0x10];
	[tilespmem:s8+$0x0] =	vst v2  }
0x2af: {  	v11 =	vld [tilespmem:s25+$0x20];
	[tilespmem:s8+$0x10] =	vst v1  }
0x2b0: {  	v12 =	vld [tilespmem:s25+$0xFFFFFFC0]  }
0x2b1: {  	s16 =	sadd.s32 $0x80, s16;
	v13 =	vld.idx.msk [tilespmem:v13+s29+$0x0], $0xffff  }
0x2b2: {  	v14 =	vld [tilespmem:s16+$0x30]  }
0x2b3: {  	v5 =	vld.idx.msk [tilespmem:v10+s29+$0x0], $0xffff  }
0x2b4: {  	v4 =	vld.idx.msk [tilespmem:v7+s29+$0x0], $0xffff  }
0x2b5: {  	v3 =	vld.idx.msk [tilespmem:v8+s29+$0x0], $0xffff  }
0x2b6: {  	v2 =	vld.idx.msk [tilespmem:v9+s29+$0x0], $0xffff  }
0x2b7: {  	v1 =	vld.idx.msk [tilespmem:v6+s29+$0x0], $0xffff;
	v6 =	vmul.f32 v14, v13  }
0x2b8: {  	s18 =	sadd.s32 $0x80, s18;
	v14 =	vld.idx.msk [tilespmem:v12+s29+$0x0], $0xffff  }
0x2b9: {  	s5 =	sadd.s32 $0x80, s5;
	v11 =	vld.idx.msk [tilespmem:v11+s29+$0x0], $0xffff;
	[tilespmem:s18+$0x30] =	vst v6  }
0x2ba: {  	v6 =	vld [tilespmem:s5+$0x30]  }
0x2bb: {  	v7 =	vld [tilespmem:s16+$0xFFFFFFC0]  }
0x2bc: {  	v8 =	vld [tilespmem:s16+$0xFFFFFFD0]  }
0x2bd: {  	v9 =	vld [tilespmem:s16+$0xFFFFFFE0]  }
0x2be: {  	v10 =	vld [tilespmem:s16+$0xFFFFFFF0]  }
0x2bf: {  	v12 =	vld [tilespmem:s16+$0x0];
	v6 =	vmul.f32 v6, v13  }
0x2c0: {  	s19 =	sadd.s32 $0x80, s19;
	v7 =	vmul.f32 v7, v14;
	v15 =	vld [tilespmem:s16+$0x10]  }
0x2c1: {  	s4 =	sadd.s32 $0x80, s4;
	v8 =	vmul.f32 v8, v5;
	v16 =	vld [tilespmem:s16+$0x20];
	[tilespmem:s19+$0x30] =	vst v6  }
0x2c2: {  	[tilespmem:s18+$0xFFFFFFC0] =	vst v7;
	v6 =	vmul.f32 v9, v4;
	v7 =	vld [tilespmem:s4+$0x30]  }
0x2c3: {  	v9 =	vld [tilespmem:s5+$0xFFFFFFC0];
	[tilespmem:s18+$0xFFFFFFD0] =	vst v8;
	v8 =	vmul.f32 v10, v3  }
0x2c4: {  	v10 =	vld [tilespmem:s5+$0xFFFFFFD0];
	[tilespmem:s18+$0xFFFFFFE0] =	vst v6;
	v6 =	vmul.f32 v12, v2  }
0x2c5: {  	v12 =	vld [tilespmem:s5+$0xFFFFFFE0];
	[tilespmem:s18+$0xFFFFFFF0] =	vst v8;
	v8 =	vmul.f32 v15, v1  }
0x2c6: {  	v15 =	vld [tilespmem:s5+$0xFFFFFFF0];
	[tilespmem:s18+$0x0] =	vst v6;
	v6 =	vmul.f32 v16, v11  }
0x2c7: {  	v16 =	vld [tilespmem:s5+$0x0];
	[tilespmem:s18+$0x10] =	vst v8;
	v7 =	vmul.f32 v7, v13  }
0x2c8: {  	s8 =	sadd.s32 $0x80, s8;
	v8 =	vmul.f32 v9, v14;
	v9 =	vld [tilespmem:s5+$0x10];
	[tilespmem:s18+$0x20] =	vst v6  }
0x2c9: {  	s0 =	simm.s32 $0x1E00;
	v6 =	vmul.f32 v10, v5;
	v13 =	vld [tilespmem:s5+$0x20];
	[tilespmem:s8+$0x30] =	vst v7  }
0x2ca: {  	[tilespmem:s19+$0xFFFFFFC0] =	vst v8;
	v7 =	vmul.f32 v12, v4;
	v12 =	vld [tilespmem:s14+$0x20];
	s14 =	smov.u32 s4  }
0x2cb: {  	v17 =	vld [tilespmem:s4+$0xFFFFFFC0];
	[tilespmem:s19+$0xFFFFFFD0] =	vst v6;
	v6 =	vmul.f32 v15, v3  }
.Ltmp14:
0x2cc: {  	v10 =	vld [tilespmem:s4+$0xFFFFFFD0];
	[tilespmem:s19+$0xFFFFFFE0] =	vst v7;
	v15 =	vmul.f32 v16, v2;
	(pc) =	sbr.rel @p1 .LBB2_30-.Ltmp14, $4  }
0x2cd: {  	v7 =	vld [tilespmem:s4+$0xFFFFFFE0];
	[tilespmem:s19+$0xFFFFFFF0] =	vst v6;
	v6 =	vmul.f32 v9, v1  }
0x2ce: {  	v8 =	vld [tilespmem:s4+$0xFFFFFFF0];
	[tilespmem:s19+$0x0] =	vst v15;
	v13 =	vmul.f32 v13, v11  }
0x2cf: {  	v9 =	vld [tilespmem:s4+$0x0];
	[tilespmem:s19+$0x10] =	vst v6;
	v12 =	vmul.f32 v12, v0;
	v0 =	vmov v11  }
0x2d0: {  	s25 =	sadd.s32 $0x80, s25;
	v11 =	vmul.f32 v17, v14;
	v6 =	vld [tilespmem:s4+$0x10];
	[tilespmem:s19+$0x20] =	vst v13  }
0x2d1: {  	v5 =	vmul.f32 v10, v5;
	[tilespmem:s17+$0x20] =	vst v12;
	v63 =	vld [tilespmem:s14+$0x20]  }
0x2d2: {  	[tilespmem:s8+$0xFFFFFFC0] =	vst v11;
	v4 =	vmul.f32 v7, v4  }
0x2d3: {  	[tilespmem:s8+$0xFFFFFFD0] =	vst v5;
	v3 =	vmul.f32 v8, v3  }
0x2d4: {  	[tilespmem:s8+$0xFFFFFFE0] =	vst v4;
	v2 =	vmul.f32 v9, v2  }
0x2d5: {  	[tilespmem:s8+$0xFFFFFFF0] =	vst v3;
	v1 =	vmul.f32 v6, v1  }
0x2d6: {  	[tilespmem:s8+$0x0] =	vst v2;
	v0 =	vmul.f32 v63, v0  }
0x2d7: {  	[tilespmem:s8+$0x10] =	vst v1  }
0x2d8: {  	[tilespmem:s8+$0x20] =	vst v0  }
.LBB2_32:
0x2d9: {  	s4 =	sshra.s32 s0, $0x2  }
0x2da: {  	v0 =	vld [tilespmem:s4+$0x1800];
	_ =	sdelay $0x6  }
0x2db: {  	v1 =	vld [tilespmem:s4+$0x0]  }
0x2dc: {  	v0 =	vld.idx.msk [tilespmem:v0+s29+$0x0], $0xffff  }
0x2dd: {  	v2 =	vld [tilespmem:s4+$0x800]  }
0x2de: {  	v3 =	vld [tilespmem:s4+$0x1000];
	_ =	sdelay $0x1  }
0x2df: {  	p1 =	sne.s32 s0, $0x1F00  }
.Ltmp15:
0x2e0: {  	v1 =	vmul.f32 v1, v0;
	(pc) =	sbr.rel @p1 .LBB2_32-.Ltmp15, $4  }
0x2e1: {  	v2 =	vmul.f32 v2, v0  }
0x2e2: {  	v0 =	vmul.f32 v3, v0;
	[tilespmem:s4+$0x4000] =	vst v1  }
0x2e3: {  	[tilespmem:s4+$0x4800] =	vst v2  }
0x2e4: {  	s0 =	sadd.s32 $0x40, s0;
	[tilespmem:s4+$0x5000] =	vst v0  }
0x2e5: {  	s0 =	rddreg [dreg:$0xd]  }
0x2e6: {  	[hbm4b:s0+s6] =	stream.linear.scatter [tilespmem:s28], [sflag:$0x3], $0x7D0, $0x38;
	[tilespmem:$0x9540] =	vst v63  }
0x2e7: {  	s19 =	rddreg [dreg:$0xe];
	s4 =	simm.s32 $0x4800  }
0x2e8: {  	[hbm4b:s19+s6] =	stream.linear.scatter [tilespmem:s4], [sflag:$0x3], $0x7D0, $0x38;
	[tilespmem:$0x9540] =	vst v63  }
0x2e9: {  	s25 =	rddreg [dreg:$0xf];
	s26 =	simm.s32 $0x5000  }
0x2ea: {  	[hbm4b:s25+s6] =	stream.linear.scatter [tilespmem:s26], [sflag:$0x3], $0x7D0, $0x38;
	[tilespmem:$0x9540] =	vst v63  }
0x2eb: {  	_ =	swait.ge [sflag:s22], $0x7D0  }
0x2ec: {  	[sflag:s22] =	ssyncset.done $0x0  }
0x2ed: {  	[sflag:s22] =	ssyncadd.s32 $0xFFFFF830  }
0x2ee: {  	_ =	swait.ge [sflag:s22], $0x7D0  }
0x2ef: {  	[sflag:s22] =	ssyncset.done $0x0  }
0x2f0: {  	[sflag:s22] =	ssyncadd.s32 $0xFFFFF830  }
0x2f1: {  	_ =	swait.ge [sflag:s22], $0x7D0  }
0x2f2: {  	[sflag:s22] =	ssyncset.done $0x0  }
0x2f3: {  	[sflag:s22] =	ssyncadd.s32 $0xFFFFF830  }
0x2f4: {  	_ =	swait.ge [sflag:s24], $0x7D0  }
0x2f5: {  	[sflag:s24] =	ssyncset.done $0x0  }
0x2f6: {  	[sflag:s24] =	ssyncadd.s32 $0xFFFFF830  }
0x2f7: {  	_ =	swait.ge [sflag:s24], $0x7D0  }
0x2f8: {  	[sflag:s24] =	ssyncset.done $0x0  }
0x2f9: {  	[sflag:s24] =	ssyncadd.s32 $0xFFFFF830  }
0x2fa: {  	_ =	swait.ge [sflag:s24], $0x7D0  }
0x2fb: {  	s30 =	rddreg [dreg:$0x11]  }
0x2fc: {  	s31 =	rddreg [dreg:$0x10];
	s4 =	sadd.s32 $0x1, s30  }
0x2fd: {  	p1 =	sne.s32 s4, s31  }
.Ltmp16:
0x2fe: {  	_ = 	snop;
	(pc) =	sbr.rel @p1 .LBB2_1-.Ltmp16, $3  }
0x2ff: {  	_ =	sdelay $0x1  }
0x300: {  	[sflag:s24] =	ssyncset.done $0x0  }
0x301: {  	s8 =	simm.s32 $0x5;
	[sflag:s24] =	ssyncadd.s32 $0xFFFFF830  }
0x302: {  	_ =	sfence.sel $0x180000  }
0x303: {  	[bflag:$0x0] =	sbarrier.arrive $0xFFFF  }
0x304: {  	_ =	strace $0x9000004A  }
0x305: {  	s0 =	stileid.u32;
	[bflag:$0x2] =	sbarrier.arrive $0xFFFF  }
0x306: {  	p0 =	sne.s32 s0, $0x0;
	s0 =	rddreg [dreg:$0x4]  }
0x307: {  	s0 =	sadd.s32 @!p0 $0x100000, s0  }
0x308: {  	[sflag:s0] =	ssyncadd.tile.s32 @!p0 $0x1;
	_ =	shalt  }
.Lfunc_end2:
_tile_overlayer_lowered:
.L_overlay_start_2:
0x309: {  	(tag) =	ssettag $0x2  }
0x30a: {  	s0 =	rddreg [dreg:$0x0];
	s2 =	stileid.u32  }
0x30b: {  	s1 =	rddreg [dreg:$0x1];
	p0 =	sne.s32 s2, $0x0  }
0x30c: {  	s3 =	rddreg [dreg:$0x2];
	[bflag:$0x3] =	sbarrier.arrive $0xFFFF;
	s2 =	simm.s32 @!p0 $0x1C05  }
0x30d: {  	[timem:s3], [sflag:s2] =	dma.local @!p0 [hbm:s0], s1  }
0x30e: {  	s0 =	simm.s32 @!p0 $0x5  }
0x30f: {  	_ =	swait.ge @!p0 [sflag:s0], s1  }
0x310: {  	s1 =	ssub.s32 @!p0 $0x0, s1;
	[sflag:s0] =	ssyncset.done @!p0 $0x0  }
0x311: {  	[sflag:s0] =	ssyncadd.s32 @!p0 s1  }
0x312: {  	[bflag:$0x3] =	sbarrier.arrive $0xFFFF  }
0x313: {  	_ =	shalt  }

</sc_bundles>
